<compile_context>
chip_gen: v7x
topology: tpu7x:2x2x1
jax: 0.10.2.dev20260603
libtpu: 0.0.44.dev20260713+nightly
codegen_flags: <defaults>
</compile_context>

<pallas_src>
import functools

import jax
import jax.numpy as jnp
from jax import lax
from jax.experimental import pallas as pl
from jax.experimental.pallas import tpu as pltpu
from jax.experimental.pallas import tpu_sc as plsc

_NC = 2
_NS = 16
_NW = _NC * _NS
_C = 80


def _sc_segment_sum(h, edge_index, zeros):
    n, feat = h.shape
    dt = h.dtype
    e = edge_index.shape[1]
    ew = e // _NW
    c = _C
    nchunk = ew // c
    rpt = zeros.shape[0]
    n_pad = rpt * _NS

    mesh = plsc.VectorSubcoreMesh(core_axis_name="c", subcore_axis_name="s")

    k = 5
    ngroups = nchunk // k
    npairs = ngroups // 2

    @functools.partial(
        pl.kernel,
        out_type=jax.ShapeDtypeStruct((_NC, n_pad, feat), dt),
        mesh=mesh,
        scratch_types=[
            pltpu.VMEM((ew,), jnp.int32),
            pltpu.VMEM((ew,), jnp.int32),
            pltpu.VMEM((k, c, feat), dt),
            pltpu.VMEM((k, c, feat), dt),
            pltpu.VMEM_SHARED((n_pad, feat), dt),
            pltpu.SemaphoreType.DMA,
            pltpu.SemaphoreType.DMA,
            pltpu.SemaphoreType.DMA,
            pltpu.SemaphoreType.DMA,
        ],
        compiler_params=pltpu.CompilerParams(use_tc_tiling_on_sc=False),
    )
    def sc_kernel(e_hbm, h_hbm, z_hbm, out_hbm,
                  src_v, dst_v, rows_a, rows_b, agg_sh,
                  gsem_a, gsem_b, ssem_a, ssem_b):
        cid = lax.axis_index("c")
        sid = lax.axis_index("s")
        wid = sid * _NC + cid
        pltpu.sync_copy(e_hbm.at[0, pl.ds(wid * ew, ew)], src_v)

        def fire_gathers(jbase, rows, sem):
            for b in range(k):
                pltpu.async_copy(
                    h_hbm.at[src_v.at[pl.ds((jbase + b) * c, c)]],
                    rows.at[b], sem)

        def drain(rows, sem):
            for b in range(k):
                pltpu.make_async_copy(z_hbm.at[pl.ds(0, c)],
                                      rows.at[b], sem).wait()

        def fire_scatters(jbase, rows, sem):
            for b in range(k):
                pltpu.async_copy(
                    rows.at[b],
                    agg_sh.at[dst_v.at[pl.ds((jbase + b) * c, c)]],
                    sem, add=True)

        fire_gathers(0, rows_a, gsem_a)
        pltpu.sync_copy(z_hbm, agg_sh.at[pl.ds(sid * rpt, rpt)])
        pltpu.sync_copy(e_hbm.at[1, pl.ds(wid * ew, ew)], dst_v)
        plsc.subcore_barrier()

        def pair(t, carry):
            g0 = 2 * t * k
            g1 = g0 + k
            drain(rows_a, gsem_a)

            @pl.when(t > 0)
            def _():
                drain(rows_b, ssem_b)

            fire_gathers(g1, rows_b, gsem_b)
            fire_scatters(g0, rows_a, ssem_a)
            drain(rows_a, ssem_a)

            @pl.when(t + 1 < npairs)
            def _():
                fire_gathers(g0 + 2 * k, rows_a, gsem_a)

            if ngroups % 2 == 1:
                @pl.when(t + 1 == npairs)
                def _():
                    fire_gathers((2 * npairs) * k, rows_a, gsem_a)

            drain(rows_b, gsem_b)
            fire_scatters(g1, rows_b, ssem_b)
            return carry

        lax.fori_loop(0, npairs, pair, 0)
        drain(rows_b, ssem_b)

        if ngroups % 2 == 1:
            gt = (2 * npairs) * k
            drain(rows_a, gsem_a)
            fire_scatters(gt, rows_a, ssem_a)
            drain(rows_a, ssem_a)

        plsc.subcore_barrier()
        pltpu.sync_copy(agg_sh.at[pl.ds(sid * rpt, rpt)],
                        out_hbm.at[cid, pl.ds(sid * rpt, rpt)])

    return sc_kernel(edge_index, h, zeros)


def _dense_h(x_ref, w_ref, h_ref):
    x = x_ref[...].astype(jnp.bfloat16)
    h_ref[...] = jnp.dot(
        x, w_ref[...].astype(jnp.bfloat16),
        preferred_element_type=jnp.float32).astype(h_ref.dtype)


def _dense_res(x_ref, wr_ref, br_ref, r_ref):
    x = x_ref[...].astype(jnp.bfloat16)
    r_ref[...] = jnp.maximum(
        jnp.dot(x, wr_ref[...].astype(jnp.bfloat16),
                preferred_element_type=jnp.float32)
        + br_ref[...], 0.0)


def _combine_next(agg_ref, r_ref, b_ref, g_ref, be_ref,
                  w_ref, h_ref, x_ref):
    inv = 1.0 / jnp.sqrt(jnp.float32(1.0 + 1e-5))
    nrows = r_ref.shape[0]
    agg = (agg_ref[0, :nrows, :].astype(jnp.float32)
           + agg_ref[1, :nrows, :].astype(jnp.float32))
    x = ((g_ref[...] * inv)
         * (jnp.maximum(agg + b_ref[...], 0.0) + r_ref[...]) + be_ref[...])
    x_ref[...] = x
    h_ref[...] = jnp.dot(
        x.astype(jnp.bfloat16), w_ref[...].astype(jnp.bfloat16),
        preferred_element_type=jnp.float32).astype(h_ref.dtype)


def _combine_out(agg_ref, r_ref, b_ref, g_ref, be_ref, o_ref):
    inv = 1.0 / jnp.sqrt(jnp.float32(1.0 + 1e-5))
    nrows = r_ref.shape[0]
    agg = (agg_ref[0, :nrows, :].astype(jnp.float32)
           + agg_ref[1, :nrows, :].astype(jnp.float32))
    out = ((g_ref[...] * inv)
           * (jnp.maximum(agg + b_ref[...], 0.0) + r_ref[...])
           + be_ref[...])
    o_ref[...] = out.T


def kernel(feats, edge_index, W1, b1, Wr1, br1, g1, be1,
           W2, b2, Wr2, br2, g2, be2):
    n, d_in = feats.shape
    h = W1.shape[1]
    rpt = ((n + 8 * _NS - 1) // (8 * _NS)) * 8
    sc_dt = jnp.bfloat16
    zeros = jnp.zeros((rpt, h), sc_dt)

    f32 = jnp.float32
    b1r, br1r, g1r, be1r = (v.reshape(1, h) for v in (b1, br1, g1, be1))
    b2r, br2r, g2r, be2r = (v.reshape(1, h) for v in (b2, br2, g2, be2))

    h1 = pl.pallas_call(
        _dense_h,
        out_shape=jax.ShapeDtypeStruct((n, h), sc_dt),
    )(feats, W1)

    agg1 = _sc_segment_sum(h1, edge_index, zeros)

    r1 = pl.pallas_call(
        _dense_res,
        out_shape=jax.ShapeDtypeStruct((n, h), f32),
    )(feats, Wr1, br1r)

    h2, x2 = pl.pallas_call(
        _combine_next,
        out_shape=[jax.ShapeDtypeStruct((n, h), sc_dt),
                   jax.ShapeDtypeStruct((n, h), f32)],
    )(agg1, r1, b1r, g1r, be1r, W2)

    agg2 = _sc_segment_sum(h2, edge_index, zeros)

    r2 = pl.pallas_call(
        _dense_res,
        out_shape=jax.ShapeDtypeStruct((n, h), f32),
    )(x2, Wr2, br2r)

    out_t = pl.pallas_call(
        _combine_out,
        out_shape=jax.ShapeDtypeStruct((h, n), f32),
    )(agg2, r2, b2r, g2r, be2r)

    return out_t.T

# --- scband reference (transcript-rebuilt; emitter-appended) ---
"""Pipeline reference for scband-gcn-1219770712798 (READ-ONLY COPY).

The authoritative reference and input builder live on the scoring server;
editing this copy changes nothing except your own understanding.
"""

import jax, jax.numpy as jnp
import numpy as np

N = 10000
E = 320000
D_IN = 128
H = 64


def setup_inputs(seed: int = 0) -> dict:
    key = jax.random.key(seed)
    ks = jax.random.split(key, 8)
    feats = jax.random.normal(ks[0], (N, D_IN), dtype=jnp.float32)
    edge_index = jax.random.randint(ks[1], (2, E), 0, N, dtype=jnp.int32)

    def p(k, shape, scale=0.05):
        return jax.random.normal(k, shape, dtype=jnp.float32) * scale

    W1 = p(ks[2], (D_IN, H))
    b1 = jnp.zeros((H,), jnp.float32)
    Wr1 = p(ks[3], (D_IN, H))
    br1 = jnp.zeros((H,), jnp.float32)
    g1 = jnp.ones((H,), jnp.float32)
    be1 = jnp.zeros((H,), jnp.float32)
    W2 = p(ks[4], (H, H))
    b2 = jnp.zeros((H,), jnp.float32)
    Wr2 = p(ks[5], (H, H))
    br2 = jnp.zeros((H,), jnp.float32)
    g2 = jnp.ones((H,), jnp.float32)
    be2 = jnp.zeros((H,), jnp.float32)
    return {
        "feats": feats, "edge_index": edge_index,
        "W1": W1, "b1": b1, "Wr1": Wr1, "br1": br1, "g1": g1, "be1": be1,
        "W2": W2, "b2": b2, "Wr2": Wr2, "br2": br2, "g2": g2, "be2": be2,
    }


def reference(feats, edge_index, W1, b1, Wr1, br1, g1, be1, W2, b2, Wr2, br2, g2, be2):
    src = edge_index[0]
    dst = edge_index[1]
    eps = 1e-5

    def gcn_layer(x, W, b, Wr, br, gamma, beta):
        # DGL GraphConv with norm='none': linear transform + sum aggregation over in-edges
        h = x @ W
        agg = jax.ops.segment_sum(h[src], dst, num_segments=N)
        new = jax.nn.relu(agg + b)  # activation applied inside GraphConv
        # residual connection: relu(Linear(x))
        res = jax.nn.relu(x @ Wr + br)
        new = new + res
        # dropout p=0.0 -> identity
        # BatchNorm1d in eval mode: running_mean=0, running_var=1
        new = gamma * (new / jnp.sqrt(1.0 + eps)) + beta
        return new

    h = gcn_layer(feats, W1, b1, Wr1, br1, g1, be1)
    h = gcn_layer(h, W2, b2, Wr2, br2, g2, be2)
    return h

if __name__ == "__main__":
    import jax
    _d = setup_inputs()
    print(jax.jit(kernel)(*tuple(_d.values())))

</pallas_src>

<mosaic_0001>
#map = affine_map<(d0, d1) -> (0, 0)>
#map1 = affine_map<(d0, d1) -> (0, 0, 0)>
module attributes {stable_mosaic.version = 14 : i64} {
  func.func @sc_kernel(%arg0: i32, %arg1: i32, %arg2: memref<2x320000xi32, #tpu.memory_space<hbm>>, %arg3: memref<10000x64xbf16, #tpu.memory_space<hbm>>, %arg4: memref<632x64xbf16, #tpu.memory_space<hbm>>, %arg5: memref<2x10112x64xbf16, #tpu.memory_space<hbm>>, %arg6: memref<10000xi32, #tpu.memory_space<vmem>>, %arg7: memref<10000xi32, #tpu.memory_space<vmem>>, %arg8: memref<5x80x64xbf16, #tpu.memory_space<vmem>>, %arg9: memref<5x80x64xbf16, #tpu.memory_space<vmem>>, %arg10: memref<10112x64xbf16, #tpu.memory_space<vmem_shared>>, %arg11: memref<!tpu.dma_semaphore, #tpu.memory_space<semaphore_mem>>, %arg12: memref<!tpu.dma_semaphore, #tpu.memory_space<semaphore_mem>>, %arg13: memref<!tpu.dma_semaphore, #tpu.memory_space<semaphore_mem>>, %arg14: memref<!tpu.dma_semaphore, #tpu.memory_space<semaphore_mem>>) attributes {dimension_semantics = [#tpu.dimension_semantics<core_parallel>, #tpu.dimension_semantics<subcore_parallel>], iteration_bounds = array<i64: 2, 16>, scalar_prefetch = 0 : i64, scratch_operands = 9 : i64, tpu.core_type = #tpu.core_type<sc_vector_subcore>, window_params = [{transform_indices = #map}, {transform_indices = #map}, {transform_indices = #map}, {transform_indices = #map1}]} {
    %mul3A = arith.constant 2 : i32
    %mul3A_0 = arith.muli %arg1, %mul3A : i32
    %add3A = arith.addi %mul3A_0, %arg0 : i32
    %mul3A_1 = arith.constant 10000 : i32
    %mul3A_2 = arith.muli %add3A, %mul3A_1 : i32
    %run_scoped3A = arith.constant 0 : i32
    "tpu.region"() ({
      %run_scoped3A_341 = tpu.sem_alloc : memref<!tpu.dma_semaphore, #tpu.memory_space<semaphore_mem>>
      %dma_start3A_342 = tpu.memref_slice %arg2[%run_scoped3A, %mul3A_2] : memref<2x320000xi32, #tpu.memory_space<hbm>> -> memref<1x10000xi32, #tpu.memory_space<hbm>>
      %dma_start3A_343 = tpu.memref_squeeze %dma_start3A_342 : memref<1x10000xi32, #tpu.memory_space<hbm>> -> memref<10000xi32, #tpu.memory_space<hbm>>
      %dma_start3A_344 = tpu.memref_slice %arg2[%run_scoped3A, %mul3A_2] : memref<2x320000xi32, #tpu.memory_space<hbm>> -> memref<1x10000xi32, #tpu.memory_space<hbm>>
      %dma_start3A_345 = tpu.memref_squeeze %dma_start3A_344 : memref<1x10000xi32, #tpu.memory_space<hbm>> -> memref<10000xi32, #tpu.memory_space<hbm>>
      tpu.enqueue_dma source(%dma_start3A_345 : memref<10000xi32, #tpu.memory_space<hbm>>) target(%arg6 : memref<10000xi32, #tpu.memory_space<vmem>>) target_semaphore(%run_scoped3A_341 : memref<!tpu.dma_semaphore, #tpu.memory_space<semaphore_mem>>)
      %dma_wait3A_346 = tpu.memref_slice %arg2[%run_scoped3A, %mul3A_2] : memref<2x320000xi32, #tpu.memory_space<hbm>> -> memref<1x10000xi32, #tpu.memory_space<hbm>>
      %dma_wait3A_347 = tpu.memref_squeeze %dma_wait3A_346 : memref<1x10000xi32, #tpu.memory_space<hbm>> -> memref<10000xi32, #tpu.memory_space<hbm>>
      %dma_wait3A_348 = tpu.memref_slice %arg2[%run_scoped3A, %mul3A_2] : memref<2x320000xi32, #tpu.memory_space<hbm>> -> memref<1x10000xi32, #tpu.memory_space<hbm>>
      %dma_wait3A_349 = tpu.memref_squeeze %dma_wait3A_348 : memref<1x10000xi32, #tpu.memory_space<hbm>> -> memref<10000xi32, #tpu.memory_space<hbm>>
      tpu.wait_dma2 semaphore(%run_scoped3A_341 : memref<!tpu.dma_semaphore, #tpu.memory_space<semaphore_mem>>) src(%dma_wait3A_349 : memref<10000xi32, #tpu.memory_space<hbm>>) dst(%arg6 : memref<10000xi32, #tpu.memory_space<vmem>>)
      tpu.yield
    }) : () -> ()
    %dma_start3A = arith.constant 0 : i32
    %dma_start3A_3 = arith.constant 0 : i32
    %dma_start3A_4 = arith.constant 0 : i32
    %dma_start3A_5 = tpu.memref_slice %arg8[%dma_start3A, %dma_start3A_3, %dma_start3A_4] : memref<5x80x64xbf16, #tpu.memory_space<vmem>> -> memref<1x80x64xbf16, #tpu.memory_space<vmem>>
    %dma_start3A_6 = tpu.memref_squeeze %dma_start3A_5 : memref<1x80x64xbf16, #tpu.memory_space<vmem>> -> memref<80x64xbf16, #tpu.memory_space<vmem>>
    %dma_start3A_7 = arith.constant 0 : i32
    %dma_start3A_8 = tpu.memref_slice %arg6[%dma_start3A_7] : memref<10000xi32, #tpu.memory_space<vmem>> -> memref<80xi32, #tpu.memory_space<vmem>>
    %dma_start3A_9 = arith.constant 0 : i32
    %dma_start3A_10 = arith.constant 0 : i32
    %dma_start3A_11 = tpu.memref_slice %arg3[%dma_start3A_9, %dma_start3A_10] : memref<10000x64xbf16, #tpu.memory_space<hbm>> -> memref<10000x64xbf16, #tpu.memory_space<hbm>>
    tpu.enqueue_indirect_dma source(%dma_start3A_11 : memref<10000x64xbf16, #tpu.memory_space<hbm>>) target(%dma_start3A_6 : memref<80x64xbf16, #tpu.memory_space<vmem>>) offsets(%dma_start3A_8 : memref<80xi32, #tpu.memory_space<vmem>>) semaphore(%arg11 : memref<!tpu.dma_semaphore, #tpu.memory_space<semaphore_mem>>)
    %dma_start3A_12 = arith.constant 1 : i32
    %dma_start3A_13 = arith.constant 0 : i32
    %dma_start3A_14 = arith.constant 0 : i32
    %dma_start3A_15 = tpu.memref_slice %arg8[%dma_start3A_12, %dma_start3A_13, %dma_start3A_14] : memref<5x80x64xbf16, #tpu.memory_space<vmem>> -> memref<1x80x64xbf16, #tpu.memory_space<vmem>>
    %dma_start3A_16 = tpu.memref_squeeze %dma_start3A_15 : memref<1x80x64xbf16, #tpu.memory_space<vmem>> -> memref<80x64xbf16, #tpu.memory_space<vmem>>
    %dma_start3A_17 = arith.constant 80 : i32
    %dma_start3A_18 = tpu.memref_slice %arg6[%dma_start3A_17] : memref<10000xi32, #tpu.memory_space<vmem>> -> memref<80xi32, #tpu.memory_space<vmem>>
    %dma_start3A_19 = arith.constant 0 : i32
    %dma_start3A_20 = arith.constant 0 : i32
    %dma_start3A_21 = tpu.memref_slice %arg3[%dma_start3A_19, %dma_start3A_20] : memref<10000x64xbf16, #tpu.memory_space<hbm>> -> memref<10000x64xbf16, #tpu.memory_space<hbm>>
    tpu.enqueue_indirect_dma source(%dma_start3A_21 : memref<10000x64xbf16, #tpu.memory_space<hbm>>) target(%dma_start3A_16 : memref<80x64xbf16, #tpu.memory_space<vmem>>) offsets(%dma_start3A_18 : memref<80xi32, #tpu.memory_space<vmem>>) semaphore(%arg11 : memref<!tpu.dma_semaphore, #tpu.memory_space<semaphore_mem>>)
    %dma_start3A_22 = arith.constant 2 : i32
    %dma_start3A_23 = arith.constant 0 : i32
    %dma_start3A_24 = arith.constant 0 : i32
    %dma_start3A_25 = tpu.memref_slice %arg8[%dma_start3A_22, %dma_start3A_23, %dma_start3A_24] : memref<5x80x64xbf16, #tpu.memory_space<vmem>> -> memref<1x80x64xbf16, #tpu.memory_space<vmem>>
    %dma_start3A_26 = tpu.memref_squeeze %dma_start3A_25 : memref<1x80x64xbf16, #tpu.memory_space<vmem>> -> memref<80x64xbf16, #tpu.memory_space<vmem>>
    %dma_start3A_27 = arith.constant 160 : i32
    %dma_start3A_28 = tpu.memref_slice %arg6[%dma_start3A_27] : memref<10000xi32, #tpu.memory_space<vmem>> -> memref<80xi32, #tpu.memory_space<vmem>>
    %dma_start3A_29 = arith.constant 0 : i32
    %dma_start3A_30 = arith.constant 0 : i32
    %dma_start3A_31 = tpu.memref_slice %arg3[%dma_start3A_29, %dma_start3A_30] : memref<10000x64xbf16, #tpu.memory_space<hbm>> -> memref<10000x64xbf16, #tpu.memory_space<hbm>>
    tpu.enqueue_indirect_dma source(%dma_start3A_31 : memref<10000x64xbf16, #tpu.memory_space<hbm>>) target(%dma_start3A_26 : memref<80x64xbf16, #tpu.memory_space<vmem>>) offsets(%dma_start3A_28 : memref<80xi32, #tpu.memory_space<vmem>>) semaphore(%arg11 : memref<!tpu.dma_semaphore, #tpu.memory_space<semaphore_mem>>)
    %dma_start3A_32 = arith.constant 3 : i32
    %dma_start3A_33 = arith.constant 0 : i32
    %dma_start3A_34 = arith.constant 0 : i32
    %dma_start3A_35 = tpu.memref_slice %arg8[%dma_start3A_32, %dma_start3A_33, %dma_start3A_34] : memref<5x80x64xbf16, #tpu.memory_space<vmem>> -> memref<1x80x64xbf16, #tpu.memory_space<vmem>>
    %dma_start3A_36 = tpu.memref_squeeze %dma_start3A_35 : memref<1x80x64xbf16, #tpu.memory_space<vmem>> -> memref<80x64xbf16, #tpu.memory_space<vmem>>
    %dma_start3A_37 = arith.constant 240 : i32
    %dma_start3A_38 = tpu.memref_slice %arg6[%dma_start3A_37] : memref<10000xi32, #tpu.memory_space<vmem>> -> memref<80xi32, #tpu.memory_space<vmem>>
    %dma_start3A_39 = arith.constant 0 : i32
    %dma_start3A_40 = arith.constant 0 : i32
    %dma_start3A_41 = tpu.memref_slice %arg3[%dma_start3A_39, %dma_start3A_40] : memref<10000x64xbf16, #tpu.memory_space<hbm>> -> memref<10000x64xbf16, #tpu.memory_space<hbm>>
    tpu.enqueue_indirect_dma source(%dma_start3A_41 : memref<10000x64xbf16, #tpu.memory_space<hbm>>) target(%dma_start3A_36 : memref<80x64xbf16, #tpu.memory_space<vmem>>) offsets(%dma_start3A_38 : memref<80xi32, #tpu.memory_space<vmem>>) semaphore(%arg11 : memref<!tpu.dma_semaphore, #tpu.memory_space<semaphore_mem>>)
    %dma_start3A_42 = arith.constant 4 : i32
    %dma_start3A_43 = arith.constant 0 : i32
    %dma_start3A_44 = arith.constant 0 : i32
    %dma_start3A_45 = tpu.memref_slice %arg8[%dma_start3A_42, %dma_start3A_43, %dma_start3A_44] : memref<5x80x64xbf16, #tpu.memory_space<vmem>> -> memref<1x80x64xbf16, #tpu.memory_space<vmem>>
    %dma_start3A_46 = tpu.memref_squeeze %dma_start3A_45 : memref<1x80x64xbf16, #tpu.memory_space<vmem>> -> memref<80x64xbf16, #tpu.memory_space<vmem>>
    %dma_start3A_47 = arith.constant 320 : i32
    %dma_start3A_48 = tpu.memref_slice %arg6[%dma_start3A_47] : memref<10000xi32, #tpu.memory_space<vmem>> -> memref<80xi32, #tpu.memory_space<vmem>>
    %dma_start3A_49 = arith.constant 0 : i32
    %dma_start3A_50 = arith.constant 0 : i32
    %dma_start3A_51 = tpu.memref_slice %arg3[%dma_start3A_49, %dma_start3A_50] : memref<10000x64xbf16, #tpu.memory_space<hbm>> -> memref<10000x64xbf16, #tpu.memory_space<hbm>>
    tpu.enqueue_indirect_dma source(%dma_start3A_51 : memref<10000x64xbf16, #tpu.memory_space<hbm>>) target(%dma_start3A_46 : memref<80x64xbf16, #tpu.memory_space<vmem>>) offsets(%dma_start3A_48 : memref<80xi32, #tpu.memory_space<vmem>>) semaphore(%arg11 : memref<!tpu.dma_semaphore, #tpu.memory_space<semaphore_mem>>)
    %mul3A_52 = arith.constant 632 : i32
    %mul3A_53 = arith.muli %arg1, %mul3A_52 : i32
    "tpu.region"() ({
      %run_scoped3A_341 = tpu.sem_alloc : memref<!tpu.dma_semaphore, #tpu.memory_space<semaphore_mem>>
      %dma_start3A_342 = arith.constant 0 : i32
      %dma_start3A_343 = tpu.memref_slice %arg10[%mul3A_53, %dma_start3A_342] : memref<10112x64xbf16, #tpu.memory_space<vmem_shared>> -> memref<632x64xbf16, #tpu.memory_space<vmem_shared>>
      tpu.enqueue_dma source(%arg4 : memref<632x64xbf16, #tpu.memory_space<hbm>>) target(%dma_start3A_343 : memref<632x64xbf16, #tpu.memory_space<vmem_shared>>) target_semaphore(%run_scoped3A_341 : memref<!tpu.dma_semaphore, #tpu.memory_space<semaphore_mem>>)
      %dma_wait3A_344 = arith.constant 0 : i32
      %dma_wait3A_345 = tpu.memref_slice %arg10[%mul3A_53, %dma_wait3A_344] : memref<10112x64xbf16, #tpu.memory_space<vmem_shared>> -> memref<632x64xbf16, #tpu.memory_space<vmem_shared>>
      tpu.wait_dma2 semaphore(%run_scoped3A_341 : memref<!tpu.dma_semaphore, #tpu.memory_space<semaphore_mem>>) src(%arg4 : memref<632x64xbf16, #tpu.memory_space<hbm>>) dst(%dma_wait3A_345 : memref<632x64xbf16, #tpu.memory_space<vmem_shared>>)
      tpu.yield
    }) : () -> ()
    %mul3A_54 = arith.constant 10000 : i32
    %mul3A_55 = arith.muli %add3A, %mul3A_54 : i32
    %run_scoped3A_56 = arith.constant 1 : i32
    "tpu.region"() ({
      %run_scoped3A_341 = tpu.sem_alloc : memref<!tpu.dma_semaphore, #tpu.memory_space<semaphore_mem>>
      %dma_start3A_342 = tpu.memref_slice %arg2[%run_scoped3A_56, %mul3A_55] : memref<2x320000xi32, #tpu.memory_space<hbm>> -> memref<1x10000xi32, #tpu.memory_space<hbm>>
      %dma_start3A_343 = tpu.memref_squeeze %dma_start3A_342 : memref<1x10000xi32, #tpu.memory_space<hbm>> -> memref<10000xi32, #tpu.memory_space<hbm>>
      %dma_start3A_344 = tpu.memref_slice %arg2[%run_scoped3A_56, %mul3A_55] : memref<2x320000xi32, #tpu.memory_space<hbm>> -> memref<1x10000xi32, #tpu.memory_space<hbm>>
      %dma_start3A_345 = tpu.memref_squeeze %dma_start3A_344 : memref<1x10000xi32, #tpu.memory_space<hbm>> -> memref<10000xi32, #tpu.memory_space<hbm>>
      tpu.enqueue_dma source(%dma_start3A_345 : memref<10000xi32, #tpu.memory_space<hbm>>) target(%arg7 : memref<10000xi32, #tpu.memory_space<vmem>>) target_semaphore(%run_scoped3A_341 : memref<!tpu.dma_semaphore, #tpu.memory_space<semaphore_mem>>)
      %dma_wait3A_346 = tpu.memref_slice %arg2[%run_scoped3A_56, %mul3A_55] : memref<2x320000xi32, #tpu.memory_space<hbm>> -> memref<1x10000xi32, #tpu.memory_space<hbm>>
      %dma_wait3A_347 = tpu.memref_squeeze %dma_wait3A_346 : memref<1x10000xi32, #tpu.memory_space<hbm>> -> memref<10000xi32, #tpu.memory_space<hbm>>
      %dma_wait3A_348 = tpu.memref_slice %arg2[%run_scoped3A_56, %mul3A_55] : memref<2x320000xi32, #tpu.memory_space<hbm>> -> memref<1x10000xi32, #tpu.memory_space<hbm>>
      %dma_wait3A_349 = tpu.memref_squeeze %dma_wait3A_348 : memref<1x10000xi32, #tpu.memory_space<hbm>> -> memref<10000xi32, #tpu.memory_space<hbm>>
      tpu.wait_dma2 semaphore(%run_scoped3A_341 : memref<!tpu.dma_semaphore, #tpu.memory_space<semaphore_mem>>) src(%dma_wait3A_349 : memref<10000xi32, #tpu.memory_space<hbm>>) dst(%arg7 : memref<10000xi32, #tpu.memory_space<vmem>>)
      tpu.yield
    }) : () -> ()
    %barrier3A = arith.constant 0 : index
    tpu.barrier barrier_id(%barrier3A)
    %scan3A = arith.constant 0 : i32
    %scan3A_57 = arith.constant 0 : i32
    %scan3A_58 = arith.constant 12 : i32
    %scan3A_59 = arith.addi %scan3A_57, %scan3A_58 : i32
    %scan3A_60 = arith.constant 1 : i32
    scf.for %scan3A_341 = %scan3A_57 to %scan3A_59 step %scan3A_60  : i32 {
      %mul3A_342 = arith.constant 2 : i32
      %mul3A_343 = arith.muli %mul3A_342, %scan3A_341 : i32
      %mul3A_344 = arith.constant 5 : i32
      %mul3A_345 = arith.muli %mul3A_343, %mul3A_344 : i32
      %add3A_346 = arith.constant 5 : i32
      %add3A_347 = arith.addi %mul3A_345, %add3A_346 : i32
      %dma_wait3A_348 = arith.constant 0 : i32
      %dma_wait3A_349 = arith.constant 0 : i32
      %dma_wait3A_350 = arith.constant 0 : i32
      %dma_wait3A_351 = tpu.memref_slice %arg8[%dma_wait3A_348, %dma_wait3A_349, %dma_wait3A_350] : memref<5x80x64xbf16, #tpu.memory_space<vmem>> -> memref<1x80x64xbf16, #tpu.memory_space<vmem>>
      %dma_wait3A_352 = tpu.memref_squeeze %dma_wait3A_351 : memref<1x80x64xbf16, #tpu.memory_space<vmem>> -> memref<80x64xbf16, #tpu.memory_space<vmem>>
      %dma_wait3A_353 = arith.constant 0 : i32
      %dma_wait3A_354 = arith.constant 0 : i32
      %dma_wait3A_355 = tpu.memref_slice %arg4[%dma_wait3A_353, %dma_wait3A_354] : memref<632x64xbf16, #tpu.memory_space<hbm>> -> memref<80x64xbf16, #tpu.memory_space<hbm>>
      %dma_wait3A_356 = arith.constant 0 : i32
      %dma_wait3A_357 = arith.constant 0 : i32
      %dma_wait3A_358 = tpu.memref_slice %arg8[%dma_wait3A_348, %dma_wait3A_356, %dma_wait3A_357] : memref<5x80x64xbf16, #tpu.memory_space<vmem>> -> memref<1x80x64xbf16, #tpu.memory_space<vmem>>
      %dma_wait3A_359 = tpu.memref_squeeze %dma_wait3A_358 : memref<1x80x64xbf16, #tpu.memory_space<vmem>> -> memref<80x64xbf16, #tpu.memory_space<vmem>>
      %dma_wait3A_360 = arith.constant 0 : i32
      %dma_wait3A_361 = arith.constant 0 : i32
      %dma_wait3A_362 = tpu.memref_slice %arg4[%dma_wait3A_360, %dma_wait3A_361] : memref<632x64xbf16, #tpu.memory_space<hbm>> -> memref<80x64xbf16, #tpu.memory_space<hbm>>
      tpu.wait_dma2 semaphore(%arg11 : memref<!tpu.dma_semaphore, #tpu.memory_space<semaphore_mem>>) src(%dma_wait3A_362 : memref<80x64xbf16, #tpu.memory_space<hbm>>) dst(%dma_wait3A_359 : memref<80x64xbf16, #tpu.memory_space<vmem>>)
      %dma_wait3A_363 = arith.constant 1 : i32
      %dma_wait3A_364 = arith.constant 0 : i32
      %dma_wait3A_365 = arith.constant 0 : i32
      %dma_wait3A_366 = tpu.memref_slice %arg8[%dma_wait3A_363, %dma_wait3A_364, %dma_wait3A_365] : memref<5x80x64xbf16, #tpu.memory_space<vmem>> -> memref<1x80x64xbf16, #tpu.memory_space<vmem>>
      %dma_wait3A_367 = tpu.memref_squeeze %dma_wait3A_366 : memref<1x80x64xbf16, #tpu.memory_space<vmem>> -> memref<80x64xbf16, #tpu.memory_space<vmem>>
      %dma_wait3A_368 = arith.constant 0 : i32
      %dma_wait3A_369 = arith.constant 0 : i32
      %dma_wait3A_370 = tpu.memref_slice %arg4[%dma_wait3A_368, %dma_wait3A_369] : memref<632x64xbf16, #tpu.memory_space<hbm>> -> memref<80x64xbf16, #tpu.memory_space<hbm>>
      %dma_wait3A_371 = arith.constant 0 : i32
      %dma_wait3A_372 = arith.constant 0 : i32
      %dma_wait3A_373 = tpu.memref_slice %arg8[%dma_wait3A_363, %dma_wait3A_371, %dma_wait3A_372] : memref<5x80x64xbf16, #tpu.memory_space<vmem>> -> memref<1x80x64xbf16, #tpu.memory_space<vmem>>
      %dma_wait3A_374 = tpu.memref_squeeze %dma_wait3A_373 : memref<1x80x64xbf16, #tpu.memory_space<vmem>> -> memref<80x64xbf16, #tpu.memory_space<vmem>>
      %dma_wait3A_375 = arith.constant 0 : i32
      %dma_wait3A_376 = arith.constant 0 : i32
      %dma_wait3A_377 = tpu.memref_slice %arg4[%dma_wait3A_375, %dma_wait3A_376] : memref<632x64xbf16, #tpu.memory_space<hbm>> -> memref<80x64xbf16, #tpu.memory_space<hbm>>
      tpu.wait_dma2 semaphore(%arg11 : memref<!tpu.dma_semaphore, #tpu.memory_space<semaphore_mem>>) src(%dma_wait3A_377 : memref<80x64xbf16, #tpu.memory_space<hbm>>) dst(%dma_wait3A_374 : memref<80x64xbf16, #tpu.memory_space<vmem>>)
      %dma_wait3A_378 = arith.constant 2 : i32
      %dma_wait3A_379 = arith.constant 0 : i32
      %dma_wait3A_380 = arith.constant 0 : i32
      %dma_wait3A_381 = tpu.memref_slice %arg8[%dma_wait3A_378, %dma_wait3A_379, %dma_wait3A_380] : memref<5x80x64xbf16, #tpu.memory_space<vmem>> -> memref<1x80x64xbf16, #tpu.memory_space<vmem>>
      %dma_wait3A_382 = tpu.memref_squeeze %dma_wait3A_381 : memref<1x80x64xbf16, #tpu.memory_space<vmem>> -> memref<80x64xbf16, #tpu.memory_space<vmem>>
      %dma_wait3A_383 = arith.constant 0 : i32
      %dma_wait3A_384 = arith.constant 0 : i32
      %dma_wait3A_385 = tpu.memref_slice %arg4[%dma_wait3A_383, %dma_wait3A_384] : memref<632x64xbf16, #tpu.memory_space<hbm>> -> memref<80x64xbf16, #tpu.memory_space<hbm>>
      %dma_wait3A_386 = arith.constant 0 : i32
      %dma_wait3A_387 = arith.constant 0 : i32
      %dma_wait3A_388 = tpu.memref_slice %arg8[%dma_wait3A_378, %dma_wait3A_386, %dma_wait3A_387] : memref<5x80x64xbf16, #tpu.memory_space<vmem>> -> memref<1x80x64xbf16, #tpu.memory_space<vmem>>
      %dma_wait3A_389 = tpu.memref_squeeze %dma_wait3A_388 : memref<1x80x64xbf16, #tpu.memory_space<vmem>> -> memref<80x64xbf16, #tpu.memory_space<vmem>>
      %dma_wait3A_390 = arith.constant 0 : i32
      %dma_wait3A_391 = arith.constant 0 : i32
      %dma_wait3A_392 = tpu.memref_slice %arg4[%dma_wait3A_390, %dma_wait3A_391] : memref<632x64xbf16, #tpu.memory_space<hbm>> -> memref<80x64xbf16, #tpu.memory_space<hbm>>
      tpu.wait_dma2 semaphore(%arg11 : memref<!tpu.dma_semaphore, #tpu.memory_space<semaphore_mem>>) src(%dma_wait3A_392 : memref<80x64xbf16, #tpu.memory_space<hbm>>) dst(%dma_wait3A_389 : memref<80x64xbf16, #tpu.memory_space<vmem>>)
      %dma_wait3A_393 = arith.constant 3 : i32
      %dma_wait3A_394 = arith.constant 0 : i32
      %dma_wait3A_395 = arith.constant 0 : i32
      %dma_wait3A_396 = tpu.memref_slice %arg8[%dma_wait3A_393, %dma_wait3A_394, %dma_wait3A_395] : memref<5x80x64xbf16, #tpu.memory_space<vmem>> -> memref<1x80x64xbf16, #tpu.memory_space<vmem>>
      %dma_wait3A_397 = tpu.memref_squeeze %dma_wait3A_396 : memref<1x80x64xbf16, #tpu.memory_space<vmem>> -> memref<80x64xbf16, #tpu.memory_space<vmem>>
      %dma_wait3A_398 = arith.constant 0 : i32
      %dma_wait3A_399 = arith.constant 0 : i32
      %dma_wait3A_400 = tpu.memref_slice %arg4[%dma_wait3A_398, %dma_wait3A_399] : memref<632x64xbf16, #tpu.memory_space<hbm>> -> memref<80x64xbf16, #tpu.memory_space<hbm>>
      %dma_wait3A_401 = arith.constant 0 : i32
      %dma_wait3A_402 = arith.constant 0 : i32
      %dma_wait3A_403 = tpu.memref_slice %arg8[%dma_wait3A_393, %dma_wait3A_401, %dma_wait3A_402] : memref<5x80x64xbf16, #tpu.memory_space<vmem>> -> memref<1x80x64xbf16, #tpu.memory_space<vmem>>
      %dma_wait3A_404 = tpu.memref_squeeze %dma_wait3A_403 : memref<1x80x64xbf16, #tpu.memory_space<vmem>> -> memref<80x64xbf16, #tpu.memory_space<vmem>>
      %dma_wait3A_405 = arith.constant 0 : i32
      %dma_wait3A_406 = arith.constant 0 : i32
      %dma_wait3A_407 = tpu.memref_slice %arg4[%dma_wait3A_405, %dma_wait3A_406] : memref<632x64xbf16, #tpu.memory_space<hbm>> -> memref<80x64xbf16, #tpu.memory_space<hbm>>
      tpu.wait_dma2 semaphore(%arg11 : memref<!tpu.dma_semaphore, #tpu.memory_space<semaphore_mem>>) src(%dma_wait3A_407 : memref<80x64xbf16, #tpu.memory_space<hbm>>) dst(%dma_wait3A_404 : memref<80x64xbf16, #tpu.memory_space<vmem>>)
      %dma_wait3A_408 = arith.constant 4 : i32
      %dma_wait3A_409 = arith.constant 0 : i32
      %dma_wait3A_410 = arith.constant 0 : i32
      %dma_wait3A_411 = tpu.memref_slice %arg8[%dma_wait3A_408, %dma_wait3A_409, %dma_wait3A_410] : memref<5x80x64xbf16, #tpu.memory_space<vmem>> -> memref<1x80x64xbf16, #tpu.memory_space<vmem>>
      %dma_wait3A_412 = tpu.memref_squeeze %dma_wait3A_411 : memref<1x80x64xbf16, #tpu.memory_space<vmem>> -> memref<80x64xbf16, #tpu.memory_space<vmem>>
      %dma_wait3A_413 = arith.constant 0 : i32
      %dma_wait3A_414 = arith.constant 0 : i32
      %dma_wait3A_415 = tpu.memref_slice %arg4[%dma_wait3A_413, %dma_wait3A_414] : memref<632x64xbf16, #tpu.memory_space<hbm>> -> memref<80x64xbf16, #tpu.memory_space<hbm>>
      %dma_wait3A_416 = arith.constant 0 : i32
      %dma_wait3A_417 = arith.constant 0 : i32
      %dma_wait3A_418 = tpu.memref_slice %arg8[%dma_wait3A_408, %dma_wait3A_416, %dma_wait3A_417] : memref<5x80x64xbf16, #tpu.memory_space<vmem>> -> memref<1x80x64xbf16, #tpu.memory_space<vmem>>
      %dma_wait3A_419 = tpu.memref_squeeze %dma_wait3A_418 : memref<1x80x64xbf16, #tpu.memory_space<vmem>> -> memref<80x64xbf16, #tpu.memory_space<vmem>>
      %dma_wait3A_420 = arith.constant 0 : i32
      %dma_wait3A_421 = arith.constant 0 : i32
      %dma_wait3A_422 = tpu.memref_slice %arg4[%dma_wait3A_420, %dma_wait3A_421] : memref<632x64xbf16, #tpu.memory_space<hbm>> -> memref<80x64xbf16, #tpu.memory_space<hbm>>
      tpu.wait_dma2 semaphore(%arg11 : memref<!tpu.dma_semaphore, #tpu.memory_space<semaphore_mem>>) src(%dma_wait3A_422 : memref<80x64xbf16, #tpu.memory_space<hbm>>) dst(%dma_wait3A_419 : memref<80x64xbf16, #tpu.memory_space<vmem>>)
      %gt3A = arith.constant 0 : i32
      %gt3A_423 = arith.cmpi sgt, %scan3A_341, %gt3A : i32
      %convert_element_type3A = arith.extui %gt3A_423 : i1 to i32
      %cond3A = arith.constant 0 : i32
      %cond3A_424 = arith.cmpi ne, %convert_element_type3A, %cond3A : i32
      scf.if %cond3A_424 {
        %dma_wait3A_782 = arith.constant 0 : i32
        %dma_wait3A_783 = arith.constant 0 : i32
        %dma_wait3A_784 = arith.constant 0 : i32
        %dma_wait3A_785 = tpu.memref_slice %arg9[%dma_wait3A_782, %dma_wait3A_783, %dma_wait3A_784] : memref<5x80x64xbf16, #tpu.memory_space<vmem>> -> memref<1x80x64xbf16, #tpu.memory_space<vmem>>
        %dma_wait3A_786 = tpu.memref_squeeze %dma_wait3A_785 : memref<1x80x64xbf16, #tpu.memory_space<vmem>> -> memref<80x64xbf16, #tpu.memory_space<vmem>>
        %dma_wait3A_787 = arith.constant 0 : i32
        %dma_wait3A_788 = arith.constant 0 : i32
        %dma_wait3A_789 = tpu.memref_slice %arg4[%dma_wait3A_787, %dma_wait3A_788] : memref<632x64xbf16, #tpu.memory_space<hbm>> -> memref<80x64xbf16, #tpu.memory_space<hbm>>
        %dma_wait3A_790 = arith.constant 0 : i32
        %dma_wait3A_791 = arith.constant 0 : i32
        %dma_wait3A_792 = tpu.memref_slice %arg9[%dma_wait3A_782, %dma_wait3A_790, %dma_wait3A_791] : memref<5x80x64xbf16, #tpu.memory_space<vmem>> -> memref<1x80x64xbf16, #tpu.memory_space<vmem>>
        %dma_wait3A_793 = tpu.memref_squeeze %dma_wait3A_792 : memref<1x80x64xbf16, #tpu.memory_space<vmem>> -> memref<80x64xbf16, #tpu.memory_space<vmem>>
        %dma_wait3A_794 = arith.constant 0 : i32
        %dma_wait3A_795 = arith.constant 0 : i32
        %dma_wait3A_796 = tpu.memref_slice %arg4[%dma_wait3A_794, %dma_wait3A_795] : memref<632x64xbf16, #tpu.memory_space<hbm>> -> memref<80x64xbf16, #tpu.memory_space<hbm>>
        tpu.wait_dma2 semaphore(%arg14 : memref<!tpu.dma_semaphore, #tpu.memory_space<semaphore_mem>>) src(%dma_wait3A_796 : memref<80x64xbf16, #tpu.memory_space<hbm>>) dst(%dma_wait3A_793 : memref<80x64xbf16, #tpu.memory_space<vmem>>)
        %dma_wait3A_797 = arith.constant 1 : i32
        %dma_wait3A_798 = arith.constant 0 : i32
        %dma_wait3A_799 = arith.constant 0 : i32
        %dma_wait3A_800 = tpu.memref_slice %arg9[%dma_wait3A_797, %dma_wait3A_798, %dma_wait3A_799] : memref<5x80x64xbf16, #tpu.memory_space<vmem>> -> memref<1x80x64xbf16, #tpu.memory_space<vmem>>
        %dma_wait3A_801 = tpu.memref_squeeze %dma_wait3A_800 : memref<1x80x64xbf16, #tpu.memory_space<vmem>> -> memref<80x64xbf16, #tpu.memory_space<vmem>>
        %dma_wait3A_802 = arith.constant 0 : i32
        %dma_wait3A_803 = arith.constant 0 : i32
        %dma_wait3A_804 = tpu.memref_slice %arg4[%dma_wait3A_802, %dma_wait3A_803] : memref<632x64xbf16, #tpu.memory_space<hbm>> -> memref<80x64xbf16, #tpu.memory_space<hbm>>
        %dma_wait3A_805 = arith.constant 0 : i32
        %dma_wait3A_806 = arith.constant 0 : i32
        %dma_wait3A_807 = tpu.memref_slice %arg9[%dma_wait3A_797, %dma_wait3A_805, %dma_wait3A_806] : memref<5x80x64xbf16, #tpu.memory_space<vmem>> -> memref<1x80x64xbf16, #tpu.memory_space<vmem>>
        %dma_wait3A_808 = tpu.memref_squeeze %dma_wait3A_807 : memref<1x80x64xbf16, #tpu.memory_space<vmem>> -> memref<80x64xbf16, #tpu.memory_space<vmem>>
        %dma_wait3A_809 = arith.constant 0 : i32
        %dma_wait3A_810 = arith.constant 0 : i32
        %dma_wait3A_811 = tpu.memref_slice %arg4[%dma_wait3A_809, %dma_wait3A_810] : memref<632x64xbf16, #tpu.memory_space<hbm>> -> memref<80x64xbf16, #tpu.memory_space<hbm>>
        tpu.wait_dma2 semaphore(%arg14 : memref<!tpu.dma_semaphore, #tpu.memory_space<semaphore_mem>>) src(%dma_wait3A_811 : memref<80x64xbf16, #tpu.memory_space<hbm>>) dst(%dma_wait3A_808 : memref<80x64xbf16, #tpu.memory_space<vmem>>)
        %dma_wait3A_812 = arith.constant 2 : i32
        %dma_wait3A_813 = arith.constant 0 : i32
        %dma_wait3A_814 = arith.constant 0 : i32
        %dma_wait3A_815 = tpu.memref_slice %arg9[%dma_wait3A_812, %dma_wait3A_813, %dma_wait3A_814] : memref<5x80x64xbf16, #tpu.memory_space<vmem>> -> memref<1x80x64xbf16, #tpu.memory_space<vmem>>
        %dma_wait3A_816 = tpu.memref_squeeze %dma_wait3A_815 : memref<1x80x64xbf16, #tpu.memory_space<vmem>> -> memref<80x64xbf16, #tpu.memory_space<vmem>>
        %dma_wait3A_817 = arith.constant 0 : i32
        %dma_wait3A_818 = arith.constant 0 : i32
        %dma_wait3A_819 = tpu.memref_slice %arg4[%dma_wait3A_817, %dma_wait3A_818] : memref<632x64xbf16, #tpu.memory_space<hbm>> -> memref<80x64xbf16, #tpu.memory_space<hbm>>
        %dma_wait3A_820 = arith.constant 0 : i32
        %dma_wait3A_821 = arith.constant 0 : i32
        %dma_wait3A_822 = tpu.memref_slice %arg9[%dma_wait3A_812, %dma_wait3A_820, %dma_wait3A_821] : memref<5x80x64xbf16, #tpu.memory_space<vmem>> -> memref<1x80x64xbf16, #tpu.memory_space<vmem>>
        %dma_wait3A_823 = tpu.memref_squeeze %dma_wait3A_822 : memref<1x80x64xbf16, #tpu.memory_space<vmem>> -> memref<80x64xbf16, #tpu.memory_space<vmem>>
        %dma_wait3A_824 = arith.constant 0 : i32
        %dma_wait3A_825 = arith.constant 0 : i32
        %dma_wait3A_826 = tpu.memref_slice %arg4[%dma_wait3A_824, %dma_wait3A_825] : memref<632x64xbf16, #tpu.memory_space<hbm>> -> memref<80x64xbf16, #tpu.memory_space<hbm>>
        tpu.wait_dma2 semaphore(%arg14 : memref<!tpu.dma_semaphore, #tpu.memory_space<semaphore_mem>>) src(%dma_wait3A_826 : memref<80x64xbf16, #tpu.memory_space<hbm>>) dst(%dma_wait3A_823 : memref<80x64xbf16, #tpu.memory_space<vmem>>)
        %dma_wait3A_827 = arith.constant 3 : i32
        %dma_wait3A_828 = arith.constant 0 : i32
        %dma_wait3A_829 = arith.constant 0 : i32
        %dma_wait3A_830 = tpu.memref_slice %arg9[%dma_wait3A_827, %dma_wait3A_828, %dma_wait3A_829] : memref<5x80x64xbf16, #tpu.memory_space<vmem>> -> memref<1x80x64xbf16, #tpu.memory_space<vmem>>
        %dma_wait3A_831 = tpu.memref_squeeze %dma_wait3A_830 : memref<1x80x64xbf16, #tpu.memory_space<vmem>> -> memref<80x64xbf16, #tpu.memory_space<vmem>>
        %dma_wait3A_832 = arith.constant 0 : i32
        %dma_wait3A_833 = arith.constant 0 : i32
        %dma_wait3A_834 = tpu.memref_slice %arg4[%dma_wait3A_832, %dma_wait3A_833] : memref<632x64xbf16, #tpu.memory_space<hbm>> -> memref<80x64xbf16, #tpu.memory_space<hbm>>
        %dma_wait3A_835 = arith.constant 0 : i32
        %dma_wait3A_836 = arith.constant 0 : i32
        %dma_wait3A_837 = tpu.memref_slice %arg9[%dma_wait3A_827, %dma_wait3A_835, %dma_wait3A_836] : memref<5x80x64xbf16, #tpu.memory_space<vmem>> -> memref<1x80x64xbf16, #tpu.memory_space<vmem>>
        %dma_wait3A_838 = tpu.memref_squeeze %dma_wait3A_837 : memref<1x80x64xbf16, #tpu.memory_space<vmem>> -> memref<80x64xbf16, #tpu.memory_space<vmem>>
        %dma_wait3A_839 = arith.constant 0 : i32
        %dma_wait3A_840 = arith.constant 0 : i32
        %dma_wait3A_841 = tpu.memref_slice %arg4[%dma_wait3A_839, %dma_wait3A_840] : memref<632x64xbf16, #tpu.memory_space<hbm>> -> memref<80x64xbf16, #tpu.memory_space<hbm>>
        tpu.wait_dma2 semaphore(%arg14 : memref<!tpu.dma_semaphore, #tpu.memory_space<semaphore_mem>>) src(%dma_wait3A_841 : memref<80x64xbf16, #tpu.memory_space<hbm>>) dst(%dma_wait3A_838 : memref<80x64xbf16, #tpu.memory_space<vmem>>)
        %dma_wait3A_842 = arith.constant 4 : i32
        %dma_wait3A_843 = arith.constant 0 : i32
        %dma_wait3A_844 = arith.constant 0 : i32
        %dma_wait3A_845 = tpu.memref_slice %arg9[%dma_wait3A_842, %dma_wait3A_843, %dma_wait3A_844] : memref<5x80x64xbf16, #tpu.memory_space<vmem>> -> memref<1x80x64xbf16, #tpu.memory_space<vmem>>
        %dma_wait3A_846 = tpu.memref_squeeze %dma_wait3A_845 : memref<1x80x64xbf16, #tpu.memory_space<vmem>> -> memref<80x64xbf16, #tpu.memory_space<vmem>>
        %dma_wait3A_847 = arith.constant 0 : i32
        %dma_wait3A_848 = arith.constant 0 : i32
        %dma_wait3A_849 = tpu.memref_slice %arg4[%dma_wait3A_847, %dma_wait3A_848] : memref<632x64xbf16, #tpu.memory_space<hbm>> -> memref<80x64xbf16, #tpu.memory_space<hbm>>
        %dma_wait3A_850 = arith.constant 0 : i32
        %dma_wait3A_851 = arith.constant 0 : i32
        %dma_wait3A_852 = tpu.memref_slice %arg9[%dma_wait3A_842, %dma_wait3A_850, %dma_wait3A_851] : memref<5x80x64xbf16, #tpu.memory_space<vmem>> -> memref<1x80x64xbf16, #tpu.memory_space<vmem>>
        %dma_wait3A_853 = tpu.memref_squeeze %dma_wait3A_852 : memref<1x80x64xbf16, #tpu.memory_space<vmem>> -> memref<80x64xbf16, #tpu.memory_space<vmem>>
        %dma_wait3A_854 = arith.constant 0 : i32
        %dma_wait3A_855 = arith.constant 0 : i32
        %dma_wait3A_856 = tpu.memref_slice %arg4[%dma_wait3A_854, %dma_wait3A_855] : memref<632x64xbf16, #tpu.memory_space<hbm>> -> memref<80x64xbf16, #tpu.memory_space<hbm>>
        tpu.wait_dma2 semaphore(%arg14 : memref<!tpu.dma_semaphore, #tpu.memory_space<semaphore_mem>>) src(%dma_wait3A_856 : memref<80x64xbf16, #tpu.memory_space<hbm>>) dst(%dma_wait3A_853 : memref<80x64xbf16, #tpu.memory_space<vmem>>)
      } else {
      }
      %add3A_425 = arith.constant 0 : i32
      %add3A_426 = arith.addi %add3A_347, %add3A_425 : i32
      %mul3A_427 = arith.constant 80 : i32
      %mul3A_428 = arith.muli %add3A_426, %mul3A_427 : i32
      %dma_start3A_429 = arith.constant 0 : i32
      %dma_start3A_430 = arith.constant 0 : i32
      %dma_start3A_431 = arith.constant 0 : i32
      %dma_start3A_432 = tpu.memref_slice %arg9[%dma_start3A_429, %dma_start3A_430, %dma_start3A_431] : memref<5x80x64xbf16, #tpu.memory_space<vmem>> -> memref<1x80x64xbf16, #tpu.memory_space<vmem>>
      %dma_start3A_433 = tpu.memref_squeeze %dma_start3A_432 : memref<1x80x64xbf16, #tpu.memory_space<vmem>> -> memref<80x64xbf16, #tpu.memory_space<vmem>>
      %dma_start3A_434 = tpu.memref_slice %arg6[%mul3A_428] : memref<10000xi32, #tpu.memory_space<vmem>> -> memref<80xi32, #tpu.memory_space<vmem>>
      %dma_start3A_435 = arith.constant 0 : i32
      %dma_start3A_436 = arith.constant 0 : i32
      %dma_start3A_437 = tpu.memref_slice %arg3[%dma_start3A_435, %dma_start3A_436] : memref<10000x64xbf16, #tpu.memory_space<hbm>> -> memref<10000x64xbf16, #tpu.memory_space<hbm>>
      tpu.enqueue_indirect_dma source(%dma_start3A_437 : memref<10000x64xbf16, #tpu.memory_space<hbm>>) target(%dma_start3A_433 : memref<80x64xbf16, #tpu.memory_space<vmem>>) offsets(%dma_start3A_434 : memref<80xi32, #tpu.memory_space<vmem>>) semaphore(%arg12 : memref<!tpu.dma_semaphore, #tpu.memory_space<semaphore_mem>>)
      %add3A_438 = arith.constant 1 : i32
      %add3A_439 = arith.addi %add3A_347, %add3A_438 : i32
      %mul3A_440 = arith.constant 80 : i32
      %mul3A_441 = arith.muli %add3A_439, %mul3A_440 : i32
      %dma_start3A_442 = arith.constant 1 : i32
      %dma_start3A_443 = arith.constant 0 : i32
      %dma_start3A_444 = arith.constant 0 : i32
      %dma_start3A_445 = tpu.memref_slice %arg9[%dma_start3A_442, %dma_start3A_443, %dma_start3A_444] : memref<5x80x64xbf16, #tpu.memory_space<vmem>> -> memref<1x80x64xbf16, #tpu.memory_space<vmem>>
      %dma_start3A_446 = tpu.memref_squeeze %dma_start3A_445 : memref<1x80x64xbf16, #tpu.memory_space<vmem>> -> memref<80x64xbf16, #tpu.memory_space<vmem>>
      %dma_start3A_447 = tpu.memref_slice %arg6[%mul3A_441] : memref<10000xi32, #tpu.memory_space<vmem>> -> memref<80xi32, #tpu.memory_space<vmem>>
      %dma_start3A_448 = arith.constant 0 : i32
      %dma_start3A_449 = arith.constant 0 : i32
      %dma_start3A_450 = tpu.memref_slice %arg3[%dma_start3A_448, %dma_start3A_449] : memref<10000x64xbf16, #tpu.memory_space<hbm>> -> memref<10000x64xbf16, #tpu.memory_space<hbm>>
      tpu.enqueue_indirect_dma source(%dma_start3A_450 : memref<10000x64xbf16, #tpu.memory_space<hbm>>) target(%dma_start3A_446 : memref<80x64xbf16, #tpu.memory_space<vmem>>) offsets(%dma_start3A_447 : memref<80xi32, #tpu.memory_space<vmem>>) semaphore(%arg12 : memref<!tpu.dma_semaphore, #tpu.memory_space<semaphore_mem>>)
      %add3A_451 = arith.constant 2 : i32
      %add3A_452 = arith.addi %add3A_347, %add3A_451 : i32
      %mul3A_453 = arith.constant 80 : i32
      %mul3A_454 = arith.muli %add3A_452, %mul3A_453 : i32
      %dma_start3A_455 = arith.constant 2 : i32
      %dma_start3A_456 = arith.constant 0 : i32
      %dma_start3A_457 = arith.constant 0 : i32
      %dma_start3A_458 = tpu.memref_slice %arg9[%dma_start3A_455, %dma_start3A_456, %dma_start3A_457] : memref<5x80x64xbf16, #tpu.memory_space<vmem>> -> memref<1x80x64xbf16, #tpu.memory_space<vmem>>
      %dma_start3A_459 = tpu.memref_squeeze %dma_start3A_458 : memref<1x80x64xbf16, #tpu.memory_space<vmem>> -> memref<80x64xbf16, #tpu.memory_space<vmem>>
      %dma_start3A_460 = tpu.memref_slice %arg6[%mul3A_454] : memref<10000xi32, #tpu.memory_space<vmem>> -> memref<80xi32, #tpu.memory_space<vmem>>
      %dma_start3A_461 = arith.constant 0 : i32
      %dma_start3A_462 = arith.constant 0 : i32
      %dma_start3A_463 = tpu.memref_slice %arg3[%dma_start3A_461, %dma_start3A_462] : memref<10000x64xbf16, #tpu.memory_space<hbm>> -> memref<10000x64xbf16, #tpu.memory_space<hbm>>
      tpu.enqueue_indirect_dma source(%dma_start3A_463 : memref<10000x64xbf16, #tpu.memory_space<hbm>>) target(%dma_start3A_459 : memref<80x64xbf16, #tpu.memory_space<vmem>>) offsets(%dma_start3A_460 : memref<80xi32, #tpu.memory_space<vmem>>) semaphore(%arg12 : memref<!tpu.dma_semaphore, #tpu.memory_space<semaphore_mem>>)
      %add3A_464 = arith.constant 3 : i32
      %add3A_465 = arith.addi %add3A_347, %add3A_464 : i32
      %mul3A_466 = arith.constant 80 : i32
      %mul3A_467 = arith.muli %add3A_465, %mul3A_466 : i32
      %dma_start3A_468 = arith.constant 3 : i32
      %dma_start3A_469 = arith.constant 0 : i32
      %dma_start3A_470 = arith.constant 0 : i32
      %dma_start3A_471 = tpu.memref_slice %arg9[%dma_start3A_468, %dma_start3A_469, %dma_start3A_470] : memref<5x80x64xbf16, #tpu.memory_space<vmem>> -> memref<1x80x64xbf16, #tpu.memory_space<vmem>>
      %dma_start3A_472 = tpu.memref_squeeze %dma_start3A_471 : memref<1x80x64xbf16, #tpu.memory_space<vmem>> -> memref<80x64xbf16, #tpu.memory_space<vmem>>
      %dma_start3A_473 = tpu.memref_slice %arg6[%mul3A_467] : memref<10000xi32, #tpu.memory_space<vmem>> -> memref<80xi32, #tpu.memory_space<vmem>>
      %dma_start3A_474 = arith.constant 0 : i32
      %dma_start3A_475 = arith.constant 0 : i32
      %dma_start3A_476 = tpu.memref_slice %arg3[%dma_start3A_474, %dma_start3A_475] : memref<10000x64xbf16, #tpu.memory_space<hbm>> -> memref<10000x64xbf16, #tpu.memory_space<hbm>>
      tpu.enqueue_indirect_dma source(%dma_start3A_476 : memref<10000x64xbf16, #tpu.memory_space<hbm>>) target(%dma_start3A_472 : memref<80x64xbf16, #tpu.memory_space<vmem>>) offsets(%dma_start3A_473 : memref<80xi32, #tpu.memory_space<vmem>>) semaphore(%arg12 : memref<!tpu.dma_semaphore, #tpu.memory_space<semaphore_mem>>)
      %add3A_477 = arith.constant 4 : i32
      %add3A_478 = arith.addi %add3A_347, %add3A_477 : i32
      %mul3A_479 = arith.constant 80 : i32
      %mul3A_480 = arith.muli %add3A_478, %mul3A_479 : i32
      %dma_start3A_481 = arith.constant 4 : i32
      %dma_start3A_482 = arith.constant 0 : i32
      %dma_start3A_483 = arith.constant 0 : i32
      %dma_start3A_484 = tpu.memref_slice %arg9[%dma_start3A_481, %dma_start3A_482, %dma_start3A_483] : memref<5x80x64xbf16, #tpu.memory_space<vmem>> -> memref<1x80x64xbf16, #tpu.memory_space<vmem>>
      %dma_start3A_485 = tpu.memref_squeeze %dma_start3A_484 : memref<1x80x64xbf16, #tpu.memory_space<vmem>> -> memref<80x64xbf16, #tpu.memory_space<vmem>>
      %dma_start3A_486 = tpu.memref_slice %arg6[%mul3A_480] : memref<10000xi32, #tpu.memory_space<vmem>> -> memref<80xi32, #tpu.memory_space<vmem>>
      %dma_start3A_487 = arith.constant 0 : i32
      %dma_start3A_488 = arith.constant 0 : i32
      %dma_start3A_489 = tpu.memref_slice %arg3[%dma_start3A_487, %dma_start3A_488] : memref<10000x64xbf16, #tpu.memory_space<hbm>> -> memref<10000x64xbf16, #tpu.memory_space<hbm>>
      tpu.enqueue_indirect_dma source(%dma_start3A_489 : memref<10000x64xbf16, #tpu.memory_space<hbm>>) target(%dma_start3A_485 : memref<80x64xbf16, #tpu.memory_space<vmem>>) offsets(%dma_start3A_486 : memref<80xi32, #tpu.memory_space<vmem>>) semaphore(%arg12 : memref<!tpu.dma_semaphore, #tpu.memory_space<semaphore_mem>>)
      %add3A_490 = arith.constant 0 : i32
      %add3A_491 = arith.addi %mul3A_345, %add3A_490 : i32
      %mul3A_492 = arith.constant 80 : i32
      %mul3A_493 = arith.muli %add3A_491, %mul3A_492 : i32
      %dma_start3A_494 = arith.constant 0 : i32
      %dma_start3A_495 = arith.constant 0 : i32
      %dma_start3A_496 = arith.constant 0 : i32
      %dma_start3A_497 = tpu.memref_slice %arg8[%dma_start3A_494, %dma_start3A_495, %dma_start3A_496] : memref<5x80x64xbf16, #tpu.memory_space<vmem>> -> memref<1x80x64xbf16, #tpu.memory_space<vmem>>
      %dma_start3A_498 = tpu.memref_squeeze %dma_start3A_497 : memref<1x80x64xbf16, #tpu.memory_space<vmem>> -> memref<80x64xbf16, #tpu.memory_space<vmem>>
      %dma_start3A_499 = tpu.memref_slice %arg7[%mul3A_493] : memref<10000xi32, #tpu.memory_space<vmem>> -> memref<80xi32, #tpu.memory_space<vmem>>
      %dma_start3A_500 = arith.constant 0 : i32
      %dma_start3A_501 = arith.constant 0 : i32
      %dma_start3A_502 = tpu.memref_slice %arg10[%dma_start3A_500, %dma_start3A_501] : memref<10112x64xbf16, #tpu.memory_space<vmem_shared>> -> memref<10112x64xbf16, #tpu.memory_space<vmem_shared>>
      tpu.enqueue_indirect_dma source(%dma_start3A_498 : memref<80x64xbf16, #tpu.memory_space<vmem>>) target(%dma_start3A_502 : memref<10112x64xbf16, #tpu.memory_space<vmem_shared>>) offsets(%dma_start3A_499 : memref<80xi32, #tpu.memory_space<vmem>>) semaphore(%arg13 : memref<!tpu.dma_semaphore, #tpu.memory_space<semaphore_mem>>) {add = true}
      %add3A_503 = arith.constant 1 : i32
      %add3A_504 = arith.addi %mul3A_345, %add3A_503 : i32
      %mul3A_505 = arith.constant 80 : i32
      %mul3A_506 = arith.muli %add3A_504, %mul3A_505 : i32
      %dma_start3A_507 = arith.constant 1 : i32
      %dma_start3A_508 = arith.constant 0 : i32
      %dma_start3A_509 = arith.constant 0 : i32
      %dma_start3A_510 = tpu.memref_slice %arg8[%dma_start3A_507, %dma_start3A_508, %dma_start3A_509] : memref<5x80x64xbf16, #tpu.memory_space<vmem>> -> memref<1x80x64xbf16, #tpu.memory_space<vmem>>
      %dma_start3A_511 = tpu.memref_squeeze %dma_start3A_510 : memref<1x80x64xbf16, #tpu.memory_space<vmem>> -> memref<80x64xbf16, #tpu.memory_space<vmem>>
      %dma_start3A_512 = tpu.memref_slice %arg7[%mul3A_506] : memref<10000xi32, #tpu.memory_space<vmem>> -> memref<80xi32, #tpu.memory_space<vmem>>
      %dma_start3A_513 = arith.constant 0 : i32
      %dma_start3A_514 = arith.constant 0 : i32
      %dma_start3A_515 = tpu.memref_slice %arg10[%dma_start3A_513, %dma_start3A_514] : memref<10112x64xbf16, #tpu.memory_space<vmem_shared>> -> memref<10112x64xbf16, #tpu.memory_space<vmem_shared>>
      tpu.enqueue_indirect_dma source(%dma_start3A_511 : memref<80x64xbf16, #tpu.memory_space<vmem>>) target(%dma_start3A_515 : memref<10112x64xbf16, #tpu.memory_space<vmem_shared>>) offsets(%dma_start3A_512 : memref<80xi32, #tpu.memory_space<vmem>>) semaphore(%arg13 : memref<!tpu.dma_semaphore, #tpu.memory_space<semaphore_mem>>) {add = true}
      %add3A_516 = arith.constant 2 : i32
      %add3A_517 = arith.addi %mul3A_345, %add3A_516 : i32
      %mul3A_518 = arith.constant 80 : i32
      %mul3A_519 = arith.muli %add3A_517, %mul3A_518 : i32
      %dma_start3A_520 = arith.constant 2 : i32
      %dma_start3A_521 = arith.constant 0 : i32
      %dma_start3A_522 = arith.constant 0 : i32
      %dma_start3A_523 = tpu.memref_slice %arg8[%dma_start3A_520, %dma_start3A_521, %dma_start3A_522] : memref<5x80x64xbf16, #tpu.memory_space<vmem>> -> memref<1x80x64xbf16, #tpu.memory_space<vmem>>
      %dma_start3A_524 = tpu.memref_squeeze %dma_start3A_523 : memref<1x80x64xbf16, #tpu.memory_space<vmem>> -> memref<80x64xbf16, #tpu.memory_space<vmem>>
      %dma_start3A_525 = tpu.memref_slice %arg7[%mul3A_519] : memref<10000xi32, #tpu.memory_space<vmem>> -> memref<80xi32, #tpu.memory_space<vmem>>
      %dma_start3A_526 = arith.constant 0 : i32
      %dma_start3A_527 = arith.constant 0 : i32
      %dma_start3A_528 = tpu.memref_slice %arg10[%dma_start3A_526, %dma_start3A_527] : memref<10112x64xbf16, #tpu.memory_space<vmem_shared>> -> memref<10112x64xbf16, #tpu.memory_space<vmem_shared>>
      tpu.enqueue_indirect_dma source(%dma_start3A_524 : memref<80x64xbf16, #tpu.memory_space<vmem>>) target(%dma_start3A_528 : memref<10112x64xbf16, #tpu.memory_space<vmem_shared>>) offsets(%dma_start3A_525 : memref<80xi32, #tpu.memory_space<vmem>>) semaphore(%arg13 : memref<!tpu.dma_semaphore, #tpu.memory_space<semaphore_mem>>) {add = true}
      %add3A_529 = arith.constant 3 : i32
      %add3A_530 = arith.addi %mul3A_345, %add3A_529 : i32
      %mul3A_531 = arith.constant 80 : i32
      %mul3A_532 = arith.muli %add3A_530, %mul3A_531 : i32
      %dma_start3A_533 = arith.constant 3 : i32
      %dma_start3A_534 = arith.constant 0 : i32
      %dma_start3A_535 = arith.constant 0 : i32
      %dma_start3A_536 = tpu.memref_slice %arg8[%dma_start3A_533, %dma_start3A_534, %dma_start3A_535] : memref<5x80x64xbf16, #tpu.memory_space<vmem>> -> memref<1x80x64xbf16, #tpu.memory_space<vmem>>
      %dma_start3A_537 = tpu.memref_squeeze %dma_start3A_536 : memref<1x80x64xbf16, #tpu.memory_space<vmem>> -> memref<80x64xbf16, #tpu.memory_space<vmem>>
      %dma_start3A_538 = tpu.memref_slice %arg7[%mul3A_532] : memref<10000xi32, #tpu.memory_space<vmem>> -> memref<80xi32, #tpu.memory_space<vmem>>
      %dma_start3A_539 = arith.constant 0 : i32
      %dma_start3A_540 = arith.constant 0 : i32
      %dma_start3A_541 = tpu.memref_slice %arg10[%dma_start3A_539, %dma_start3A_540] : memref<10112x64xbf16, #tpu.memory_space<vmem_shared>> -> memref<10112x64xbf16, #tpu.memory_space<vmem_shared>>
      tpu.enqueue_indirect_dma source(%dma_start3A_537 : memref<80x64xbf16, #tpu.memory_space<vmem>>) target(%dma_start3A_541 : memref<10112x64xbf16, #tpu.memory_space<vmem_shared>>) offsets(%dma_start3A_538 : memref<80xi32, #tpu.memory_space<vmem>>) semaphore(%arg13 : memref<!tpu.dma_semaphore, #tpu.memory_space<semaphore_mem>>) {add = true}
      %add3A_542 = arith.constant 4 : i32
      %add3A_543 = arith.addi %mul3A_345, %add3A_542 : i32
      %mul3A_544 = arith.constant 80 : i32
      %mul3A_545 = arith.muli %add3A_543, %mul3A_544 : i32
      %dma_start3A_546 = arith.constant 4 : i32
      %dma_start3A_547 = arith.constant 0 : i32
      %dma_start3A_548 = arith.constant 0 : i32
      %dma_start3A_549 = tpu.memref_slice %arg8[%dma_start3A_546, %dma_start3A_547, %dma_start3A_548] : memref<5x80x64xbf16, #tpu.memory_space<vmem>> -> memref<1x80x64xbf16, #tpu.memory_space<vmem>>
      %dma_start3A_550 = tpu.memref_squeeze %dma_start3A_549 : memref<1x80x64xbf16, #tpu.memory_space<vmem>> -> memref<80x64xbf16, #tpu.memory_space<vmem>>
      %dma_start3A_551 = tpu.memref_slice %arg7[%mul3A_545] : memref<10000xi32, #tpu.memory_space<vmem>> -> memref<80xi32, #tpu.memory_space<vmem>>
      %dma_start3A_552 = arith.constant 0 : i32
      %dma_start3A_553 = arith.constant 0 : i32
      %dma_start3A_554 = tpu.memref_slice %arg10[%dma_start3A_552, %dma_start3A_553] : memref<10112x64xbf16, #tpu.memory_space<vmem_shared>> -> memref<10112x64xbf16, #tpu.memory_space<vmem_shared>>
      tpu.enqueue_indirect_dma source(%dma_start3A_550 : memref<80x64xbf16, #tpu.memory_space<vmem>>) target(%dma_start3A_554 : memref<10112x64xbf16, #tpu.memory_space<vmem_shared>>) offsets(%dma_start3A_551 : memref<80xi32, #tpu.memory_space<vmem>>) semaphore(%arg13 : memref<!tpu.dma_semaphore, #tpu.memory_space<semaphore_mem>>) {add = true}
      %dma_wait3A_555 = arith.constant 0 : i32
      %dma_wait3A_556 = arith.constant 0 : i32
      %dma_wait3A_557 = arith.constant 0 : i32
      %dma_wait3A_558 = tpu.memref_slice %arg8[%dma_wait3A_555, %dma_wait3A_556, %dma_wait3A_557] : memref<5x80x64xbf16, #tpu.memory_space<vmem>> -> memref<1x80x64xbf16, #tpu.memory_space<vmem>>
      %dma_wait3A_559 = tpu.memref_squeeze %dma_wait3A_558 : memref<1x80x64xbf16, #tpu.memory_space<vmem>> -> memref<80x64xbf16, #tpu.memory_space<vmem>>
      %dma_wait3A_560 = arith.constant 0 : i32
      %dma_wait3A_561 = arith.constant 0 : i32
      %dma_wait3A_562 = tpu.memref_slice %arg4[%dma_wait3A_560, %dma_wait3A_561] : memref<632x64xbf16, #tpu.memory_space<hbm>> -> memref<80x64xbf16, #tpu.memory_space<hbm>>
      %dma_wait3A_563 = arith.constant 0 : i32
      %dma_wait3A_564 = arith.constant 0 : i32
      %dma_wait3A_565 = tpu.memref_slice %arg8[%dma_wait3A_555, %dma_wait3A_563, %dma_wait3A_564] : memref<5x80x64xbf16, #tpu.memory_space<vmem>> -> memref<1x80x64xbf16, #tpu.memory_space<vmem>>
      %dma_wait3A_566 = tpu.memref_squeeze %dma_wait3A_565 : memref<1x80x64xbf16, #tpu.memory_space<vmem>> -> memref<80x64xbf16, #tpu.memory_space<vmem>>
      %dma_wait3A_567 = arith.constant 0 : i32
      %dma_wait3A_568 = arith.constant 0 : i32
      %dma_wait3A_569 = tpu.memref_slice %arg4[%dma_wait3A_567, %dma_wait3A_568] : memref<632x64xbf16, #tpu.memory_space<hbm>> -> memref<80x64xbf16, #tpu.memory_space<hbm>>
      tpu.wait_dma2 semaphore(%arg13 : memref<!tpu.dma_semaphore, #tpu.memory_space<semaphore_mem>>) src(%dma_wait3A_569 : memref<80x64xbf16, #tpu.memory_space<hbm>>) dst(%dma_wait3A_566 : memref<80x64xbf16, #tpu.memory_space<vmem>>)
      %dma_wait3A_570 = arith.constant 1 : i32
      %dma_wait3A_571 = arith.constant 0 : i32
      %dma_wait3A_572 = arith.constant 0 : i32
      %dma_wait3A_573 = tpu.memref_slice %arg8[%dma_wait3A_570, %dma_wait3A_571, %dma_wait3A_572] : memref<5x80x64xbf16, #tpu.memory_space<vmem>> -> memref<1x80x64xbf16, #tpu.memory_space<vmem>>
      %dma_wait3A_574 = tpu.memref_squeeze %dma_wait3A_573 : memref<1x80x64xbf16, #tpu.memory_space<vmem>> -> memref<80x64xbf16, #tpu.memory_space<vmem>>
      %dma_wait3A_575 = arith.constant 0 : i32
      %dma_wait3A_576 = arith.constant 0 : i32
      %dma_wait3A_577 = tpu.memref_slice %arg4[%dma_wait3A_575, %dma_wait3A_576] : memref<632x64xbf16, #tpu.memory_space<hbm>> -> memref<80x64xbf16, #tpu.memory_space<hbm>>
      %dma_wait3A_578 = arith.constant 0 : i32
      %dma_wait3A_579 = arith.constant 0 : i32
      %dma_wait3A_580 = tpu.memref_slice %arg8[%dma_wait3A_570, %dma_wait3A_578, %dma_wait3A_579] : memref<5x80x64xbf16, #tpu.memory_space<vmem>> -> memref<1x80x64xbf16, #tpu.memory_space<vmem>>
      %dma_wait3A_581 = tpu.memref_squeeze %dma_wait3A_580 : memref<1x80x64xbf16, #tpu.memory_space<vmem>> -> memref<80x64xbf16, #tpu.memory_space<vmem>>
      %dma_wait3A_582 = arith.constant 0 : i32
      %dma_wait3A_583 = arith.constant 0 : i32
      %dma_wait3A_584 = tpu.memref_slice %arg4[%dma_wait3A_582, %dma_wait3A_583] : memref<632x64xbf16, #tpu.memory_space<hbm>> -> memref<80x64xbf16, #tpu.memory_space<hbm>>
      tpu.wait_dma2 semaphore(%arg13 : memref<!tpu.dma_semaphore, #tpu.memory_space<semaphore_mem>>) src(%dma_wait3A_584 : memref<80x64xbf16, #tpu.memory_space<hbm>>) dst(%dma_wait3A_581 : memref<80x64xbf16, #tpu.memory_space<vmem>>)
      %dma_wait3A_585 = arith.constant 2 : i32
      %dma_wait3A_586 = arith.constant 0 : i32
      %dma_wait3A_587 = arith.constant 0 : i32
      %dma_wait3A_588 = tpu.memref_slice %arg8[%dma_wait3A_585, %dma_wait3A_586, %dma_wait3A_587] : memref<5x80x64xbf16, #tpu.memory_space<vmem>> -> memref<1x80x64xbf16, #tpu.memory_space<vmem>>
      %dma_wait3A_589 = tpu.memref_squeeze %dma_wait3A_588 : memref<1x80x64xbf16, #tpu.memory_space<vmem>> -> memref<80x64xbf16, #tpu.memory_space<vmem>>
      %dma_wait3A_590 = arith.constant 0 : i32
      %dma_wait3A_591 = arith.constant 0 : i32
      %dma_wait3A_592 = tpu.memref_slice %arg4[%dma_wait3A_590, %dma_wait3A_591] : memref<632x64xbf16, #tpu.memory_space<hbm>> -> memref<80x64xbf16, #tpu.memory_space<hbm>>
      %dma_wait3A_593 = arith.constant 0 : i32
      %dma_wait3A_594 = arith.constant 0 : i32
      %dma_wait3A_595 = tpu.memref_slice %arg8[%dma_wait3A_585, %dma_wait3A_593, %dma_wait3A_594] : memref<5x80x64xbf16, #tpu.memory_space<vmem>> -> memref<1x80x64xbf16, #tpu.memory_space<vmem>>
      %dma_wait3A_596 = tpu.memref_squeeze %dma_wait3A_595 : memref<1x80x64xbf16, #tpu.memory_space<vmem>> -> memref<80x64xbf16, #tpu.memory_space<vmem>>
      %dma_wait3A_597 = arith.constant 0 : i32
      %dma_wait3A_598 = arith.constant 0 : i32
      %dma_wait3A_599 = tpu.memref_slice %arg4[%dma_wait3A_597, %dma_wait3A_598] : memref<632x64xbf16, #tpu.memory_space<hbm>> -> memref<80x64xbf16, #tpu.memory_space<hbm>>
      tpu.wait_dma2 semaphore(%arg13 : memref<!tpu.dma_semaphore, #tpu.memory_space<semaphore_mem>>) src(%dma_wait3A_599 : memref<80x64xbf16, #tpu.memory_space<hbm>>) dst(%dma_wait3A_596 : memref<80x64xbf16, #tpu.memory_space<vmem>>)
      %dma_wait3A_600 = arith.constant 3 : i32
      %dma_wait3A_601 = arith.constant 0 : i32
      %dma_wait3A_602 = arith.constant 0 : i32
      %dma_wait3A_603 = tpu.memref_slice %arg8[%dma_wait3A_600, %dma_wait3A_601, %dma_wait3A_602] : memref<5x80x64xbf16, #tpu.memory_space<vmem>> -> memref<1x80x64xbf16, #tpu.memory_space<vmem>>
      %dma_wait3A_604 = tpu.memref_squeeze %dma_wait3A_603 : memref<1x80x64xbf16, #tpu.memory_space<vmem>> -> memref<80x64xbf16, #tpu.memory_space<vmem>>
      %dma_wait3A_605 = arith.constant 0 : i32
      %dma_wait3A_606 = arith.constant 0 : i32
      %dma_wait3A_607 = tpu.memref_slice %arg4[%dma_wait3A_605, %dma_wait3A_606] : memref<632x64xbf16, #tpu.memory_space<hbm>> -> memref<80x64xbf16, #tpu.memory_space<hbm>>
      %dma_wait3A_608 = arith.constant 0 : i32
      %dma_wait3A_609 = arith.constant 0 : i32
      %dma_wait3A_610 = tpu.memref_slice %arg8[%dma_wait3A_600, %dma_wait3A_608, %dma_wait3A_609] : memref<5x80x64xbf16, #tpu.memory_space<vmem>> -> memref<1x80x64xbf16, #tpu.memory_space<vmem>>
      %dma_wait3A_611 = tpu.memref_squeeze %dma_wait3A_610 : memref<1x80x64xbf16, #tpu.memory_space<vmem>> -> memref<80x64xbf16, #tpu.memory_space<vmem>>
      %dma_wait3A_612 = arith.constant 0 : i32
      %dma_wait3A_613 = arith.constant 0 : i32
      %dma_wait3A_614 = tpu.memref_slice %arg4[%dma_wait3A_612, %dma_wait3A_613] : memref<632x64xbf16, #tpu.memory_space<hbm>> -> memref<80x64xbf16, #tpu.memory_space<hbm>>
      tpu.wait_dma2 semaphore(%arg13 : memref<!tpu.dma_semaphore, #tpu.memory_space<semaphore_mem>>) src(%dma_wait3A_614 : memref<80x64xbf16, #tpu.memory_space<hbm>>) dst(%dma_wait3A_611 : memref<80x64xbf16, #tpu.memory_space<vmem>>)
      %dma_wait3A_615 = arith.constant 4 : i32
      %dma_wait3A_616 = arith.constant 0 : i32
      %dma_wait3A_617 = arith.constant 0 : i32
      %dma_wait3A_618 = tpu.memref_slice %arg8[%dma_wait3A_615, %dma_wait3A_616, %dma_wait3A_617] : memref<5x80x64xbf16, #tpu.memory_space<vmem>> -> memref<1x80x64xbf16, #tpu.memory_space<vmem>>
      %dma_wait3A_619 = tpu.memref_squeeze %dma_wait3A_618 : memref<1x80x64xbf16, #tpu.memory_space<vmem>> -> memref<80x64xbf16, #tpu.memory_space<vmem>>
      %dma_wait3A_620 = arith.constant 0 : i32
      %dma_wait3A_621 = arith.constant 0 : i32
      %dma_wait3A_622 = tpu.memref_slice %arg4[%dma_wait3A_620, %dma_wait3A_621] : memref<632x64xbf16, #tpu.memory_space<hbm>> -> memref<80x64xbf16, #tpu.memory_space<hbm>>
      %dma_wait3A_623 = arith.constant 0 : i32
      %dma_wait3A_624 = arith.constant 0 : i32
      %dma_wait3A_625 = tpu.memref_slice %arg8[%dma_wait3A_615, %dma_wait3A_623, %dma_wait3A_624] : memref<5x80x64xbf16, #tpu.memory_space<vmem>> -> memref<1x80x64xbf16, #tpu.memory_space<vmem>>
      %dma_wait3A_626 = tpu.memref_squeeze %dma_wait3A_625 : memref<1x80x64xbf16, #tpu.memory_space<vmem>> -> memref<80x64xbf16, #tpu.memory_space<vmem>>
      %dma_wait3A_627 = arith.constant 0 : i32
      %dma_wait3A_628 = arith.constant 0 : i32
      %dma_wait3A_629 = tpu.memref_slice %arg4[%dma_wait3A_627, %dma_wait3A_628] : memref<632x64xbf16, #tpu.memory_space<hbm>> -> memref<80x64xbf16, #tpu.memory_space<hbm>>
      tpu.wait_dma2 semaphore(%arg13 : memref<!tpu.dma_semaphore, #tpu.memory_space<semaphore_mem>>) src(%dma_wait3A_629 : memref<80x64xbf16, #tpu.memory_space<hbm>>) dst(%dma_wait3A_626 : memref<80x64xbf16, #tpu.memory_space<vmem>>)
      %add3A_630 = arith.constant 1 : i32
      %add3A_631 = arith.addi %scan3A_341, %add3A_630 : i32
      %lt3A = arith.constant 12 : i32
      %lt3A_632 = arith.cmpi slt, %add3A_631, %lt3A : i32
      %convert_element_type3A_633 = arith.extui %lt3A_632 : i1 to i32
      %cond3A_634 = arith.constant 0 : i32
      %cond3A_635 = arith.cmpi ne, %convert_element_type3A_633, %cond3A_634 : i32
      scf.if %cond3A_635 {
        %add3A_782 = arith.constant 10 : i32
        %add3A_783 = arith.addi %mul3A_345, %add3A_782 : i32
        %add3A_784 = arith.constant 0 : i32
        %add3A_785 = arith.addi %add3A_783, %add3A_784 : i32
        %mul3A_786 = arith.constant 80 : i32
        %mul3A_787 = arith.muli %add3A_785, %mul3A_786 : i32
        %dma_start3A_788 = arith.constant 0 : i32
        %dma_start3A_789 = arith.constant 0 : i32
        %dma_start3A_790 = arith.constant 0 : i32
        %dma_start3A_791 = tpu.memref_slice %arg8[%dma_start3A_788, %dma_start3A_789, %dma_start3A_790] : memref<5x80x64xbf16, #tpu.memory_space<vmem>> -> memref<1x80x64xbf16, #tpu.memory_space<vmem>>
        %dma_start3A_792 = tpu.memref_squeeze %dma_start3A_791 : memref<1x80x64xbf16, #tpu.memory_space<vmem>> -> memref<80x64xbf16, #tpu.memory_space<vmem>>
        %dma_start3A_793 = tpu.memref_slice %arg6[%mul3A_787] : memref<10000xi32, #tpu.memory_space<vmem>> -> memref<80xi32, #tpu.memory_space<vmem>>
        %dma_start3A_794 = arith.constant 0 : i32
        %dma_start3A_795 = arith.constant 0 : i32
        %dma_start3A_796 = tpu.memref_slice %arg3[%dma_start3A_794, %dma_start3A_795] : memref<10000x64xbf16, #tpu.memory_space<hbm>> -> memref<10000x64xbf16, #tpu.memory_space<hbm>>
        tpu.enqueue_indirect_dma source(%dma_start3A_796 : memref<10000x64xbf16, #tpu.memory_space<hbm>>) target(%dma_start3A_792 : memref<80x64xbf16, #tpu.memory_space<vmem>>) offsets(%dma_start3A_793 : memref<80xi32, #tpu.memory_space<vmem>>) semaphore(%arg11 : memref<!tpu.dma_semaphore, #tpu.memory_space<semaphore_mem>>)
        %add3A_797 = arith.constant 1 : i32
        %add3A_798 = arith.addi %add3A_783, %add3A_797 : i32
        %mul3A_799 = arith.constant 80 : i32
        %mul3A_800 = arith.muli %add3A_798, %mul3A_799 : i32
        %dma_start3A_801 = arith.constant 1 : i32
        %dma_start3A_802 = arith.constant 0 : i32
        %dma_start3A_803 = arith.constant 0 : i32
        %dma_start3A_804 = tpu.memref_slice %arg8[%dma_start3A_801, %dma_start3A_802, %dma_start3A_803] : memref<5x80x64xbf16, #tpu.memory_space<vmem>> -> memref<1x80x64xbf16, #tpu.memory_space<vmem>>
        %dma_start3A_805 = tpu.memref_squeeze %dma_start3A_804 : memref<1x80x64xbf16, #tpu.memory_space<vmem>> -> memref<80x64xbf16, #tpu.memory_space<vmem>>
        %dma_start3A_806 = tpu.memref_slice %arg6[%mul3A_800] : memref<10000xi32, #tpu.memory_space<vmem>> -> memref<80xi32, #tpu.memory_space<vmem>>
        %dma_start3A_807 = arith.constant 0 : i32
        %dma_start3A_808 = arith.constant 0 : i32
        %dma_start3A_809 = tpu.memref_slice %arg3[%dma_start3A_807, %dma_start3A_808] : memref<10000x64xbf16, #tpu.memory_space<hbm>> -> memref<10000x64xbf16, #tpu.memory_space<hbm>>
        tpu.enqueue_indirect_dma source(%dma_start3A_809 : memref<10000x64xbf16, #tpu.memory_space<hbm>>) target(%dma_start3A_805 : memref<80x64xbf16, #tpu.memory_space<vmem>>) offsets(%dma_start3A_806 : memref<80xi32, #tpu.memory_space<vmem>>) semaphore(%arg11 : memref<!tpu.dma_semaphore, #tpu.memory_space<semaphore_mem>>)
        %add3A_810 = arith.constant 2 : i32
        %add3A_811 = arith.addi %add3A_783, %add3A_810 : i32
        %mul3A_812 = arith.constant 80 : i32
        %mul3A_813 = arith.muli %add3A_811, %mul3A_812 : i32
        %dma_start3A_814 = arith.constant 2 : i32
        %dma_start3A_815 = arith.constant 0 : i32
        %dma_start3A_816 = arith.constant 0 : i32
        %dma_start3A_817 = tpu.memref_slice %arg8[%dma_start3A_814, %dma_start3A_815, %dma_start3A_816] : memref<5x80x64xbf16, #tpu.memory_space<vmem>> -> memref<1x80x64xbf16, #tpu.memory_space<vmem>>
        %dma_start3A_818 = tpu.memref_squeeze %dma_start3A_817 : memref<1x80x64xbf16, #tpu.memory_space<vmem>> -> memref<80x64xbf16, #tpu.memory_space<vmem>>
        %dma_start3A_819 = tpu.memref_slice %arg6[%mul3A_813] : memref<10000xi32, #tpu.memory_space<vmem>> -> memref<80xi32, #tpu.memory_space<vmem>>
        %dma_start3A_820 = arith.constant 0 : i32
        %dma_start3A_821 = arith.constant 0 : i32
        %dma_start3A_822 = tpu.memref_slice %arg3[%dma_start3A_820, %dma_start3A_821] : memref<10000x64xbf16, #tpu.memory_space<hbm>> -> memref<10000x64xbf16, #tpu.memory_space<hbm>>
        tpu.enqueue_indirect_dma source(%dma_start3A_822 : memref<10000x64xbf16, #tpu.memory_space<hbm>>) target(%dma_start3A_818 : memref<80x64xbf16, #tpu.memory_space<vmem>>) offsets(%dma_start3A_819 : memref<80xi32, #tpu.memory_space<vmem>>) semaphore(%arg11 : memref<!tpu.dma_semaphore, #tpu.memory_space<semaphore_mem>>)
        %add3A_823 = arith.constant 3 : i32
        %add3A_824 = arith.addi %add3A_783, %add3A_823 : i32
        %mul3A_825 = arith.constant 80 : i32
        %mul3A_826 = arith.muli %add3A_824, %mul3A_825 : i32
        %dma_start3A_827 = arith.constant 3 : i32
        %dma_start3A_828 = arith.constant 0 : i32
        %dma_start3A_829 = arith.constant 0 : i32
        %dma_start3A_830 = tpu.memref_slice %arg8[%dma_start3A_827, %dma_start3A_828, %dma_start3A_829] : memref<5x80x64xbf16, #tpu.memory_space<vmem>> -> memref<1x80x64xbf16, #tpu.memory_space<vmem>>
        %dma_start3A_831 = tpu.memref_squeeze %dma_start3A_830 : memref<1x80x64xbf16, #tpu.memory_space<vmem>> -> memref<80x64xbf16, #tpu.memory_space<vmem>>
        %dma_start3A_832 = tpu.memref_slice %arg6[%mul3A_826] : memref<10000xi32, #tpu.memory_space<vmem>> -> memref<80xi32, #tpu.memory_space<vmem>>
        %dma_start3A_833 = arith.constant 0 : i32
        %dma_start3A_834 = arith.constant 0 : i32
        %dma_start3A_835 = tpu.memref_slice %arg3[%dma_start3A_833, %dma_start3A_834] : memref<10000x64xbf16, #tpu.memory_space<hbm>> -> memref<10000x64xbf16, #tpu.memory_space<hbm>>
        tpu.enqueue_indirect_dma source(%dma_start3A_835 : memref<10000x64xbf16, #tpu.memory_space<hbm>>) target(%dma_start3A_831 : memref<80x64xbf16, #tpu.memory_space<vmem>>) offsets(%dma_start3A_832 : memref<80xi32, #tpu.memory_space<vmem>>) semaphore(%arg11 : memref<!tpu.dma_semaphore, #tpu.memory_space<semaphore_mem>>)
        %add3A_836 = arith.constant 4 : i32
        %add3A_837 = arith.addi %add3A_783, %add3A_836 : i32
        %mul3A_838 = arith.constant 80 : i32
        %mul3A_839 = arith.muli %add3A_837, %mul3A_838 : i32
        %dma_start3A_840 = arith.constant 4 : i32
        %dma_start3A_841 = arith.constant 0 : i32
        %dma_start3A_842 = arith.constant 0 : i32
        %dma_start3A_843 = tpu.memref_slice %arg8[%dma_start3A_840, %dma_start3A_841, %dma_start3A_842] : memref<5x80x64xbf16, #tpu.memory_space<vmem>> -> memref<1x80x64xbf16, #tpu.memory_space<vmem>>
        %dma_start3A_844 = tpu.memref_squeeze %dma_start3A_843 : memref<1x80x64xbf16, #tpu.memory_space<vmem>> -> memref<80x64xbf16, #tpu.memory_space<vmem>>
        %dma_start3A_845 = tpu.memref_slice %arg6[%mul3A_839] : memref<10000xi32, #tpu.memory_space<vmem>> -> memref<80xi32, #tpu.memory_space<vmem>>
        %dma_start3A_846 = arith.constant 0 : i32
        %dma_start3A_847 = arith.constant 0 : i32
        %dma_start3A_848 = tpu.memref_slice %arg3[%dma_start3A_846, %dma_start3A_847] : memref<10000x64xbf16, #tpu.memory_space<hbm>> -> memref<10000x64xbf16, #tpu.memory_space<hbm>>
        tpu.enqueue_indirect_dma source(%dma_start3A_848 : memref<10000x64xbf16, #tpu.memory_space<hbm>>) target(%dma_start3A_844 : memref<80x64xbf16, #tpu.memory_space<vmem>>) offsets(%dma_start3A_845 : memref<80xi32, #tpu.memory_space<vmem>>) semaphore(%arg11 : memref<!tpu.dma_semaphore, #tpu.memory_space<semaphore_mem>>)
      } else {
      }
      %add3A_636 = arith.constant 1 : i32
      %add3A_637 = arith.addi %scan3A_341, %add3A_636 : i32
      %eq3A = arith.constant 12 : i32
      %eq3A_638 = arith.cmpi eq, %add3A_637, %eq3A : i32
      %convert_element_type3A_639 = arith.extui %eq3A_638 : i1 to i32
      %cond3A_640 = arith.constant 0 : i32
      %cond3A_641 = arith.cmpi ne, %convert_element_type3A_639, %cond3A_640 : i32
      scf.if %cond3A_641 {
        %dma_start3A_782 = arith.constant 0 : i32
        %dma_start3A_783 = arith.constant 0 : i32
        %dma_start3A_784 = arith.constant 0 : i32
        %dma_start3A_785 = tpu.memref_slice %arg8[%dma_start3A_782, %dma_start3A_783, %dma_start3A_784] : memref<5x80x64xbf16, #tpu.memory_space<vmem>> -> memref<1x80x64xbf16, #tpu.memory_space<vmem>>
        %dma_start3A_786 = tpu.memref_squeeze %dma_start3A_785 : memref<1x80x64xbf16, #tpu.memory_space<vmem>> -> memref<80x64xbf16, #tpu.memory_space<vmem>>
        %dma_start3A_787 = arith.constant 9600 : i32
        %dma_start3A_788 = tpu.memref_slice %arg6[%dma_start3A_787] : memref<10000xi32, #tpu.memory_space<vmem>> -> memref<80xi32, #tpu.memory_space<vmem>>
        %dma_start3A_789 = arith.constant 0 : i32
        %dma_start3A_790 = arith.constant 0 : i32
        %dma_start3A_791 = tpu.memref_slice %arg3[%dma_start3A_789, %dma_start3A_790] : memref<10000x64xbf16, #tpu.memory_space<hbm>> -> memref<10000x64xbf16, #tpu.memory_space<hbm>>
        tpu.enqueue_indirect_dma source(%dma_start3A_791 : memref<10000x64xbf16, #tpu.memory_space<hbm>>) target(%dma_start3A_786 : memref<80x64xbf16, #tpu.memory_space<vmem>>) offsets(%dma_start3A_788 : memref<80xi32, #tpu.memory_space<vmem>>) semaphore(%arg11 : memref<!tpu.dma_semaphore, #tpu.memory_space<semaphore_mem>>)
        %dma_start3A_792 = arith.constant 1 : i32
        %dma_start3A_793 = arith.constant 0 : i32
        %dma_start3A_794 = arith.constant 0 : i32
        %dma_start3A_795 = tpu.memref_slice %arg8[%dma_start3A_792, %dma_start3A_793, %dma_start3A_794] : memref<5x80x64xbf16, #tpu.memory_space<vmem>> -> memref<1x80x64xbf16, #tpu.memory_space<vmem>>
        %dma_start3A_796 = tpu.memref_squeeze %dma_start3A_795 : memref<1x80x64xbf16, #tpu.memory_space<vmem>> -> memref<80x64xbf16, #tpu.memory_space<vmem>>
        %dma_start3A_797 = arith.constant 9680 : i32
        %dma_start3A_798 = tpu.memref_slice %arg6[%dma_start3A_797] : memref<10000xi32, #tpu.memory_space<vmem>> -> memref<80xi32, #tpu.memory_space<vmem>>
        %dma_start3A_799 = arith.constant 0 : i32
        %dma_start3A_800 = arith.constant 0 : i32
        %dma_start3A_801 = tpu.memref_slice %arg3[%dma_start3A_799, %dma_start3A_800] : memref<10000x64xbf16, #tpu.memory_space<hbm>> -> memref<10000x64xbf16, #tpu.memory_space<hbm>>
        tpu.enqueue_indirect_dma source(%dma_start3A_801 : memref<10000x64xbf16, #tpu.memory_space<hbm>>) target(%dma_start3A_796 : memref<80x64xbf16, #tpu.memory_space<vmem>>) offsets(%dma_start3A_798 : memref<80xi32, #tpu.memory_space<vmem>>) semaphore(%arg11 : memref<!tpu.dma_semaphore, #tpu.memory_space<semaphore_mem>>)
        %dma_start3A_802 = arith.constant 2 : i32
        %dma_start3A_803 = arith.constant 0 : i32
        %dma_start3A_804 = arith.constant 0 : i32
        %dma_start3A_805 = tpu.memref_slice %arg8[%dma_start3A_802, %dma_start3A_803, %dma_start3A_804] : memref<5x80x64xbf16, #tpu.memory_space<vmem>> -> memref<1x80x64xbf16, #tpu.memory_space<vmem>>
        %dma_start3A_806 = tpu.memref_squeeze %dma_start3A_805 : memref<1x80x64xbf16, #tpu.memory_space<vmem>> -> memref<80x64xbf16, #tpu.memory_space<vmem>>
        %dma_start3A_807 = arith.constant 9760 : i32
        %dma_start3A_808 = tpu.memref_slice %arg6[%dma_start3A_807] : memref<10000xi32, #tpu.memory_space<vmem>> -> memref<80xi32, #tpu.memory_space<vmem>>
        %dma_start3A_809 = arith.constant 0 : i32
        %dma_start3A_810 = arith.constant 0 : i32
        %dma_start3A_811 = tpu.memref_slice %arg3[%dma_start3A_809, %dma_start3A_810] : memref<10000x64xbf16, #tpu.memory_space<hbm>> -> memref<10000x64xbf16, #tpu.memory_space<hbm>>
        tpu.enqueue_indirect_dma source(%dma_start3A_811 : memref<10000x64xbf16, #tpu.memory_space<hbm>>) target(%dma_start3A_806 : memref<80x64xbf16, #tpu.memory_space<vmem>>) offsets(%dma_start3A_808 : memref<80xi32, #tpu.memory_space<vmem>>) semaphore(%arg11 : memref<!tpu.dma_semaphore, #tpu.memory_space<semaphore_mem>>)
        %dma_start3A_812 = arith.constant 3 : i32
        %dma_start3A_813 = arith.constant 0 : i32
        %dma_start3A_814 = arith.constant 0 : i32
        %dma_start3A_815 = tpu.memref_slice %arg8[%dma_start3A_812, %dma_start3A_813, %dma_start3A_814] : memref<5x80x64xbf16, #tpu.memory_space<vmem>> -> memref<1x80x64xbf16, #tpu.memory_space<vmem>>
        %dma_start3A_816 = tpu.memref_squeeze %dma_start3A_815 : memref<1x80x64xbf16, #tpu.memory_space<vmem>> -> memref<80x64xbf16, #tpu.memory_space<vmem>>
        %dma_start3A_817 = arith.constant 9840 : i32
        %dma_start3A_818 = tpu.memref_slice %arg6[%dma_start3A_817] : memref<10000xi32, #tpu.memory_space<vmem>> -> memref<80xi32, #tpu.memory_space<vmem>>
        %dma_start3A_819 = arith.constant 0 : i32
        %dma_start3A_820 = arith.constant 0 : i32
        %dma_start3A_821 = tpu.memref_slice %arg3[%dma_start3A_819, %dma_start3A_820] : memref<10000x64xbf16, #tpu.memory_space<hbm>> -> memref<10000x64xbf16, #tpu.memory_space<hbm>>
        tpu.enqueue_indirect_dma source(%dma_start3A_821 : memref<10000x64xbf16, #tpu.memory_space<hbm>>) target(%dma_start3A_816 : memref<80x64xbf16, #tpu.memory_space<vmem>>) offsets(%dma_start3A_818 : memref<80xi32, #tpu.memory_space<vmem>>) semaphore(%arg11 : memref<!tpu.dma_semaphore, #tpu.memory_space<semaphore_mem>>)
        %dma_start3A_822 = arith.constant 4 : i32
        %dma_start3A_823 = arith.constant 0 : i32
        %dma_start3A_824 = arith.constant 0 : i32
        %dma_start3A_825 = tpu.memref_slice %arg8[%dma_start3A_822, %dma_start3A_823, %dma_start3A_824] : memref<5x80x64xbf16, #tpu.memory_space<vmem>> -> memref<1x80x64xbf16, #tpu.memory_space<vmem>>
        %dma_start3A_826 = tpu.memref_squeeze %dma_start3A_825 : memref<1x80x64xbf16, #tpu.memory_space<vmem>> -> memref<80x64xbf16, #tpu.memory_space<vmem>>
        %dma_start3A_827 = arith.constant 9920 : i32
        %dma_start3A_828 = tpu.memref_slice %arg6[%dma_start3A_827] : memref<10000xi32, #tpu.memory_space<vmem>> -> memref<80xi32, #tpu.memory_space<vmem>>
        %dma_start3A_829 = arith.constant 0 : i32
        %dma_start3A_830 = arith.constant 0 : i32
        %dma_start3A_831 = tpu.memref_slice %arg3[%dma_start3A_829, %dma_start3A_830] : memref<10000x64xbf16, #tpu.memory_space<hbm>> -> memref<10000x64xbf16, #tpu.memory_space<hbm>>
        tpu.enqueue_indirect_dma source(%dma_start3A_831 : memref<10000x64xbf16, #tpu.memory_space<hbm>>) target(%dma_start3A_826 : memref<80x64xbf16, #tpu.memory_space<vmem>>) offsets(%dma_start3A_828 : memref<80xi32, #tpu.memory_space<vmem>>) semaphore(%arg11 : memref<!tpu.dma_semaphore, #tpu.memory_space<semaphore_mem>>)
      } else {
      }
      %dma_wait3A_642 = arith.constant 0 : i32
      %dma_wait3A_643 = arith.constant 0 : i32
      %dma_wait3A_644 = arith.constant 0 : i32
      %dma_wait3A_645 = tpu.memref_slice %arg9[%dma_wait3A_642, %dma_wait3A_643, %dma_wait3A_644] : memref<5x80x64xbf16, #tpu.memory_space<vmem>> -> memref<1x80x64xbf16, #tpu.memory_space<vmem>>
      %dma_wait3A_646 = tpu.memref_squeeze %dma_wait3A_645 : memref<1x80x64xbf16, #tpu.memory_space<vmem>> -> memref<80x64xbf16, #tpu.memory_space<vmem>>
      %dma_wait3A_647 = arith.constant 0 : i32
      %dma_wait3A_648 = arith.constant 0 : i32
      %dma_wait3A_649 = tpu.memref_slice %arg4[%dma_wait3A_647, %dma_wait3A_648] : memref<632x64xbf16, #tpu.memory_space<hbm>> -> memref<80x64xbf16, #tpu.memory_space<hbm>>
      %dma_wait3A_650 = arith.constant 0 : i32
      %dma_wait3A_651 = arith.constant 0 : i32
      %dma_wait3A_652 = tpu.memref_slice %arg9[%dma_wait3A_642, %dma_wait3A_650, %dma_wait3A_651] : memref<5x80x64xbf16, #tpu.memory_space<vmem>> -> memref<1x80x64xbf16, #tpu.memory_space<vmem>>
      %dma_wait3A_653 = tpu.memref_squeeze %dma_wait3A_652 : memref<1x80x64xbf16, #tpu.memory_space<vmem>> -> memref<80x64xbf16, #tpu.memory_space<vmem>>
      %dma_wait3A_654 = arith.constant 0 : i32
      %dma_wait3A_655 = arith.constant 0 : i32
      %dma_wait3A_656 = tpu.memref_slice %arg4[%dma_wait3A_654, %dma_wait3A_655] : memref<632x64xbf16, #tpu.memory_space<hbm>> -> memref<80x64xbf16, #tpu.memory_space<hbm>>
      tpu.wait_dma2 semaphore(%arg12 : memref<!tpu.dma_semaphore, #tpu.memory_space<semaphore_mem>>) src(%dma_wait3A_656 : memref<80x64xbf16, #tpu.memory_space<hbm>>) dst(%dma_wait3A_653 : memref<80x64xbf16, #tpu.memory_space<vmem>>)
      %dma_wait3A_657 = arith.constant 1 : i32
      %dma_wait3A_658 = arith.constant 0 : i32
      %dma_wait3A_659 = arith.constant 0 : i32
      %dma_wait3A_660 = tpu.memref_slice %arg9[%dma_wait3A_657, %dma_wait3A_658, %dma_wait3A_659] : memref<5x80x64xbf16, #tpu.memory_space<vmem>> -> memref<1x80x64xbf16, #tpu.memory_space<vmem>>
      %dma_wait3A_661 = tpu.memref_squeeze %dma_wait3A_660 : memref<1x80x64xbf16, #tpu.memory_space<vmem>> -> memref<80x64xbf16, #tpu.memory_space<vmem>>
      %dma_wait3A_662 = arith.constant 0 : i32
      %dma_wait3A_663 = arith.constant 0 : i32
      %dma_wait3A_664 = tpu.memref_slice %arg4[%dma_wait3A_662, %dma_wait3A_663] : memref<632x64xbf16, #tpu.memory_space<hbm>> -> memref<80x64xbf16, #tpu.memory_space<hbm>>
      %dma_wait3A_665 = arith.constant 0 : i32
      %dma_wait3A_666 = arith.constant 0 : i32
      %dma_wait3A_667 = tpu.memref_slice %arg9[%dma_wait3A_657, %dma_wait3A_665, %dma_wait3A_666] : memref<5x80x64xbf16, #tpu.memory_space<vmem>> -> memref<1x80x64xbf16, #tpu.memory_space<vmem>>
      %dma_wait3A_668 = tpu.memref_squeeze %dma_wait3A_667 : memref<1x80x64xbf16, #tpu.memory_space<vmem>> -> memref<80x64xbf16, #tpu.memory_space<vmem>>
      %dma_wait3A_669 = arith.constant 0 : i32
      %dma_wait3A_670 = arith.constant 0 : i32
      %dma_wait3A_671 = tpu.memref_slice %arg4[%dma_wait3A_669, %dma_wait3A_670] : memref<632x64xbf16, #tpu.memory_space<hbm>> -> memref<80x64xbf16, #tpu.memory_space<hbm>>
      tpu.wait_dma2 semaphore(%arg12 : memref<!tpu.dma_semaphore, #tpu.memory_space<semaphore_mem>>) src(%dma_wait3A_671 : memref<80x64xbf16, #tpu.memory_space<hbm>>) dst(%dma_wait3A_668 : memref<80x64xbf16, #tpu.memory_space<vmem>>)
      %dma_wait3A_672 = arith.constant 2 : i32
      %dma_wait3A_673 = arith.constant 0 : i32
      %dma_wait3A_674 = arith.constant 0 : i32
      %dma_wait3A_675 = tpu.memref_slice %arg9[%dma_wait3A_672, %dma_wait3A_673, %dma_wait3A_674] : memref<5x80x64xbf16, #tpu.memory_space<vmem>> -> memref<1x80x64xbf16, #tpu.memory_space<vmem>>
      %dma_wait3A_676 = tpu.memref_squeeze %dma_wait3A_675 : memref<1x80x64xbf16, #tpu.memory_space<vmem>> -> memref<80x64xbf16, #tpu.memory_space<vmem>>
      %dma_wait3A_677 = arith.constant 0 : i32
      %dma_wait3A_678 = arith.constant 0 : i32
      %dma_wait3A_679 = tpu.memref_slice %arg4[%dma_wait3A_677, %dma_wait3A_678] : memref<632x64xbf16, #tpu.memory_space<hbm>> -> memref<80x64xbf16, #tpu.memory_space<hbm>>
      %dma_wait3A_680 = arith.constant 0 : i32
      %dma_wait3A_681 = arith.constant 0 : i32
      %dma_wait3A_682 = tpu.memref_slice %arg9[%dma_wait3A_672, %dma_wait3A_680, %dma_wait3A_681] : memref<5x80x64xbf16, #tpu.memory_space<vmem>> -> memref<1x80x64xbf16, #tpu.memory_space<vmem>>
      %dma_wait3A_683 = tpu.memref_squeeze %dma_wait3A_682 : memref<1x80x64xbf16, #tpu.memory_space<vmem>> -> memref<80x64xbf16, #tpu.memory_space<vmem>>
      %dma_wait3A_684 = arith.constant 0 : i32
      %dma_wait3A_685 = arith.constant 0 : i32
      %dma_wait3A_686 = tpu.memref_slice %arg4[%dma_wait3A_684, %dma_wait3A_685] : memref<632x64xbf16, #tpu.memory_space<hbm>> -> memref<80x64xbf16, #tpu.memory_space<hbm>>
      tpu.wait_dma2 semaphore(%arg12 : memref<!tpu.dma_semaphore, #tpu.memory_space<semaphore_mem>>) src(%dma_wait3A_686 : memref<80x64xbf16, #tpu.memory_space<hbm>>) dst(%dma_wait3A_683 : memref<80x64xbf16, #tpu.memory_space<vmem>>)
      %dma_wait3A_687 = arith.constant 3 : i32
      %dma_wait3A_688 = arith.constant 0 : i32
      %dma_wait3A_689 = arith.constant 0 : i32
      %dma_wait3A_690 = tpu.memref_slice %arg9[%dma_wait3A_687, %dma_wait3A_688, %dma_wait3A_689] : memref<5x80x64xbf16, #tpu.memory_space<vmem>> -> memref<1x80x64xbf16, #tpu.memory_space<vmem>>
      %dma_wait3A_691 = tpu.memref_squeeze %dma_wait3A_690 : memref<1x80x64xbf16, #tpu.memory_space<vmem>> -> memref<80x64xbf16, #tpu.memory_space<vmem>>
      %dma_wait3A_692 = arith.constant 0 : i32
      %dma_wait3A_693 = arith.constant 0 : i32
      %dma_wait3A_694 = tpu.memref_slice %arg4[%dma_wait3A_692, %dma_wait3A_693] : memref<632x64xbf16, #tpu.memory_space<hbm>> -> memref<80x64xbf16, #tpu.memory_space<hbm>>
      %dma_wait3A_695 = arith.constant 0 : i32
      %dma_wait3A_696 = arith.constant 0 : i32
      %dma_wait3A_697 = tpu.memref_slice %arg9[%dma_wait3A_687, %dma_wait3A_695, %dma_wait3A_696] : memref<5x80x64xbf16, #tpu.memory_space<vmem>> -> memref<1x80x64xbf16, #tpu.memory_space<vmem>>
      %dma_wait3A_698 = tpu.memref_squeeze %dma_wait3A_697 : memref<1x80x64xbf16, #tpu.memory_space<vmem>> -> memref<80x64xbf16, #tpu.memory_space<vmem>>
      %dma_wait3A_699 = arith.constant 0 : i32
      %dma_wait3A_700 = arith.constant 0 : i32
      %dma_wait3A_701 = tpu.memref_slice %arg4[%dma_wait3A_699, %dma_wait3A_700] : memref<632x64xbf16, #tpu.memory_space<hbm>> -> memref<80x64xbf16, #tpu.memory_space<hbm>>
      tpu.wait_dma2 semaphore(%arg12 : memref<!tpu.dma_semaphore, #tpu.memory_space<semaphore_mem>>) src(%dma_wait3A_701 : memref<80x64xbf16, #tpu.memory_space<hbm>>) dst(%dma_wait3A_698 : memref<80x64xbf16, #tpu.memory_space<vmem>>)
      %dma_wait3A_702 = arith.constant 4 : i32
      %dma_wait3A_703 = arith.constant 0 : i32
      %dma_wait3A_704 = arith.constant 0 : i32
      %dma_wait3A_705 = tpu.memref_slice %arg9[%dma_wait3A_702, %dma_wait3A_703, %dma_wait3A_704] : memref<5x80x64xbf16, #tpu.memory_space<vmem>> -> memref<1x80x64xbf16, #tpu.memory_space<vmem>>
      %dma_wait3A_706 = tpu.memref_squeeze %dma_wait3A_705 : memref<1x80x64xbf16, #tpu.memory_space<vmem>> -> memref<80x64xbf16, #tpu.memory_space<vmem>>
      %dma_wait3A_707 = arith.constant 0 : i32
      %dma_wait3A_708 = arith.constant 0 : i32
      %dma_wait3A_709 = tpu.memref_slice %arg4[%dma_wait3A_707, %dma_wait3A_708] : memref<632x64xbf16, #tpu.memory_space<hbm>> -> memref<80x64xbf16, #tpu.memory_space<hbm>>
      %dma_wait3A_710 = arith.constant 0 : i32
      %dma_wait3A_711 = arith.constant 0 : i32
      %dma_wait3A_712 = tpu.memref_slice %arg9[%dma_wait3A_702, %dma_wait3A_710, %dma_wait3A_711] : memref<5x80x64xbf16, #tpu.memory_space<vmem>> -> memref<1x80x64xbf16, #tpu.memory_space<vmem>>
      %dma_wait3A_713 = tpu.memref_squeeze %dma_wait3A_712 : memref<1x80x64xbf16, #tpu.memory_space<vmem>> -> memref<80x64xbf16, #tpu.memory_space<vmem>>
      %dma_wait3A_714 = arith.constant 0 : i32
      %dma_wait3A_715 = arith.constant 0 : i32
      %dma_wait3A_716 = tpu.memref_slice %arg4[%dma_wait3A_714, %dma_wait3A_715] : memref<632x64xbf16, #tpu.memory_space<hbm>> -> memref<80x64xbf16, #tpu.memory_space<hbm>>
      tpu.wait_dma2 semaphore(%arg12 : memref<!tpu.dma_semaphore, #tpu.memory_space<semaphore_mem>>) src(%dma_wait3A_716 : memref<80x64xbf16, #tpu.memory_space<hbm>>) dst(%dma_wait3A_713 : memref<80x64xbf16, #tpu.memory_space<vmem>>)
      %add3A_717 = arith.constant 0 : i32
      %add3A_718 = arith.addi %add3A_347, %add3A_717 : i32
      %mul3A_719 = arith.constant 80 : i32
      %mul3A_720 = arith.muli %add3A_718, %mul3A_719 : i32
      %dma_start3A_721 = arith.constant 0 : i32
      %dma_start3A_722 = arith.constant 0 : i32
      %dma_start3A_723 = arith.constant 0 : i32
      %dma_start3A_724 = tpu.memref_slice %arg9[%dma_start3A_721, %dma_start3A_722, %dma_start3A_723] : memref<5x80x64xbf16, #tpu.memory_space<vmem>> -> memref<1x80x64xbf16, #tpu.memory_space<vmem>>
      %dma_start3A_725 = tpu.memref_squeeze %dma_start3A_724 : memref<1x80x64xbf16, #tpu.memory_space<vmem>> -> memref<80x64xbf16, #tpu.memory_space<vmem>>
      %dma_start3A_726 = tpu.memref_slice %arg7[%mul3A_720] : memref<10000xi32, #tpu.memory_space<vmem>> -> memref<80xi32, #tpu.memory_space<vmem>>
      %dma_start3A_727 = arith.constant 0 : i32
      %dma_start3A_728 = arith.constant 0 : i32
      %dma_start3A_729 = tpu.memref_slice %arg10[%dma_start3A_727, %dma_start3A_728] : memref<10112x64xbf16, #tpu.memory_space<vmem_shared>> -> memref<10112x64xbf16, #tpu.memory_space<vmem_shared>>
      tpu.enqueue_indirect_dma source(%dma_start3A_725 : memref<80x64xbf16, #tpu.memory_space<vmem>>) target(%dma_start3A_729 : memref<10112x64xbf16, #tpu.memory_space<vmem_shared>>) offsets(%dma_start3A_726 : memref<80xi32, #tpu.memory_space<vmem>>) semaphore(%arg14 : memref<!tpu.dma_semaphore, #tpu.memory_space<semaphore_mem>>) {add = true}
      %add3A_730 = arith.constant 1 : i32
      %add3A_731 = arith.addi %add3A_347, %add3A_730 : i32
      %mul3A_732 = arith.constant 80 : i32
      %mul3A_733 = arith.muli %add3A_731, %mul3A_732 : i32
      %dma_start3A_734 = arith.constant 1 : i32
      %dma_start3A_735 = arith.constant 0 : i32
      %dma_start3A_736 = arith.constant 0 : i32
      %dma_start3A_737 = tpu.memref_slice %arg9[%dma_start3A_734, %dma_start3A_735, %dma_start3A_736] : memref<5x80x64xbf16, #tpu.memory_space<vmem>> -> memref<1x80x64xbf16, #tpu.memory_space<vmem>>
      %dma_start3A_738 = tpu.memref_squeeze %dma_start3A_737 : memref<1x80x64xbf16, #tpu.memory_space<vmem>> -> memref<80x64xbf16, #tpu.memory_space<vmem>>
      %dma_start3A_739 = tpu.memref_slice %arg7[%mul3A_733] : memref<10000xi32, #tpu.memory_space<vmem>> -> memref<80xi32, #tpu.memory_space<vmem>>
      %dma_start3A_740 = arith.constant 0 : i32
      %dma_start3A_741 = arith.constant 0 : i32
      %dma_start3A_742 = tpu.memref_slice %arg10[%dma_start3A_740, %dma_start3A_741] : memref<10112x64xbf16, #tpu.memory_space<vmem_shared>> -> memref<10112x64xbf16, #tpu.memory_space<vmem_shared>>
      tpu.enqueue_indirect_dma source(%dma_start3A_738 : memref<80x64xbf16, #tpu.memory_space<vmem>>) target(%dma_start3A_742 : memref<10112x64xbf16, #tpu.memory_space<vmem_shared>>) offsets(%dma_start3A_739 : memref<80xi32, #tpu.memory_space<vmem>>) semaphore(%arg14 : memref<!tpu.dma_semaphore, #tpu.memory_space<semaphore_mem>>) {add = true}
      %add3A_743 = arith.constant 2 : i32
      %add3A_744 = arith.addi %add3A_347, %add3A_743 : i32
      %mul3A_745 = arith.constant 80 : i32
      %mul3A_746 = arith.muli %add3A_744, %mul3A_745 : i32
      %dma_start3A_747 = arith.constant 2 : i32
      %dma_start3A_748 = arith.constant 0 : i32
      %dma_start3A_749 = arith.constant 0 : i32
      %dma_start3A_750 = tpu.memref_slice %arg9[%dma_start3A_747, %dma_start3A_748, %dma_start3A_749] : memref<5x80x64xbf16, #tpu.memory_space<vmem>> -> memref<1x80x64xbf16, #tpu.memory_space<vmem>>
      %dma_start3A_751 = tpu.memref_squeeze %dma_start3A_750 : memref<1x80x64xbf16, #tpu.memory_space<vmem>> -> memref<80x64xbf16, #tpu.memory_space<vmem>>
      %dma_start3A_752 = tpu.memref_slice %arg7[%mul3A_746] : memref<10000xi32, #tpu.memory_space<vmem>> -> memref<80xi32, #tpu.memory_space<vmem>>
      %dma_start3A_753 = arith.constant 0 : i32
      %dma_start3A_754 = arith.constant 0 : i32
      %dma_start3A_755 = tpu.memref_slice %arg10[%dma_start3A_753, %dma_start3A_754] : memref<10112x64xbf16, #tpu.memory_space<vmem_shared>> -> memref<10112x64xbf16, #tpu.memory_space<vmem_shared>>
      tpu.enqueue_indirect_dma source(%dma_start3A_751 : memref<80x64xbf16, #tpu.memory_space<vmem>>) target(%dma_start3A_755 : memref<10112x64xbf16, #tpu.memory_space<vmem_shared>>) offsets(%dma_start3A_752 : memref<80xi32, #tpu.memory_space<vmem>>) semaphore(%arg14 : memref<!tpu.dma_semaphore, #tpu.memory_space<semaphore_mem>>) {add = true}
      %add3A_756 = arith.constant 3 : i32
      %add3A_757 = arith.addi %add3A_347, %add3A_756 : i32
      %mul3A_758 = arith.constant 80 : i32
      %mul3A_759 = arith.muli %add3A_757, %mul3A_758 : i32
      %dma_start3A_760 = arith.constant 3 : i32
      %dma_start3A_761 = arith.constant 0 : i32
      %dma_start3A_762 = arith.constant 0 : i32
      %dma_start3A_763 = tpu.memref_slice %arg9[%dma_start3A_760, %dma_start3A_761, %dma_start3A_762] : memref<5x80x64xbf16, #tpu.memory_space<vmem>> -> memref<1x80x64xbf16, #tpu.memory_space<vmem>>
      %dma_start3A_764 = tpu.memref_squeeze %dma_start3A_763 : memref<1x80x64xbf16, #tpu.memory_space<vmem>> -> memref<80x64xbf16, #tpu.memory_space<vmem>>
      %dma_start3A_765 = tpu.memref_slice %arg7[%mul3A_759] : memref<10000xi32, #tpu.memory_space<vmem>> -> memref<80xi32, #tpu.memory_space<vmem>>
      %dma_start3A_766 = arith.constant 0 : i32
      %dma_start3A_767 = arith.constant 0 : i32
      %dma_start3A_768 = tpu.memref_slice %arg10[%dma_start3A_766, %dma_start3A_767] : memref<10112x64xbf16, #tpu.memory_space<vmem_shared>> -> memref<10112x64xbf16, #tpu.memory_space<vmem_shared>>
      tpu.enqueue_indirect_dma source(%dma_start3A_764 : memref<80x64xbf16, #tpu.memory_space<vmem>>) target(%dma_start3A_768 : memref<10112x64xbf16, #tpu.memory_space<vmem_shared>>) offsets(%dma_start3A_765 : memref<80xi32, #tpu.memory_space<vmem>>) semaphore(%arg14 : memref<!tpu.dma_semaphore, #tpu.memory_space<semaphore_mem>>) {add = true}
      %add3A_769 = arith.constant 4 : i32
      %add3A_770 = arith.addi %add3A_347, %add3A_769 : i32
      %mul3A_771 = arith.constant 80 : i32
      %mul3A_772 = arith.muli %add3A_770, %mul3A_771 : i32
      %dma_start3A_773 = arith.constant 4 : i32
      %dma_start3A_774 = arith.constant 0 : i32
      %dma_start3A_775 = arith.constant 0 : i32
      %dma_start3A_776 = tpu.memref_slice %arg9[%dma_start3A_773, %dma_start3A_774, %dma_start3A_775] : memref<5x80x64xbf16, #tpu.memory_space<vmem>> -> memref<1x80x64xbf16, #tpu.memory_space<vmem>>
      %dma_start3A_777 = tpu.memref_squeeze %dma_start3A_776 : memref<1x80x64xbf16, #tpu.memory_space<vmem>> -> memref<80x64xbf16, #tpu.memory_space<vmem>>
      %dma_start3A_778 = tpu.memref_slice %arg7[%mul3A_772] : memref<10000xi32, #tpu.memory_space<vmem>> -> memref<80xi32, #tpu.memory_space<vmem>>
      %dma_start3A_779 = arith.constant 0 : i32
      %dma_start3A_780 = arith.constant 0 : i32
      %dma_start3A_781 = tpu.memref_slice %arg10[%dma_start3A_779, %dma_start3A_780] : memref<10112x64xbf16, #tpu.memory_space<vmem_shared>> -> memref<10112x64xbf16, #tpu.memory_space<vmem_shared>>
      tpu.enqueue_indirect_dma source(%dma_start3A_777 : memref<80x64xbf16, #tpu.memory_space<vmem>>) target(%dma_start3A_781 : memref<10112x64xbf16, #tpu.memory_space<vmem_shared>>) offsets(%dma_start3A_778 : memref<80xi32, #tpu.memory_space<vmem>>) semaphore(%arg14 : memref<!tpu.dma_semaphore, #tpu.memory_space<semaphore_mem>>) {add = true}
    }
    %scan3A_61 = arith.constant 12 : i32
    %dma_wait3A = arith.constant 0 : i32
    %dma_wait3A_62 = arith.constant 0 : i32
    %dma_wait3A_63 = arith.constant 0 : i32
    %dma_wait3A_64 = tpu.memref_slice %arg9[%dma_wait3A, %dma_wait3A_62, %dma_wait3A_63] : memref<5x80x64xbf16, #tpu.memory_space<vmem>> -> memref<1x80x64xbf16, #tpu.memory_space<vmem>>
    %dma_wait3A_65 = tpu.memref_squeeze %dma_wait3A_64 : memref<1x80x64xbf16, #tpu.memory_space<vmem>> -> memref<80x64xbf16, #tpu.memory_space<vmem>>
    %dma_wait3A_66 = arith.constant 0 : i32
    %dma_wait3A_67 = arith.constant 0 : i32
    %dma_wait3A_68 = tpu.memref_slice %arg4[%dma_wait3A_66, %dma_wait3A_67] : memref<632x64xbf16, #tpu.memory_space<hbm>> -> memref<80x64xbf16, #tpu.memory_space<hbm>>
    %dma_wait3A_69 = arith.constant 0 : i32
    %dma_wait3A_70 = arith.constant 0 : i32
    %dma_wait3A_71 = tpu.memref_slice %arg9[%dma_wait3A, %dma_wait3A_69, %dma_wait3A_70] : memref<5x80x64xbf16, #tpu.memory_space<vmem>> -> memref<1x80x64xbf16, #tpu.memory_space<vmem>>
    %dma_wait3A_72 = tpu.memref_squeeze %dma_wait3A_71 : memref<1x80x64xbf16, #tpu.memory_space<vmem>> -> memref<80x64xbf16, #tpu.memory_space<vmem>>
    %dma_wait3A_73 = arith.constant 0 : i32
    %dma_wait3A_74 = arith.constant 0 : i32
    %dma_wait3A_75 = tpu.memref_slice %arg4[%dma_wait3A_73, %dma_wait3A_74] : memref<632x64xbf16, #tpu.memory_space<hbm>> -> memref<80x64xbf16, #tpu.memory_space<hbm>>
    tpu.wait_dma2 semaphore(%arg14 : memref<!tpu.dma_semaphore, #tpu.memory_space<semaphore_mem>>) src(%dma_wait3A_75 : memref<80x64xbf16, #tpu.memory_space<hbm>>) dst(%dma_wait3A_72 : memref<80x64xbf16, #tpu.memory_space<vmem>>)
    %dma_wait3A_76 = arith.constant 1 : i32
    %dma_wait3A_77 = arith.constant 0 : i32
    %dma_wait3A_78 = arith.constant 0 : i32
    %dma_wait3A_79 = tpu.memref_slice %arg9[%dma_wait3A_76, %dma_wait3A_77, %dma_wait3A_78] : memref<5x80x64xbf16, #tpu.memory_space<vmem>> -> memref<1x80x64xbf16, #tpu.memory_space<vmem>>
    %dma_wait3A_80 = tpu.memref_squeeze %dma_wait3A_79 : memref<1x80x64xbf16, #tpu.memory_space<vmem>> -> memref<80x64xbf16, #tpu.memory_space<vmem>>
    %dma_wait3A_81 = arith.constant 0 : i32
    %dma_wait3A_82 = arith.constant 0 : i32
    %dma_wait3A_83 = tpu.memref_slice %arg4[%dma_wait3A_81, %dma_wait3A_82] : memref<632x64xbf16, #tpu.memory_space<hbm>> -> memref<80x64xbf16, #tpu.memory_space<hbm>>
    %dma_wait3A_84 = arith.constant 0 : i32
    %dma_wait3A_85 = arith.constant 0 : i32
    %dma_wait3A_86 = tpu.memref_slice %arg9[%dma_wait3A_76, %dma_wait3A_84, %dma_wait3A_85] : memref<5x80x64xbf16, #tpu.memory_space<vmem>> -> memref<1x80x64xbf16, #tpu.memory_space<vmem>>
    %dma_wait3A_87 = tpu.memref_squeeze %dma_wait3A_86 : memref<1x80x64xbf16, #tpu.memory_space<vmem>> -> memref<80x64xbf16, #tpu.memory_space<vmem>>
    %dma_wait3A_88 = arith.constant 0 : i32
    %dma_wait3A_89 = arith.constant 0 : i32
    %dma_wait3A_90 = tpu.memref_slice %arg4[%dma_wait3A_88, %dma_wait3A_89] : memref<632x64xbf16, #tpu.memory_space<hbm>> -> memref<80x64xbf16, #tpu.memory_space<hbm>>
    tpu.wait_dma2 semaphore(%arg14 : memref<!tpu.dma_semaphore, #tpu.memory_space<semaphore_mem>>) src(%dma_wait3A_90 : memref<80x64xbf16, #tpu.memory_space<hbm>>) dst(%dma_wait3A_87 : memref<80x64xbf16, #tpu.memory_space<vmem>>)
    %dma_wait3A_91 = arith.constant 2 : i32
    %dma_wait3A_92 = arith.constant 0 : i32
    %dma_wait3A_93 = arith.constant 0 : i32
    %dma_wait3A_94 = tpu.memref_slice %arg9[%dma_wait3A_91, %dma_wait3A_92, %dma_wait3A_93] : memref<5x80x64xbf16, #tpu.memory_space<vmem>> -> memref<1x80x64xbf16, #tpu.memory_space<vmem>>
    %dma_wait3A_95 = tpu.memref_squeeze %dma_wait3A_94 : memref<1x80x64xbf16, #tpu.memory_space<vmem>> -> memref<80x64xbf16, #tpu.memory_space<vmem>>
    %dma_wait3A_96 = arith.constant 0 : i32
    %dma_wait3A_97 = arith.constant 0 : i32
    %dma_wait3A_98 = tpu.memref_slice %arg4[%dma_wait3A_96, %dma_wait3A_97] : memref<632x64xbf16, #tpu.memory_space<hbm>> -> memref<80x64xbf16, #tpu.memory_space<hbm>>
    %dma_wait3A_99 = arith.constant 0 : i32
    %dma_wait3A_100 = arith.constant 0 : i32
    %dma_wait3A_101 = tpu.memref_slice %arg9[%dma_wait3A_91, %dma_wait3A_99, %dma_wait3A_100] : memref<5x80x64xbf16, #tpu.memory_space<vmem>> -> memref<1x80x64xbf16, #tpu.memory_space<vmem>>
    %dma_wait3A_102 = tpu.memref_squeeze %dma_wait3A_101 : memref<1x80x64xbf16, #tpu.memory_space<vmem>> -> memref<80x64xbf16, #tpu.memory_space<vmem>>
    %dma_wait3A_103 = arith.constant 0 : i32
    %dma_wait3A_104 = arith.constant 0 : i32
    %dma_wait3A_105 = tpu.memref_slice %arg4[%dma_wait3A_103, %dma_wait3A_104] : memref<632x64xbf16, #tpu.memory_space<hbm>> -> memref<80x64xbf16, #tpu.memory_space<hbm>>
    tpu.wait_dma2 semaphore(%arg14 : memref<!tpu.dma_semaphore, #tpu.memory_space<semaphore_mem>>) src(%dma_wait3A_105 : memref<80x64xbf16, #tpu.memory_space<hbm>>) dst(%dma_wait3A_102 : memref<80x64xbf16, #tpu.memory_space<vmem>>)
    %dma_wait3A_106 = arith.constant 3 : i32
    %dma_wait3A_107 = arith.constant 0 : i32
    %dma_wait3A_108 = arith.constant 0 : i32
    %dma_wait3A_109 = tpu.memref_slice %arg9[%dma_wait3A_106, %dma_wait3A_107, %dma_wait3A_108] : memref<5x80x64xbf16, #tpu.memory_space<vmem>> -> memref<1x80x64xbf16, #tpu.memory_space<vmem>>
    %dma_wait3A_110 = tpu.memref_squeeze %dma_wait3A_109 : memref<1x80x64xbf16, #tpu.memory_space<vmem>> -> memref<80x64xbf16, #tpu.memory_space<vmem>>
    %dma_wait3A_111 = arith.constant 0 : i32
    %dma_wait3A_112 = arith.constant 0 : i32
    %dma_wait3A_113 = tpu.memref_slice %arg4[%dma_wait3A_111, %dma_wait3A_112] : memref<632x64xbf16, #tpu.memory_space<hbm>> -> memref<80x64xbf16, #tpu.memory_space<hbm>>
    %dma_wait3A_114 = arith.constant 0 : i32
    %dma_wait3A_115 = arith.constant 0 : i32
    %dma_wait3A_116 = tpu.memref_slice %arg9[%dma_wait3A_106, %dma_wait3A_114, %dma_wait3A_115] : memref<5x80x64xbf16, #tpu.memory_space<vmem>> -> memref<1x80x64xbf16, #tpu.memory_space<vmem>>
    %dma_wait3A_117 = tpu.memref_squeeze %dma_wait3A_116 : memref<1x80x64xbf16, #tpu.memory_space<vmem>> -> memref<80x64xbf16, #tpu.memory_space<vmem>>
    %dma_wait3A_118 = arith.constant 0 : i32
    %dma_wait3A_119 = arith.constant 0 : i32
    %dma_wait3A_120 = tpu.memref_slice %arg4[%dma_wait3A_118, %dma_wait3A_119] : memref<632x64xbf16, #tpu.memory_space<hbm>> -> memref<80x64xbf16, #tpu.memory_space<hbm>>
    tpu.wait_dma2 semaphore(%arg14 : memref<!tpu.dma_semaphore, #tpu.memory_space<semaphore_mem>>) src(%dma_wait3A_120 : memref<80x64xbf16, #tpu.memory_space<hbm>>) dst(%dma_wait3A_117 : memref<80x64xbf16, #tpu.memory_space<vmem>>)
    %dma_wait3A_121 = arith.constant 4 : i32
    %dma_wait3A_122 = arith.constant 0 : i32
    %dma_wait3A_123 = arith.constant 0 : i32
    %dma_wait3A_124 = tpu.memref_slice %arg9[%dma_wait3A_121, %dma_wait3A_122, %dma_wait3A_123] : memref<5x80x64xbf16, #tpu.memory_space<vmem>> -> memref<1x80x64xbf16, #tpu.memory_space<vmem>>
    %dma_wait3A_125 = tpu.memref_squeeze %dma_wait3A_124 : memref<1x80x64xbf16, #tpu.memory_space<vmem>> -> memref<80x64xbf16, #tpu.memory_space<vmem>>
    %dma_wait3A_126 = arith.constant 0 : i32
    %dma_wait3A_127 = arith.constant 0 : i32
    %dma_wait3A_128 = tpu.memref_slice %arg4[%dma_wait3A_126, %dma_wait3A_127] : memref<632x64xbf16, #tpu.memory_space<hbm>> -> memref<80x64xbf16, #tpu.memory_space<hbm>>
    %dma_wait3A_129 = arith.constant 0 : i32
    %dma_wait3A_130 = arith.constant 0 : i32
    %dma_wait3A_131 = tpu.memref_slice %arg9[%dma_wait3A_121, %dma_wait3A_129, %dma_wait3A_130] : memref<5x80x64xbf16, #tpu.memory_space<vmem>> -> memref<1x80x64xbf16, #tpu.memory_space<vmem>>
    %dma_wait3A_132 = tpu.memref_squeeze %dma_wait3A_131 : memref<1x80x64xbf16, #tpu.memory_space<vmem>> -> memref<80x64xbf16, #tpu.memory_space<vmem>>
    %dma_wait3A_133 = arith.constant 0 : i32
    %dma_wait3A_134 = arith.constant 0 : i32
    %dma_wait3A_135 = tpu.memref_slice %arg4[%dma_wait3A_133, %dma_wait3A_134] : memref<632x64xbf16, #tpu.memory_space<hbm>> -> memref<80x64xbf16, #tpu.memory_space<hbm>>
    tpu.wait_dma2 semaphore(%arg14 : memref<!tpu.dma_semaphore, #tpu.memory_space<semaphore_mem>>) src(%dma_wait3A_135 : memref<80x64xbf16, #tpu.memory_space<hbm>>) dst(%dma_wait3A_132 : memref<80x64xbf16, #tpu.memory_space<vmem>>)
    %dma_wait3A_136 = arith.constant 0 : i32
    %dma_wait3A_137 = arith.constant 0 : i32
    %dma_wait3A_138 = arith.constant 0 : i32
    %dma_wait3A_139 = tpu.memref_slice %arg8[%dma_wait3A_136, %dma_wait3A_137, %dma_wait3A_138] : memref<5x80x64xbf16, #tpu.memory_space<vmem>> -> memref<1x80x64xbf16, #tpu.memory_space<vmem>>
    %dma_wait3A_140 = tpu.memref_squeeze %dma_wait3A_139 : memref<1x80x64xbf16, #tpu.memory_space<vmem>> -> memref<80x64xbf16, #tpu.memory_space<vmem>>
    %dma_wait3A_141 = arith.constant 0 : i32
    %dma_wait3A_142 = arith.constant 0 : i32
    %dma_wait3A_143 = tpu.memref_slice %arg4[%dma_wait3A_141, %dma_wait3A_142] : memref<632x64xbf16, #tpu.memory_space<hbm>> -> memref<80x64xbf16, #tpu.memory_space<hbm>>
    %dma_wait3A_144 = arith.constant 0 : i32
    %dma_wait3A_145 = arith.constant 0 : i32
    %dma_wait3A_146 = tpu.memref_slice %arg8[%dma_wait3A_136, %dma_wait3A_144, %dma_wait3A_145] : memref<5x80x64xbf16, #tpu.memory_space<vmem>> -> memref<1x80x64xbf16, #tpu.memory_space<vmem>>
    %dma_wait3A_147 = tpu.memref_squeeze %dma_wait3A_146 : memref<1x80x64xbf16, #tpu.memory_space<vmem>> -> memref<80x64xbf16, #tpu.memory_space<vmem>>
    %dma_wait3A_148 = arith.constant 0 : i32
    %dma_wait3A_149 = arith.constant 0 : i32
    %dma_wait3A_150 = tpu.memref_slice %arg4[%dma_wait3A_148, %dma_wait3A_149] : memref<632x64xbf16, #tpu.memory_space<hbm>> -> memref<80x64xbf16, #tpu.memory_space<hbm>>
    tpu.wait_dma2 semaphore(%arg11 : memref<!tpu.dma_semaphore, #tpu.memory_space<semaphore_mem>>) src(%dma_wait3A_150 : memref<80x64xbf16, #tpu.memory_space<hbm>>) dst(%dma_wait3A_147 : memref<80x64xbf16, #tpu.memory_space<vmem>>)
    %dma_wait3A_151 = arith.constant 1 : i32
    %dma_wait3A_152 = arith.constant 0 : i32
    %dma_wait3A_153 = arith.constant 0 : i32
    %dma_wait3A_154 = tpu.memref_slice %arg8[%dma_wait3A_151, %dma_wait3A_152, %dma_wait3A_153] : memref<5x80x64xbf16, #tpu.memory_space<vmem>> -> memref<1x80x64xbf16, #tpu.memory_space<vmem>>
    %dma_wait3A_155 = tpu.memref_squeeze %dma_wait3A_154 : memref<1x80x64xbf16, #tpu.memory_space<vmem>> -> memref<80x64xbf16, #tpu.memory_space<vmem>>
    %dma_wait3A_156 = arith.constant 0 : i32
    %dma_wait3A_157 = arith.constant 0 : i32
    %dma_wait3A_158 = tpu.memref_slice %arg4[%dma_wait3A_156, %dma_wait3A_157] : memref<632x64xbf16, #tpu.memory_space<hbm>> -> memref<80x64xbf16, #tpu.memory_space<hbm>>
    %dma_wait3A_159 = arith.constant 0 : i32
    %dma_wait3A_160 = arith.constant 0 : i32
    %dma_wait3A_161 = tpu.memref_slice %arg8[%dma_wait3A_151, %dma_wait3A_159, %dma_wait3A_160] : memref<5x80x64xbf16, #tpu.memory_space<vmem>> -> memref<1x80x64xbf16, #tpu.memory_space<vmem>>
    %dma_wait3A_162 = tpu.memref_squeeze %dma_wait3A_161 : memref<1x80x64xbf16, #tpu.memory_space<vmem>> -> memref<80x64xbf16, #tpu.memory_space<vmem>>
    %dma_wait3A_163 = arith.constant 0 : i32
    %dma_wait3A_164 = arith.constant 0 : i32
    %dma_wait3A_165 = tpu.memref_slice %arg4[%dma_wait3A_163, %dma_wait3A_164] : memref<632x64xbf16, #tpu.memory_space<hbm>> -> memref<80x64xbf16, #tpu.memory_space<hbm>>
    tpu.wait_dma2 semaphore(%arg11 : memref<!tpu.dma_semaphore, #tpu.memory_space<semaphore_mem>>) src(%dma_wait3A_165 : memref<80x64xbf16, #tpu.memory_space<hbm>>) dst(%dma_wait3A_162 : memref<80x64xbf16, #tpu.memory_space<vmem>>)
    %dma_wait3A_166 = arith.constant 2 : i32
    %dma_wait3A_167 = arith.constant 0 : i32
    %dma_wait3A_168 = arith.constant 0 : i32
    %dma_wait3A_169 = tpu.memref_slice %arg8[%dma_wait3A_166, %dma_wait3A_167, %dma_wait3A_168] : memref<5x80x64xbf16, #tpu.memory_space<vmem>> -> memref<1x80x64xbf16, #tpu.memory_space<vmem>>
    %dma_wait3A_170 = tpu.memref_squeeze %dma_wait3A_169 : memref<1x80x64xbf16, #tpu.memory_space<vmem>> -> memref<80x64xbf16, #tpu.memory_space<vmem>>
    %dma_wait3A_171 = arith.constant 0 : i32
    %dma_wait3A_172 = arith.constant 0 : i32
    %dma_wait3A_173 = tpu.memref_slice %arg4[%dma_wait3A_171, %dma_wait3A_172] : memref<632x64xbf16, #tpu.memory_space<hbm>> -> memref<80x64xbf16, #tpu.memory_space<hbm>>
    %dma_wait3A_174 = arith.constant 0 : i32
    %dma_wait3A_175 = arith.constant 0 : i32
    %dma_wait3A_176 = tpu.memref_slice %arg8[%dma_wait3A_166, %dma_wait3A_174, %dma_wait3A_175] : memref<5x80x64xbf16, #tpu.memory_space<vmem>> -> memref<1x80x64xbf16, #tpu.memory_space<vmem>>
    %dma_wait3A_177 = tpu.memref_squeeze %dma_wait3A_176 : memref<1x80x64xbf16, #tpu.memory_space<vmem>> -> memref<80x64xbf16, #tpu.memory_space<vmem>>
    %dma_wait3A_178 = arith.constant 0 : i32
    %dma_wait3A_179 = arith.constant 0 : i32
    %dma_wait3A_180 = tpu.memref_slice %arg4[%dma_wait3A_178, %dma_wait3A_179] : memref<632x64xbf16, #tpu.memory_space<hbm>> -> memref<80x64xbf16, #tpu.memory_space<hbm>>
    tpu.wait_dma2 semaphore(%arg11 : memref<!tpu.dma_semaphore, #tpu.memory_space<semaphore_mem>>) src(%dma_wait3A_180 : memref<80x64xbf16, #tpu.memory_space<hbm>>) dst(%dma_wait3A_177 : memref<80x64xbf16, #tpu.memory_space<vmem>>)
    %dma_wait3A_181 = arith.constant 3 : i32
    %dma_wait3A_182 = arith.constant 0 : i32
    %dma_wait3A_183 = arith.constant 0 : i32
    %dma_wait3A_184 = tpu.memref_slice %arg8[%dma_wait3A_181, %dma_wait3A_182, %dma_wait3A_183] : memref<5x80x64xbf16, #tpu.memory_space<vmem>> -> memref<1x80x64xbf16, #tpu.memory_space<vmem>>
    %dma_wait3A_185 = tpu.memref_squeeze %dma_wait3A_184 : memref<1x80x64xbf16, #tpu.memory_space<vmem>> -> memref<80x64xbf16, #tpu.memory_space<vmem>>
    %dma_wait3A_186 = arith.constant 0 : i32
    %dma_wait3A_187 = arith.constant 0 : i32
    %dma_wait3A_188 = tpu.memref_slice %arg4[%dma_wait3A_186, %dma_wait3A_187] : memref<632x64xbf16, #tpu.memory_space<hbm>> -> memref<80x64xbf16, #tpu.memory_space<hbm>>
    %dma_wait3A_189 = arith.constant 0 : i32
    %dma_wait3A_190 = arith.constant 0 : i32
    %dma_wait3A_191 = tpu.memref_slice %arg8[%dma_wait3A_181, %dma_wait3A_189, %dma_wait3A_190] : memref<5x80x64xbf16, #tpu.memory_space<vmem>> -> memref<1x80x64xbf16, #tpu.memory_space<vmem>>
    %dma_wait3A_192 = tpu.memref_squeeze %dma_wait3A_191 : memref<1x80x64xbf16, #tpu.memory_space<vmem>> -> memref<80x64xbf16, #tpu.memory_space<vmem>>
    %dma_wait3A_193 = arith.constant 0 : i32
    %dma_wait3A_194 = arith.constant 0 : i32
    %dma_wait3A_195 = tpu.memref_slice %arg4[%dma_wait3A_193, %dma_wait3A_194] : memref<632x64xbf16, #tpu.memory_space<hbm>> -> memref<80x64xbf16, #tpu.memory_space<hbm>>
    tpu.wait_dma2 semaphore(%arg11 : memref<!tpu.dma_semaphore, #tpu.memory_space<semaphore_mem>>) src(%dma_wait3A_195 : memref<80x64xbf16, #tpu.memory_space<hbm>>) dst(%dma_wait3A_192 : memref<80x64xbf16, #tpu.memory_space<vmem>>)
    %dma_wait3A_196 = arith.constant 4 : i32
    %dma_wait3A_197 = arith.constant 0 : i32
    %dma_wait3A_198 = arith.constant 0 : i32
    %dma_wait3A_199 = tpu.memref_slice %arg8[%dma_wait3A_196, %dma_wait3A_197, %dma_wait3A_198] : memref<5x80x64xbf16, #tpu.memory_space<vmem>> -> memref<1x80x64xbf16, #tpu.memory_space<vmem>>
    %dma_wait3A_200 = tpu.memref_squeeze %dma_wait3A_199 : memref<1x80x64xbf16, #tpu.memory_space<vmem>> -> memref<80x64xbf16, #tpu.memory_space<vmem>>
    %dma_wait3A_201 = arith.constant 0 : i32
    %dma_wait3A_202 = arith.constant 0 : i32
    %dma_wait3A_203 = tpu.memref_slice %arg4[%dma_wait3A_201, %dma_wait3A_202] : memref<632x64xbf16, #tpu.memory_space<hbm>> -> memref<80x64xbf16, #tpu.memory_space<hbm>>
    %dma_wait3A_204 = arith.constant 0 : i32
    %dma_wait3A_205 = arith.constant 0 : i32
    %dma_wait3A_206 = tpu.memref_slice %arg8[%dma_wait3A_196, %dma_wait3A_204, %dma_wait3A_205] : memref<5x80x64xbf16, #tpu.memory_space<vmem>> -> memref<1x80x64xbf16, #tpu.memory_space<vmem>>
    %dma_wait3A_207 = tpu.memref_squeeze %dma_wait3A_206 : memref<1x80x64xbf16, #tpu.memory_space<vmem>> -> memref<80x64xbf16, #tpu.memory_space<vmem>>
    %dma_wait3A_208 = arith.constant 0 : i32
    %dma_wait3A_209 = arith.constant 0 : i32
    %dma_wait3A_210 = tpu.memref_slice %arg4[%dma_wait3A_208, %dma_wait3A_209] : memref<632x64xbf16, #tpu.memory_space<hbm>> -> memref<80x64xbf16, #tpu.memory_space<hbm>>
    tpu.wait_dma2 semaphore(%arg11 : memref<!tpu.dma_semaphore, #tpu.memory_space<semaphore_mem>>) src(%dma_wait3A_210 : memref<80x64xbf16, #tpu.memory_space<hbm>>) dst(%dma_wait3A_207 : memref<80x64xbf16, #tpu.memory_space<vmem>>)
    %dma_start3A_211 = arith.constant 0 : i32
    %dma_start3A_212 = arith.constant 0 : i32
    %dma_start3A_213 = arith.constant 0 : i32
    %dma_start3A_214 = tpu.memref_slice %arg8[%dma_start3A_211, %dma_start3A_212, %dma_start3A_213] : memref<5x80x64xbf16, #tpu.memory_space<vmem>> -> memref<1x80x64xbf16, #tpu.memory_space<vmem>>
    %dma_start3A_215 = tpu.memref_squeeze %dma_start3A_214 : memref<1x80x64xbf16, #tpu.memory_space<vmem>> -> memref<80x64xbf16, #tpu.memory_space<vmem>>
    %dma_start3A_216 = arith.constant 9600 : i32
    %dma_start3A_217 = tpu.memref_slice %arg7[%dma_start3A_216] : memref<10000xi32, #tpu.memory_space<vmem>> -> memref<80xi32, #tpu.memory_space<vmem>>
    %dma_start3A_218 = arith.constant 0 : i32
    %dma_start3A_219 = arith.constant 0 : i32
    %dma_start3A_220 = tpu.memref_slice %arg10[%dma_start3A_218, %dma_start3A_219] : memref<10112x64xbf16, #tpu.memory_space<vmem_shared>> -> memref<10112x64xbf16, #tpu.memory_space<vmem_shared>>
    tpu.enqueue_indirect_dma source(%dma_start3A_215 : memref<80x64xbf16, #tpu.memory_space<vmem>>) target(%dma_start3A_220 : memref<10112x64xbf16, #tpu.memory_space<vmem_shared>>) offsets(%dma_start3A_217 : memref<80xi32, #tpu.memory_space<vmem>>) semaphore(%arg13 : memref<!tpu.dma_semaphore, #tpu.memory_space<semaphore_mem>>) {add = true}
    %dma_start3A_221 = arith.constant 1 : i32
    %dma_start3A_222 = arith.constant 0 : i32
    %dma_start3A_223 = arith.constant 0 : i32
    %dma_start3A_224 = tpu.memref_slice %arg8[%dma_start3A_221, %dma_start3A_222, %dma_start3A_223] : memref<5x80x64xbf16, #tpu.memory_space<vmem>> -> memref<1x80x64xbf16, #tpu.memory_space<vmem>>
    %dma_start3A_225 = tpu.memref_squeeze %dma_start3A_224 : memref<1x80x64xbf16, #tpu.memory_space<vmem>> -> memref<80x64xbf16, #tpu.memory_space<vmem>>
    %dma_start3A_226 = arith.constant 9680 : i32
    %dma_start3A_227 = tpu.memref_slice %arg7[%dma_start3A_226] : memref<10000xi32, #tpu.memory_space<vmem>> -> memref<80xi32, #tpu.memory_space<vmem>>
    %dma_start3A_228 = arith.constant 0 : i32
    %dma_start3A_229 = arith.constant 0 : i32
    %dma_start3A_230 = tpu.memref_slice %arg10[%dma_start3A_228, %dma_start3A_229] : memref<10112x64xbf16, #tpu.memory_space<vmem_shared>> -> memref<10112x64xbf16, #tpu.memory_space<vmem_shared>>
    tpu.enqueue_indirect_dma source(%dma_start3A_225 : memref<80x64xbf16, #tpu.memory_space<vmem>>) target(%dma_start3A_230 : memref<10112x64xbf16, #tpu.memory_space<vmem_shared>>) offsets(%dma_start3A_227 : memref<80xi32, #tpu.memory_space<vmem>>) semaphore(%arg13 : memref<!tpu.dma_semaphore, #tpu.memory_space<semaphore_mem>>) {add = true}
    %dma_start3A_231 = arith.constant 2 : i32
    %dma_start3A_232 = arith.constant 0 : i32
    %dma_start3A_233 = arith.constant 0 : i32
    %dma_start3A_234 = tpu.memref_slice %arg8[%dma_start3A_231, %dma_start3A_232, %dma_start3A_233] : memref<5x80x64xbf16, #tpu.memory_space<vmem>> -> memref<1x80x64xbf16, #tpu.memory_space<vmem>>
    %dma_start3A_235 = tpu.memref_squeeze %dma_start3A_234 : memref<1x80x64xbf16, #tpu.memory_space<vmem>> -> memref<80x64xbf16, #tpu.memory_space<vmem>>
    %dma_start3A_236 = arith.constant 9760 : i32
    %dma_start3A_237 = tpu.memref_slice %arg7[%dma_start3A_236] : memref<10000xi32, #tpu.memory_space<vmem>> -> memref<80xi32, #tpu.memory_space<vmem>>
    %dma_start3A_238 = arith.constant 0 : i32
    %dma_start3A_239 = arith.constant 0 : i32
    %dma_start3A_240 = tpu.memref_slice %arg10[%dma_start3A_238, %dma_start3A_239] : memref<10112x64xbf16, #tpu.memory_space<vmem_shared>> -> memref<10112x64xbf16, #tpu.memory_space<vmem_shared>>
    tpu.enqueue_indirect_dma source(%dma_start3A_235 : memref<80x64xbf16, #tpu.memory_space<vmem>>) target(%dma_start3A_240 : memref<10112x64xbf16, #tpu.memory_space<vmem_shared>>) offsets(%dma_start3A_237 : memref<80xi32, #tpu.memory_space<vmem>>) semaphore(%arg13 : memref<!tpu.dma_semaphore, #tpu.memory_space<semaphore_mem>>) {add = true}
    %dma_start3A_241 = arith.constant 3 : i32
    %dma_start3A_242 = arith.constant 0 : i32
    %dma_start3A_243 = arith.constant 0 : i32
    %dma_start3A_244 = tpu.memref_slice %arg8[%dma_start3A_241, %dma_start3A_242, %dma_start3A_243] : memref<5x80x64xbf16, #tpu.memory_space<vmem>> -> memref<1x80x64xbf16, #tpu.memory_space<vmem>>
    %dma_start3A_245 = tpu.memref_squeeze %dma_start3A_244 : memref<1x80x64xbf16, #tpu.memory_space<vmem>> -> memref<80x64xbf16, #tpu.memory_space<vmem>>
    %dma_start3A_246 = arith.constant 9840 : i32
    %dma_start3A_247 = tpu.memref_slice %arg7[%dma_start3A_246] : memref<10000xi32, #tpu.memory_space<vmem>> -> memref<80xi32, #tpu.memory_space<vmem>>
    %dma_start3A_248 = arith.constant 0 : i32
    %dma_start3A_249 = arith.constant 0 : i32
    %dma_start3A_250 = tpu.memref_slice %arg10[%dma_start3A_248, %dma_start3A_249] : memref<10112x64xbf16, #tpu.memory_space<vmem_shared>> -> memref<10112x64xbf16, #tpu.memory_space<vmem_shared>>
    tpu.enqueue_indirect_dma source(%dma_start3A_245 : memref<80x64xbf16, #tpu.memory_space<vmem>>) target(%dma_start3A_250 : memref<10112x64xbf16, #tpu.memory_space<vmem_shared>>) offsets(%dma_start3A_247 : memref<80xi32, #tpu.memory_space<vmem>>) semaphore(%arg13 : memref<!tpu.dma_semaphore, #tpu.memory_space<semaphore_mem>>) {add = true}
    %dma_start3A_251 = arith.constant 4 : i32
    %dma_start3A_252 = arith.constant 0 : i32
    %dma_start3A_253 = arith.constant 0 : i32
    %dma_start3A_254 = tpu.memref_slice %arg8[%dma_start3A_251, %dma_start3A_252, %dma_start3A_253] : memref<5x80x64xbf16, #tpu.memory_space<vmem>> -> memref<1x80x64xbf16, #tpu.memory_space<vmem>>
    %dma_start3A_255 = tpu.memref_squeeze %dma_start3A_254 : memref<1x80x64xbf16, #tpu.memory_space<vmem>> -> memref<80x64xbf16, #tpu.memory_space<vmem>>
    %dma_start3A_256 = arith.constant 9920 : i32
    %dma_start3A_257 = tpu.memref_slice %arg7[%dma_start3A_256] : memref<10000xi32, #tpu.memory_space<vmem>> -> memref<80xi32, #tpu.memory_space<vmem>>
    %dma_start3A_258 = arith.constant 0 : i32
    %dma_start3A_259 = arith.constant 0 : i32
    %dma_start3A_260 = tpu.memref_slice %arg10[%dma_start3A_258, %dma_start3A_259] : memref<10112x64xbf16, #tpu.memory_space<vmem_shared>> -> memref<10112x64xbf16, #tpu.memory_space<vmem_shared>>
    tpu.enqueue_indirect_dma source(%dma_start3A_255 : memref<80x64xbf16, #tpu.memory_space<vmem>>) target(%dma_start3A_260 : memref<10112x64xbf16, #tpu.memory_space<vmem_shared>>) offsets(%dma_start3A_257 : memref<80xi32, #tpu.memory_space<vmem>>) semaphore(%arg13 : memref<!tpu.dma_semaphore, #tpu.memory_space<semaphore_mem>>) {add = true}
    %dma_wait3A_261 = arith.constant 0 : i32
    %dma_wait3A_262 = arith.constant 0 : i32
    %dma_wait3A_263 = arith.constant 0 : i32
    %dma_wait3A_264 = tpu.memref_slice %arg8[%dma_wait3A_261, %dma_wait3A_262, %dma_wait3A_263] : memref<5x80x64xbf16, #tpu.memory_space<vmem>> -> memref<1x80x64xbf16, #tpu.memory_space<vmem>>
    %dma_wait3A_265 = tpu.memref_squeeze %dma_wait3A_264 : memref<1x80x64xbf16, #tpu.memory_space<vmem>> -> memref<80x64xbf16, #tpu.memory_space<vmem>>
    %dma_wait3A_266 = arith.constant 0 : i32
    %dma_wait3A_267 = arith.constant 0 : i32
    %dma_wait3A_268 = tpu.memref_slice %arg4[%dma_wait3A_266, %dma_wait3A_267] : memref<632x64xbf16, #tpu.memory_space<hbm>> -> memref<80x64xbf16, #tpu.memory_space<hbm>>
    %dma_wait3A_269 = arith.constant 0 : i32
    %dma_wait3A_270 = arith.constant 0 : i32
    %dma_wait3A_271 = tpu.memref_slice %arg8[%dma_wait3A_261, %dma_wait3A_269, %dma_wait3A_270] : memref<5x80x64xbf16, #tpu.memory_space<vmem>> -> memref<1x80x64xbf16, #tpu.memory_space<vmem>>
    %dma_wait3A_272 = tpu.memref_squeeze %dma_wait3A_271 : memref<1x80x64xbf16, #tpu.memory_space<vmem>> -> memref<80x64xbf16, #tpu.memory_space<vmem>>
    %dma_wait3A_273 = arith.constant 0 : i32
    %dma_wait3A_274 = arith.constant 0 : i32
    %dma_wait3A_275 = tpu.memref_slice %arg4[%dma_wait3A_273, %dma_wait3A_274] : memref<632x64xbf16, #tpu.memory_space<hbm>> -> memref<80x64xbf16, #tpu.memory_space<hbm>>
    tpu.wait_dma2 semaphore(%arg13 : memref<!tpu.dma_semaphore, #tpu.memory_space<semaphore_mem>>) src(%dma_wait3A_275 : memref<80x64xbf16, #tpu.memory_space<hbm>>) dst(%dma_wait3A_272 : memref<80x64xbf16, #tpu.memory_space<vmem>>)
    %dma_wait3A_276 = arith.constant 1 : i32
    %dma_wait3A_277 = arith.constant 0 : i32
    %dma_wait3A_278 = arith.constant 0 : i32
    %dma_wait3A_279 = tpu.memref_slice %arg8[%dma_wait3A_276, %dma_wait3A_277, %dma_wait3A_278] : memref<5x80x64xbf16, #tpu.memory_space<vmem>> -> memref<1x80x64xbf16, #tpu.memory_space<vmem>>
    %dma_wait3A_280 = tpu.memref_squeeze %dma_wait3A_279 : memref<1x80x64xbf16, #tpu.memory_space<vmem>> -> memref<80x64xbf16, #tpu.memory_space<vmem>>
    %dma_wait3A_281 = arith.constant 0 : i32
    %dma_wait3A_282 = arith.constant 0 : i32
    %dma_wait3A_283 = tpu.memref_slice %arg4[%dma_wait3A_281, %dma_wait3A_282] : memref<632x64xbf16, #tpu.memory_space<hbm>> -> memref<80x64xbf16, #tpu.memory_space<hbm>>
    %dma_wait3A_284 = arith.constant 0 : i32
    %dma_wait3A_285 = arith.constant 0 : i32
    %dma_wait3A_286 = tpu.memref_slice %arg8[%dma_wait3A_276, %dma_wait3A_284, %dma_wait3A_285] : memref<5x80x64xbf16, #tpu.memory_space<vmem>> -> memref<1x80x64xbf16, #tpu.memory_space<vmem>>
    %dma_wait3A_287 = tpu.memref_squeeze %dma_wait3A_286 : memref<1x80x64xbf16, #tpu.memory_space<vmem>> -> memref<80x64xbf16, #tpu.memory_space<vmem>>
    %dma_wait3A_288 = arith.constant 0 : i32
    %dma_wait3A_289 = arith.constant 0 : i32
    %dma_wait3A_290 = tpu.memref_slice %arg4[%dma_wait3A_288, %dma_wait3A_289] : memref<632x64xbf16, #tpu.memory_space<hbm>> -> memref<80x64xbf16, #tpu.memory_space<hbm>>
    tpu.wait_dma2 semaphore(%arg13 : memref<!tpu.dma_semaphore, #tpu.memory_space<semaphore_mem>>) src(%dma_wait3A_290 : memref<80x64xbf16, #tpu.memory_space<hbm>>) dst(%dma_wait3A_287 : memref<80x64xbf16, #tpu.memory_space<vmem>>)
    %dma_wait3A_291 = arith.constant 2 : i32
    %dma_wait3A_292 = arith.constant 0 : i32
    %dma_wait3A_293 = arith.constant 0 : i32
    %dma_wait3A_294 = tpu.memref_slice %arg8[%dma_wait3A_291, %dma_wait3A_292, %dma_wait3A_293] : memref<5x80x64xbf16, #tpu.memory_space<vmem>> -> memref<1x80x64xbf16, #tpu.memory_space<vmem>>
    %dma_wait3A_295 = tpu.memref_squeeze %dma_wait3A_294 : memref<1x80x64xbf16, #tpu.memory_space<vmem>> -> memref<80x64xbf16, #tpu.memory_space<vmem>>
    %dma_wait3A_296 = arith.constant 0 : i32
    %dma_wait3A_297 = arith.constant 0 : i32
    %dma_wait3A_298 = tpu.memref_slice %arg4[%dma_wait3A_296, %dma_wait3A_297] : memref<632x64xbf16, #tpu.memory_space<hbm>> -> memref<80x64xbf16, #tpu.memory_space<hbm>>
    %dma_wait3A_299 = arith.constant 0 : i32
    %dma_wait3A_300 = arith.constant 0 : i32
    %dma_wait3A_301 = tpu.memref_slice %arg8[%dma_wait3A_291, %dma_wait3A_299, %dma_wait3A_300] : memref<5x80x64xbf16, #tpu.memory_space<vmem>> -> memref<1x80x64xbf16, #tpu.memory_space<vmem>>
    %dma_wait3A_302 = tpu.memref_squeeze %dma_wait3A_301 : memref<1x80x64xbf16, #tpu.memory_space<vmem>> -> memref<80x64xbf16, #tpu.memory_space<vmem>>
    %dma_wait3A_303 = arith.constant 0 : i32
    %dma_wait3A_304 = arith.constant 0 : i32
    %dma_wait3A_305 = tpu.memref_slice %arg4[%dma_wait3A_303, %dma_wait3A_304] : memref<632x64xbf16, #tpu.memory_space<hbm>> -> memref<80x64xbf16, #tpu.memory_space<hbm>>
    tpu.wait_dma2 semaphore(%arg13 : memref<!tpu.dma_semaphore, #tpu.memory_space<semaphore_mem>>) src(%dma_wait3A_305 : memref<80x64xbf16, #tpu.memory_space<hbm>>) dst(%dma_wait3A_302 : memref<80x64xbf16, #tpu.memory_space<vmem>>)
    %dma_wait3A_306 = arith.constant 3 : i32
    %dma_wait3A_307 = arith.constant 0 : i32
    %dma_wait3A_308 = arith.constant 0 : i32
    %dma_wait3A_309 = tpu.memref_slice %arg8[%dma_wait3A_306, %dma_wait3A_307, %dma_wait3A_308] : memref<5x80x64xbf16, #tpu.memory_space<vmem>> -> memref<1x80x64xbf16, #tpu.memory_space<vmem>>
    %dma_wait3A_310 = tpu.memref_squeeze %dma_wait3A_309 : memref<1x80x64xbf16, #tpu.memory_space<vmem>> -> memref<80x64xbf16, #tpu.memory_space<vmem>>
    %dma_wait3A_311 = arith.constant 0 : i32
    %dma_wait3A_312 = arith.constant 0 : i32
    %dma_wait3A_313 = tpu.memref_slice %arg4[%dma_wait3A_311, %dma_wait3A_312] : memref<632x64xbf16, #tpu.memory_space<hbm>> -> memref<80x64xbf16, #tpu.memory_space<hbm>>
    %dma_wait3A_314 = arith.constant 0 : i32
    %dma_wait3A_315 = arith.constant 0 : i32
    %dma_wait3A_316 = tpu.memref_slice %arg8[%dma_wait3A_306, %dma_wait3A_314, %dma_wait3A_315] : memref<5x80x64xbf16, #tpu.memory_space<vmem>> -> memref<1x80x64xbf16, #tpu.memory_space<vmem>>
    %dma_wait3A_317 = tpu.memref_squeeze %dma_wait3A_316 : memref<1x80x64xbf16, #tpu.memory_space<vmem>> -> memref<80x64xbf16, #tpu.memory_space<vmem>>
    %dma_wait3A_318 = arith.constant 0 : i32
    %dma_wait3A_319 = arith.constant 0 : i32
    %dma_wait3A_320 = tpu.memref_slice %arg4[%dma_wait3A_318, %dma_wait3A_319] : memref<632x64xbf16, #tpu.memory_space<hbm>> -> memref<80x64xbf16, #tpu.memory_space<hbm>>
    tpu.wait_dma2 semaphore(%arg13 : memref<!tpu.dma_semaphore, #tpu.memory_space<semaphore_mem>>) src(%dma_wait3A_320 : memref<80x64xbf16, #tpu.memory_space<hbm>>) dst(%dma_wait3A_317 : memref<80x64xbf16, #tpu.memory_space<vmem>>)
    %dma_wait3A_321 = arith.constant 4 : i32
    %dma_wait3A_322 = arith.constant 0 : i32
    %dma_wait3A_323 = arith.constant 0 : i32
    %dma_wait3A_324 = tpu.memref_slice %arg8[%dma_wait3A_321, %dma_wait3A_322, %dma_wait3A_323] : memref<5x80x64xbf16, #tpu.memory_space<vmem>> -> memref<1x80x64xbf16, #tpu.memory_space<vmem>>
    %dma_wait3A_325 = tpu.memref_squeeze %dma_wait3A_324 : memref<1x80x64xbf16, #tpu.memory_space<vmem>> -> memref<80x64xbf16, #tpu.memory_space<vmem>>
    %dma_wait3A_326 = arith.constant 0 : i32
    %dma_wait3A_327 = arith.constant 0 : i32
    %dma_wait3A_328 = tpu.memref_slice %arg4[%dma_wait3A_326, %dma_wait3A_327] : memref<632x64xbf16, #tpu.memory_space<hbm>> -> memref<80x64xbf16, #tpu.memory_space<hbm>>
    %dma_wait3A_329 = arith.constant 0 : i32
    %dma_wait3A_330 = arith.constant 0 : i32
    %dma_wait3A_331 = tpu.memref_slice %arg8[%dma_wait3A_321, %dma_wait3A_329, %dma_wait3A_330] : memref<5x80x64xbf16, #tpu.memory_space<vmem>> -> memref<1x80x64xbf16, #tpu.memory_space<vmem>>
    %dma_wait3A_332 = tpu.memref_squeeze %dma_wait3A_331 : memref<1x80x64xbf16, #tpu.memory_space<vmem>> -> memref<80x64xbf16, #tpu.memory_space<vmem>>
    %dma_wait3A_333 = arith.constant 0 : i32
    %dma_wait3A_334 = arith.constant 0 : i32
    %dma_wait3A_335 = tpu.memref_slice %arg4[%dma_wait3A_333, %dma_wait3A_334] : memref<632x64xbf16, #tpu.memory_space<hbm>> -> memref<80x64xbf16, #tpu.memory_space<hbm>>
    tpu.wait_dma2 semaphore(%arg13 : memref<!tpu.dma_semaphore, #tpu.memory_space<semaphore_mem>>) src(%dma_wait3A_335 : memref<80x64xbf16, #tpu.memory_space<hbm>>) dst(%dma_wait3A_332 : memref<80x64xbf16, #tpu.memory_space<vmem>>)
    %barrier3A_336 = arith.constant 0 : index
    tpu.barrier barrier_id(%barrier3A_336)
    %mul3A_337 = arith.constant 632 : i32
    %mul3A_338 = arith.muli %arg1, %mul3A_337 : i32
    %mul3A_339 = arith.constant 632 : i32
    %mul3A_340 = arith.muli %arg1, %mul3A_339 : i32
    "tpu.region"() ({
      %run_scoped3A_341 = tpu.sem_alloc : memref<!tpu.dma_semaphore, #tpu.memory_space<semaphore_mem>>
      %dma_start3A_342 = arith.constant 0 : i32
      %dma_start3A_343 = tpu.memref_slice %arg5[%arg0, %mul3A_340, %dma_start3A_342] : memref<2x10112x64xbf16, #tpu.memory_space<hbm>> -> memref<1x632x64xbf16, #tpu.memory_space<hbm>>
      %dma_start3A_344 = tpu.memref_squeeze %dma_start3A_343 : memref<1x632x64xbf16, #tpu.memory_space<hbm>> -> memref<632x64xbf16, #tpu.memory_space<hbm>>
      %dma_start3A_345 = arith.constant 0 : i32
      %dma_start3A_346 = tpu.memref_slice %arg10[%mul3A_338, %dma_start3A_345] : memref<10112x64xbf16, #tpu.memory_space<vmem_shared>> -> memref<632x64xbf16, #tpu.memory_space<vmem_shared>>
      tpu.enqueue_dma source(%dma_start3A_346 : memref<632x64xbf16, #tpu.memory_space<vmem_shared>>) target(%dma_start3A_344 : memref<632x64xbf16, #tpu.memory_space<hbm>>) target_semaphore(%run_scoped3A_341 : memref<!tpu.dma_semaphore, #tpu.memory_space<semaphore_mem>>)
      %dma_wait3A_347 = arith.constant 0 : i32
      %dma_wait3A_348 = tpu.memref_slice %arg5[%arg0, %mul3A_340, %dma_wait3A_347] : memref<2x10112x64xbf16, #tpu.memory_space<hbm>> -> memref<1x632x64xbf16, #tpu.memory_space<hbm>>
      %dma_wait3A_349 = tpu.memref_squeeze %dma_wait3A_348 : memref<1x632x64xbf16, #tpu.memory_space<hbm>> -> memref<632x64xbf16, #tpu.memory_space<hbm>>
      %dma_wait3A_350 = arith.constant 0 : i32
      %dma_wait3A_351 = tpu.memref_slice %arg10[%mul3A_338, %dma_wait3A_350] : memref<10112x64xbf16, #tpu.memory_space<vmem_shared>> -> memref<632x64xbf16, #tpu.memory_space<vmem_shared>>
      tpu.wait_dma2 semaphore(%run_scoped3A_341 : memref<!tpu.dma_semaphore, #tpu.memory_space<semaphore_mem>>) src(%dma_wait3A_351 : memref<632x64xbf16, #tpu.memory_space<vmem_shared>>) dst(%dma_wait3A_349 : memref<632x64xbf16, #tpu.memory_space<hbm>>)
      tpu.yield
    }) : () -> ()
    return
  }
}

#map = affine_map<(d0, d1) -> (0, 0)>
#map1 = affine_map<(d0, d1) -> (0, 0, 0)>
module attributes {stable_mosaic.version = 14 : i64} {
  func.func @sc_kernel(%arg0: i32, %arg1: i32, %arg2: memref<2x320000xi32, #tpu.memory_space<hbm>>, %arg3: memref<10000x64xbf16, #tpu.memory_space<hbm>>, %arg4: memref<632x64xbf16, #tpu.memory_space<hbm>>, %arg5: memref<2x10112x64xbf16, #tpu.memory_space<hbm>>, %arg6: memref<10000xi32, #tpu.memory_space<vmem>>, %arg7: memref<10000xi32, #tpu.memory_space<vmem>>, %arg8: memref<5x80x64xbf16, #tpu.memory_space<vmem>>, %arg9: memref<5x80x64xbf16, #tpu.memory_space<vmem>>, %arg10: memref<10112x64xbf16, #tpu.memory_space<vmem_shared>>, %arg11: memref<!tpu.dma_semaphore, #tpu.memory_space<semaphore_mem>>, %arg12: memref<!tpu.dma_semaphore, #tpu.memory_space<semaphore_mem>>, %arg13: memref<!tpu.dma_semaphore, #tpu.memory_space<semaphore_mem>>, %arg14: memref<!tpu.dma_semaphore, #tpu.memory_space<semaphore_mem>>) attributes {dimension_semantics = [#tpu.dimension_semantics<core_parallel>, #tpu.dimension_semantics<subcore_parallel>], iteration_bounds = array<i64: 2, 16>, scalar_prefetch = 0 : i64, scratch_operands = 9 : i64, tpu.core_type = #tpu.core_type<sc_vector_subcore>, window_params = [{transform_indices = #map}, {transform_indices = #map}, {transform_indices = #map}, {transform_indices = #map1}]} {
    %mul3A = arith.constant 2 : i32
    %mul3A_0 = arith.muli %arg1, %mul3A : i32
    %add3A = arith.addi %mul3A_0, %arg0 : i32
    %mul3A_1 = arith.constant 10000 : i32
    %mul3A_2 = arith.muli %add3A, %mul3A_1 : i32
    %run_scoped3A = arith.constant 0 : i32
    "tpu.region"() ({
      %run_scoped3A_341 = tpu.sem_alloc : memref<!tpu.dma_semaphore, #tpu.memory_space<semaphore_mem>>
      %dma_start3A_342 = tpu.memref_slice %arg2[%run_scoped3A, %mul3A_2] : memref<2x320000xi32, #tpu.memory_space<hbm>> -> memref<1x10000xi32, #tpu.memory_space<hbm>>
      %dma_start3A_343 = tpu.memref_squeeze %dma_start3A_342 : memref<1x10000xi32, #tpu.memory_space<hbm>> -> memref<10000xi32, #tpu.memory_space<hbm>>
      %dma_start3A_344 = tpu.memref_slice %arg2[%run_scoped3A, %mul3A_2] : memref<2x320000xi32, #tpu.memory_space<hbm>> -> memref<1x10000xi32, #tpu.memory_space<hbm>>
      %dma_start3A_345 = tpu.memref_squeeze %dma_start3A_344 : memref<1x10000xi32, #tpu.memory_space<hbm>> -> memref<10000xi32, #tpu.memory_space<hbm>>
      tpu.enqueue_dma source(%dma_start3A_345 : memref<10000xi32, #tpu.memory_space<hbm>>) target(%arg6 : memref<10000xi32, #tpu.memory_space<vmem>>) target_semaphore(%run_scoped3A_341 : memref<!tpu.dma_semaphore, #tpu.memory_space<semaphore_mem>>)
      %dma_wait3A_346 = tpu.memref_slice %arg2[%run_scoped3A, %mul3A_2] : memref<2x320000xi32, #tpu.memory_space<hbm>> -> memref<1x10000xi32, #tpu.memory_space<hbm>>
      %dma_wait3A_347 = tpu.memref_squeeze %dma_wait3A_346 : memref<1x10000xi32, #tpu.memory_space<hbm>> -> memref<10000xi32, #tpu.memory_space<hbm>>
      %dma_wait3A_348 = tpu.memref_slice %arg2[%run_scoped3A, %mul3A_2] : memref<2x320000xi32, #tpu.memory_space<hbm>> -> memref<1x10000xi32, #tpu.memory_space<hbm>>
      %dma_wait3A_349 = tpu.memref_squeeze %dma_wait3A_348 : memref<1x10000xi32, #tpu.memory_space<hbm>> -> memref<10000xi32, #tpu.memory_space<hbm>>
      tpu.wait_dma2 semaphore(%run_scoped3A_341 : memref<!tpu.dma_semaphore, #tpu.memory_space<semaphore_mem>>) src(%dma_wait3A_349 : memref<10000xi32, #tpu.memory_space<hbm>>) dst(%arg6 : memref<10000xi32, #tpu.memory_space<vmem>>)
      tpu.yield
    }) : () -> ()
    %dma_start3A = arith.constant 0 : i32
    %dma_start3A_3 = arith.constant 0 : i32
    %dma_start3A_4 = arith.constant 0 : i32
    %dma_start3A_5 = tpu.memref_slice %arg8[%dma_start3A, %dma_start3A_3, %dma_start3A_4] : memref<5x80x64xbf16, #tpu.memory_space<vmem>> -> memref<1x80x64xbf16, #tpu.memory_space<vmem>>
    %dma_start3A_6 = tpu.memref_squeeze %dma_start3A_5 : memref<1x80x64xbf16, #tpu.memory_space<vmem>> -> memref<80x64xbf16, #tpu.memory_space<vmem>>
    %dma_start3A_7 = arith.constant 0 : i32
    %dma_start3A_8 = tpu.memref_slice %arg6[%dma_start3A_7] : memref<10000xi32, #tpu.memory_space<vmem>> -> memref<80xi32, #tpu.memory_space<vmem>>
    %dma_start3A_9 = arith.constant 0 : i32
    %dma_start3A_10 = arith.constant 0 : i32
    %dma_start3A_11 = tpu.memref_slice %arg3[%dma_start3A_9, %dma_start3A_10] : memref<10000x64xbf16, #tpu.memory_space<hbm>> -> memref<10000x64xbf16, #tpu.memory_space<hbm>>
    tpu.enqueue_indirect_dma source(%dma_start3A_11 : memref<10000x64xbf16, #tpu.memory_space<hbm>>) target(%dma_start3A_6 : memref<80x64xbf16, #tpu.memory_space<vmem>>) offsets(%dma_start3A_8 : memref<80xi32, #tpu.memory_space<vmem>>) semaphore(%arg11 : memref<!tpu.dma_semaphore, #tpu.memory_space<semaphore_mem>>)
    %dma_start3A_12 = arith.constant 1 : i32
    %dma_start3A_13 = arith.constant 0 : i32
    %dma_start3A_14 = arith.constant 0 : i32
    %dma_start3A_15 = tpu.memref_slice %arg8[%dma_start3A_12, %dma_start3A_13, %dma_start3A_14] : memref<5x80x64xbf16, #tpu.memory_space<vmem>> -> memref<1x80x64xbf16, #tpu.memory_space<vmem>>
    %dma_start3A_16 = tpu.memref_squeeze %dma_start3A_15 : memref<1x80x64xbf16, #tpu.memory_space<vmem>> -> memref<80x64xbf16, #tpu.memory_space<vmem>>
    %dma_start3A_17 = arith.constant 80 : i32
    %dma_start3A_18 = tpu.memref_slice %arg6[%dma_start3A_17] : memref<10000xi32, #tpu.memory_space<vmem>> -> memref<80xi32, #tpu.memory_space<vmem>>
    %dma_start3A_19 = arith.constant 0 : i32
    %dma_start3A_20 = arith.constant 0 : i32
    %dma_start3A_21 = tpu.memref_slice %arg3[%dma_start3A_19, %dma_start3A_20] : memref<10000x64xbf16, #tpu.memory_space<hbm>> -> memref<10000x64xbf16, #tpu.memory_space<hbm>>
    tpu.enqueue_indirect_dma source(%dma_start3A_21 : memref<10000x64xbf16, #tpu.memory_space<hbm>>) target(%dma_start3A_16 : memref<80x64xbf16, #tpu.memory_space<vmem>>) offsets(%dma_start3A_18 : memref<80xi32, #tpu.memory_space<vmem>>) semaphore(%arg11 : memref<!tpu.dma_semaphore, #tpu.memory_space<semaphore_mem>>)
    %dma_start3A_22 = arith.constant 2 : i32
    %dma_start3A_23 = arith.constant 0 : i32
    %dma_start3A_24 = arith.constant 0 : i32
    %dma_start3A_25 = tpu.memref_slice %arg8[%dma_start3A_22, %dma_start3A_23, %dma_start3A_24] : memref<5x80x64xbf16, #tpu.memory_space<vmem>> -> memref<1x80x64xbf16, #tpu.memory_space<vmem>>
    %dma_start3A_26 = tpu.memref_squeeze %dma_start3A_25 : memref<1x80x64xbf16, #tpu.memory_space<vmem>> -> memref<80x64xbf16, #tpu.memory_space<vmem>>
    %dma_start3A_27 = arith.constant 160 : i32
    %dma_start3A_28 = tpu.memref_slice %arg6[%dma_start3A_27] : memref<10000xi32, #tpu.memory_space<vmem>> -> memref<80xi32, #tpu.memory_space<vmem>>
    %dma_start3A_29 = arith.constant 0 : i32
    %dma_start3A_30 = arith.constant 0 : i32
    %dma_start3A_31 = tpu.memref_slice %arg3[%dma_start3A_29, %dma_start3A_30] : memref<10000x64xbf16, #tpu.memory_space<hbm>> -> memref<10000x64xbf16, #tpu.memory_space<hbm>>
    tpu.enqueue_indirect_dma source(%dma_start3A_31 : memref<10000x64xbf16, #tpu.memory_space<hbm>>) target(%dma_start3A_26 : memref<80x64xbf16, #tpu.memory_space<vmem>>) offsets(%dma_start3A_28 : memref<80xi32, #tpu.memory_space<vmem>>) semaphore(%arg11 : memref<!tpu.dma_semaphore, #tpu.memory_space<semaphore_mem>>)
    %dma_start3A_32 = arith.constant 3 : i32
    %dma_start3A_33 = arith.constant 0 : i32
    %dma_start3A_34 = arith.constant 0 : i32
    %dma_start3A_35 = tpu.memref_slice %arg8[%dma_start3A_32, %dma_start3A_33, %dma_start3A_34] : memref<5x80x64xbf16, #tpu.memory_space<vmem>> -> memref<1x80x64xbf16, #tpu.memory_space<vmem>>
    %dma_start3A_36 = tpu.memref_squeeze %dma_start3A_35 : memref<1x80x64xbf16, #tpu.memory_space<vmem>> -> memref<80x64xbf16, #tpu.memory_space<vmem>>
    %dma_start3A_37 = arith.constant 240 : i32
    %dma_start3A_38 = tpu.memref_slice %arg6[%dma_start3A_37] : memref<10000xi32, #tpu.memory_space<vmem>> -> memref<80xi32, #tpu.memory_space<vmem>>
    %dma_start3A_39 = arith.constant 0 : i32
    %dma_start3A_40 = arith.constant 0 : i32
    %dma_start3A_41 = tpu.memref_slice %arg3[%dma_start3A_39, %dma_start3A_40] : memref<10000x64xbf16, #tpu.memory_space<hbm>> -> memref<10000x64xbf16, #tpu.memory_space<hbm>>
    tpu.enqueue_indirect_dma source(%dma_start3A_41 : memref<10000x64xbf16, #tpu.memory_space<hbm>>) target(%dma_start3A_36 : memref<80x64xbf16, #tpu.memory_space<vmem>>) offsets(%dma_start3A_38 : memref<80xi32, #tpu.memory_space<vmem>>) semaphore(%arg11 : memref<!tpu.dma_semaphore, #tpu.memory_space<semaphore_mem>>)
    %dma_start3A_42 = arith.constant 4 : i32
    %dma_start3A_43 = arith.constant 0 : i32
    %dma_start3A_44 = arith.constant 0 : i32
    %dma_start3A_45 = tpu.memref_slice %arg8[%dma_start3A_42, %dma_start3A_43, %dma_start3A_44] : memref<5x80x64xbf16, #tpu.memory_space<vmem>> -> memref<1x80x64xbf16, #tpu.memory_space<vmem>>
    %dma_start3A_46 = tpu.memref_squeeze %dma_start3A_45 : memref<1x80x64xbf16, #tpu.memory_space<vmem>> -> memref<80x64xbf16, #tpu.memory_space<vmem>>
    %dma_start3A_47 = arith.constant 320 : i32
    %dma_start3A_48 = tpu.memref_slice %arg6[%dma_start3A_47] : memref<10000xi32, #tpu.memory_space<vmem>> -> memref<80xi32, #tpu.memory_space<vmem>>
    %dma_start3A_49 = arith.constant 0 : i32
    %dma_start3A_50 = arith.constant 0 : i32
    %dma_start3A_51 = tpu.memref_slice %arg3[%dma_start3A_49, %dma_start3A_50] : memref<10000x64xbf16, #tpu.memory_space<hbm>> -> memref<10000x64xbf16, #tpu.memory_space<hbm>>
    tpu.enqueue_indirect_dma source(%dma_start3A_51 : memref<10000x64xbf16, #tpu.memory_space<hbm>>) target(%dma_start3A_46 : memref<80x64xbf16, #tpu.memory_space<vmem>>) offsets(%dma_start3A_48 : memref<80xi32, #tpu.memory_space<vmem>>) semaphore(%arg11 : memref<!tpu.dma_semaphore, #tpu.memory_space<semaphore_mem>>)
    %mul3A_52 = arith.constant 632 : i32
    %mul3A_53 = arith.muli %arg1, %mul3A_52 : i32
    "tpu.region"() ({
      %run_scoped3A_341 = tpu.sem_alloc : memref<!tpu.dma_semaphore, #tpu.memory_space<semaphore_mem>>
      %dma_start3A_342 = arith.constant 0 : i32
      %dma_start3A_343 = tpu.memref_slice %arg10[%mul3A_53, %dma_start3A_342] : memref<10112x64xbf16, #tpu.memory_space<vmem_shared>> -> memref<632x64xbf16, #tpu.memory_space<vmem_shared>>
      tpu.enqueue_dma source(%arg4 : memref<632x64xbf16, #tpu.memory_space<hbm>>) target(%dma_start3A_343 : memref<632x64xbf16, #tpu.memory_space<vmem_shared>>) target_semaphore(%run_scoped3A_341 : memref<!tpu.dma_semaphore, #tpu.memory_space<semaphore_mem>>)
      %dma_wait3A_344 = arith.constant 0 : i32
      %dma_wait3A_345 = tpu.memref_slice %arg10[%mul3A_53, %dma_wait3A_344] : memref<10112x64xbf16, #tpu.memory_space<vmem_shared>> -> memref<632x64xbf16, #tpu.memory_space<vmem_shared>>
      tpu.wait_dma2 semaphore(%run_scoped3A_341 : memref<!tpu.dma_semaphore, #tpu.memory_space<semaphore_mem>>) src(%arg4 : memref<632x64xbf16, #tpu.memory_space<hbm>>) dst(%dma_wait3A_345 : memref<632x64xbf16, #tpu.memory_space<vmem_shared>>)
      tpu.yield
    }) : () -> ()
    %mul3A_54 = arith.constant 10000 : i32
    %mul3A_55 = arith.muli %add3A, %mul3A_54 : i32
    %run_scoped3A_56 = arith.constant 1 : i32
    "tpu.region"() ({
      %run_scoped3A_341 = tpu.sem_alloc : memref<!tpu.dma_semaphore, #tpu.memory_space<semaphore_mem>>
      %dma_start3A_342 = tpu.memref_slice %arg2[%run_scoped3A_56, %mul3A_55] : memref<2x320000xi32, #tpu.memory_space<hbm>> -> memref<1x10000xi32, #tpu.memory_space<hbm>>
      %dma_start3A_343 = tpu.memref_squeeze %dma_start3A_342 : memref<1x10000xi32, #tpu.memory_space<hbm>> -> memref<10000xi32, #tpu.memory_space<hbm>>
      %dma_start3A_344 = tpu.memref_slice %arg2[%run_scoped3A_56, %mul3A_55] : memref<2x320000xi32, #tpu.memory_space<hbm>> -> memref<1x10000xi32, #tpu.memory_space<hbm>>
      %dma_start3A_345 = tpu.memref_squeeze %dma_start3A_344 : memref<1x10000xi32, #tpu.memory_space<hbm>> -> memref<10000xi32, #tpu.memory_space<hbm>>
      tpu.enqueue_dma source(%dma_start3A_345 : memref<10000xi32, #tpu.memory_space<hbm>>) target(%arg7 : memref<10000xi32, #tpu.memory_space<vmem>>) target_semaphore(%run_scoped3A_341 : memref<!tpu.dma_semaphore, #tpu.memory_space<semaphore_mem>>)
      %dma_wait3A_346 = tpu.memref_slice %arg2[%run_scoped3A_56, %mul3A_55] : memref<2x320000xi32, #tpu.memory_space<hbm>> -> memref<1x10000xi32, #tpu.memory_space<hbm>>
      %dma_wait3A_347 = tpu.memref_squeeze %dma_wait3A_346 : memref<1x10000xi32, #tpu.memory_space<hbm>> -> memref<10000xi32, #tpu.memory_space<hbm>>
      %dma_wait3A_348 = tpu.memref_slice %arg2[%run_scoped3A_56, %mul3A_55] : memref<2x320000xi32, #tpu.memory_space<hbm>> -> memref<1x10000xi32, #tpu.memory_space<hbm>>
      %dma_wait3A_349 = tpu.memref_squeeze %dma_wait3A_348 : memref<1x10000xi32, #tpu.memory_space<hbm>> -> memref<10000xi32, #tpu.memory_space<hbm>>
      tpu.wait_dma2 semaphore(%run_scoped3A_341 : memref<!tpu.dma_semaphore, #tpu.memory_space<semaphore_mem>>) src(%dma_wait3A_349 : memref<10000xi32, #tpu.memory_space<hbm>>) dst(%arg7 : memref<10000xi32, #tpu.memory_space<vmem>>)
      tpu.yield
    }) : () -> ()
    %barrier3A = arith.constant 0 : index
    tpu.barrier barrier_id(%barrier3A)
    %scan3A = arith.constant 0 : i32
    %scan3A_57 = arith.constant 0 : i32
    %scan3A_58 = arith.constant 12 : i32
    %scan3A_59 = arith.addi %scan3A_57, %scan3A_58 : i32
    %scan3A_60 = arith.constant 1 : i32
    scf.for %scan3A_341 = %scan3A_57 to %scan3A_59 step %scan3A_60  : i32 {
      %mul3A_342 = arith.constant 2 : i32
      %mul3A_343 = arith.muli %mul3A_342, %scan3A_341 : i32
      %mul3A_344 = arith.constant 5 : i32
      %mul3A_345 = arith.muli %mul3A_343, %mul3A_344 : i32
      %add3A_346 = arith.constant 5 : i32
      %add3A_347 = arith.addi %mul3A_345, %add3A_346 : i32
      %dma_wait3A_348 = arith.constant 0 : i32
      %dma_wait3A_349 = arith.constant 0 : i32
      %dma_wait3A_350 = arith.constant 0 : i32
      %dma_wait3A_351 = tpu.memref_slice %arg8[%dma_wait3A_348, %dma_wait3A_349, %dma_wait3A_350] : memref<5x80x64xbf16, #tpu.memory_space<vmem>> -> memref<1x80x64xbf16, #tpu.memory_space<vmem>>
      %dma_wait3A_352 = tpu.memref_squeeze %dma_wait3A_351 : memref<1x80x64xbf16, #tpu.memory_space<vmem>> -> memref<80x64xbf16, #tpu.memory_space<vmem>>
      %dma_wait3A_353 = arith.constant 0 : i32
      %dma_wait3A_354 = arith.constant 0 : i32
      %dma_wait3A_355 = tpu.memref_slice %arg4[%dma_wait3A_353, %dma_wait3A_354] : memref<632x64xbf16, #tpu.memory_space<hbm>> -> memref<80x64xbf16, #tpu.memory_space<hbm>>
      %dma_wait3A_356 = arith.constant 0 : i32
      %dma_wait3A_357 = arith.constant 0 : i32
      %dma_wait3A_358 = tpu.memref_slice %arg8[%dma_wait3A_348, %dma_wait3A_356, %dma_wait3A_357] : memref<5x80x64xbf16, #tpu.memory_space<vmem>> -> memref<1x80x64xbf16, #tpu.memory_space<vmem>>
      %dma_wait3A_359 = tpu.memref_squeeze %dma_wait3A_358 : memref<1x80x64xbf16, #tpu.memory_space<vmem>> -> memref<80x64xbf16, #tpu.memory_space<vmem>>
      %dma_wait3A_360 = arith.constant 0 : i32
      %dma_wait3A_361 = arith.constant 0 : i32
      %dma_wait3A_362 = tpu.memref_slice %arg4[%dma_wait3A_360, %dma_wait3A_361] : memref<632x64xbf16, #tpu.memory_space<hbm>> -> memref<80x64xbf16, #tpu.memory_space<hbm>>
      tpu.wait_dma2 semaphore(%arg11 : memref<!tpu.dma_semaphore, #tpu.memory_space<semaphore_mem>>) src(%dma_wait3A_362 : memref<80x64xbf16, #tpu.memory_space<hbm>>) dst(%dma_wait3A_359 : memref<80x64xbf16, #tpu.memory_space<vmem>>)
      %dma_wait3A_363 = arith.constant 1 : i32
      %dma_wait3A_364 = arith.constant 0 : i32
      %dma_wait3A_365 = arith.constant 0 : i32
      %dma_wait3A_366 = tpu.memref_slice %arg8[%dma_wait3A_363, %dma_wait3A_364, %dma_wait3A_365] : memref<5x80x64xbf16, #tpu.memory_space<vmem>> -> memref<1x80x64xbf16, #tpu.memory_space<vmem>>
      %dma_wait3A_367 = tpu.memref_squeeze %dma_wait3A_366 : memref<1x80x64xbf16, #tpu.memory_space<vmem>> -> memref<80x64xbf16, #tpu.memory_space<vmem>>
      %dma_wait3A_368 = arith.constant 0 : i32
      %dma_wait3A_369 = arith.constant 0 : i32
      %dma_wait3A_370 = tpu.memref_slice %arg4[%dma_wait3A_368, %dma_wait3A_369] : memref<632x64xbf16, #tpu.memory_space<hbm>> -> memref<80x64xbf16, #tpu.memory_space<hbm>>
      %dma_wait3A_371 = arith.constant 0 : i32
      %dma_wait3A_372 = arith.constant 0 : i32
      %dma_wait3A_373 = tpu.memref_slice %arg8[%dma_wait3A_363, %dma_wait3A_371, %dma_wait3A_372] : memref<5x80x64xbf16, #tpu.memory_space<vmem>> -> memref<1x80x64xbf16, #tpu.memory_space<vmem>>
      %dma_wait3A_374 = tpu.memref_squeeze %dma_wait3A_373 : memref<1x80x64xbf16, #tpu.memory_space<vmem>> -> memref<80x64xbf16, #tpu.memory_space<vmem>>
      %dma_wait3A_375 = arith.constant 0 : i32
      %dma_wait3A_376 = arith.constant 0 : i32
      %dma_wait3A_377 = tpu.memref_slice %arg4[%dma_wait3A_375, %dma_wait3A_376] : memref<632x64xbf16, #tpu.memory_space<hbm>> -> memref<80x64xbf16, #tpu.memory_space<hbm>>
      tpu.wait_dma2 semaphore(%arg11 : memref<!tpu.dma_semaphore, #tpu.memory_space<semaphore_mem>>) src(%dma_wait3A_377 : memref<80x64xbf16, #tpu.memory_space<hbm>>) dst(%dma_wait3A_374 : memref<80x64xbf16, #tpu.memory_space<vmem>>)
      %dma_wait3A_378 = arith.constant 2 : i32
      %dma_wait3A_379 = arith.constant 0 : i32
      %dma_wait3A_380 = arith.constant 0 : i32
      %dma_wait3A_381 = tpu.memref_slice %arg8[%dma_wait3A_378, %dma_wait3A_379, %dma_wait3A_380] : memref<5x80x64xbf16, #tpu.memory_space<vmem>> -> memref<1x80x64xbf16, #tpu.memory_space<vmem>>
      %dma_wait3A_382 = tpu.memref_squeeze %dma_wait3A_381 : memref<1x80x64xbf16, #tpu.memory_space<vmem>> -> memref<80x64xbf16, #tpu.memory_space<vmem>>
      %dma_wait3A_383 = arith.constant 0 : i32
      %dma_wait3A_384 = arith.constant 0 : i32
      %dma_wait3A_385 = tpu.memref_slice %arg4[%dma_wait3A_383, %dma_wait3A_384] : memref<632x64xbf16, #tpu.memory_space<hbm>> -> memref<80x64xbf16, #tpu.memory_space<hbm>>
      %dma_wait3A_386 = arith.constant 0 : i32
      %dma_wait3A_387 = arith.constant 0 : i32
      %dma_wait3A_388 = tpu.memref_slice %arg8[%dma_wait3A_378, %dma_wait3A_386, %dma_wait3A_387] : memref<5x80x64xbf16, #tpu.memory_space<vmem>> -> memref<1x80x64xbf16, #tpu.memory_space<vmem>>
      %dma_wait3A_389 = tpu.memref_squeeze %dma_wait3A_388 : memref<1x80x64xbf16, #tpu.memory_space<vmem>> -> memref<80x64xbf16, #tpu.memory_space<vmem>>
      %dma_wait3A_390 = arith.constant 0 : i32
      %dma_wait3A_391 = arith.constant 0 : i32
      %dma_wait3A_392 = tpu.memref_slice %arg4[%dma_wait3A_390, %dma_wait3A_391] : memref<632x64xbf16, #tpu.memory_space<hbm>> -> memref<80x64xbf16, #tpu.memory_space<hbm>>
      tpu.wait_dma2 semaphore(%arg11 : memref<!tpu.dma_semaphore, #tpu.memory_space<semaphore_mem>>) src(%dma_wait3A_392 : memref<80x64xbf16, #tpu.memory_space<hbm>>) dst(%dma_wait3A_389 : memref<80x64xbf16, #tpu.memory_space<vmem>>)
      %dma_wait3A_393 = arith.constant 3 : i32
      %dma_wait3A_394 = arith.constant 0 : i32
      %dma_wait3A_395 = arith.constant 0 : i32
      %dma_wait3A_396 = tpu.memref_slice %arg8[%dma_wait3A_393, %dma_wait3A_394, %dma_wait3A_395] : memref<5x80x64xbf16, #tpu.memory_space<vmem>> -> memref<1x80x64xbf16, #tpu.memory_space<vmem>>
      %dma_wait3A_397 = tpu.memref_squeeze %dma_wait3A_396 : memref<1x80x64xbf16, #tpu.memory_space<vmem>> -> memref<80x64xbf16, #tpu.memory_space<vmem>>
      %dma_wait3A_398 = arith.constant 0 : i32
      %dma_wait3A_399 = arith.constant 0 : i32
      %dma_wait3A_400 = tpu.memref_slice %arg4[%dma_wait3A_398, %dma_wait3A_399] : memref<632x64xbf16, #tpu.memory_space<hbm>> -> memref<80x64xbf16, #tpu.memory_space<hbm>>
      %dma_wait3A_401 = arith.constant 0 : i32
      %dma_wait3A_402 = arith.constant 0 : i32
      %dma_wait3A_403 = tpu.memref_slice %arg8[%dma_wait3A_393, %dma_wait3A_401, %dma_wait3A_402] : memref<5x80x64xbf16, #tpu.memory_space<vmem>> -> memref<1x80x64xbf16, #tpu.memory_space<vmem>>
      %dma_wait3A_404 = tpu.memref_squeeze %dma_wait3A_403 : memref<1x80x64xbf16, #tpu.memory_space<vmem>> -> memref<80x64xbf16, #tpu.memory_space<vmem>>
      %dma_wait3A_405 = arith.constant 0 : i32
      %dma_wait3A_406 = arith.constant 0 : i32
      %dma_wait3A_407 = tpu.memref_slice %arg4[%dma_wait3A_405, %dma_wait3A_406] : memref<632x64xbf16, #tpu.memory_space<hbm>> -> memref<80x64xbf16, #tpu.memory_space<hbm>>
      tpu.wait_dma2 semaphore(%arg11 : memref<!tpu.dma_semaphore, #tpu.memory_space<semaphore_mem>>) src(%dma_wait3A_407 : memref<80x64xbf16, #tpu.memory_space<hbm>>) dst(%dma_wait3A_404 : memref<80x64xbf16, #tpu.memory_space<vmem>>)
      %dma_wait3A_408 = arith.constant 4 : i32
      %dma_wait3A_409 = arith.constant 0 : i32
      %dma_wait3A_410 = arith.constant 0 : i32
      %dma_wait3A_411 = tpu.memref_slice %arg8[%dma_wait3A_408, %dma_wait3A_409, %dma_wait3A_410] : memref<5x80x64xbf16, #tpu.memory_space<vmem>> -> memref<1x80x64xbf16, #tpu.memory_space<vmem>>
      %dma_wait3A_412 = tpu.memref_squeeze %dma_wait3A_411 : memref<1x80x64xbf16, #tpu.memory_space<vmem>> -> memref<80x64xbf16, #tpu.memory_space<vmem>>
      %dma_wait3A_413 = arith.constant 0 : i32
      %dma_wait3A_414 = arith.constant 0 : i32
      %dma_wait3A_415 = tpu.memref_slice %arg4[%dma_wait3A_413, %dma_wait3A_414] : memref<632x64xbf16, #tpu.memory_space<hbm>> -> memref<80x64xbf16, #tpu.memory_space<hbm>>
      %dma_wait3A_416 = arith.constant 0 : i32
      %dma_wait3A_417 = arith.constant 0 : i32
      %dma_wait3A_418 = tpu.memref_slice %arg8[%dma_wait3A_408, %dma_wait3A_416, %dma_wait3A_417] : memref<5x80x64xbf16, #tpu.memory_space<vmem>> -> memref<1x80x64xbf16, #tpu.memory_space<vmem>>
      %dma_wait3A_419 = tpu.memref_squeeze %dma_wait3A_418 : memref<1x80x64xbf16, #tpu.memory_space<vmem>> -> memref<80x64xbf16, #tpu.memory_space<vmem>>
      %dma_wait3A_420 = arith.constant 0 : i32
      %dma_wait3A_421 = arith.constant 0 : i32
      %dma_wait3A_422 = tpu.memref_slice %arg4[%dma_wait3A_420, %dma_wait3A_421] : memref<632x64xbf16, #tpu.memory_space<hbm>> -> memref<80x64xbf16, #tpu.memory_space<hbm>>
      tpu.wait_dma2 semaphore(%arg11 : memref<!tpu.dma_semaphore, #tpu.memory_space<semaphore_mem>>) src(%dma_wait3A_422 : memref<80x64xbf16, #tpu.memory_space<hbm>>) dst(%dma_wait3A_419 : memref<80x64xbf16, #tpu.memory_space<vmem>>)
      %gt3A = arith.constant 0 : i32
      %gt3A_423 = arith.cmpi sgt, %scan3A_341, %gt3A : i32
      %convert_element_type3A = arith.extui %gt3A_423 : i1 to i32
      %cond3A = arith.constant 0 : i32
      %cond3A_424 = arith.cmpi ne, %convert_element_type3A, %cond3A : i32
      scf.if %cond3A_424 {
        %dma_wait3A_782 = arith.constant 0 : i32
        %dma_wait3A_783 = arith.constant 0 : i32
        %dma_wait3A_784 = arith.constant 0 : i32
        %dma_wait3A_785 = tpu.memref_slice %arg9[%dma_wait3A_782, %dma_wait3A_783, %dma_wait3A_784] : memref<5x80x64xbf16, #tpu.memory_space<vmem>> -> memref<1x80x64xbf16, #tpu.memory_space<vmem>>
        %dma_wait3A_786 = tpu.memref_squeeze %dma_wait3A_785 : memref<1x80x64xbf16, #tpu.memory_space<vmem>> -> memref<80x64xbf16, #tpu.memory_space<vmem>>
        %dma_wait3A_787 = arith.constant 0 : i32
        %dma_wait3A_788 = arith.constant 0 : i32
        %dma_wait3A_789 = tpu.memref_slice %arg4[%dma_wait3A_787, %dma_wait3A_788] : memref<632x64xbf16, #tpu.memory_space<hbm>> -> memref<80x64xbf16, #tpu.memory_space<hbm>>
        %dma_wait3A_790 = arith.constant 0 : i32
        %dma_wait3A_791 = arith.constant 0 : i32
        %dma_wait3A_792 = tpu.memref_slice %arg9[%dma_wait3A_782, %dma_wait3A_790, %dma_wait3A_791] : memref<5x80x64xbf16, #tpu.memory_space<vmem>> -> memref<1x80x64xbf16, #tpu.memory_space<vmem>>
        %dma_wait3A_793 = tpu.memref_squeeze %dma_wait3A_792 : memref<1x80x64xbf16, #tpu.memory_space<vmem>> -> memref<80x64xbf16, #tpu.memory_space<vmem>>
        %dma_wait3A_794 = arith.constant 0 : i32
        %dma_wait3A_795 = arith.constant 0 : i32
        %dma_wait3A_796 = tpu.memref_slice %arg4[%dma_wait3A_794, %dma_wait3A_795] : memref<632x64xbf16, #tpu.memory_space<hbm>> -> memref<80x64xbf16, #tpu.memory_space<hbm>>
        tpu.wait_dma2 semaphore(%arg14 : memref<!tpu.dma_semaphore, #tpu.memory_space<semaphore_mem>>) src(%dma_wait3A_796 : memref<80x64xbf16, #tpu.memory_space<hbm>>) dst(%dma_wait3A_793 : memref<80x64xbf16, #tpu.memory_space<vmem>>)
        %dma_wait3A_797 = arith.constant 1 : i32
        %dma_wait3A_798 = arith.constant 0 : i32
        %dma_wait3A_799 = arith.constant 0 : i32
        %dma_wait3A_800 = tpu.memref_slice %arg9[%dma_wait3A_797, %dma_wait3A_798, %dma_wait3A_799] : memref<5x80x64xbf16, #tpu.memory_space<vmem>> -> memref<1x80x64xbf16, #tpu.memory_space<vmem>>
        %dma_wait3A_801 = tpu.memref_squeeze %dma_wait3A_800 : memref<1x80x64xbf16, #tpu.memory_space<vmem>> -> memref<80x64xbf16, #tpu.memory_space<vmem>>
        %dma_wait3A_802 = arith.constant 0 : i32
        %dma_wait3A_803 = arith.constant 0 : i32
        %dma_wait3A_804 = tpu.memref_slice %arg4[%dma_wait3A_802, %dma_wait3A_803] : memref<632x64xbf16, #tpu.memory_space<hbm>> -> memref<80x64xbf16, #tpu.memory_space<hbm>>
        %dma_wait3A_805 = arith.constant 0 : i32
        %dma_wait3A_806 = arith.constant 0 : i32
        %dma_wait3A_807 = tpu.memref_slice %arg9[%dma_wait3A_797, %dma_wait3A_805, %dma_wait3A_806] : memref<5x80x64xbf16, #tpu.memory_space<vmem>> -> memref<1x80x64xbf16, #tpu.memory_space<vmem>>
        %dma_wait3A_808 = tpu.memref_squeeze %dma_wait3A_807 : memref<1x80x64xbf16, #tpu.memory_space<vmem>> -> memref<80x64xbf16, #tpu.memory_space<vmem>>
        %dma_wait3A_809 = arith.constant 0 : i32
        %dma_wait3A_810 = arith.constant 0 : i32
        %dma_wait3A_811 = tpu.memref_slice %arg4[%dma_wait3A_809, %dma_wait3A_810] : memref<632x64xbf16, #tpu.memory_space<hbm>> -> memref<80x64xbf16, #tpu.memory_space<hbm>>
        tpu.wait_dma2 semaphore(%arg14 : memref<!tpu.dma_semaphore, #tpu.memory_space<semaphore_mem>>) src(%dma_wait3A_811 : memref<80x64xbf16, #tpu.memory_space<hbm>>) dst(%dma_wait3A_808 : memref<80x64xbf16, #tpu.memory_space<vmem>>)
        %dma_wait3A_812 = arith.constant 2 : i32
        %dma_wait3A_813 = arith.constant 0 : i32
        %dma_wait3A_814 = arith.constant 0 : i32
        %dma_wait3A_815 = tpu.memref_slice %arg9[%dma_wait3A_812, %dma_wait3A_813, %dma_wait3A_814] : memref<5x80x64xbf16, #tpu.memory_space<vmem>> -> memref<1x80x64xbf16, #tpu.memory_space<vmem>>
        %dma_wait3A_816 = tpu.memref_squeeze %dma_wait3A_815 : memref<1x80x64xbf16, #tpu.memory_space<vmem>> -> memref<80x64xbf16, #tpu.memory_space<vmem>>
        %dma_wait3A_817 = arith.constant 0 : i32
        %dma_wait3A_818 = arith.constant 0 : i32
        %dma_wait3A_819 = tpu.memref_slice %arg4[%dma_wait3A_817, %dma_wait3A_818] : memref<632x64xbf16, #tpu.memory_space<hbm>> -> memref<80x64xbf16, #tpu.memory_space<hbm>>
        %dma_wait3A_820 = arith.constant 0 : i32
        %dma_wait3A_821 = arith.constant 0 : i32
        %dma_wait3A_822 = tpu.memref_slice %arg9[%dma_wait3A_812, %dma_wait3A_820, %dma_wait3A_821] : memref<5x80x64xbf16, #tpu.memory_space<vmem>> -> memref<1x80x64xbf16, #tpu.memory_space<vmem>>
        %dma_wait3A_823 = tpu.memref_squeeze %dma_wait3A_822 : memref<1x80x64xbf16, #tpu.memory_space<vmem>> -> memref<80x64xbf16, #tpu.memory_space<vmem>>
        %dma_wait3A_824 = arith.constant 0 : i32
        %dma_wait3A_825 = arith.constant 0 : i32
        %dma_wait3A_826 = tpu.memref_slice %arg4[%dma_wait3A_824, %dma_wait3A_825] : memref<632x64xbf16, #tpu.memory_space<hbm>> -> memref<80x64xbf16, #tpu.memory_space<hbm>>
        tpu.wait_dma2 semaphore(%arg14 : memref<!tpu.dma_semaphore, #tpu.memory_space<semaphore_mem>>) src(%dma_wait3A_826 : memref<80x64xbf16, #tpu.memory_space<hbm>>) dst(%dma_wait3A_823 : memref<80x64xbf16, #tpu.memory_space<vmem>>)
        %dma_wait3A_827 = arith.constant 3 : i32
        %dma_wait3A_828 = arith.constant 0 : i32
        %dma_wait3A_829 = arith.constant 0 : i32
        %dma_wait3A_830 = tpu.memref_slice %arg9[%dma_wait3A_827, %dma_wait3A_828, %dma_wait3A_829] : memref<5x80x64xbf16, #tpu.memory_space<vmem>> -> memref<1x80x64xbf16, #tpu.memory_space<vmem>>
        %dma_wait3A_831 = tpu.memref_squeeze %dma_wait3A_830 : memref<1x80x64xbf16, #tpu.memory_space<vmem>> -> memref<80x64xbf16, #tpu.memory_space<vmem>>
        %dma_wait3A_832 = arith.constant 0 : i32
        %dma_wait3A_833 = arith.constant 0 : i32
        %dma_wait3A_834 = tpu.memref_slice %arg4[%dma_wait3A_832, %dma_wait3A_833] : memref<632x64xbf16, #tpu.memory_space<hbm>> -> memref<80x64xbf16, #tpu.memory_space<hbm>>
        %dma_wait3A_835 = arith.constant 0 : i32
        %dma_wait3A_836 = arith.constant 0 : i32
        %dma_wait3A_837 = tpu.memref_slice %arg9[%dma_wait3A_827, %dma_wait3A_835, %dma_wait3A_836] : memref<5x80x64xbf16, #tpu.memory_space<vmem>> -> memref<1x80x64xbf16, #tpu.memory_space<vmem>>
        %dma_wait3A_838 = tpu.memref_squeeze %dma_wait3A_837 : memref<1x80x64xbf16, #tpu.memory_space<vmem>> -> memref<80x64xbf16, #tpu.memory_space<vmem>>
        %dma_wait3A_839 = arith.constant 0 : i32
        %dma_wait3A_840 = arith.constant 0 : i32
        %dma_wait3A_841 = tpu.memref_slice %arg4[%dma_wait3A_839, %dma_wait3A_840] : memref<632x64xbf16, #tpu.memory_space<hbm>> -> memref<80x64xbf16, #tpu.memory_space<hbm>>
        tpu.wait_dma2 semaphore(%arg14 : memref<!tpu.dma_semaphore, #tpu.memory_space<semaphore_mem>>) src(%dma_wait3A_841 : memref<80x64xbf16, #tpu.memory_space<hbm>>) dst(%dma_wait3A_838 : memref<80x64xbf16, #tpu.memory_space<vmem>>)
        %dma_wait3A_842 = arith.constant 4 : i32
        %dma_wait3A_843 = arith.constant 0 : i32
        %dma_wait3A_844 = arith.constant 0 : i32
        %dma_wait3A_845 = tpu.memref_slice %arg9[%dma_wait3A_842, %dma_wait3A_843, %dma_wait3A_844] : memref<5x80x64xbf16, #tpu.memory_space<vmem>> -> memref<1x80x64xbf16, #tpu.memory_space<vmem>>
        %dma_wait3A_846 = tpu.memref_squeeze %dma_wait3A_845 : memref<1x80x64xbf16, #tpu.memory_space<vmem>> -> memref<80x64xbf16, #tpu.memory_space<vmem>>
        %dma_wait3A_847 = arith.constant 0 : i32
        %dma_wait3A_848 = arith.constant 0 : i32
        %dma_wait3A_849 = tpu.memref_slice %arg4[%dma_wait3A_847, %dma_wait3A_848] : memref<632x64xbf16, #tpu.memory_space<hbm>> -> memref<80x64xbf16, #tpu.memory_space<hbm>>
        %dma_wait3A_850 = arith.constant 0 : i32
        %dma_wait3A_851 = arith.constant 0 : i32
        %dma_wait3A_852 = tpu.memref_slice %arg9[%dma_wait3A_842, %dma_wait3A_850, %dma_wait3A_851] : memref<5x80x64xbf16, #tpu.memory_space<vmem>> -> memref<1x80x64xbf16, #tpu.memory_space<vmem>>
        %dma_wait3A_853 = tpu.memref_squeeze %dma_wait3A_852 : memref<1x80x64xbf16, #tpu.memory_space<vmem>> -> memref<80x64xbf16, #tpu.memory_space<vmem>>
        %dma_wait3A_854 = arith.constant 0 : i32
        %dma_wait3A_855 = arith.constant 0 : i32
        %dma_wait3A_856 = tpu.memref_slice %arg4[%dma_wait3A_854, %dma_wait3A_855] : memref<632x64xbf16, #tpu.memory_space<hbm>> -> memref<80x64xbf16, #tpu.memory_space<hbm>>
        tpu.wait_dma2 semaphore(%arg14 : memref<!tpu.dma_semaphore, #tpu.memory_space<semaphore_mem>>) src(%dma_wait3A_856 : memref<80x64xbf16, #tpu.memory_space<hbm>>) dst(%dma_wait3A_853 : memref<80x64xbf16, #tpu.memory_space<vmem>>)
      } else {
      }
      %add3A_425 = arith.constant 0 : i32
      %add3A_426 = arith.addi %add3A_347, %add3A_425 : i32
      %mul3A_427 = arith.constant 80 : i32
      %mul3A_428 = arith.muli %add3A_426, %mul3A_427 : i32
      %dma_start3A_429 = arith.constant 0 : i32
      %dma_start3A_430 = arith.constant 0 : i32
      %dma_start3A_431 = arith.constant 0 : i32
      %dma_start3A_432 = tpu.memref_slice %arg9[%dma_start3A_429, %dma_start3A_430, %dma_start3A_431] : memref<5x80x64xbf16, #tpu.memory_space<vmem>> -> memref<1x80x64xbf16, #tpu.memory_space<vmem>>
      %dma_start3A_433 = tpu.memref_squeeze %dma_start3A_432 : memref<1x80x64xbf16, #tpu.memory_space<vmem>> -> memref<80x64xbf16, #tpu.memory_space<vmem>>
      %dma_start3A_434 = tpu.memref_slice %arg6[%mul3A_428] : memref<10000xi32, #tpu.memory_space<vmem>> -> memref<80xi32, #tpu.memory_space<vmem>>
      %dma_start3A_435 = arith.constant 0 : i32
      %dma_start3A_436 = arith.constant 0 : i32
      %dma_start3A_437 = tpu.memref_slice %arg3[%dma_start3A_435, %dma_start3A_436] : memref<10000x64xbf16, #tpu.memory_space<hbm>> -> memref<10000x64xbf16, #tpu.memory_space<hbm>>
      tpu.enqueue_indirect_dma source(%dma_start3A_437 : memref<10000x64xbf16, #tpu.memory_space<hbm>>) target(%dma_start3A_433 : memref<80x64xbf16, #tpu.memory_space<vmem>>) offsets(%dma_start3A_434 : memref<80xi32, #tpu.memory_space<vmem>>) semaphore(%arg12 : memref<!tpu.dma_semaphore, #tpu.memory_space<semaphore_mem>>)
      %add3A_438 = arith.constant 1 : i32
      %add3A_439 = arith.addi %add3A_347, %add3A_438 : i32
      %mul3A_440 = arith.constant 80 : i32
      %mul3A_441 = arith.muli %add3A_439, %mul3A_440 : i32
      %dma_start3A_442 = arith.constant 1 : i32
      %dma_start3A_443 = arith.constant 0 : i32
      %dma_start3A_444 = arith.constant 0 : i32
      %dma_start3A_445 = tpu.memref_slice %arg9[%dma_start3A_442, %dma_start3A_443, %dma_start3A_444] : memref<5x80x64xbf16, #tpu.memory_space<vmem>> -> memref<1x80x64xbf16, #tpu.memory_space<vmem>>
      %dma_start3A_446 = tpu.memref_squeeze %dma_start3A_445 : memref<1x80x64xbf16, #tpu.memory_space<vmem>> -> memref<80x64xbf16, #tpu.memory_space<vmem>>
      %dma_start3A_447 = tpu.memref_slice %arg6[%mul3A_441] : memref<10000xi32, #tpu.memory_space<vmem>> -> memref<80xi32, #tpu.memory_space<vmem>>
      %dma_start3A_448 = arith.constant 0 : i32
      %dma_start3A_449 = arith.constant 0 : i32
      %dma_start3A_450 = tpu.memref_slice %arg3[%dma_start3A_448, %dma_start3A_449] : memref<10000x64xbf16, #tpu.memory_space<hbm>> -> memref<10000x64xbf16, #tpu.memory_space<hbm>>
      tpu.enqueue_indirect_dma source(%dma_start3A_450 : memref<10000x64xbf16, #tpu.memory_space<hbm>>) target(%dma_start3A_446 : memref<80x64xbf16, #tpu.memory_space<vmem>>) offsets(%dma_start3A_447 : memref<80xi32, #tpu.memory_space<vmem>>) semaphore(%arg12 : memref<!tpu.dma_semaphore, #tpu.memory_space<semaphore_mem>>)
      %add3A_451 = arith.constant 2 : i32
      %add3A_452 = arith.addi %add3A_347, %add3A_451 : i32
      %mul3A_453 = arith.constant 80 : i32
      %mul3A_454 = arith.muli %add3A_452, %mul3A_453 : i32
      %dma_start3A_455 = arith.constant 2 : i32
      %dma_start3A_456 = arith.constant 0 : i32
      %dma_start3A_457 = arith.constant 0 : i32
      %dma_start3A_458 = tpu.memref_slice %arg9[%dma_start3A_455, %dma_start3A_456, %dma_start3A_457] : memref<5x80x64xbf16, #tpu.memory_space<vmem>> -> memref<1x80x64xbf16, #tpu.memory_space<vmem>>
      %dma_start3A_459 = tpu.memref_squeeze %dma_start3A_458 : memref<1x80x64xbf16, #tpu.memory_space<vmem>> -> memref<80x64xbf16, #tpu.memory_space<vmem>>
      %dma_start3A_460 = tpu.memref_slice %arg6[%mul3A_454] : memref<10000xi32, #tpu.memory_space<vmem>> -> memref<80xi32, #tpu.memory_space<vmem>>
      %dma_start3A_461 = arith.constant 0 : i32
      %dma_start3A_462 = arith.constant 0 : i32
      %dma_start3A_463 = tpu.memref_slice %arg3[%dma_start3A_461, %dma_start3A_462] : memref<10000x64xbf16, #tpu.memory_space<hbm>> -> memref<10000x64xbf16, #tpu.memory_space<hbm>>
      tpu.enqueue_indirect_dma source(%dma_start3A_463 : memref<10000x64xbf16, #tpu.memory_space<hbm>>) target(%dma_start3A_459 : memref<80x64xbf16, #tpu.memory_space<vmem>>) offsets(%dma_start3A_460 : memref<80xi32, #tpu.memory_space<vmem>>) semaphore(%arg12 : memref<!tpu.dma_semaphore, #tpu.memory_space<semaphore_mem>>)
      %add3A_464 = arith.constant 3 : i32
      %add3A_465 = arith.addi %add3A_347, %add3A_464 : i32
      %mul3A_466 = arith.constant 80 : i32
      %mul3A_467 = arith.muli %add3A_465, %mul3A_466 : i32
      %dma_start3A_468 = arith.constant 3 : i32
      %dma_start3A_469 = arith.constant 0 : i32
      %dma_start3A_470 = arith.constant 0 : i32
      %dma_start3A_471 = tpu.memref_slice %arg9[%dma_start3A_468, %dma_start3A_469, %dma_start3A_470] : memref<5x80x64xbf16, #tpu.memory_space<vmem>> -> memref<1x80x64xbf16, #tpu.memory_space<vmem>>
      %dma_start3A_472 = tpu.memref_squeeze %dma_start3A_471 : memref<1x80x64xbf16, #tpu.memory_space<vmem>> -> memref<80x64xbf16, #tpu.memory_space<vmem>>
      %dma_start3A_473 = tpu.memref_slice %arg6[%mul3A_467] : memref<10000xi32, #tpu.memory_space<vmem>> -> memref<80xi32, #tpu.memory_space<vmem>>
      %dma_start3A_474 = arith.constant 0 : i32
      %dma_start3A_475 = arith.constant 0 : i32
      %dma_start3A_476 = tpu.memref_slice %arg3[%dma_start3A_474, %dma_start3A_475] : memref<10000x64xbf16, #tpu.memory_space<hbm>> -> memref<10000x64xbf16, #tpu.memory_space<hbm>>
      tpu.enqueue_indirect_dma source(%dma_start3A_476 : memref<10000x64xbf16, #tpu.memory_space<hbm>>) target(%dma_start3A_472 : memref<80x64xbf16, #tpu.memory_space<vmem>>) offsets(%dma_start3A_473 : memref<80xi32, #tpu.memory_space<vmem>>) semaphore(%arg12 : memref<!tpu.dma_semaphore, #tpu.memory_space<semaphore_mem>>)
      %add3A_477 = arith.constant 4 : i32
      %add3A_478 = arith.addi %add3A_347, %add3A_477 : i32
      %mul3A_479 = arith.constant 80 : i32
      %mul3A_480 = arith.muli %add3A_478, %mul3A_479 : i32
      %dma_start3A_481 = arith.constant 4 : i32
      %dma_start3A_482 = arith.constant 0 : i32
      %dma_start3A_483 = arith.constant 0 : i32
      %dma_start3A_484 = tpu.memref_slice %arg9[%dma_start3A_481, %dma_start3A_482, %dma_start3A_483] : memref<5x80x64xbf16, #tpu.memory_space<vmem>> -> memref<1x80x64xbf16, #tpu.memory_space<vmem>>
      %dma_start3A_485 = tpu.memref_squeeze %dma_start3A_484 : memref<1x80x64xbf16, #tpu.memory_space<vmem>> -> memref<80x64xbf16, #tpu.memory_space<vmem>>
      %dma_start3A_486 = tpu.memref_slice %arg6[%mul3A_480] : memref<10000xi32, #tpu.memory_space<vmem>> -> memref<80xi32, #tpu.memory_space<vmem>>
      %dma_start3A_487 = arith.constant 0 : i32
      %dma_start3A_488 = arith.constant 0 : i32
      %dma_start3A_489 = tpu.memref_slice %arg3[%dma_start3A_487, %dma_start3A_488] : memref<10000x64xbf16, #tpu.memory_space<hbm>> -> memref<10000x64xbf16, #tpu.memory_space<hbm>>
      tpu.enqueue_indirect_dma source(%dma_start3A_489 : memref<10000x64xbf16, #tpu.memory_space<hbm>>) target(%dma_start3A_485 : memref<80x64xbf16, #tpu.memory_space<vmem>>) offsets(%dma_start3A_486 : memref<80xi32, #tpu.memory_space<vmem>>) semaphore(%arg12 : memref<!tpu.dma_semaphore, #tpu.memory_space<semaphore_mem>>)
      %add3A_490 = arith.constant 0 : i32
      %add3A_491 = arith.addi %mul3A_345, %add3A_490 : i32
      %mul3A_492 = arith.constant 80 : i32
      %mul3A_493 = arith.muli %add3A_491, %mul3A_492 : i32
      %dma_start3A_494 = arith.constant 0 : i32
      %dma_start3A_495 = arith.constant 0 : i32
      %dma_start3A_496 = arith.constant 0 : i32
      %dma_start3A_497 = tpu.memref_slice %arg8[%dma_start3A_494, %dma_start3A_495, %dma_start3A_496] : memref<5x80x64xbf16, #tpu.memory_space<vmem>> -> memref<1x80x64xbf16, #tpu.memory_space<vmem>>
      %dma_start3A_498 = tpu.memref_squeeze %dma_start3A_497 : memref<1x80x64xbf16, #tpu.memory_space<vmem>> -> memref<80x64xbf16, #tpu.memory_space<vmem>>
      %dma_start3A_499 = tpu.memref_slice %arg7[%mul3A_493] : memref<10000xi32, #tpu.memory_space<vmem>> -> memref<80xi32, #tpu.memory_space<vmem>>
      %dma_start3A_500 = arith.constant 0 : i32
      %dma_start3A_501 = arith.constant 0 : i32
      %dma_start3A_502 = tpu.memref_slice %arg10[%dma_start3A_500, %dma_start3A_501] : memref<10112x64xbf16, #tpu.memory_space<vmem_shared>> -> memref<10112x64xbf16, #tpu.memory_space<vmem_shared>>
      tpu.enqueue_indirect_dma source(%dma_start3A_498 : memref<80x64xbf16, #tpu.memory_space<vmem>>) target(%dma_start3A_502 : memref<10112x64xbf16, #tpu.memory_space<vmem_shared>>) offsets(%dma_start3A_499 : memref<80xi32, #tpu.memory_space<vmem>>) semaphore(%arg13 : memref<!tpu.dma_semaphore, #tpu.memory_space<semaphore_mem>>) {add = true}
      %add3A_503 = arith.constant 1 : i32
      %add3A_504 = arith.addi %mul3A_345, %add3A_503 : i32
      %mul3A_505 = arith.constant 80 : i32
      %mul3A_506 = arith.muli %add3A_504, %mul3A_505 : i32
      %dma_start3A_507 = arith.constant 1 : i32
      %dma_start3A_508 = arith.constant 0 : i32
      %dma_start3A_509 = arith.constant 0 : i32
      %dma_start3A_510 = tpu.memref_slice %arg8[%dma_start3A_507, %dma_start3A_508, %dma_start3A_509] : memref<5x80x64xbf16, #tpu.memory_space<vmem>> -> memref<1x80x64xbf16, #tpu.memory_space<vmem>>
      %dma_start3A_511 = tpu.memref_squeeze %dma_start3A_510 : memref<1x80x64xbf16, #tpu.memory_space<vmem>> -> memref<80x64xbf16, #tpu.memory_space<vmem>>
      %dma_start3A_512 = tpu.memref_slice %arg7[%mul3A_506] : memref<10000xi32, #tpu.memory_space<vmem>> -> memref<80xi32, #tpu.memory_space<vmem>>
      %dma_start3A_513 = arith.constant 0 : i32
      %dma_start3A_514 = arith.constant 0 : i32
      %dma_start3A_515 = tpu.memref_slice %arg10[%dma_start3A_513, %dma_start3A_514] : memref<10112x64xbf16, #tpu.memory_space<vmem_shared>> -> memref<10112x64xbf16, #tpu.memory_space<vmem_shared>>
      tpu.enqueue_indirect_dma source(%dma_start3A_511 : memref<80x64xbf16, #tpu.memory_space<vmem>>) target(%dma_start3A_515 : memref<10112x64xbf16, #tpu.memory_space<vmem_shared>>) offsets(%dma_start3A_512 : memref<80xi32, #tpu.memory_space<vmem>>) semaphore(%arg13 : memref<!tpu.dma_semaphore, #tpu.memory_space<semaphore_mem>>) {add = true}
      %add3A_516 = arith.constant 2 : i32
      %add3A_517 = arith.addi %mul3A_345, %add3A_516 : i32
      %mul3A_518 = arith.constant 80 : i32
      %mul3A_519 = arith.muli %add3A_517, %mul3A_518 : i32
      %dma_start3A_520 = arith.constant 2 : i32
      %dma_start3A_521 = arith.constant 0 : i32
      %dma_start3A_522 = arith.constant 0 : i32
      %dma_start3A_523 = tpu.memref_slice %arg8[%dma_start3A_520, %dma_start3A_521, %dma_start3A_522] : memref<5x80x64xbf16, #tpu.memory_space<vmem>> -> memref<1x80x64xbf16, #tpu.memory_space<vmem>>
      %dma_start3A_524 = tpu.memref_squeeze %dma_start3A_523 : memref<1x80x64xbf16, #tpu.memory_space<vmem>> -> memref<80x64xbf16, #tpu.memory_space<vmem>>
      %dma_start3A_525 = tpu.memref_slice %arg7[%mul3A_519] : memref<10000xi32, #tpu.memory_space<vmem>> -> memref<80xi32, #tpu.memory_space<vmem>>
      %dma_start3A_526 = arith.constant 0 : i32
      %dma_start3A_527 = arith.constant 0 : i32
      %dma_start3A_528 = tpu.memref_slice %arg10[%dma_start3A_526, %dma_start3A_527] : memref<10112x64xbf16, #tpu.memory_space<vmem_shared>> -> memref<10112x64xbf16, #tpu.memory_space<vmem_shared>>
      tpu.enqueue_indirect_dma source(%dma_start3A_524 : memref<80x64xbf16, #tpu.memory_space<vmem>>) target(%dma_start3A_528 : memref<10112x64xbf16, #tpu.memory_space<vmem_shared>>) offsets(%dma_start3A_525 : memref<80xi32, #tpu.memory_space<vmem>>) semaphore(%arg13 : memref<!tpu.dma_semaphore, #tpu.memory_space<semaphore_mem>>) {add = true}
      %add3A_529 = arith.constant 3 : i32
      %add3A_530 = arith.addi %mul3A_345, %add3A_529 : i32
      %mul3A_531 = arith.constant 80 : i32
      %mul3A_532 = arith.muli %add3A_530, %mul3A_531 : i32
      %dma_start3A_533 = arith.constant 3 : i32
      %dma_start3A_534 = arith.constant 0 : i32
      %dma_start3A_535 = arith.constant 0 : i32
      %dma_start3A_536 = tpu.memref_slice %arg8[%dma_start3A_533, %dma_start3A_534, %dma_start3A_535] : memref<5x80x64xbf16, #tpu.memory_space<vmem>> -> memref<1x80x64xbf16, #tpu.memory_space<vmem>>
      %dma_start3A_537 = tpu.memref_squeeze %dma_start3A_536 : memref<1x80x64xbf16, #tpu.memory_space<vmem>> -> memref<80x64xbf16, #tpu.memory_space<vmem>>
      %dma_start3A_538 = tpu.memref_slice %arg7[%mul3A_532] : memref<10000xi32, #tpu.memory_space<vmem>> -> memref<80xi32, #tpu.memory_space<vmem>>
      %dma_start3A_539 = arith.constant 0 : i32
      %dma_start3A_540 = arith.constant 0 : i32
      %dma_start3A_541 = tpu.memref_slice %arg10[%dma_start3A_539, %dma_start3A_540] : memref<10112x64xbf16, #tpu.memory_space<vmem_shared>> -> memref<10112x64xbf16, #tpu.memory_space<vmem_shared>>
      tpu.enqueue_indirect_dma source(%dma_start3A_537 : memref<80x64xbf16, #tpu.memory_space<vmem>>) target(%dma_start3A_541 : memref<10112x64xbf16, #tpu.memory_space<vmem_shared>>) offsets(%dma_start3A_538 : memref<80xi32, #tpu.memory_space<vmem>>) semaphore(%arg13 : memref<!tpu.dma_semaphore, #tpu.memory_space<semaphore_mem>>) {add = true}
      %add3A_542 = arith.constant 4 : i32
      %add3A_543 = arith.addi %mul3A_345, %add3A_542 : i32
      %mul3A_544 = arith.constant 80 : i32
      %mul3A_545 = arith.muli %add3A_543, %mul3A_544 : i32
      %dma_start3A_546 = arith.constant 4 : i32
      %dma_start3A_547 = arith.constant 0 : i32
      %dma_start3A_548 = arith.constant 0 : i32
      %dma_start3A_549 = tpu.memref_slice %arg8[%dma_start3A_546, %dma_start3A_547, %dma_start3A_548] : memref<5x80x64xbf16, #tpu.memory_space<vmem>> -> memref<1x80x64xbf16, #tpu.memory_space<vmem>>
      %dma_start3A_550 = tpu.memref_squeeze %dma_start3A_549 : memref<1x80x64xbf16, #tpu.memory_space<vmem>> -> memref<80x64xbf16, #tpu.memory_space<vmem>>
      %dma_start3A_551 = tpu.memref_slice %arg7[%mul3A_545] : memref<10000xi32, #tpu.memory_space<vmem>> -> memref<80xi32, #tpu.memory_space<vmem>>
      %dma_start3A_552 = arith.constant 0 : i32
      %dma_start3A_553 = arith.constant 0 : i32
      %dma_start3A_554 = tpu.memref_slice %arg10[%dma_start3A_552, %dma_start3A_553] : memref<10112x64xbf16, #tpu.memory_space<vmem_shared>> -> memref<10112x64xbf16, #tpu.memory_space<vmem_shared>>
      tpu.enqueue_indirect_dma source(%dma_start3A_550 : memref<80x64xbf16, #tpu.memory_space<vmem>>) target(%dma_start3A_554 : memref<10112x64xbf16, #tpu.memory_space<vmem_shared>>) offsets(%dma_start3A_551 : memref<80xi32, #tpu.memory_space<vmem>>) semaphore(%arg13 : memref<!tpu.dma_semaphore, #tpu.memory_space<semaphore_mem>>) {add = true}
      %dma_wait3A_555 = arith.constant 0 : i32
      %dma_wait3A_556 = arith.constant 0 : i32
      %dma_wait3A_557 = arith.constant 0 : i32
      %dma_wait3A_558 = tpu.memref_slice %arg8[%dma_wait3A_555, %dma_wait3A_556, %dma_wait3A_557] : memref<5x80x64xbf16, #tpu.memory_space<vmem>> -> memref<1x80x64xbf16, #tpu.memory_space<vmem>>
      %dma_wait3A_559 = tpu.memref_squeeze %dma_wait3A_558 : memref<1x80x64xbf16, #tpu.memory_space<vmem>> -> memref<80x64xbf16, #tpu.memory_space<vmem>>
      %dma_wait3A_560 = arith.constant 0 : i32
      %dma_wait3A_561 = arith.constant 0 : i32
      %dma_wait3A_562 = tpu.memref_slice %arg4[%dma_wait3A_560, %dma_wait3A_561] : memref<632x64xbf16, #tpu.memory_space<hbm>> -> memref<80x64xbf16, #tpu.memory_space<hbm>>
      %dma_wait3A_563 = arith.constant 0 : i32
      %dma_wait3A_564 = arith.constant 0 : i32
      %dma_wait3A_565 = tpu.memref_slice %arg8[%dma_wait3A_555, %dma_wait3A_563, %dma_wait3A_564] : memref<5x80x64xbf16, #tpu.memory_space<vmem>> -> memref<1x80x64xbf16, #tpu.memory_space<vmem>>
      %dma_wait3A_566 = tpu.memref_squeeze %dma_wait3A_565 : memref<1x80x64xbf16, #tpu.memory_space<vmem>> -> memref<80x64xbf16, #tpu.memory_space<vmem>>
      %dma_wait3A_567 = arith.constant 0 : i32
      %dma_wait3A_568 = arith.constant 0 : i32
      %dma_wait3A_569 = tpu.memref_slice %arg4[%dma_wait3A_567, %dma_wait3A_568] : memref<632x64xbf16, #tpu.memory_space<hbm>> -> memref<80x64xbf16, #tpu.memory_space<hbm>>
      tpu.wait_dma2 semaphore(%arg13 : memref<!tpu.dma_semaphore, #tpu.memory_space<semaphore_mem>>) src(%dma_wait3A_569 : memref<80x64xbf16, #tpu.memory_space<hbm>>) dst(%dma_wait3A_566 : memref<80x64xbf16, #tpu.memory_space<vmem>>)
      %dma_wait3A_570 = arith.constant 1 : i32
      %dma_wait3A_571 = arith.constant 0 : i32
      %dma_wait3A_572 = arith.constant 0 : i32
      %dma_wait3A_573 = tpu.memref_slice %arg8[%dma_wait3A_570, %dma_wait3A_571, %dma_wait3A_572] : memref<5x80x64xbf16, #tpu.memory_space<vmem>> -> memref<1x80x64xbf16, #tpu.memory_space<vmem>>
      %dma_wait3A_574 = tpu.memref_squeeze %dma_wait3A_573 : memref<1x80x64xbf16, #tpu.memory_space<vmem>> -> memref<80x64xbf16, #tpu.memory_space<vmem>>
      %dma_wait3A_575 = arith.constant 0 : i32
      %dma_wait3A_576 = arith.constant 0 : i32
      %dma_wait3A_577 = tpu.memref_slice %arg4[%dma_wait3A_575, %dma_wait3A_576] : memref<632x64xbf16, #tpu.memory_space<hbm>> -> memref<80x64xbf16, #tpu.memory_space<hbm>>
      %dma_wait3A_578 = arith.constant 0 : i32
      %dma_wait3A_579 = arith.constant 0 : i32
      %dma_wait3A_580 = tpu.memref_slice %arg8[%dma_wait3A_570, %dma_wait3A_578, %dma_wait3A_579] : memref<5x80x64xbf16, #tpu.memory_space<vmem>> -> memref<1x80x64xbf16, #tpu.memory_space<vmem>>
      %dma_wait3A_581 = tpu.memref_squeeze %dma_wait3A_580 : memref<1x80x64xbf16, #tpu.memory_space<vmem>> -> memref<80x64xbf16, #tpu.memory_space<vmem>>
      %dma_wait3A_582 = arith.constant 0 : i32
      %dma_wait3A_583 = arith.constant 0 : i32
      %dma_wait3A_584 = tpu.memref_slice %arg4[%dma_wait3A_582, %dma_wait3A_583] : memref<632x64xbf16, #tpu.memory_space<hbm>> -> memref<80x64xbf16, #tpu.memory_space<hbm>>
      tpu.wait_dma2 semaphore(%arg13 : memref<!tpu.dma_semaphore, #tpu.memory_space<semaphore_mem>>) src(%dma_wait3A_584 : memref<80x64xbf16, #tpu.memory_space<hbm>>) dst(%dma_wait3A_581 : memref<80x64xbf16, #tpu.memory_space<vmem>>)
      %dma_wait3A_585 = arith.constant 2 : i32
      %dma_wait3A_586 = arith.constant 0 : i32
      %dma_wait3A_587 = arith.constant 0 : i32
      %dma_wait3A_588 = tpu.memref_slice %arg8[%dma_wait3A_585, %dma_wait3A_586, %dma_wait3A_587] : memref<5x80x64xbf16, #tpu.memory_space<vmem>> -> memref<1x80x64xbf16, #tpu.memory_space<vmem>>
      %dma_wait3A_589 = tpu.memref_squeeze %dma_wait3A_588 : memref<1x80x64xbf16, #tpu.memory_space<vmem>> -> memref<80x64xbf16, #tpu.memory_space<vmem>>
      %dma_wait3A_590 = arith.constant 0 : i32
      %dma_wait3A_591 = arith.constant 0 : i32
      %dma_wait3A_592 = tpu.memref_slice %arg4[%dma_wait3A_590, %dma_wait3A_591] : memref<632x64xbf16, #tpu.memory_space<hbm>> -> memref<80x64xbf16, #tpu.memory_space<hbm>>
      %dma_wait3A_593 = arith.constant 0 : i32
      %dma_wait3A_594 = arith.constant 0 : i32
      %dma_wait3A_595 = tpu.memref_slice %arg8[%dma_wait3A_585, %dma_wait3A_593, %dma_wait3A_594] : memref<5x80x64xbf16, #tpu.memory_space<vmem>> -> memref<1x80x64xbf16, #tpu.memory_space<vmem>>
      %dma_wait3A_596 = tpu.memref_squeeze %dma_wait3A_595 : memref<1x80x64xbf16, #tpu.memory_space<vmem>> -> memref<80x64xbf16, #tpu.memory_space<vmem>>
      %dma_wait3A_597 = arith.constant 0 : i32
      %dma_wait3A_598 = arith.constant 0 : i32
      %dma_wait3A_599 = tpu.memref_slice %arg4[%dma_wait3A_597, %dma_wait3A_598] : memref<632x64xbf16, #tpu.memory_space<hbm>> -> memref<80x64xbf16, #tpu.memory_space<hbm>>
      tpu.wait_dma2 semaphore(%arg13 : memref<!tpu.dma_semaphore, #tpu.memory_space<semaphore_mem>>) src(%dma_wait3A_599 : memref<80x64xbf16, #tpu.memory_space<hbm>>) dst(%dma_wait3A_596 : memref<80x64xbf16, #tpu.memory_space<vmem>>)
      %dma_wait3A_600 = arith.constant 3 : i32
      %dma_wait3A_601 = arith.constant 0 : i32
      %dma_wait3A_602 = arith.constant 0 : i32
      %dma_wait3A_603 = tpu.memref_slice %arg8[%dma_wait3A_600, %dma_wait3A_601, %dma_wait3A_602] : memref<5x80x64xbf16, #tpu.memory_space<vmem>> -> memref<1x80x64xbf16, #tpu.memory_space<vmem>>
      %dma_wait3A_604 = tpu.memref_squeeze %dma_wait3A_603 : memref<1x80x64xbf16, #tpu.memory_space<vmem>> -> memref<80x64xbf16, #tpu.memory_space<vmem>>
      %dma_wait3A_605 = arith.constant 0 : i32
      %dma_wait3A_606 = arith.constant 0 : i32
      %dma_wait3A_607 = tpu.memref_slice %arg4[%dma_wait3A_605, %dma_wait3A_606] : memref<632x64xbf16, #tpu.memory_space<hbm>> -> memref<80x64xbf16, #tpu.memory_space<hbm>>
      %dma_wait3A_608 = arith.constant 0 : i32
      %dma_wait3A_609 = arith.constant 0 : i32
      %dma_wait3A_610 = tpu.memref_slice %arg8[%dma_wait3A_600, %dma_wait3A_608, %dma_wait3A_609] : memref<5x80x64xbf16, #tpu.memory_space<vmem>> -> memref<1x80x64xbf16, #tpu.memory_space<vmem>>
      %dma_wait3A_611 = tpu.memref_squeeze %dma_wait3A_610 : memref<1x80x64xbf16, #tpu.memory_space<vmem>> -> memref<80x64xbf16, #tpu.memory_space<vmem>>
      %dma_wait3A_612 = arith.constant 0 : i32
      %dma_wait3A_613 = arith.constant 0 : i32
      %dma_wait3A_614 = tpu.memref_slice %arg4[%dma_wait3A_612, %dma_wait3A_613] : memref<632x64xbf16, #tpu.memory_space<hbm>> -> memref<80x64xbf16, #tpu.memory_space<hbm>>
      tpu.wait_dma2 semaphore(%arg13 : memref<!tpu.dma_semaphore, #tpu.memory_space<semaphore_mem>>) src(%dma_wait3A_614 : memref<80x64xbf16, #tpu.memory_space<hbm>>) dst(%dma_wait3A_611 : memref<80x64xbf16, #tpu.memory_space<vmem>>)
      %dma_wait3A_615 = arith.constant 4 : i32
      %dma_wait3A_616 = arith.constant 0 : i32
      %dma_wait3A_617 = arith.constant 0 : i32
      %dma_wait3A_618 = tpu.memref_slice %arg8[%dma_wait3A_615, %dma_wait3A_616, %dma_wait3A_617] : memref<5x80x64xbf16, #tpu.memory_space<vmem>> -> memref<1x80x64xbf16, #tpu.memory_space<vmem>>
      %dma_wait3A_619 = tpu.memref_squeeze %dma_wait3A_618 : memref<1x80x64xbf16, #tpu.memory_space<vmem>> -> memref<80x64xbf16, #tpu.memory_space<vmem>>
      %dma_wait3A_620 = arith.constant 0 : i32
      %dma_wait3A_621 = arith.constant 0 : i32
      %dma_wait3A_622 = tpu.memref_slice %arg4[%dma_wait3A_620, %dma_wait3A_621] : memref<632x64xbf16, #tpu.memory_space<hbm>> -> memref<80x64xbf16, #tpu.memory_space<hbm>>
      %dma_wait3A_623 = arith.constant 0 : i32
      %dma_wait3A_624 = arith.constant 0 : i32
      %dma_wait3A_625 = tpu.memref_slice %arg8[%dma_wait3A_615, %dma_wait3A_623, %dma_wait3A_624] : memref<5x80x64xbf16, #tpu.memory_space<vmem>> -> memref<1x80x64xbf16, #tpu.memory_space<vmem>>
      %dma_wait3A_626 = tpu.memref_squeeze %dma_wait3A_625 : memref<1x80x64xbf16, #tpu.memory_space<vmem>> -> memref<80x64xbf16, #tpu.memory_space<vmem>>
      %dma_wait3A_627 = arith.constant 0 : i32
      %dma_wait3A_628 = arith.constant 0 : i32
      %dma_wait3A_629 = tpu.memref_slice %arg4[%dma_wait3A_627, %dma_wait3A_628] : memref<632x64xbf16, #tpu.memory_space<hbm>> -> memref<80x64xbf16, #tpu.memory_space<hbm>>
      tpu.wait_dma2 semaphore(%arg13 : memref<!tpu.dma_semaphore, #tpu.memory_space<semaphore_mem>>) src(%dma_wait3A_629 : memref<80x64xbf16, #tpu.memory_space<hbm>>) dst(%dma_wait3A_626 : memref<80x64xbf16, #tpu.memory_space<vmem>>)
      %add3A_630 = arith.constant 1 : i32
      %add3A_631 = arith.addi %scan3A_341, %add3A_630 : i32
      %lt3A = arith.constant 12 : i32
      %lt3A_632 = arith.cmpi slt, %add3A_631, %lt3A : i32
      %convert_element_type3A_633 = arith.extui %lt3A_632 : i1 to i32
      %cond3A_634 = arith.constant 0 : i32
      %cond3A_635 = arith.cmpi ne, %convert_element_type3A_633, %cond3A_634 : i32
      scf.if %cond3A_635 {
        %add3A_782 = arith.constant 10 : i32
        %add3A_783 = arith.addi %mul3A_345, %add3A_782 : i32
        %add3A_784 = arith.constant 0 : i32
        %add3A_785 = arith.addi %add3A_783, %add3A_784 : i32
        %mul3A_786 = arith.constant 80 : i32
        %mul3A_787 = arith.muli %add3A_785, %mul3A_786 : i32
        %dma_start3A_788 = arith.constant 0 : i32
        %dma_start3A_789 = arith.constant 0 : i32
        %dma_start3A_790 = arith.constant 0 : i32
        %dma_start3A_791 = tpu.memref_slice %arg8[%dma_start3A_788, %dma_start3A_789, %dma_start3A_790] : memref<5x80x64xbf16, #tpu.memory_space<vmem>> -> memref<1x80x64xbf16, #tpu.memory_space<vmem>>
        %dma_start3A_792 = tpu.memref_squeeze %dma_start3A_791 : memref<1x80x64xbf16, #tpu.memory_space<vmem>> -> memref<80x64xbf16, #tpu.memory_space<vmem>>
        %dma_start3A_793 = tpu.memref_slice %arg6[%mul3A_787] : memref<10000xi32, #tpu.memory_space<vmem>> -> memref<80xi32, #tpu.memory_space<vmem>>
        %dma_start3A_794 = arith.constant 0 : i32
        %dma_start3A_795 = arith.constant 0 : i32
        %dma_start3A_796 = tpu.memref_slice %arg3[%dma_start3A_794, %dma_start3A_795] : memref<10000x64xbf16, #tpu.memory_space<hbm>> -> memref<10000x64xbf16, #tpu.memory_space<hbm>>
        tpu.enqueue_indirect_dma source(%dma_start3A_796 : memref<10000x64xbf16, #tpu.memory_space<hbm>>) target(%dma_start3A_792 : memref<80x64xbf16, #tpu.memory_space<vmem>>) offsets(%dma_start3A_793 : memref<80xi32, #tpu.memory_space<vmem>>) semaphore(%arg11 : memref<!tpu.dma_semaphore, #tpu.memory_space<semaphore_mem>>)
        %add3A_797 = arith.constant 1 : i32
        %add3A_798 = arith.addi %add3A_783, %add3A_797 : i32
        %mul3A_799 = arith.constant 80 : i32
        %mul3A_800 = arith.muli %add3A_798, %mul3A_799 : i32
        %dma_start3A_801 = arith.constant 1 : i32
        %dma_start3A_802 = arith.constant 0 : i32
        %dma_start3A_803 = arith.constant 0 : i32
        %dma_start3A_804 = tpu.memref_slice %arg8[%dma_start3A_801, %dma_start3A_802, %dma_start3A_803] : memref<5x80x64xbf16, #tpu.memory_space<vmem>> -> memref<1x80x64xbf16, #tpu.memory_space<vmem>>
        %dma_start3A_805 = tpu.memref_squeeze %dma_start3A_804 : memref<1x80x64xbf16, #tpu.memory_space<vmem>> -> memref<80x64xbf16, #tpu.memory_space<vmem>>
        %dma_start3A_806 = tpu.memref_slice %arg6[%mul3A_800] : memref<10000xi32, #tpu.memory_space<vmem>> -> memref<80xi32, #tpu.memory_space<vmem>>
        %dma_start3A_807 = arith.constant 0 : i32
        %dma_start3A_808 = arith.constant 0 : i32
        %dma_start3A_809 = tpu.memref_slice %arg3[%dma_start3A_807, %dma_start3A_808] : memref<10000x64xbf16, #tpu.memory_space<hbm>> -> memref<10000x64xbf16, #tpu.memory_space<hbm>>
        tpu.enqueue_indirect_dma source(%dma_start3A_809 : memref<10000x64xbf16, #tpu.memory_space<hbm>>) target(%dma_start3A_805 : memref<80x64xbf16, #tpu.memory_space<vmem>>) offsets(%dma_start3A_806 : memref<80xi32, #tpu.memory_space<vmem>>) semaphore(%arg11 : memref<!tpu.dma_semaphore, #tpu.memory_space<semaphore_mem>>)
        %add3A_810 = arith.constant 2 : i32
        %add3A_811 = arith.addi %add3A_783, %add3A_810 : i32
        %mul3A_812 = arith.constant 80 : i32
        %mul3A_813 = arith.muli %add3A_811, %mul3A_812 : i32
        %dma_start3A_814 = arith.constant 2 : i32
        %dma_start3A_815 = arith.constant 0 : i32
        %dma_start3A_816 = arith.constant 0 : i32
        %dma_start3A_817 = tpu.memref_slice %arg8[%dma_start3A_814, %dma_start3A_815, %dma_start3A_816] : memref<5x80x64xbf16, #tpu.memory_space<vmem>> -> memref<1x80x64xbf16, #tpu.memory_space<vmem>>
        %dma_start3A_818 = tpu.memref_squeeze %dma_start3A_817 : memref<1x80x64xbf16, #tpu.memory_space<vmem>> -> memref<80x64xbf16, #tpu.memory_space<vmem>>
        %dma_start3A_819 = tpu.memref_slice %arg6[%mul3A_813] : memref<10000xi32, #tpu.memory_space<vmem>> -> memref<80xi32, #tpu.memory_space<vmem>>
        %dma_start3A_820 = arith.constant 0 : i32
        %dma_start3A_821 = arith.constant 0 : i32
        %dma_start3A_822 = tpu.memref_slice %arg3[%dma_start3A_820, %dma_start3A_821] : memref<10000x64xbf16, #tpu.memory_space<hbm>> -> memref<10000x64xbf16, #tpu.memory_space<hbm>>
        tpu.enqueue_indirect_dma source(%dma_start3A_822 : memref<10000x64xbf16, #tpu.memory_space<hbm>>) target(%dma_start3A_818 : memref<80x64xbf16, #tpu.memory_space<vmem>>) offsets(%dma_start3A_819 : memref<80xi32, #tpu.memory_space<vmem>>) semaphore(%arg11 : memref<!tpu.dma_semaphore, #tpu.memory_space<semaphore_mem>>)
        %add3A_823 = arith.constant 3 : i32
        %add3A_824 = arith.addi %add3A_783, %add3A_823 : i32
        %mul3A_825 = arith.constant 80 : i32
        %mul3A_826 = arith.muli %add3A_824, %mul3A_825 : i32
        %dma_start3A_827 = arith.constant 3 : i32
        %dma_start3A_828 = arith.constant 0 : i32
        %dma_start3A_829 = arith.constant 0 : i32
        %dma_start3A_830 = tpu.memref_slice %arg8[%dma_start3A_827, %dma_start3A_828, %dma_start3A_829] : memref<5x80x64xbf16, #tpu.memory_space<vmem>> -> memref<1x80x64xbf16, #tpu.memory_space<vmem>>
        %dma_start3A_831 = tpu.memref_squeeze %dma_start3A_830 : memref<1x80x64xbf16, #tpu.memory_space<vmem>> -> memref<80x64xbf16, #tpu.memory_space<vmem>>
        %dma_start3A_832 = tpu.memref_slice %arg6[%mul3A_826] : memref<10000xi32, #tpu.memory_space<vmem>> -> memref<80xi32, #tpu.memory_space<vmem>>
        %dma_start3A_833 = arith.constant 0 : i32
        %dma_start3A_834 = arith.constant 0 : i32
        %dma_start3A_835 = tpu.memref_slice %arg3[%dma_start3A_833, %dma_start3A_834] : memref<10000x64xbf16, #tpu.memory_space<hbm>> -> memref<10000x64xbf16, #tpu.memory_space<hbm>>
        tpu.enqueue_indirect_dma source(%dma_start3A_835 : memref<10000x64xbf16, #tpu.memory_space<hbm>>) target(%dma_start3A_831 : memref<80x64xbf16, #tpu.memory_space<vmem>>) offsets(%dma_start3A_832 : memref<80xi32, #tpu.memory_space<vmem>>) semaphore(%arg11 : memref<!tpu.dma_semaphore, #tpu.memory_space<semaphore_mem>>)
        %add3A_836 = arith.constant 4 : i32
        %add3A_837 = arith.addi %add3A_783, %add3A_836 : i32
        %mul3A_838 = arith.constant 80 : i32
        %mul3A_839 = arith.muli %add3A_837, %mul3A_838 : i32
        %dma_start3A_840 = arith.constant 4 : i32
        %dma_start3A_841 = arith.constant 0 : i32
        %dma_start3A_842 = arith.constant 0 : i32
        %dma_start3A_843 = tpu.memref_slice %arg8[%dma_start3A_840, %dma_start3A_841, %dma_start3A_842] : memref<5x80x64xbf16, #tpu.memory_space<vmem>> -> memref<1x80x64xbf16, #tpu.memory_space<vmem>>
        %dma_start3A_844 = tpu.memref_squeeze %dma_start3A_843 : memref<1x80x64xbf16, #tpu.memory_space<vmem>> -> memref<80x64xbf16, #tpu.memory_space<vmem>>
        %dma_start3A_845 = tpu.memref_slice %arg6[%mul3A_839] : memref<10000xi32, #tpu.memory_space<vmem>> -> memref<80xi32, #tpu.memory_space<vmem>>
        %dma_start3A_846 = arith.constant 0 : i32
        %dma_start3A_847 = arith.constant 0 : i32
        %dma_start3A_848 = tpu.memref_slice %arg3[%dma_start3A_846, %dma_start3A_847] : memref<10000x64xbf16, #tpu.memory_space<hbm>> -> memref<10000x64xbf16, #tpu.memory_space<hbm>>
        tpu.enqueue_indirect_dma source(%dma_start3A_848 : memref<10000x64xbf16, #tpu.memory_space<hbm>>) target(%dma_start3A_844 : memref<80x64xbf16, #tpu.memory_space<vmem>>) offsets(%dma_start3A_845 : memref<80xi32, #tpu.memory_space<vmem>>) semaphore(%arg11 : memref<!tpu.dma_semaphore, #tpu.memory_space<semaphore_mem>>)
      } else {
      }
      %add3A_636 = arith.constant 1 : i32
      %add3A_637 = arith.addi %scan3A_341, %add3A_636 : i32
      %eq3A = arith.constant 12 : i32
      %eq3A_638 = arith.cmpi eq, %add3A_637, %eq3A : i32
      %convert_element_type3A_639 = arith.extui %eq3A_638 : i1 to i32
      %cond3A_640 = arith.constant 0 : i32
      %cond3A_641 = arith.cmpi ne, %convert_element_type3A_639, %cond3A_640 : i32
      scf.if %cond3A_641 {
        %dma_start3A_782 = arith.constant 0 : i32
        %dma_start3A_783 = arith.constant 0 : i32
        %dma_start3A_784 = arith.constant 0 : i32
        %dma_start3A_785 = tpu.memref_slice %arg8[%dma_start3A_782, %dma_start3A_783, %dma_start3A_784] : memref<5x80x64xbf16, #tpu.memory_space<vmem>> -> memref<1x80x64xbf16, #tpu.memory_space<vmem>>
        %dma_start3A_786 = tpu.memref_squeeze %dma_start3A_785 : memref<1x80x64xbf16, #tpu.memory_space<vmem>> -> memref<80x64xbf16, #tpu.memory_space<vmem>>
        %dma_start3A_787 = arith.constant 9600 : i32
        %dma_start3A_788 = tpu.memref_slice %arg6[%dma_start3A_787] : memref<10000xi32, #tpu.memory_space<vmem>> -> memref<80xi32, #tpu.memory_space<vmem>>
        %dma_start3A_789 = arith.constant 0 : i32
        %dma_start3A_790 = arith.constant 0 : i32
        %dma_start3A_791 = tpu.memref_slice %arg3[%dma_start3A_789, %dma_start3A_790] : memref<10000x64xbf16, #tpu.memory_space<hbm>> -> memref<10000x64xbf16, #tpu.memory_space<hbm>>
        tpu.enqueue_indirect_dma source(%dma_start3A_791 : memref<10000x64xbf16, #tpu.memory_space<hbm>>) target(%dma_start3A_786 : memref<80x64xbf16, #tpu.memory_space<vmem>>) offsets(%dma_start3A_788 : memref<80xi32, #tpu.memory_space<vmem>>) semaphore(%arg11 : memref<!tpu.dma_semaphore, #tpu.memory_space<semaphore_mem>>)
        %dma_start3A_792 = arith.constant 1 : i32
        %dma_start3A_793 = arith.constant 0 : i32
        %dma_start3A_794 = arith.constant 0 : i32
        %dma_start3A_795 = tpu.memref_slice %arg8[%dma_start3A_792, %dma_start3A_793, %dma_start3A_794] : memref<5x80x64xbf16, #tpu.memory_space<vmem>> -> memref<1x80x64xbf16, #tpu.memory_space<vmem>>
        %dma_start3A_796 = tpu.memref_squeeze %dma_start3A_795 : memref<1x80x64xbf16, #tpu.memory_space<vmem>> -> memref<80x64xbf16, #tpu.memory_space<vmem>>
        %dma_start3A_797 = arith.constant 9680 : i32
        %dma_start3A_798 = tpu.memref_slice %arg6[%dma_start3A_797] : memref<10000xi32, #tpu.memory_space<vmem>> -> memref<80xi32, #tpu.memory_space<vmem>>
        %dma_start3A_799 = arith.constant 0 : i32
        %dma_start3A_800 = arith.constant 0 : i32
        %dma_start3A_801 = tpu.memref_slice %arg3[%dma_start3A_799, %dma_start3A_800] : memref<10000x64xbf16, #tpu.memory_space<hbm>> -> memref<10000x64xbf16, #tpu.memory_space<hbm>>
        tpu.enqueue_indirect_dma source(%dma_start3A_801 : memref<10000x64xbf16, #tpu.memory_space<hbm>>) target(%dma_start3A_796 : memref<80x64xbf16, #tpu.memory_space<vmem>>) offsets(%dma_start3A_798 : memref<80xi32, #tpu.memory_space<vmem>>) semaphore(%arg11 : memref<!tpu.dma_semaphore, #tpu.memory_space<semaphore_mem>>)
        %dma_start3A_802 = arith.constant 2 : i32
        %dma_start3A_803 = arith.constant 0 : i32
        %dma_start3A_804 = arith.constant 0 : i32
        %dma_start3A_805 = tpu.memref_slice %arg8[%dma_start3A_802, %dma_start3A_803, %dma_start3A_804] : memref<5x80x64xbf16, #tpu.memory_space<vmem>> -> memref<1x80x64xbf16, #tpu.memory_space<vmem>>
        %dma_start3A_806 = tpu.memref_squeeze %dma_start3A_805 : memref<1x80x64xbf16, #tpu.memory_space<vmem>> -> memref<80x64xbf16, #tpu.memory_space<vmem>>
        %dma_start3A_807 = arith.constant 9760 : i32
        %dma_start3A_808 = tpu.memref_slice %arg6[%dma_start3A_807] : memref<10000xi32, #tpu.memory_space<vmem>> -> memref<80xi32, #tpu.memory_space<vmem>>
        %dma_start3A_809 = arith.constant 0 : i32
        %dma_start3A_810 = arith.constant 0 : i32
        %dma_start3A_811 = tpu.memref_slice %arg3[%dma_start3A_809, %dma_start3A_810] : memref<10000x64xbf16, #tpu.memory_space<hbm>> -> memref<10000x64xbf16, #tpu.memory_space<hbm>>
        tpu.enqueue_indirect_dma source(%dma_start3A_811 : memref<10000x64xbf16, #tpu.memory_space<hbm>>) target(%dma_start3A_806 : memref<80x64xbf16, #tpu.memory_space<vmem>>) offsets(%dma_start3A_808 : memref<80xi32, #tpu.memory_space<vmem>>) semaphore(%arg11 : memref<!tpu.dma_semaphore, #tpu.memory_space<semaphore_mem>>)
        %dma_start3A_812 = arith.constant 3 : i32
        %dma_start3A_813 = arith.constant 0 : i32
        %dma_start3A_814 = arith.constant 0 : i32
        %dma_start3A_815 = tpu.memref_slice %arg8[%dma_start3A_812, %dma_start3A_813, %dma_start3A_814] : memref<5x80x64xbf16, #tpu.memory_space<vmem>> -> memref<1x80x64xbf16, #tpu.memory_space<vmem>>
        %dma_start3A_816 = tpu.memref_squeeze %dma_start3A_815 : memref<1x80x64xbf16, #tpu.memory_space<vmem>> -> memref<80x64xbf16, #tpu.memory_space<vmem>>
        %dma_start3A_817 = arith.constant 9840 : i32
        %dma_start3A_818 = tpu.memref_slice %arg6[%dma_start3A_817] : memref<10000xi32, #tpu.memory_space<vmem>> -> memref<80xi32, #tpu.memory_space<vmem>>
        %dma_start3A_819 = arith.constant 0 : i32
        %dma_start3A_820 = arith.constant 0 : i32
        %dma_start3A_821 = tpu.memref_slice %arg3[%dma_start3A_819, %dma_start3A_820] : memref<10000x64xbf16, #tpu.memory_space<hbm>> -> memref<10000x64xbf16, #tpu.memory_space<hbm>>
        tpu.enqueue_indirect_dma source(%dma_start3A_821 : memref<10000x64xbf16, #tpu.memory_space<hbm>>) target(%dma_start3A_816 : memref<80x64xbf16, #tpu.memory_space<vmem>>) offsets(%dma_start3A_818 : memref<80xi32, #tpu.memory_space<vmem>>) semaphore(%arg11 : memref<!tpu.dma_semaphore, #tpu.memory_space<semaphore_mem>>)
        %dma_start3A_822 = arith.constant 4 : i32
        %dma_start3A_823 = arith.constant 0 : i32
        %dma_start3A_824 = arith.constant 0 : i32
        %dma_start3A_825 = tpu.memref_slice %arg8[%dma_start3A_822, %dma_start3A_823, %dma_start3A_824] : memref<5x80x64xbf16, #tpu.memory_space<vmem>> -> memref<1x80x64xbf16, #tpu.memory_space<vmem>>
        %dma_start3A_826 = tpu.memref_squeeze %dma_start3A_825 : memref<1x80x64xbf16, #tpu.memory_space<vmem>> -> memref<80x64xbf16, #tpu.memory_space<vmem>>
        %dma_start3A_827 = arith.constant 9920 : i32
        %dma_start3A_828 = tpu.memref_slice %arg6[%dma_start3A_827] : memref<10000xi32, #tpu.memory_space<vmem>> -> memref<80xi32, #tpu.memory_space<vmem>>
        %dma_start3A_829 = arith.constant 0 : i32
        %dma_start3A_830 = arith.constant 0 : i32
        %dma_start3A_831 = tpu.memref_slice %arg3[%dma_start3A_829, %dma_start3A_830] : memref<10000x64xbf16, #tpu.memory_space<hbm>> -> memref<10000x64xbf16, #tpu.memory_space<hbm>>
        tpu.enqueue_indirect_dma source(%dma_start3A_831 : memref<10000x64xbf16, #tpu.memory_space<hbm>>) target(%dma_start3A_826 : memref<80x64xbf16, #tpu.memory_space<vmem>>) offsets(%dma_start3A_828 : memref<80xi32, #tpu.memory_space<vmem>>) semaphore(%arg11 : memref<!tpu.dma_semaphore, #tpu.memory_space<semaphore_mem>>)
      } else {
      }
      %dma_wait3A_642 = arith.constant 0 : i32
      %dma_wait3A_643 = arith.constant 0 : i32
      %dma_wait3A_644 = arith.constant 0 : i32
      %dma_wait3A_645 = tpu.memref_slice %arg9[%dma_wait3A_642, %dma_wait3A_643, %dma_wait3A_644] : memref<5x80x64xbf16, #tpu.memory_space<vmem>> -> memref<1x80x64xbf16, #tpu.memory_space<vmem>>
      %dma_wait3A_646 = tpu.memref_squeeze %dma_wait3A_645 : memref<1x80x64xbf16, #tpu.memory_space<vmem>> -> memref<80x64xbf16, #tpu.memory_space<vmem>>
      %dma_wait3A_647 = arith.constant 0 : i32
      %dma_wait3A_648 = arith.constant 0 : i32
      %dma_wait3A_649 = tpu.memref_slice %arg4[%dma_wait3A_647, %dma_wait3A_648] : memref<632x64xbf16, #tpu.memory_space<hbm>> -> memref<80x64xbf16, #tpu.memory_space<hbm>>
      %dma_wait3A_650 = arith.constant 0 : i32
      %dma_wait3A_651 = arith.constant 0 : i32
      %dma_wait3A_652 = tpu.memref_slice %arg9[%dma_wait3A_642, %dma_wait3A_650, %dma_wait3A_651] : memref<5x80x64xbf16, #tpu.memory_space<vmem>> -> memref<1x80x64xbf16, #tpu.memory_space<vmem>>
      %dma_wait3A_653 = tpu.memref_squeeze %dma_wait3A_652 : memref<1x80x64xbf16, #tpu.memory_space<vmem>> -> memref<80x64xbf16, #tpu.memory_space<vmem>>
      %dma_wait3A_654 = arith.constant 0 : i32
      %dma_wait3A_655 = arith.constant 0 : i32
      %dma_wait3A_656 = tpu.memref_slice %arg4[%dma_wait3A_654, %dma_wait3A_655] : memref<632x64xbf16, #tpu.memory_space<hbm>> -> memref<80x64xbf16, #tpu.memory_space<hbm>>
      tpu.wait_dma2 semaphore(%arg12 : memref<!tpu.dma_semaphore, #tpu.memory_space<semaphore_mem>>) src(%dma_wait3A_656 : memref<80x64xbf16, #tpu.memory_space<hbm>>) dst(%dma_wait3A_653 : memref<80x64xbf16, #tpu.memory_space<vmem>>)
      %dma_wait3A_657 = arith.constant 1 : i32
      %dma_wait3A_658 = arith.constant 0 : i32
      %dma_wait3A_659 = arith.constant 0 : i32
      %dma_wait3A_660 = tpu.memref_slice %arg9[%dma_wait3A_657, %dma_wait3A_658, %dma_wait3A_659] : memref<5x80x64xbf16, #tpu.memory_space<vmem>> -> memref<1x80x64xbf16, #tpu.memory_space<vmem>>
      %dma_wait3A_661 = tpu.memref_squeeze %dma_wait3A_660 : memref<1x80x64xbf16, #tpu.memory_space<vmem>> -> memref<80x64xbf16, #tpu.memory_space<vmem>>
      %dma_wait3A_662 = arith.constant 0 : i32
      %dma_wait3A_663 = arith.constant 0 : i32
      %dma_wait3A_664 = tpu.memref_slice %arg4[%dma_wait3A_662, %dma_wait3A_663] : memref<632x64xbf16, #tpu.memory_space<hbm>> -> memref<80x64xbf16, #tpu.memory_space<hbm>>
      %dma_wait3A_665 = arith.constant 0 : i32
      %dma_wait3A_666 = arith.constant 0 : i32
      %dma_wait3A_667 = tpu.memref_slice %arg9[%dma_wait3A_657, %dma_wait3A_665, %dma_wait3A_666] : memref<5x80x64xbf16, #tpu.memory_space<vmem>> -> memref<1x80x64xbf16, #tpu.memory_space<vmem>>
      %dma_wait3A_668 = tpu.memref_squeeze %dma_wait3A_667 : memref<1x80x64xbf16, #tpu.memory_space<vmem>> -> memref<80x64xbf16, #tpu.memory_space<vmem>>
      %dma_wait3A_669 = arith.constant 0 : i32
      %dma_wait3A_670 = arith.constant 0 : i32
      %dma_wait3A_671 = tpu.memref_slice %arg4[%dma_wait3A_669, %dma_wait3A_670] : memref<632x64xbf16, #tpu.memory_space<hbm>> -> memref<80x64xbf16, #tpu.memory_space<hbm>>
      tpu.wait_dma2 semaphore(%arg12 : memref<!tpu.dma_semaphore, #tpu.memory_space<semaphore_mem>>) src(%dma_wait3A_671 : memref<80x64xbf16, #tpu.memory_space<hbm>>) dst(%dma_wait3A_668 : memref<80x64xbf16, #tpu.memory_space<vmem>>)
      %dma_wait3A_672 = arith.constant 2 : i32
      %dma_wait3A_673 = arith.constant 0 : i32
      %dma_wait3A_674 = arith.constant 0 : i32
      %dma_wait3A_675 = tpu.memref_slice %arg9[%dma_wait3A_672, %dma_wait3A_673, %dma_wait3A_674] : memref<5x80x64xbf16, #tpu.memory_space<vmem>> -> memref<1x80x64xbf16, #tpu.memory_space<vmem>>
      %dma_wait3A_676 = tpu.memref_squeeze %dma_wait3A_675 : memref<1x80x64xbf16, #tpu.memory_space<vmem>> -> memref<80x64xbf16, #tpu.memory_space<vmem>>
      %dma_wait3A_677 = arith.constant 0 : i32
      %dma_wait3A_678 = arith.constant 0 : i32
      %dma_wait3A_679 = tpu.memref_slice %arg4[%dma_wait3A_677, %dma_wait3A_678] : memref<632x64xbf16, #tpu.memory_space<hbm>> -> memref<80x64xbf16, #tpu.memory_space<hbm>>
      %dma_wait3A_680 = arith.constant 0 : i32
      %dma_wait3A_681 = arith.constant 0 : i32
      %dma_wait3A_682 = tpu.memref_slice %arg9[%dma_wait3A_672, %dma_wait3A_680, %dma_wait3A_681] : memref<5x80x64xbf16, #tpu.memory_space<vmem>> -> memref<1x80x64xbf16, #tpu.memory_space<vmem>>
      %dma_wait3A_683 = tpu.memref_squeeze %dma_wait3A_682 : memref<1x80x64xbf16, #tpu.memory_space<vmem>> -> memref<80x64xbf16, #tpu.memory_space<vmem>>
      %dma_wait3A_684 = arith.constant 0 : i32
      %dma_wait3A_685 = arith.constant 0 : i32
      %dma_wait3A_686 = tpu.memref_slice %arg4[%dma_wait3A_684, %dma_wait3A_685] : memref<632x64xbf16, #tpu.memory_space<hbm>> -> memref<80x64xbf16, #tpu.memory_space<hbm>>
      tpu.wait_dma2 semaphore(%arg12 : memref<!tpu.dma_semaphore, #tpu.memory_space<semaphore_mem>>) src(%dma_wait3A_686 : memref<80x64xbf16, #tpu.memory_space<hbm>>) dst(%dma_wait3A_683 : memref<80x64xbf16, #tpu.memory_space<vmem>>)
      %dma_wait3A_687 = arith.constant 3 : i32
      %dma_wait3A_688 = arith.constant 0 : i32
      %dma_wait3A_689 = arith.constant 0 : i32
      %dma_wait3A_690 = tpu.memref_slice %arg9[%dma_wait3A_687, %dma_wait3A_688, %dma_wait3A_689] : memref<5x80x64xbf16, #tpu.memory_space<vmem>> -> memref<1x80x64xbf16, #tpu.memory_space<vmem>>
      %dma_wait3A_691 = tpu.memref_squeeze %dma_wait3A_690 : memref<1x80x64xbf16, #tpu.memory_space<vmem>> -> memref<80x64xbf16, #tpu.memory_space<vmem>>
      %dma_wait3A_692 = arith.constant 0 : i32
      %dma_wait3A_693 = arith.constant 0 : i32
      %dma_wait3A_694 = tpu.memref_slice %arg4[%dma_wait3A_692, %dma_wait3A_693] : memref<632x64xbf16, #tpu.memory_space<hbm>> -> memref<80x64xbf16, #tpu.memory_space<hbm>>
      %dma_wait3A_695 = arith.constant 0 : i32
      %dma_wait3A_696 = arith.constant 0 : i32
      %dma_wait3A_697 = tpu.memref_slice %arg9[%dma_wait3A_687, %dma_wait3A_695, %dma_wait3A_696] : memref<5x80x64xbf16, #tpu.memory_space<vmem>> -> memref<1x80x64xbf16, #tpu.memory_space<vmem>>
      %dma_wait3A_698 = tpu.memref_squeeze %dma_wait3A_697 : memref<1x80x64xbf16, #tpu.memory_space<vmem>> -> memref<80x64xbf16, #tpu.memory_space<vmem>>
      %dma_wait3A_699 = arith.constant 0 : i32
      %dma_wait3A_700 = arith.constant 0 : i32
      %dma_wait3A_701 = tpu.memref_slice %arg4[%dma_wait3A_699, %dma_wait3A_700] : memref<632x64xbf16, #tpu.memory_space<hbm>> -> memref<80x64xbf16, #tpu.memory_space<hbm>>
      tpu.wait_dma2 semaphore(%arg12 : memref<!tpu.dma_semaphore, #tpu.memory_space<semaphore_mem>>) src(%dma_wait3A_701 : memref<80x64xbf16, #tpu.memory_space<hbm>>) dst(%dma_wait3A_698 : memref<80x64xbf16, #tpu.memory_space<vmem>>)
      %dma_wait3A_702 = arith.constant 4 : i32
      %dma_wait3A_703 = arith.constant 0 : i32
      %dma_wait3A_704 = arith.constant 0 : i32
      %dma_wait3A_705 = tpu.memref_slice %arg9[%dma_wait3A_702, %dma_wait3A_703, %dma_wait3A_704] : memref<5x80x64xbf16, #tpu.memory_space<vmem>> -> memref<1x80x64xbf16, #tpu.memory_space<vmem>>
      %dma_wait3A_706 = tpu.memref_squeeze %dma_wait3A_705 : memref<1x80x64xbf16, #tpu.memory_space<vmem>> -> memref<80x64xbf16, #tpu.memory_space<vmem>>
      %dma_wait3A_707 = arith.constant 0 : i32
      %dma_wait3A_708 = arith.constant 0 : i32
      %dma_wait3A_709 = tpu.memref_slice %arg4[%dma_wait3A_707, %dma_wait3A_708] : memref<632x64xbf16, #tpu.memory_space<hbm>> -> memref<80x64xbf16, #tpu.memory_space<hbm>>
      %dma_wait3A_710 = arith.constant 0 : i32
      %dma_wait3A_711 = arith.constant 0 : i32
      %dma_wait3A_712 = tpu.memref_slice %arg9[%dma_wait3A_702, %dma_wait3A_710, %dma_wait3A_711] : memref<5x80x64xbf16, #tpu.memory_space<vmem>> -> memref<1x80x64xbf16, #tpu.memory_space<vmem>>
      %dma_wait3A_713 = tpu.memref_squeeze %dma_wait3A_712 : memref<1x80x64xbf16, #tpu.memory_space<vmem>> -> memref<80x64xbf16, #tpu.memory_space<vmem>>
      %dma_wait3A_714 = arith.constant 0 : i32
      %dma_wait3A_715 = arith.constant 0 : i32
      %dma_wait3A_716 = tpu.memref_slice %arg4[%dma_wait3A_714, %dma_wait3A_715] : memref<632x64xbf16, #tpu.memory_space<hbm>> -> memref<80x64xbf16, #tpu.memory_space<hbm>>
      tpu.wait_dma2 semaphore(%arg12 : memref<!tpu.dma_semaphore, #tpu.memory_space<semaphore_mem>>) src(%dma_wait3A_716 : memref<80x64xbf16, #tpu.memory_space<hbm>>) dst(%dma_wait3A_713 : memref<80x64xbf16, #tpu.memory_space<vmem>>)
      %add3A_717 = arith.constant 0 : i32
      %add3A_718 = arith.addi %add3A_347, %add3A_717 : i32
      %mul3A_719 = arith.constant 80 : i32
      %mul3A_720 = arith.muli %add3A_718, %mul3A_719 : i32
      %dma_start3A_721 = arith.constant 0 : i32
      %dma_start3A_722 = arith.constant 0 : i32
      %dma_start3A_723 = arith.constant 0 : i32
      %dma_start3A_724 = tpu.memref_slice %arg9[%dma_start3A_721, %dma_start3A_722, %dma_start3A_723] : memref<5x80x64xbf16, #tpu.memory_space<vmem>> -> memref<1x80x64xbf16, #tpu.memory_space<vmem>>
      %dma_start3A_725 = tpu.memref_squeeze %dma_start3A_724 : memref<1x80x64xbf16, #tpu.memory_space<vmem>> -> memref<80x64xbf16, #tpu.memory_space<vmem>>
      %dma_start3A_726 = tpu.memref_slice %arg7[%mul3A_720] : memref<10000xi32, #tpu.memory_space<vmem>> -> memref<80xi32, #tpu.memory_space<vmem>>
      %dma_start3A_727 = arith.constant 0 : i32
      %dma_start3A_728 = arith.constant 0 : i32
      %dma_start3A_729 = tpu.memref_slice %arg10[%dma_start3A_727, %dma_start3A_728] : memref<10112x64xbf16, #tpu.memory_space<vmem_shared>> -> memref<10112x64xbf16, #tpu.memory_space<vmem_shared>>
      tpu.enqueue_indirect_dma source(%dma_start3A_725 : memref<80x64xbf16, #tpu.memory_space<vmem>>) target(%dma_start3A_729 : memref<10112x64xbf16, #tpu.memory_space<vmem_shared>>) offsets(%dma_start3A_726 : memref<80xi32, #tpu.memory_space<vmem>>) semaphore(%arg14 : memref<!tpu.dma_semaphore, #tpu.memory_space<semaphore_mem>>) {add = true}
      %add3A_730 = arith.constant 1 : i32
      %add3A_731 = arith.addi %add3A_347, %add3A_730 : i32
      %mul3A_732 = arith.constant 80 : i32
      %mul3A_733 = arith.muli %add3A_731, %mul3A_732 : i32
      %dma_start3A_734 = arith.constant 1 : i32
      %dma_start3A_735 = arith.constant 0 : i32
      %dma_start3A_736 = arith.constant 0 : i32
      %dma_start3A_737 = tpu.memref_slice %arg9[%dma_start3A_734, %dma_start3A_735, %dma_start3A_736] : memref<5x80x64xbf16, #tpu.memory_space<vmem>> -> memref<1x80x64xbf16, #tpu.memory_space<vmem>>
      %dma_start3A_738 = tpu.memref_squeeze %dma_start3A_737 : memref<1x80x64xbf16, #tpu.memory_space<vmem>> -> memref<80x64xbf16, #tpu.memory_space<vmem>>
      %dma_start3A_739 = tpu.memref_slice %arg7[%mul3A_733] : memref<10000xi32, #tpu.memory_space<vmem>> -> memref<80xi32, #tpu.memory_space<vmem>>
      %dma_start3A_740 = arith.constant 0 : i32
      %dma_start3A_741 = arith.constant 0 : i32
      %dma_start3A_742 = tpu.memref_slice %arg10[%dma_start3A_740, %dma_start3A_741] : memref<10112x64xbf16, #tpu.memory_space<vmem_shared>> -> memref<10112x64xbf16, #tpu.memory_space<vmem_shared>>
      tpu.enqueue_indirect_dma source(%dma_start3A_738 : memref<80x64xbf16, #tpu.memory_space<vmem>>) target(%dma_start3A_742 : memref<10112x64xbf16, #tpu.memory_space<vmem_shared>>) offsets(%dma_start3A_739 : memref<80xi32, #tpu.memory_space<vmem>>) semaphore(%arg14 : memref<!tpu.dma_semaphore, #tpu.memory_space<semaphore_mem>>) {add = true}
      %add3A_743 = arith.constant 2 : i32
      %add3A_744 = arith.addi %add3A_347, %add3A_743 : i32
      %mul3A_745 = arith.constant 80 : i32
      %mul3A_746 = arith.muli %add3A_744, %mul3A_745 : i32
      %dma_start3A_747 = arith.constant 2 : i32
      %dma_start3A_748 = arith.constant 0 : i32
      %dma_start3A_749 = arith.constant 0 : i32
      %dma_start3A_750 = tpu.memref_slice %arg9[%dma_start3A_747, %dma_start3A_748, %dma_start3A_749] : memref<5x80x64xbf16, #tpu.memory_space<vmem>> -> memref<1x80x64xbf16, #tpu.memory_space<vmem>>
      %dma_start3A_751 = tpu.memref_squeeze %dma_start3A_750 : memref<1x80x64xbf16, #tpu.memory_space<vmem>> -> memref<80x64xbf16, #tpu.memory_space<vmem>>
      %dma_start3A_752 = tpu.memref_slice %arg7[%mul3A_746] : memref<10000xi32, #tpu.memory_space<vmem>> -> memref<80xi32, #tpu.memory_space<vmem>>
      %dma_start3A_753 = arith.constant 0 : i32
      %dma_start3A_754 = arith.constant 0 : i32
      %dma_start3A_755 = tpu.memref_slice %arg10[%dma_start3A_753, %dma_start3A_754] : memref<10112x64xbf16, #tpu.memory_space<vmem_shared>> -> memref<10112x64xbf16, #tpu.memory_space<vmem_shared>>
      tpu.enqueue_indirect_dma source(%dma_start3A_751 : memref<80x64xbf16, #tpu.memory_space<vmem>>) target(%dma_start3A_755 : memref<10112x64xbf16, #tpu.memory_space<vmem_shared>>) offsets(%dma_start3A_752 : memref<80xi32, #tpu.memory_space<vmem>>) semaphore(%arg14 : memref<!tpu.dma_semaphore, #tpu.memory_space<semaphore_mem>>) {add = true}
      %add3A_756 = arith.constant 3 : i32
      %add3A_757 = arith.addi %add3A_347, %add3A_756 : i32
      %mul3A_758 = arith.constant 80 : i32
      %mul3A_759 = arith.muli %add3A_757, %mul3A_758 : i32
      %dma_start3A_760 = arith.constant 3 : i32
      %dma_start3A_761 = arith.constant 0 : i32
      %dma_start3A_762 = arith.constant 0 : i32
      %dma_start3A_763 = tpu.memref_slice %arg9[%dma_start3A_760, %dma_start3A_761, %dma_start3A_762] : memref<5x80x64xbf16, #tpu.memory_space<vmem>> -> memref<1x80x64xbf16, #tpu.memory_space<vmem>>
      %dma_start3A_764 = tpu.memref_squeeze %dma_start3A_763 : memref<1x80x64xbf16, #tpu.memory_space<vmem>> -> memref<80x64xbf16, #tpu.memory_space<vmem>>
      %dma_start3A_765 = tpu.memref_slice %arg7[%mul3A_759] : memref<10000xi32, #tpu.memory_space<vmem>> -> memref<80xi32, #tpu.memory_space<vmem>>
      %dma_start3A_766 = arith.constant 0 : i32
      %dma_start3A_767 = arith.constant 0 : i32
      %dma_start3A_768 = tpu.memref_slice %arg10[%dma_start3A_766, %dma_start3A_767] : memref<10112x64xbf16, #tpu.memory_space<vmem_shared>> -> memref<10112x64xbf16, #tpu.memory_space<vmem_shared>>
      tpu.enqueue_indirect_dma source(%dma_start3A_764 : memref<80x64xbf16, #tpu.memory_space<vmem>>) target(%dma_start3A_768 : memref<10112x64xbf16, #tpu.memory_space<vmem_shared>>) offsets(%dma_start3A_765 : memref<80xi32, #tpu.memory_space<vmem>>) semaphore(%arg14 : memref<!tpu.dma_semaphore, #tpu.memory_space<semaphore_mem>>) {add = true}
      %add3A_769 = arith.constant 4 : i32
      %add3A_770 = arith.addi %add3A_347, %add3A_769 : i32
      %mul3A_771 = arith.constant 80 : i32
      %mul3A_772 = arith.muli %add3A_770, %mul3A_771 : i32
      %dma_start3A_773 = arith.constant 4 : i32
      %dma_start3A_774 = arith.constant 0 : i32
      %dma_start3A_775 = arith.constant 0 : i32
      %dma_start3A_776 = tpu.memref_slice %arg9[%dma_start3A_773, %dma_start3A_774, %dma_start3A_775] : memref<5x80x64xbf16, #tpu.memory_space<vmem>> -> memref<1x80x64xbf16, #tpu.memory_space<vmem>>
      %dma_start3A_777 = tpu.memref_squeeze %dma_start3A_776 : memref<1x80x64xbf16, #tpu.memory_space<vmem>> -> memref<80x64xbf16, #tpu.memory_space<vmem>>
      %dma_start3A_778 = tpu.memref_slice %arg7[%mul3A_772] : memref<10000xi32, #tpu.memory_space<vmem>> -> memref<80xi32, #tpu.memory_space<vmem>>
      %dma_start3A_779 = arith.constant 0 : i32
      %dma_start3A_780 = arith.constant 0 : i32
      %dma_start3A_781 = tpu.memref_slice %arg10[%dma_start3A_779, %dma_start3A_780] : memref<10112x64xbf16, #tpu.memory_space<vmem_shared>> -> memref<10112x64xbf16, #tpu.memory_space<vmem_shared>>
      tpu.enqueue_indirect_dma source(%dma_start3A_777 : memref<80x64xbf16, #tpu.memory_space<vmem>>) target(%dma_start3A_781 : memref<10112x64xbf16, #tpu.memory_space<vmem_shared>>) offsets(%dma_start3A_778 : memref<80xi32, #tpu.memory_space<vmem>>) semaphore(%arg14 : memref<!tpu.dma_semaphore, #tpu.memory_space<semaphore_mem>>) {add = true}
    }
    %scan3A_61 = arith.constant 12 : i32
    %dma_wait3A = arith.constant 0 : i32
    %dma_wait3A_62 = arith.constant 0 : i32
    %dma_wait3A_63 = arith.constant 0 : i32
    %dma_wait3A_64 = tpu.memref_slice %arg9[%dma_wait3A, %dma_wait3A_62, %dma_wait3A_63] : memref<5x80x64xbf16, #tpu.memory_space<vmem>> -> memref<1x80x64xbf16, #tpu.memory_space<vmem>>
    %dma_wait3A_65 = tpu.memref_squeeze %dma_wait3A_64 : memref<1x80x64xbf16, #tpu.memory_space<vmem>> -> memref<80x64xbf16, #tpu.memory_space<vmem>>
    %dma_wait3A_66 = arith.constant 0 : i32
    %dma_wait3A_67 = arith.constant 0 : i32
    %dma_wait3A_68 = tpu.memref_slice %arg4[%dma_wait3A_66, %dma_wait3A_67] : memref<632x64xbf16, #tpu.memory_space<hbm>> -> memref<80x64xbf16, #tpu.memory_space<hbm>>
    %dma_wait3A_69 = arith.constant 0 : i32
    %dma_wait3A_70 = arith.constant 0 : i32
    %dma_wait3A_71 = tpu.memref_slice %arg9[%dma_wait3A, %dma_wait3A_69, %dma_wait3A_70] : memref<5x80x64xbf16, #tpu.memory_space<vmem>> -> memref<1x80x64xbf16, #tpu.memory_space<vmem>>
    %dma_wait3A_72 = tpu.memref_squeeze %dma_wait3A_71 : memref<1x80x64xbf16, #tpu.memory_space<vmem>> -> memref<80x64xbf16, #tpu.memory_space<vmem>>
    %dma_wait3A_73 = arith.constant 0 : i32
    %dma_wait3A_74 = arith.constant 0 : i32
    %dma_wait3A_75 = tpu.memref_slice %arg4[%dma_wait3A_73, %dma_wait3A_74] : memref<632x64xbf16, #tpu.memory_space<hbm>> -> memref<80x64xbf16, #tpu.memory_space<hbm>>
    tpu.wait_dma2 semaphore(%arg14 : memref<!tpu.dma_semaphore, #tpu.memory_space<semaphore_mem>>) src(%dma_wait3A_75 : memref<80x64xbf16, #tpu.memory_space<hbm>>) dst(%dma_wait3A_72 : memref<80x64xbf16, #tpu.memory_space<vmem>>)
    %dma_wait3A_76 = arith.constant 1 : i32
    %dma_wait3A_77 = arith.constant 0 : i32
    %dma_wait3A_78 = arith.constant 0 : i32
    %dma_wait3A_79 = tpu.memref_slice %arg9[%dma_wait3A_76, %dma_wait3A_77, %dma_wait3A_78] : memref<5x80x64xbf16, #tpu.memory_space<vmem>> -> memref<1x80x64xbf16, #tpu.memory_space<vmem>>
    %dma_wait3A_80 = tpu.memref_squeeze %dma_wait3A_79 : memref<1x80x64xbf16, #tpu.memory_space<vmem>> -> memref<80x64xbf16, #tpu.memory_space<vmem>>
    %dma_wait3A_81 = arith.constant 0 : i32
    %dma_wait3A_82 = arith.constant 0 : i32
    %dma_wait3A_83 = tpu.memref_slice %arg4[%dma_wait3A_81, %dma_wait3A_82] : memref<632x64xbf16, #tpu.memory_space<hbm>> -> memref<80x64xbf16, #tpu.memory_space<hbm>>
    %dma_wait3A_84 = arith.constant 0 : i32
    %dma_wait3A_85 = arith.constant 0 : i32
    %dma_wait3A_86 = tpu.memref_slice %arg9[%dma_wait3A_76, %dma_wait3A_84, %dma_wait3A_85] : memref<5x80x64xbf16, #tpu.memory_space<vmem>> -> memref<1x80x64xbf16, #tpu.memory_space<vmem>>
    %dma_wait3A_87 = tpu.memref_squeeze %dma_wait3A_86 : memref<1x80x64xbf16, #tpu.memory_space<vmem>> -> memref<80x64xbf16, #tpu.memory_space<vmem>>
    %dma_wait3A_88 = arith.constant 0 : i32
    %dma_wait3A_89 = arith.constant 0 : i32
    %dma_wait3A_90 = tpu.memref_slice %arg4[%dma_wait3A_88, %dma_wait3A_89] : memref<632x64xbf16, #tpu.memory_space<hbm>> -> memref<80x64xbf16, #tpu.memory_space<hbm>>
    tpu.wait_dma2 semaphore(%arg14 : memref<!tpu.dma_semaphore, #tpu.memory_space<semaphore_mem>>) src(%dma_wait3A_90 : memref<80x64xbf16, #tpu.memory_space<hbm>>) dst(%dma_wait3A_87 : memref<80x64xbf16, #tpu.memory_space<vmem>>)
    %dma_wait3A_91 = arith.constant 2 : i32
    %dma_wait3A_92 = arith.constant 0 : i32
    %dma_wait3A_93 = arith.constant 0 : i32
    %dma_wait3A_94 = tpu.memref_slice %arg9[%dma_wait3A_91, %dma_wait3A_92, %dma_wait3A_93] : memref<5x80x64xbf16, #tpu.memory_space<vmem>> -> memref<1x80x64xbf16, #tpu.memory_space<vmem>>
    %dma_wait3A_95 = tpu.memref_squeeze %dma_wait3A_94 : memref<1x80x64xbf16, #tpu.memory_space<vmem>> -> memref<80x64xbf16, #tpu.memory_space<vmem>>
    %dma_wait3A_96 = arith.constant 0 : i32
    %dma_wait3A_97 = arith.constant 0 : i32
    %dma_wait3A_98 = tpu.memref_slice %arg4[%dma_wait3A_96, %dma_wait3A_97] : memref<632x64xbf16, #tpu.memory_space<hbm>> -> memref<80x64xbf16, #tpu.memory_space<hbm>>
    %dma_wait3A_99 = arith.constant 0 : i32
    %dma_wait3A_100 = arith.constant 0 : i32
    %dma_wait3A_101 = tpu.memref_slice %arg9[%dma_wait3A_91, %dma_wait3A_99, %dma_wait3A_100] : memref<5x80x64xbf16, #tpu.memory_space<vmem>> -> memref<1x80x64xbf16, #tpu.memory_space<vmem>>
    %dma_wait3A_102 = tpu.memref_squeeze %dma_wait3A_101 : memref<1x80x64xbf16, #tpu.memory_space<vmem>> -> memref<80x64xbf16, #tpu.memory_space<vmem>>
    %dma_wait3A_103 = arith.constant 0 : i32
    %dma_wait3A_104 = arith.constant 0 : i32
    %dma_wait3A_105 = tpu.memref_slice %arg4[%dma_wait3A_103, %dma_wait3A_104] : memref<632x64xbf16, #tpu.memory_space<hbm>> -> memref<80x64xbf16, #tpu.memory_space<hbm>>
    tpu.wait_dma2 semaphore(%arg14 : memref<!tpu.dma_semaphore, #tpu.memory_space<semaphore_mem>>) src(%dma_wait3A_105 : memref<80x64xbf16, #tpu.memory_space<hbm>>) dst(%dma_wait3A_102 : memref<80x64xbf16, #tpu.memory_space<vmem>>)
    %dma_wait3A_106 = arith.constant 3 : i32
    %dma_wait3A_107 = arith.constant 0 : i32
    %dma_wait3A_108 = arith.constant 0 : i32
    %dma_wait3A_109 = tpu.memref_slice %arg9[%dma_wait3A_106, %dma_wait3A_107, %dma_wait3A_108] : memref<5x80x64xbf16, #tpu.memory_space<vmem>> -> memref<1x80x64xbf16, #tpu.memory_space<vmem>>
    %dma_wait3A_110 = tpu.memref_squeeze %dma_wait3A_109 : memref<1x80x64xbf16, #tpu.memory_space<vmem>> -> memref<80x64xbf16, #tpu.memory_space<vmem>>
    %dma_wait3A_111 = arith.constant 0 : i32
    %dma_wait3A_112 = arith.constant 0 : i32
    %dma_wait3A_113 = tpu.memref_slice %arg4[%dma_wait3A_111, %dma_wait3A_112] : memref<632x64xbf16, #tpu.memory_space<hbm>> -> memref<80x64xbf16, #tpu.memory_space<hbm>>
    %dma_wait3A_114 = arith.constant 0 : i32
    %dma_wait3A_115 = arith.constant 0 : i32
    %dma_wait3A_116 = tpu.memref_slice %arg9[%dma_wait3A_106, %dma_wait3A_114, %dma_wait3A_115] : memref<5x80x64xbf16, #tpu.memory_space<vmem>> -> memref<1x80x64xbf16, #tpu.memory_space<vmem>>
    %dma_wait3A_117 = tpu.memref_squeeze %dma_wait3A_116 : memref<1x80x64xbf16, #tpu.memory_space<vmem>> -> memref<80x64xbf16, #tpu.memory_space<vmem>>
    %dma_wait3A_118 = arith.constant 0 : i32
    %dma_wait3A_119 = arith.constant 0 : i32
    %dma_wait3A_120 = tpu.memref_slice %arg4[%dma_wait3A_118, %dma_wait3A_119] : memref<632x64xbf16, #tpu.memory_space<hbm>> -> memref<80x64xbf16, #tpu.memory_space<hbm>>
    tpu.wait_dma2 semaphore(%arg14 : memref<!tpu.dma_semaphore, #tpu.memory_space<semaphore_mem>>) src(%dma_wait3A_120 : memref<80x64xbf16, #tpu.memory_space<hbm>>) dst(%dma_wait3A_117 : memref<80x64xbf16, #tpu.memory_space<vmem>>)
    %dma_wait3A_121 = arith.constant 4 : i32
    %dma_wait3A_122 = arith.constant 0 : i32
    %dma_wait3A_123 = arith.constant 0 : i32
    %dma_wait3A_124 = tpu.memref_slice %arg9[%dma_wait3A_121, %dma_wait3A_122, %dma_wait3A_123] : memref<5x80x64xbf16, #tpu.memory_space<vmem>> -> memref<1x80x64xbf16, #tpu.memory_space<vmem>>
    %dma_wait3A_125 = tpu.memref_squeeze %dma_wait3A_124 : memref<1x80x64xbf16, #tpu.memory_space<vmem>> -> memref<80x64xbf16, #tpu.memory_space<vmem>>
    %dma_wait3A_126 = arith.constant 0 : i32
    %dma_wait3A_127 = arith.constant 0 : i32
    %dma_wait3A_128 = tpu.memref_slice %arg4[%dma_wait3A_126, %dma_wait3A_127] : memref<632x64xbf16, #tpu.memory_space<hbm>> -> memref<80x64xbf16, #tpu.memory_space<hbm>>
    %dma_wait3A_129 = arith.constant 0 : i32
    %dma_wait3A_130 = arith.constant 0 : i32
    %dma_wait3A_131 = tpu.memref_slice %arg9[%dma_wait3A_121, %dma_wait3A_129, %dma_wait3A_130] : memref<5x80x64xbf16, #tpu.memory_space<vmem>> -> memref<1x80x64xbf16, #tpu.memory_space<vmem>>
    %dma_wait3A_132 = tpu.memref_squeeze %dma_wait3A_131 : memref<1x80x64xbf16, #tpu.memory_space<vmem>> -> memref<80x64xbf16, #tpu.memory_space<vmem>>
    %dma_wait3A_133 = arith.constant 0 : i32
    %dma_wait3A_134 = arith.constant 0 : i32
    %dma_wait3A_135 = tpu.memref_slice %arg4[%dma_wait3A_133, %dma_wait3A_134] : memref<632x64xbf16, #tpu.memory_space<hbm>> -> memref<80x64xbf16, #tpu.memory_space<hbm>>
    tpu.wait_dma2 semaphore(%arg14 : memref<!tpu.dma_semaphore, #tpu.memory_space<semaphore_mem>>) src(%dma_wait3A_135 : memref<80x64xbf16, #tpu.memory_space<hbm>>) dst(%dma_wait3A_132 : memref<80x64xbf16, #tpu.memory_space<vmem>>)
    %dma_wait3A_136 = arith.constant 0 : i32
    %dma_wait3A_137 = arith.constant 0 : i32
    %dma_wait3A_138 = arith.constant 0 : i32
    %dma_wait3A_139 = tpu.memref_slice %arg8[%dma_wait3A_136, %dma_wait3A_137, %dma_wait3A_138] : memref<5x80x64xbf16, #tpu.memory_space<vmem>> -> memref<1x80x64xbf16, #tpu.memory_space<vmem>>
    %dma_wait3A_140 = tpu.memref_squeeze %dma_wait3A_139 : memref<1x80x64xbf16, #tpu.memory_space<vmem>> -> memref<80x64xbf16, #tpu.memory_space<vmem>>
    %dma_wait3A_141 = arith.constant 0 : i32
    %dma_wait3A_142 = arith.constant 0 : i32
    %dma_wait3A_143 = tpu.memref_slice %arg4[%dma_wait3A_141, %dma_wait3A_142] : memref<632x64xbf16, #tpu.memory_space<hbm>> -> memref<80x64xbf16, #tpu.memory_space<hbm>>
    %dma_wait3A_144 = arith.constant 0 : i32
    %dma_wait3A_145 = arith.constant 0 : i32
    %dma_wait3A_146 = tpu.memref_slice %arg8[%dma_wait3A_136, %dma_wait3A_144, %dma_wait3A_145] : memref<5x80x64xbf16, #tpu.memory_space<vmem>> -> memref<1x80x64xbf16, #tpu.memory_space<vmem>>
    %dma_wait3A_147 = tpu.memref_squeeze %dma_wait3A_146 : memref<1x80x64xbf16, #tpu.memory_space<vmem>> -> memref<80x64xbf16, #tpu.memory_space<vmem>>
    %dma_wait3A_148 = arith.constant 0 : i32
    %dma_wait3A_149 = arith.constant 0 : i32
    %dma_wait3A_150 = tpu.memref_slice %arg4[%dma_wait3A_148, %dma_wait3A_149] : memref<632x64xbf16, #tpu.memory_space<hbm>> -> memref<80x64xbf16, #tpu.memory_space<hbm>>
    tpu.wait_dma2 semaphore(%arg11 : memref<!tpu.dma_semaphore, #tpu.memory_space<semaphore_mem>>) src(%dma_wait3A_150 : memref<80x64xbf16, #tpu.memory_space<hbm>>) dst(%dma_wait3A_147 : memref<80x64xbf16, #tpu.memory_space<vmem>>)
    %dma_wait3A_151 = arith.constant 1 : i32
    %dma_wait3A_152 = arith.constant 0 : i32
    %dma_wait3A_153 = arith.constant 0 : i32
    %dma_wait3A_154 = tpu.memref_slice %arg8[%dma_wait3A_151, %dma_wait3A_152, %dma_wait3A_153] : memref<5x80x64xbf16, #tpu.memory_space<vmem>> -> memref<1x80x64xbf16, #tpu.memory_space<vmem>>
    %dma_wait3A_155 = tpu.memref_squeeze %dma_wait3A_154 : memref<1x80x64xbf16, #tpu.memory_space<vmem>> -> memref<80x64xbf16, #tpu.memory_space<vmem>>
    %dma_wait3A_156 = arith.constant 0 : i32
    %dma_wait3A_157 = arith.constant 0 : i32
    %dma_wait3A_158 = tpu.memref_slice %arg4[%dma_wait3A_156, %dma_wait3A_157] : memref<632x64xbf16, #tpu.memory_space<hbm>> -> memref<80x64xbf16, #tpu.memory_space<hbm>>
    %dma_wait3A_159 = arith.constant 0 : i32
    %dma_wait3A_160 = arith.constant 0 : i32
    %dma_wait3A_161 = tpu.memref_slice %arg8[%dma_wait3A_151, %dma_wait3A_159, %dma_wait3A_160] : memref<5x80x64xbf16, #tpu.memory_space<vmem>> -> memref<1x80x64xbf16, #tpu.memory_space<vmem>>
    %dma_wait3A_162 = tpu.memref_squeeze %dma_wait3A_161 : memref<1x80x64xbf16, #tpu.memory_space<vmem>> -> memref<80x64xbf16, #tpu.memory_space<vmem>>
    %dma_wait3A_163 = arith.constant 0 : i32
    %dma_wait3A_164 = arith.constant 0 : i32
    %dma_wait3A_165 = tpu.memref_slice %arg4[%dma_wait3A_163, %dma_wait3A_164] : memref<632x64xbf16, #tpu.memory_space<hbm>> -> memref<80x64xbf16, #tpu.memory_space<hbm>>
    tpu.wait_dma2 semaphore(%arg11 : memref<!tpu.dma_semaphore, #tpu.memory_space<semaphore_mem>>) src(%dma_wait3A_165 : memref<80x64xbf16, #tpu.memory_space<hbm>>) dst(%dma_wait3A_162 : memref<80x64xbf16, #tpu.memory_space<vmem>>)
    %dma_wait3A_166 = arith.constant 2 : i32
    %dma_wait3A_167 = arith.constant 0 : i32
    %dma_wait3A_168 = arith.constant 0 : i32
    %dma_wait3A_169 = tpu.memref_slice %arg8[%dma_wait3A_166, %dma_wait3A_167, %dma_wait3A_168] : memref<5x80x64xbf16, #tpu.memory_space<vmem>> -> memref<1x80x64xbf16, #tpu.memory_space<vmem>>
    %dma_wait3A_170 = tpu.memref_squeeze %dma_wait3A_169 : memref<1x80x64xbf16, #tpu.memory_space<vmem>> -> memref<80x64xbf16, #tpu.memory_space<vmem>>
    %dma_wait3A_171 = arith.constant 0 : i32
    %dma_wait3A_172 = arith.constant 0 : i32
    %dma_wait3A_173 = tpu.memref_slice %arg4[%dma_wait3A_171, %dma_wait3A_172] : memref<632x64xbf16, #tpu.memory_space<hbm>> -> memref<80x64xbf16, #tpu.memory_space<hbm>>
    %dma_wait3A_174 = arith.constant 0 : i32
    %dma_wait3A_175 = arith.constant 0 : i32
    %dma_wait3A_176 = tpu.memref_slice %arg8[%dma_wait3A_166, %dma_wait3A_174, %dma_wait3A_175] : memref<5x80x64xbf16, #tpu.memory_space<vmem>> -> memref<1x80x64xbf16, #tpu.memory_space<vmem>>
    %dma_wait3A_177 = tpu.memref_squeeze %dma_wait3A_176 : memref<1x80x64xbf16, #tpu.memory_space<vmem>> -> memref<80x64xbf16, #tpu.memory_space<vmem>>
    %dma_wait3A_178 = arith.constant 0 : i32
    %dma_wait3A_179 = arith.constant 0 : i32
    %dma_wait3A_180 = tpu.memref_slice %arg4[%dma_wait3A_178, %dma_wait3A_179] : memref<632x64xbf16, #tpu.memory_space<hbm>> -> memref<80x64xbf16, #tpu.memory_space<hbm>>
    tpu.wait_dma2 semaphore(%arg11 : memref<!tpu.dma_semaphore, #tpu.memory_space<semaphore_mem>>) src(%dma_wait3A_180 : memref<80x64xbf16, #tpu.memory_space<hbm>>) dst(%dma_wait3A_177 : memref<80x64xbf16, #tpu.memory_space<vmem>>)
    %dma_wait3A_181 = arith.constant 3 : i32
    %dma_wait3A_182 = arith.constant 0 : i32
    %dma_wait3A_183 = arith.constant 0 : i32
    %dma_wait3A_184 = tpu.memref_slice %arg8[%dma_wait3A_181, %dma_wait3A_182, %dma_wait3A_183] : memref<5x80x64xbf16, #tpu.memory_space<vmem>> -> memref<1x80x64xbf16, #tpu.memory_space<vmem>>
    %dma_wait3A_185 = tpu.memref_squeeze %dma_wait3A_184 : memref<1x80x64xbf16, #tpu.memory_space<vmem>> -> memref<80x64xbf16, #tpu.memory_space<vmem>>
    %dma_wait3A_186 = arith.constant 0 : i32
    %dma_wait3A_187 = arith.constant 0 : i32
    %dma_wait3A_188 = tpu.memref_slice %arg4[%dma_wait3A_186, %dma_wait3A_187] : memref<632x64xbf16, #tpu.memory_space<hbm>> -> memref<80x64xbf16, #tpu.memory_space<hbm>>
    %dma_wait3A_189 = arith.constant 0 : i32
    %dma_wait3A_190 = arith.constant 0 : i32
    %dma_wait3A_191 = tpu.memref_slice %arg8[%dma_wait3A_181, %dma_wait3A_189, %dma_wait3A_190] : memref<5x80x64xbf16, #tpu.memory_space<vmem>> -> memref<1x80x64xbf16, #tpu.memory_space<vmem>>
    %dma_wait3A_192 = tpu.memref_squeeze %dma_wait3A_191 : memref<1x80x64xbf16, #tpu.memory_space<vmem>> -> memref<80x64xbf16, #tpu.memory_space<vmem>>
    %dma_wait3A_193 = arith.constant 0 : i32
    %dma_wait3A_194 = arith.constant 0 : i32
    %dma_wait3A_195 = tpu.memref_slice %arg4[%dma_wait3A_193, %dma_wait3A_194] : memref<632x64xbf16, #tpu.memory_space<hbm>> -> memref<80x64xbf16, #tpu.memory_space<hbm>>
    tpu.wait_dma2 semaphore(%arg11 : memref<!tpu.dma_semaphore, #tpu.memory_space<semaphore_mem>>) src(%dma_wait3A_195 : memref<80x64xbf16, #tpu.memory_space<hbm>>) dst(%dma_wait3A_192 : memref<80x64xbf16, #tpu.memory_space<vmem>>)
    %dma_wait3A_196 = arith.constant 4 : i32
    %dma_wait3A_197 = arith.constant 0 : i32
    %dma_wait3A_198 = arith.constant 0 : i32
    %dma_wait3A_199 = tpu.memref_slice %arg8[%dma_wait3A_196, %dma_wait3A_197, %dma_wait3A_198] : memref<5x80x64xbf16, #tpu.memory_space<vmem>> -> memref<1x80x64xbf16, #tpu.memory_space<vmem>>
    %dma_wait3A_200 = tpu.memref_squeeze %dma_wait3A_199 : memref<1x80x64xbf16, #tpu.memory_space<vmem>> -> memref<80x64xbf16, #tpu.memory_space<vmem>>
    %dma_wait3A_201 = arith.constant 0 : i32
    %dma_wait3A_202 = arith.constant 0 : i32
    %dma_wait3A_203 = tpu.memref_slice %arg4[%dma_wait3A_201, %dma_wait3A_202] : memref<632x64xbf16, #tpu.memory_space<hbm>> -> memref<80x64xbf16, #tpu.memory_space<hbm>>
    %dma_wait3A_204 = arith.constant 0 : i32
    %dma_wait3A_205 = arith.constant 0 : i32
    %dma_wait3A_206 = tpu.memref_slice %arg8[%dma_wait3A_196, %dma_wait3A_204, %dma_wait3A_205] : memref<5x80x64xbf16, #tpu.memory_space<vmem>> -> memref<1x80x64xbf16, #tpu.memory_space<vmem>>
    %dma_wait3A_207 = tpu.memref_squeeze %dma_wait3A_206 : memref<1x80x64xbf16, #tpu.memory_space<vmem>> -> memref<80x64xbf16, #tpu.memory_space<vmem>>
    %dma_wait3A_208 = arith.constant 0 : i32
    %dma_wait3A_209 = arith.constant 0 : i32
    %dma_wait3A_210 = tpu.memref_slice %arg4[%dma_wait3A_208, %dma_wait3A_209] : memref<632x64xbf16, #tpu.memory_space<hbm>> -> memref<80x64xbf16, #tpu.memory_space<hbm>>
    tpu.wait_dma2 semaphore(%arg11 : memref<!tpu.dma_semaphore, #tpu.memory_space<semaphore_mem>>) src(%dma_wait3A_210 : memref<80x64xbf16, #tpu.memory_space<hbm>>) dst(%dma_wait3A_207 : memref<80x64xbf16, #tpu.memory_space<vmem>>)
    %dma_start3A_211 = arith.constant 0 : i32
    %dma_start3A_212 = arith.constant 0 : i32
    %dma_start3A_213 = arith.constant 0 : i32
    %dma_start3A_214 = tpu.memref_slice %arg8[%dma_start3A_211, %dma_start3A_212, %dma_start3A_213] : memref<5x80x64xbf16, #tpu.memory_space<vmem>> -> memref<1x80x64xbf16, #tpu.memory_space<vmem>>
    %dma_start3A_215 = tpu.memref_squeeze %dma_start3A_214 : memref<1x80x64xbf16, #tpu.memory_space<vmem>> -> memref<80x64xbf16, #tpu.memory_space<vmem>>
    %dma_start3A_216 = arith.constant 9600 : i32
    %dma_start3A_217 = tpu.memref_slice %arg7[%dma_start3A_216] : memref<10000xi32, #tpu.memory_space<vmem>> -> memref<80xi32, #tpu.memory_space<vmem>>
    %dma_start3A_218 = arith.constant 0 : i32
    %dma_start3A_219 = arith.constant 0 : i32
    %dma_start3A_220 = tpu.memref_slice %arg10[%dma_start3A_218, %dma_start3A_219] : memref<10112x64xbf16, #tpu.memory_space<vmem_shared>> -> memref<10112x64xbf16, #tpu.memory_space<vmem_shared>>
    tpu.enqueue_indirect_dma source(%dma_start3A_215 : memref<80x64xbf16, #tpu.memory_space<vmem>>) target(%dma_start3A_220 : memref<10112x64xbf16, #tpu.memory_space<vmem_shared>>) offsets(%dma_start3A_217 : memref<80xi32, #tpu.memory_space<vmem>>) semaphore(%arg13 : memref<!tpu.dma_semaphore, #tpu.memory_space<semaphore_mem>>) {add = true}
    %dma_start3A_221 = arith.constant 1 : i32
    %dma_start3A_222 = arith.constant 0 : i32
    %dma_start3A_223 = arith.constant 0 : i32
    %dma_start3A_224 = tpu.memref_slice %arg8[%dma_start3A_221, %dma_start3A_222, %dma_start3A_223] : memref<5x80x64xbf16, #tpu.memory_space<vmem>> -> memref<1x80x64xbf16, #tpu.memory_space<vmem>>
    %dma_start3A_225 = tpu.memref_squeeze %dma_start3A_224 : memref<1x80x64xbf16, #tpu.memory_space<vmem>> -> memref<80x64xbf16, #tpu.memory_space<vmem>>
    %dma_start3A_226 = arith.constant 9680 : i32
    %dma_start3A_227 = tpu.memref_slice %arg7[%dma_start3A_226] : memref<10000xi32, #tpu.memory_space<vmem>> -> memref<80xi32, #tpu.memory_space<vmem>>
    %dma_start3A_228 = arith.constant 0 : i32
    %dma_start3A_229 = arith.constant 0 : i32
    %dma_start3A_230 = tpu.memref_slice %arg10[%dma_start3A_228, %dma_start3A_229] : memref<10112x64xbf16, #tpu.memory_space<vmem_shared>> -> memref<10112x64xbf16, #tpu.memory_space<vmem_shared>>
    tpu.enqueue_indirect_dma source(%dma_start3A_225 : memref<80x64xbf16, #tpu.memory_space<vmem>>) target(%dma_start3A_230 : memref<10112x64xbf16, #tpu.memory_space<vmem_shared>>) offsets(%dma_start3A_227 : memref<80xi32, #tpu.memory_space<vmem>>) semaphore(%arg13 : memref<!tpu.dma_semaphore, #tpu.memory_space<semaphore_mem>>) {add = true}
    %dma_start3A_231 = arith.constant 2 : i32
    %dma_start3A_232 = arith.constant 0 : i32
    %dma_start3A_233 = arith.constant 0 : i32
    %dma_start3A_234 = tpu.memref_slice %arg8[%dma_start3A_231, %dma_start3A_232, %dma_start3A_233] : memref<5x80x64xbf16, #tpu.memory_space<vmem>> -> memref<1x80x64xbf16, #tpu.memory_space<vmem>>
    %dma_start3A_235 = tpu.memref_squeeze %dma_start3A_234 : memref<1x80x64xbf16, #tpu.memory_space<vmem>> -> memref<80x64xbf16, #tpu.memory_space<vmem>>
    %dma_start3A_236 = arith.constant 9760 : i32
    %dma_start3A_237 = tpu.memref_slice %arg7[%dma_start3A_236] : memref<10000xi32, #tpu.memory_space<vmem>> -> memref<80xi32, #tpu.memory_space<vmem>>
    %dma_start3A_238 = arith.constant 0 : i32
    %dma_start3A_239 = arith.constant 0 : i32
    %dma_start3A_240 = tpu.memref_slice %arg10[%dma_start3A_238, %dma_start3A_239] : memref<10112x64xbf16, #tpu.memory_space<vmem_shared>> -> memref<10112x64xbf16, #tpu.memory_space<vmem_shared>>
    tpu.enqueue_indirect_dma source(%dma_start3A_235 : memref<80x64xbf16, #tpu.memory_space<vmem>>) target(%dma_start3A_240 : memref<10112x64xbf16, #tpu.memory_space<vmem_shared>>) offsets(%dma_start3A_237 : memref<80xi32, #tpu.memory_space<vmem>>) semaphore(%arg13 : memref<!tpu.dma_semaphore, #tpu.memory_space<semaphore_mem>>) {add = true}
    %dma_start3A_241 = arith.constant 3 : i32
    %dma_start3A_242 = arith.constant 0 : i32
    %dma_start3A_243 = arith.constant 0 : i32
    %dma_start3A_244 = tpu.memref_slice %arg8[%dma_start3A_241, %dma_start3A_242, %dma_start3A_243] : memref<5x80x64xbf16, #tpu.memory_space<vmem>> -> memref<1x80x64xbf16, #tpu.memory_space<vmem>>
    %dma_start3A_245 = tpu.memref_squeeze %dma_start3A_244 : memref<1x80x64xbf16, #tpu.memory_space<vmem>> -> memref<80x64xbf16, #tpu.memory_space<vmem>>
    %dma_start3A_246 = arith.constant 9840 : i32
    %dma_start3A_247 = tpu.memref_slice %arg7[%dma_start3A_246] : memref<10000xi32, #tpu.memory_space<vmem>> -> memref<80xi32, #tpu.memory_space<vmem>>
    %dma_start3A_248 = arith.constant 0 : i32
    %dma_start3A_249 = arith.constant 0 : i32
    %dma_start3A_250 = tpu.memref_slice %arg10[%dma_start3A_248, %dma_start3A_249] : memref<10112x64xbf16, #tpu.memory_space<vmem_shared>> -> memref<10112x64xbf16, #tpu.memory_space<vmem_shared>>
    tpu.enqueue_indirect_dma source(%dma_start3A_245 : memref<80x64xbf16, #tpu.memory_space<vmem>>) target(%dma_start3A_250 : memref<10112x64xbf16, #tpu.memory_space<vmem_shared>>) offsets(%dma_start3A_247 : memref<80xi32, #tpu.memory_space<vmem>>) semaphore(%arg13 : memref<!tpu.dma_semaphore, #tpu.memory_space<semaphore_mem>>) {add = true}
    %dma_start3A_251 = arith.constant 4 : i32
    %dma_start3A_252 = arith.constant 0 : i32
    %dma_start3A_253 = arith.constant 0 : i32
    %dma_start3A_254 = tpu.memref_slice %arg8[%dma_start3A_251, %dma_start3A_252, %dma_start3A_253] : memref<5x80x64xbf16, #tpu.memory_space<vmem>> -> memref<1x80x64xbf16, #tpu.memory_space<vmem>>
    %dma_start3A_255 = tpu.memref_squeeze %dma_start3A_254 : memref<1x80x64xbf16, #tpu.memory_space<vmem>> -> memref<80x64xbf16, #tpu.memory_space<vmem>>
    %dma_start3A_256 = arith.constant 9920 : i32
    %dma_start3A_257 = tpu.memref_slice %arg7[%dma_start3A_256] : memref<10000xi32, #tpu.memory_space<vmem>> -> memref<80xi32, #tpu.memory_space<vmem>>
    %dma_start3A_258 = arith.constant 0 : i32
    %dma_start3A_259 = arith.constant 0 : i32
    %dma_start3A_260 = tpu.memref_slice %arg10[%dma_start3A_258, %dma_start3A_259] : memref<10112x64xbf16, #tpu.memory_space<vmem_shared>> -> memref<10112x64xbf16, #tpu.memory_space<vmem_shared>>
    tpu.enqueue_indirect_dma source(%dma_start3A_255 : memref<80x64xbf16, #tpu.memory_space<vmem>>) target(%dma_start3A_260 : memref<10112x64xbf16, #tpu.memory_space<vmem_shared>>) offsets(%dma_start3A_257 : memref<80xi32, #tpu.memory_space<vmem>>) semaphore(%arg13 : memref<!tpu.dma_semaphore, #tpu.memory_space<semaphore_mem>>) {add = true}
    %dma_wait3A_261 = arith.constant 0 : i32
    %dma_wait3A_262 = arith.constant 0 : i32
    %dma_wait3A_263 = arith.constant 0 : i32
    %dma_wait3A_264 = tpu.memref_slice %arg8[%dma_wait3A_261, %dma_wait3A_262, %dma_wait3A_263] : memref<5x80x64xbf16, #tpu.memory_space<vmem>> -> memref<1x80x64xbf16, #tpu.memory_space<vmem>>
    %dma_wait3A_265 = tpu.memref_squeeze %dma_wait3A_264 : memref<1x80x64xbf16, #tpu.memory_space<vmem>> -> memref<80x64xbf16, #tpu.memory_space<vmem>>
    %dma_wait3A_266 = arith.constant 0 : i32
    %dma_wait3A_267 = arith.constant 0 : i32
    %dma_wait3A_268 = tpu.memref_slice %arg4[%dma_wait3A_266, %dma_wait3A_267] : memref<632x64xbf16, #tpu.memory_space<hbm>> -> memref<80x64xbf16, #tpu.memory_space<hbm>>
    %dma_wait3A_269 = arith.constant 0 : i32
    %dma_wait3A_270 = arith.constant 0 : i32
    %dma_wait3A_271 = tpu.memref_slice %arg8[%dma_wait3A_261, %dma_wait3A_269, %dma_wait3A_270] : memref<5x80x64xbf16, #tpu.memory_space<vmem>> -> memref<1x80x64xbf16, #tpu.memory_space<vmem>>
    %dma_wait3A_272 = tpu.memref_squeeze %dma_wait3A_271 : memref<1x80x64xbf16, #tpu.memory_space<vmem>> -> memref<80x64xbf16, #tpu.memory_space<vmem>>
    %dma_wait3A_273 = arith.constant 0 : i32
    %dma_wait3A_274 = arith.constant 0 : i32
    %dma_wait3A_275 = tpu.memref_slice %arg4[%dma_wait3A_273, %dma_wait3A_274] : memref<632x64xbf16, #tpu.memory_space<hbm>> -> memref<80x64xbf16, #tpu.memory_space<hbm>>
    tpu.wait_dma2 semaphore(%arg13 : memref<!tpu.dma_semaphore, #tpu.memory_space<semaphore_mem>>) src(%dma_wait3A_275 : memref<80x64xbf16, #tpu.memory_space<hbm>>) dst(%dma_wait3A_272 : memref<80x64xbf16, #tpu.memory_space<vmem>>)
    %dma_wait3A_276 = arith.constant 1 : i32
    %dma_wait3A_277 = arith.constant 0 : i32
    %dma_wait3A_278 = arith.constant 0 : i32
    %dma_wait3A_279 = tpu.memref_slice %arg8[%dma_wait3A_276, %dma_wait3A_277, %dma_wait3A_278] : memref<5x80x64xbf16, #tpu.memory_space<vmem>> -> memref<1x80x64xbf16, #tpu.memory_space<vmem>>
    %dma_wait3A_280 = tpu.memref_squeeze %dma_wait3A_279 : memref<1x80x64xbf16, #tpu.memory_space<vmem>> -> memref<80x64xbf16, #tpu.memory_space<vmem>>
    %dma_wait3A_281 = arith.constant 0 : i32
    %dma_wait3A_282 = arith.constant 0 : i32
    %dma_wait3A_283 = tpu.memref_slice %arg4[%dma_wait3A_281, %dma_wait3A_282] : memref<632x64xbf16, #tpu.memory_space<hbm>> -> memref<80x64xbf16, #tpu.memory_space<hbm>>
    %dma_wait3A_284 = arith.constant 0 : i32
    %dma_wait3A_285 = arith.constant 0 : i32
    %dma_wait3A_286 = tpu.memref_slice %arg8[%dma_wait3A_276, %dma_wait3A_284, %dma_wait3A_285] : memref<5x80x64xbf16, #tpu.memory_space<vmem>> -> memref<1x80x64xbf16, #tpu.memory_space<vmem>>
    %dma_wait3A_287 = tpu.memref_squeeze %dma_wait3A_286 : memref<1x80x64xbf16, #tpu.memory_space<vmem>> -> memref<80x64xbf16, #tpu.memory_space<vmem>>
    %dma_wait3A_288 = arith.constant 0 : i32
    %dma_wait3A_289 = arith.constant 0 : i32
    %dma_wait3A_290 = tpu.memref_slice %arg4[%dma_wait3A_288, %dma_wait3A_289] : memref<632x64xbf16, #tpu.memory_space<hbm>> -> memref<80x64xbf16, #tpu.memory_space<hbm>>
    tpu.wait_dma2 semaphore(%arg13 : memref<!tpu.dma_semaphore, #tpu.memory_space<semaphore_mem>>) src(%dma_wait3A_290 : memref<80x64xbf16, #tpu.memory_space<hbm>>) dst(%dma_wait3A_287 : memref<80x64xbf16, #tpu.memory_space<vmem>>)
    %dma_wait3A_291 = arith.constant 2 : i32
    %dma_wait3A_292 = arith.constant 0 : i32
    %dma_wait3A_293 = arith.constant 0 : i32
    %dma_wait3A_294 = tpu.memref_slice %arg8[%dma_wait3A_291, %dma_wait3A_292, %dma_wait3A_293] : memref<5x80x64xbf16, #tpu.memory_space<vmem>> -> memref<1x80x64xbf16, #tpu.memory_space<vmem>>
    %dma_wait3A_295 = tpu.memref_squeeze %dma_wait3A_294 : memref<1x80x64xbf16, #tpu.memory_space<vmem>> -> memref<80x64xbf16, #tpu.memory_space<vmem>>
    %dma_wait3A_296 = arith.constant 0 : i32
    %dma_wait3A_297 = arith.constant 0 : i32
    %dma_wait3A_298 = tpu.memref_slice %arg4[%dma_wait3A_296, %dma_wait3A_297] : memref<632x64xbf16, #tpu.memory_space<hbm>> -> memref<80x64xbf16, #tpu.memory_space<hbm>>
    %dma_wait3A_299 = arith.constant 0 : i32
    %dma_wait3A_300 = arith.constant 0 : i32
    %dma_wait3A_301 = tpu.memref_slice %arg8[%dma_wait3A_291, %dma_wait3A_299, %dma_wait3A_300] : memref<5x80x64xbf16, #tpu.memory_space<vmem>> -> memref<1x80x64xbf16, #tpu.memory_space<vmem>>
    %dma_wait3A_302 = tpu.memref_squeeze %dma_wait3A_301 : memref<1x80x64xbf16, #tpu.memory_space<vmem>> -> memref<80x64xbf16, #tpu.memory_space<vmem>>
    %dma_wait3A_303 = arith.constant 0 : i32
    %dma_wait3A_304 = arith.constant 0 : i32
    %dma_wait3A_305 = tpu.memref_slice %arg4[%dma_wait3A_303, %dma_wait3A_304] : memref<632x64xbf16, #tpu.memory_space<hbm>> -> memref<80x64xbf16, #tpu.memory_space<hbm>>
    tpu.wait_dma2 semaphore(%arg13 : memref<!tpu.dma_semaphore, #tpu.memory_space<semaphore_mem>>) src(%dma_wait3A_305 : memref<80x64xbf16, #tpu.memory_space<hbm>>) dst(%dma_wait3A_302 : memref<80x64xbf16, #tpu.memory_space<vmem>>)
    %dma_wait3A_306 = arith.constant 3 : i32
    %dma_wait3A_307 = arith.constant 0 : i32
    %dma_wait3A_308 = arith.constant 0 : i32
    %dma_wait3A_309 = tpu.memref_slice %arg8[%dma_wait3A_306, %dma_wait3A_307, %dma_wait3A_308] : memref<5x80x64xbf16, #tpu.memory_space<vmem>> -> memref<1x80x64xbf16, #tpu.memory_space<vmem>>
    %dma_wait3A_310 = tpu.memref_squeeze %dma_wait3A_309 : memref<1x80x64xbf16, #tpu.memory_space<vmem>> -> memref<80x64xbf16, #tpu.memory_space<vmem>>
    %dma_wait3A_311 = arith.constant 0 : i32
    %dma_wait3A_312 = arith.constant 0 : i32
    %dma_wait3A_313 = tpu.memref_slice %arg4[%dma_wait3A_311, %dma_wait3A_312] : memref<632x64xbf16, #tpu.memory_space<hbm>> -> memref<80x64xbf16, #tpu.memory_space<hbm>>
    %dma_wait3A_314 = arith.constant 0 : i32
    %dma_wait3A_315 = arith.constant 0 : i32
    %dma_wait3A_316 = tpu.memref_slice %arg8[%dma_wait3A_306, %dma_wait3A_314, %dma_wait3A_315] : memref<5x80x64xbf16, #tpu.memory_space<vmem>> -> memref<1x80x64xbf16, #tpu.memory_space<vmem>>
    %dma_wait3A_317 = tpu.memref_squeeze %dma_wait3A_316 : memref<1x80x64xbf16, #tpu.memory_space<vmem>> -> memref<80x64xbf16, #tpu.memory_space<vmem>>
    %dma_wait3A_318 = arith.constant 0 : i32
    %dma_wait3A_319 = arith.constant 0 : i32
    %dma_wait3A_320 = tpu.memref_slice %arg4[%dma_wait3A_318, %dma_wait3A_319] : memref<632x64xbf16, #tpu.memory_space<hbm>> -> memref<80x64xbf16, #tpu.memory_space<hbm>>
    tpu.wait_dma2 semaphore(%arg13 : memref<!tpu.dma_semaphore, #tpu.memory_space<semaphore_mem>>) src(%dma_wait3A_320 : memref<80x64xbf16, #tpu.memory_space<hbm>>) dst(%dma_wait3A_317 : memref<80x64xbf16, #tpu.memory_space<vmem>>)
    %dma_wait3A_321 = arith.constant 4 : i32
    %dma_wait3A_322 = arith.constant 0 : i32
    %dma_wait3A_323 = arith.constant 0 : i32
    %dma_wait3A_324 = tpu.memref_slice %arg8[%dma_wait3A_321, %dma_wait3A_322, %dma_wait3A_323] : memref<5x80x64xbf16, #tpu.memory_space<vmem>> -> memref<1x80x64xbf16, #tpu.memory_space<vmem>>
    %dma_wait3A_325 = tpu.memref_squeeze %dma_wait3A_324 : memref<1x80x64xbf16, #tpu.memory_space<vmem>> -> memref<80x64xbf16, #tpu.memory_space<vmem>>
    %dma_wait3A_326 = arith.constant 0 : i32
    %dma_wait3A_327 = arith.constant 0 : i32
    %dma_wait3A_328 = tpu.memref_slice %arg4[%dma_wait3A_326, %dma_wait3A_327] : memref<632x64xbf16, #tpu.memory_space<hbm>> -> memref<80x64xbf16, #tpu.memory_space<hbm>>
    %dma_wait3A_329 = arith.constant 0 : i32
    %dma_wait3A_330 = arith.constant 0 : i32
    %dma_wait3A_331 = tpu.memref_slice %arg8[%dma_wait3A_321, %dma_wait3A_329, %dma_wait3A_330] : memref<5x80x64xbf16, #tpu.memory_space<vmem>> -> memref<1x80x64xbf16, #tpu.memory_space<vmem>>
    %dma_wait3A_332 = tpu.memref_squeeze %dma_wait3A_331 : memref<1x80x64xbf16, #tpu.memory_space<vmem>> -> memref<80x64xbf16, #tpu.memory_space<vmem>>
    %dma_wait3A_333 = arith.constant 0 : i32
    %dma_wait3A_334 = arith.constant 0 : i32
    %dma_wait3A_335 = tpu.memref_slice %arg4[%dma_wait3A_333, %dma_wait3A_334] : memref<632x64xbf16, #tpu.memory_space<hbm>> -> memref<80x64xbf16, #tpu.memory_space<hbm>>
    tpu.wait_dma2 semaphore(%arg13 : memref<!tpu.dma_semaphore, #tpu.memory_space<semaphore_mem>>) src(%dma_wait3A_335 : memref<80x64xbf16, #tpu.memory_space<hbm>>) dst(%dma_wait3A_332 : memref<80x64xbf16, #tpu.memory_space<vmem>>)
    %barrier3A_336 = arith.constant 0 : index
    tpu.barrier barrier_id(%barrier3A_336)
    %mul3A_337 = arith.constant 632 : i32
    %mul3A_338 = arith.muli %arg1, %mul3A_337 : i32
    %mul3A_339 = arith.constant 632 : i32
    %mul3A_340 = arith.muli %arg1, %mul3A_339 : i32
    "tpu.region"() ({
      %run_scoped3A_341 = tpu.sem_alloc : memref<!tpu.dma_semaphore, #tpu.memory_space<semaphore_mem>>
      %dma_start3A_342 = arith.constant 0 : i32
      %dma_start3A_343 = tpu.memref_slice %arg5[%arg0, %mul3A_340, %dma_start3A_342] : memref<2x10112x64xbf16, #tpu.memory_space<hbm>> -> memref<1x632x64xbf16, #tpu.memory_space<hbm>>
      %dma_start3A_344 = tpu.memref_squeeze %dma_start3A_343 : memref<1x632x64xbf16, #tpu.memory_space<hbm>> -> memref<632x64xbf16, #tpu.memory_space<hbm>>
      %dma_start3A_345 = arith.constant 0 : i32
      %dma_start3A_346 = tpu.memref_slice %arg10[%mul3A_338, %dma_start3A_345] : memref<10112x64xbf16, #tpu.memory_space<vmem_shared>> -> memref<632x64xbf16, #tpu.memory_space<vmem_shared>>
      tpu.enqueue_dma source(%dma_start3A_346 : memref<632x64xbf16, #tpu.memory_space<vmem_shared>>) target(%dma_start3A_344 : memref<632x64xbf16, #tpu.memory_space<hbm>>) target_semaphore(%run_scoped3A_341 : memref<!tpu.dma_semaphore, #tpu.memory_space<semaphore_mem>>)
      %dma_wait3A_347 = arith.constant 0 : i32
      %dma_wait3A_348 = tpu.memref_slice %arg5[%arg0, %mul3A_340, %dma_wait3A_347] : memref<2x10112x64xbf16, #tpu.memory_space<hbm>> -> memref<1x632x64xbf16, #tpu.memory_space<hbm>>
      %dma_wait3A_349 = tpu.memref_squeeze %dma_wait3A_348 : memref<1x632x64xbf16, #tpu.memory_space<hbm>> -> memref<632x64xbf16, #tpu.memory_space<hbm>>
      %dma_wait3A_350 = arith.constant 0 : i32
      %dma_wait3A_351 = tpu.memref_slice %arg10[%mul3A_338, %dma_wait3A_350] : memref<10112x64xbf16, #tpu.memory_space<vmem_shared>> -> memref<632x64xbf16, #tpu.memory_space<vmem_shared>>
      tpu.wait_dma2 semaphore(%run_scoped3A_341 : memref<!tpu.dma_semaphore, #tpu.memory_space<semaphore_mem>>) src(%dma_wait3A_351 : memref<632x64xbf16, #tpu.memory_space<vmem_shared>>) dst(%dma_wait3A_349 : memref<632x64xbf16, #tpu.memory_space<hbm>>)
      tpu.yield
    }) : () -> ()
    return
  }
}

module attributes {stable_mosaic.version = 14 : i64} {
  func.func @_dense_h(%arg0: memref<10000x128xf32, #tpu.memory_space<vmem>>, %arg1: memref<128x64xf32, #tpu.memory_space<vmem>>, %arg2: memref<10000x64xbf16, #tpu.memory_space<vmem>>) attributes {dimension_semantics = [], scalar_prefetch = 0 : i64, scratch_operands = 0 : i64, tpu.core_type = #tpu.core_type<tc>} {
    %get3A = arith.constant 0 : index
    %get3A_0 = arith.constant 0 : index
    %get3A_1 = vector.load %arg0[%get3A, %get3A_0] : memref<10000x128xf32, #tpu.memory_space<vmem>>, vector<10000x128xf32>
    %convert_element_type3A = arith.truncf %get3A_1 : vector<10000x128xf32> to vector<10000x128xbf16>
    %get3A_2 = arith.constant 0 : index
    %get3A_3 = arith.constant 0 : index
    %get3A_4 = vector.load %arg1[%get3A_2, %get3A_3] : memref<128x64xf32, #tpu.memory_space<vmem>>, vector<128x64xf32>
    %convert_element_type3A_5 = arith.truncf %get3A_4 : vector<128x64xf32> to vector<128x64xbf16>
    %dot_general3A = arith.constant dense<0.000000e+00> : vector<10000x64xf32>
    %dot_general3A_6 = tpu.matmul %convert_element_type3A, %convert_element_type3A_5, %dot_general3A {dimension_numbers = #tpu.dot_dimension_numbers<[1], [0], [0], [1], [0, 0, 1, 1], [], []>, transpose_lhs_hint = false} : vector<10000x128xbf16>, vector<128x64xbf16>, vector<10000x64xf32> -> vector<10000x64xf32>
    %convert_element_type3A_7 = arith.truncf %dot_general3A_6 : vector<10000x64xf32> to vector<10000x64xbf16>
    %swap3A = arith.constant 0 : index
    %swap3A_8 = arith.constant 0 : index
    %swap3A_9 = vector.load %arg2[%swap3A, %swap3A_8] : memref<10000x64xbf16, #tpu.memory_space<vmem>>, vector<10000x64xbf16>
    tpu.vector_store %arg2[%swap3A, %swap3A_8], %convert_element_type3A_7 {strides = array<i32>} : memref<10000x64xbf16, #tpu.memory_space<vmem>>, vector<10000x64xbf16>,
    return
  }
}

module attributes {stable_mosaic.version = 14 : i64} {
  func.func @_dense_res(%arg0: memref<10000x128xf32, #tpu.memory_space<vmem>>, %arg1: memref<128x64xf32, #tpu.memory_space<vmem>>, %arg2: memref<1x64xf32, #tpu.memory_space<vmem>>, %arg3: memref<10000x64xf32, #tpu.memory_space<vmem>>) attributes {dimension_semantics = [], scalar_prefetch = 0 : i64, scratch_operands = 0 : i64, tpu.core_type = #tpu.core_type<tc>} {
    %get3A = arith.constant 0 : index
    %get3A_0 = arith.constant 0 : index
    %get3A_1 = vector.load %arg0[%get3A, %get3A_0] : memref<10000x128xf32, #tpu.memory_space<vmem>>, vector<10000x128xf32>
    %convert_element_type3A = arith.truncf %get3A_1 : vector<10000x128xf32> to vector<10000x128xbf16>
    %get3A_2 = arith.constant 0 : index
    %get3A_3 = arith.constant 0 : index
    %get3A_4 = vector.load %arg1[%get3A_2, %get3A_3] : memref<128x64xf32, #tpu.memory_space<vmem>>, vector<128x64xf32>
    %convert_element_type3A_5 = arith.truncf %get3A_4 : vector<128x64xf32> to vector<128x64xbf16>
    %dot_general3A = arith.constant dense<0.000000e+00> : vector<10000x64xf32>
    %dot_general3A_6 = tpu.matmul %convert_element_type3A, %convert_element_type3A_5, %dot_general3A {dimension_numbers = #tpu.dot_dimension_numbers<[1], [0], [0], [1], [0, 0, 1, 1], [], []>, transpose_lhs_hint = false} : vector<10000x128xbf16>, vector<128x64xbf16>, vector<10000x64xf32> -> vector<10000x64xf32>
    %get3A_7 = arith.constant 0 : index
    %get3A_8 = arith.constant 0 : index
    %get3A_9 = vector.load %arg2[%get3A_7, %get3A_8] : memref<1x64xf32, #tpu.memory_space<vmem>>, vector<1x64xf32>
    %add3A = vector.broadcast %get3A_9 : vector<1x64xf32> to vector<10000x64xf32>
    %add3A_10 = arith.addf %dot_general3A_6, %add3A : vector<10000x64xf32>
    %max3A = arith.constant 0.000000e+00 : f32
    %max3A_11 = vector.broadcast %max3A : f32 to vector<10000x64xf32>
    %max3A_12 = arith.maximumf %add3A_10, %max3A_11 : vector<10000x64xf32>
    %swap3A = arith.constant 0 : index
    %swap3A_13 = arith.constant 0 : index
    %swap3A_14 = vector.load %arg3[%swap3A, %swap3A_13] : memref<10000x64xf32, #tpu.memory_space<vmem>>, vector<10000x64xf32>
    tpu.vector_store %arg3[%swap3A, %swap3A_13], %max3A_12 {strides = array<i32>} : memref<10000x64xf32, #tpu.memory_space<vmem>>, vector<10000x64xf32>,
    return
  }
}

module attributes {stable_mosaic.version = 14 : i64} {
  func.func @_combine_next(%arg0: memref<2x10112x64xbf16, #tpu.memory_space<vmem>>, %arg1: memref<10000x64xf32, #tpu.memory_space<vmem>>, %arg2: memref<1x64xf32, #tpu.memory_space<vmem>>, %arg3: memref<1x64xf32, #tpu.memory_space<vmem>>, %arg4: memref<1x64xf32, #tpu.memory_space<vmem>>, %arg5: memref<64x64xf32, #tpu.memory_space<vmem>>, %arg6: memref<10000x64xbf16, #tpu.memory_space<vmem>>, %arg7: memref<10000x64xf32, #tpu.memory_space<vmem>>) attributes {dimension_semantics = [], scalar_prefetch = 0 : i64, scratch_operands = 0 : i64, tpu.core_type = #tpu.core_type<tc>} {
    %sqrt3A = arith.constant 1.000010e+00 : f32
    %sqrt3A_0 = math.sqrt %sqrt3A : f32
    %div3A = arith.constant 1.000000e+00 : f32
    %div3A_1 = arith.divf %div3A, %sqrt3A_0 : f32
    %get3A = arith.constant 0 : index
    %get3A_2 = arith.constant 0 : index
    %get3A_3 = arith.constant 0 : index
    %get3A_4 = vector.load %arg0[%get3A, %get3A_2, %get3A_3] : memref<2x10112x64xbf16, #tpu.memory_space<vmem>>, vector<1x10000x64xbf16>
    %get3A_5 = vector.shape_cast %get3A_4 : vector<1x10000x64xbf16> to vector<10000x64xbf16>
    %convert_element_type3A = arith.extf %get3A_5 : vector<10000x64xbf16> to vector<10000x64xf32>
    %get3A_6 = arith.constant 1 : index
    %get3A_7 = arith.constant 0 : index
    %get3A_8 = arith.constant 0 : index
    %get3A_9 = vector.load %arg0[%get3A_6, %get3A_7, %get3A_8] : memref<2x10112x64xbf16, #tpu.memory_space<vmem>>, vector<1x10000x64xbf16>
    %get3A_10 = vector.shape_cast %get3A_9 : vector<1x10000x64xbf16> to vector<10000x64xbf16>
    %convert_element_type3A_11 = arith.extf %get3A_10 : vector<10000x64xbf16> to vector<10000x64xf32>
    %add3A = arith.addf %convert_element_type3A, %convert_element_type3A_11 : vector<10000x64xf32>
    %get3A_12 = arith.constant 0 : index
    %get3A_13 = arith.constant 0 : index
    %get3A_14 = vector.load %arg3[%get3A_12, %get3A_13] : memref<1x64xf32, #tpu.memory_space<vmem>>, vector<1x64xf32>
    %mul3A = vector.broadcast %div3A_1 : f32 to vector<1x64xf32>
    %mul3A_15 = arith.mulf %get3A_14, %mul3A : vector<1x64xf32>
    %get3A_16 = arith.constant 0 : index
    %get3A_17 = arith.constant 0 : index
    %get3A_18 = vector.load %arg2[%get3A_16, %get3A_17] : memref<1x64xf32, #tpu.memory_space<vmem>>, vector<1x64xf32>
    %add3A_19 = vector.broadcast %get3A_18 : vector<1x64xf32> to vector<10000x64xf32>
    %add3A_20 = arith.addf %add3A, %add3A_19 : vector<10000x64xf32>
    %max3A = arith.constant 0.000000e+00 : f32
    %max3A_21 = vector.broadcast %max3A : f32 to vector<10000x64xf32>
    %max3A_22 = arith.maximumf %add3A_20, %max3A_21 : vector<10000x64xf32>
    %get3A_23 = arith.constant 0 : index
    %get3A_24 = arith.constant 0 : index
    %get3A_25 = vector.load %arg1[%get3A_23, %get3A_24] : memref<10000x64xf32, #tpu.memory_space<vmem>>, vector<10000x64xf32>
    %add3A_26 = arith.addf %max3A_22, %get3A_25 : vector<10000x64xf32>
    %mul3A_27 = vector.broadcast %mul3A_15 : vector<1x64xf32> to vector<10000x64xf32>
    %mul3A_28 = arith.mulf %mul3A_27, %add3A_26 : vector<10000x64xf32>
    %get3A_29 = arith.constant 0 : index
    %get3A_30 = arith.constant 0 : index
    %get3A_31 = vector.load %arg4[%get3A_29, %get3A_30] : memref<1x64xf32, #tpu.memory_space<vmem>>, vector<1x64xf32>
    %add3A_32 = vector.broadcast %get3A_31 : vector<1x64xf32> to vector<10000x64xf32>
    %add3A_33 = arith.addf %mul3A_28, %add3A_32 : vector<10000x64xf32>
    %swap3A = arith.constant 0 : index
    %swap3A_34 = arith.constant 0 : index
    %swap3A_35 = vector.load %arg7[%swap3A, %swap3A_34] : memref<10000x64xf32, #tpu.memory_space<vmem>>, vector<10000x64xf32>
    tpu.vector_store %arg7[%swap3A, %swap3A_34], %add3A_33 {strides = array<i32>} : memref<10000x64xf32, #tpu.memory_space<vmem>>, vector<10000x64xf32>,
    %convert_element_type3A_36 = arith.truncf %add3A_33 : vector<10000x64xf32> to vector<10000x64xbf16>
    %get3A_37 = arith.constant 0 : index
    %get3A_38 = arith.constant 0 : index
    %get3A_39 = vector.load %arg5[%get3A_37, %get3A_38] : memref<64x64xf32, #tpu.memory_space<vmem>>, vector<64x64xf32>
    %convert_element_type3A_40 = arith.truncf %get3A_39 : vector<64x64xf32> to vector<64x64xbf16>
    %dot_general3A = arith.constant dense<0.000000e+00> : vector<10000x64xf32>
    %dot_general3A_41 = tpu.matmul %convert_element_type3A_36, %convert_element_type3A_40, %dot_general3A {dimension_numbers = #tpu.dot_dimension_numbers<[1], [0], [0], [1], [0, 0, 1, 1], [], []>, transpose_lhs_hint = false} : vector<10000x64xbf16>, vector<64x64xbf16>, vector<10000x64xf32> -> vector<10000x64xf32>
    %convert_element_type3A_42 = arith.truncf %dot_general3A_41 : vector<10000x64xf32> to vector<10000x64xbf16>
    %swap3A_43 = arith.constant 0 : index
    %swap3A_44 = arith.constant 0 : index
    %swap3A_45 = vector.load %arg6[%swap3A_43, %swap3A_44] : memref<10000x64xbf16, #tpu.memory_space<vmem>>, vector<10000x64xbf16>
    tpu.vector_store %arg6[%swap3A_43, %swap3A_44], %convert_element_type3A_42 {strides = array<i32>} : memref<10000x64xbf16, #tpu.memory_space<vmem>>, vector<10000x64xbf16>,
    return
  }
}

module attributes {stable_mosaic.version = 14 : i64} {
  func.func @_dense_res(%arg0: memref<10000x64xf32, #tpu.memory_space<vmem>>, %arg1: memref<64x64xf32, #tpu.memory_space<vmem>>, %arg2: memref<1x64xf32, #tpu.memory_space<vmem>>, %arg3: memref<10000x64xf32, #tpu.memory_space<vmem>>) attributes {dimension_semantics = [], scalar_prefetch = 0 : i64, scratch_operands = 0 : i64, tpu.core_type = #tpu.core_type<tc>} {
    %get3A = arith.constant 0 : index
    %get3A_0 = arith.constant 0 : index
    %get3A_1 = vector.load %arg0[%get3A, %get3A_0] : memref<10000x64xf32, #tpu.memory_space<vmem>>, vector<10000x64xf32>
    %convert_element_type3A = arith.truncf %get3A_1 : vector<10000x64xf32> to vector<10000x64xbf16>
    %get3A_2 = arith.constant 0 : index
    %get3A_3 = arith.constant 0 : index
    %get3A_4 = vector.load %arg1[%get3A_2, %get3A_3] : memref<64x64xf32, #tpu.memory_space<vmem>>, vector<64x64xf32>
    %convert_element_type3A_5 = arith.truncf %get3A_4 : vector<64x64xf32> to vector<64x64xbf16>
    %dot_general3A = arith.constant dense<0.000000e+00> : vector<10000x64xf32>
    %dot_general3A_6 = tpu.matmul %convert_element_type3A, %convert_element_type3A_5, %dot_general3A {dimension_numbers = #tpu.dot_dimension_numbers<[1], [0], [0], [1], [0, 0, 1, 1], [], []>, transpose_lhs_hint = false} : vector<10000x64xbf16>, vector<64x64xbf16>, vector<10000x64xf32> -> vector<10000x64xf32>
    %get3A_7 = arith.constant 0 : index
    %get3A_8 = arith.constant 0 : index
    %get3A_9 = vector.load %arg2[%get3A_7, %get3A_8] : memref<1x64xf32, #tpu.memory_space<vmem>>, vector<1x64xf32>
    %add3A = vector.broadcast %get3A_9 : vector<1x64xf32> to vector<10000x64xf32>
    %add3A_10 = arith.addf %dot_general3A_6, %add3A : vector<10000x64xf32>
    %max3A = arith.constant 0.000000e+00 : f32
    %max3A_11 = vector.broadcast %max3A : f32 to vector<10000x64xf32>
    %max3A_12 = arith.maximumf %add3A_10, %max3A_11 : vector<10000x64xf32>
    %swap3A = arith.constant 0 : index
    %swap3A_13 = arith.constant 0 : index
    %swap3A_14 = vector.load %arg3[%swap3A, %swap3A_13] : memref<10000x64xf32, #tpu.memory_space<vmem>>, vector<10000x64xf32>
    tpu.vector_store %arg3[%swap3A, %swap3A_13], %max3A_12 {strides = array<i32>} : memref<10000x64xf32, #tpu.memory_space<vmem>>, vector<10000x64xf32>,
    return
  }
}

module attributes {stable_mosaic.version = 14 : i64} {
  func.func @_combine_out(%arg0: memref<2x10112x64xbf16, #tpu.memory_space<vmem>>, %arg1: memref<10000x64xf32, #tpu.memory_space<vmem>>, %arg2: memref<1x64xf32, #tpu.memory_space<vmem>>, %arg3: memref<1x64xf32, #tpu.memory_space<vmem>>, %arg4: memref<1x64xf32, #tpu.memory_space<vmem>>, %arg5: memref<64x10000xf32, #tpu.memory_space<vmem>>) attributes {dimension_semantics = [], scalar_prefetch = 0 : i64, scratch_operands = 0 : i64, tpu.core_type = #tpu.core_type<tc>} {
    %sqrt3A = arith.constant 1.000010e+00 : f32
    %sqrt3A_0 = math.sqrt %sqrt3A : f32
    %div3A = arith.constant 1.000000e+00 : f32
    %div3A_1 = arith.divf %div3A, %sqrt3A_0 : f32
    %get3A = arith.constant 0 : index
    %get3A_2 = arith.constant 0 : index
    %get3A_3 = arith.constant 0 : index
    %get3A_4 = vector.load %arg0[%get3A, %get3A_2, %get3A_3] : memref<2x10112x64xbf16, #tpu.memory_space<vmem>>, vector<1x10000x64xbf16>
    %get3A_5 = vector.shape_cast %get3A_4 : vector<1x10000x64xbf16> to vector<10000x64xbf16>
    %convert_element_type3A = arith.extf %get3A_5 : vector<10000x64xbf16> to vector<10000x64xf32>
    %get3A_6 = arith.constant 1 : index
    %get3A_7 = arith.constant 0 : index
    %get3A_8 = arith.constant 0 : index
    %get3A_9 = vector.load %arg0[%get3A_6, %get3A_7, %get3A_8] : memref<2x10112x64xbf16, #tpu.memory_space<vmem>>, vector<1x10000x64xbf16>
    %get3A_10 = vector.shape_cast %get3A_9 : vector<1x10000x64xbf16> to vector<10000x64xbf16>
    %convert_element_type3A_11 = arith.extf %get3A_10 : vector<10000x64xbf16> to vector<10000x64xf32>
    %add3A = arith.addf %convert_element_type3A, %convert_element_type3A_11 : vector<10000x64xf32>
    %get3A_12 = arith.constant 0 : index
    %get3A_13 = arith.constant 0 : index
    %get3A_14 = vector.load %arg3[%get3A_12, %get3A_13] : memref<1x64xf32, #tpu.memory_space<vmem>>, vector<1x64xf32>
    %mul3A = vector.broadcast %div3A_1 : f32 to vector<1x64xf32>
    %mul3A_15 = arith.mulf %get3A_14, %mul3A : vector<1x64xf32>
    %get3A_16 = arith.constant 0 : index
    %get3A_17 = arith.constant 0 : index
    %get3A_18 = vector.load %arg2[%get3A_16, %get3A_17] : memref<1x64xf32, #tpu.memory_space<vmem>>, vector<1x64xf32>
    %add3A_19 = vector.broadcast %get3A_18 : vector<1x64xf32> to vector<10000x64xf32>
    %add3A_20 = arith.addf %add3A, %add3A_19 : vector<10000x64xf32>
    %max3A = arith.constant 0.000000e+00 : f32
    %max3A_21 = vector.broadcast %max3A : f32 to vector<10000x64xf32>
    %max3A_22 = arith.maximumf %add3A_20, %max3A_21 : vector<10000x64xf32>
    %get3A_23 = arith.constant 0 : index
    %get3A_24 = arith.constant 0 : index
    %get3A_25 = vector.load %arg1[%get3A_23, %get3A_24] : memref<10000x64xf32, #tpu.memory_space<vmem>>, vector<10000x64xf32>
    %add3A_26 = arith.addf %max3A_22, %get3A_25 : vector<10000x64xf32>
    %mul3A_27 = vector.broadcast %mul3A_15 : vector<1x64xf32> to vector<10000x64xf32>
    %mul3A_28 = arith.mulf %mul3A_27, %add3A_26 : vector<10000x64xf32>
    %get3A_29 = arith.constant 0 : index
    %get3A_30 = arith.constant 0 : index
    %get3A_31 = vector.load %arg4[%get3A_29, %get3A_30] : memref<1x64xf32, #tpu.memory_space<vmem>>, vector<1x64xf32>
    %add3A_32 = vector.broadcast %get3A_31 : vector<1x64xf32> to vector<10000x64xf32>
    %add3A_33 = arith.addf %mul3A_28, %add3A_32 : vector<10000x64xf32>
    %transpose3A = tpu.transpose %add3A_33, [1, 0] : vector<10000x64xf32> -> vector<64x10000xf32>
    %swap3A = arith.constant 0 : index
    %swap3A_34 = arith.constant 0 : index
    %swap3A_35 = vector.load %arg5[%swap3A, %swap3A_34] : memref<64x10000xf32, #tpu.memory_space<vmem>>, vector<64x10000xf32>
    tpu.vector_store %arg5[%swap3A, %swap3A_34], %transpose3A {strides = array<i32>} : memref<64x10000xf32, #tpu.memory_space<vmem>>, vector<64x10000xf32>,
    return
  }
}

</mosaic_0001>

<sc_bundles>
// kernel: kernel.12.cloned.1.call-start
scs
__scs_entry_jumppad:
0x0: {  	(pc) =	sbr.rel $0x88, $3  }
0x1: {  	(tag) =	ssettag $0x0;
	lr =	simm.s32 $0x1  }
0x2: {  	[smem:$0x3F93] =	sst lr;
	_ =	strace $0xD0000000  }
0x3: {  	_ = 	snop  }
0x4: {  	_ = 	snop  }
0x5: {  	_ = 	snop  }
0x6: {  	_ = 	snop  }
0x7: {  	_ = 	snop  }
__scs_overlays_trampoline_lowered:
0x8: {  	[smem:$0x3FA2] =	sst s0  }
0x9: {  	[smem:$0x3FA3] =	sst s1  }
0xa: {  	[smem:$0x3FA4] =	sst s2  }
0xb: {  	[smem:$0x3FA5] =	sst s3  }
0xc: {  	[smem:$0x3FA6] =	sst s4  }
0xd: {  	[smem:$0x3FA7] =	sst s5  }
0xe: {  	[smem:$0x3FA8] =	sst s6  }
0xf: {  	[smem:$0x3FA9] =	sst s7  }
0x10: {  	[smem:$0x3FAA] =	sst s8  }
0x11: {  	[smem:$0x3FAB] =	sst s9;
	s0 =	simm.s32 @!p0 $0x0  }
0x12: {  	s1 =	sld [smem:$0x3F91];
	s0 =	simm.s32 @p0 $0x1  }
0x13: {  	[smem:$0x3FAC] =	sst s0;
	s0 =	simm.s32 @!p1 $0x0  }
0x14: {  	s2 =	sld [smem:$0x3F90];
	s0 =	simm.s32 @p1 $0x1  }
0x15: {  	[smem:$0x3FAD] =	sst s0;
	s0 =	simm.s32 @!p2 $0x0  }
0x16: {  	s3 =	sld [smem:$0x3FDB];
	s0 =	simm.s32 @p2 $0x1  }
0x17: {  	s4 =	simm.s32 $0x1BF5;
	[smem:$0x3FAF] =	sst s0  }
0x18: {  	s0 =	sld [smem:$0x3F92];
	_ =	swait.ge [sflag:s4], $0x0  }
0x19: {  	s7 =	sld [smem:$0x3F93]  }
0x1a: {  	s8 =	sadd.s32 $0xFFFFE003, lr  }
0x1b: {  	s9 =	sadd.s32 $0xFFFFFEF7, lr;
	s5 =	simm.s32 $0xFFFFFFFF;
	p2 =	slt.u32 s8, $0xFFFFF086  }
0x1c: {  	p1 =	slt.u32 s9, $0xF7A;
	s5 =	simm.s32 @!p2 $0x0  }
0x1d: {  	s5 =	simm.s32 @p1 $0x1;
	p0 =	seq.s32 s7, s2  }
0x1e: {  	s7 =	smul.u32 @!p0 $0xF7A, s2;
	p2 =	seq.s32 @!p0 s5, $0x0  }
0x1f: {  	s9 =	smul.u32 $0xF7A, s1;
	s8 =	simm.s32 @!p0 $0x1BF5;
	p2 =	por !p2, p0  }
0x20: {  	[sflag:s8] =	ssyncset.s32 @!p0 $0xFFFFF086;
	s6 =	sadd.s32 @!p0 s3, s7;
	s7 =	simm.s32 @!p0 $0x108  }
0x21: {  	s3 =	sadd.s32 s3, s9;
	s6 =	sadd.s32 @!p0 $0x88, s6;
	s7 =	simm.s32 @p2 $0x1082  }
0x22: {  	[simem:s7], [sflag:s8] =	dma.local @!p0 [hbm:s6], $0xF7A  }
0x23: {  	s9 =	sor.u32 $0xD0000000, s2;
	s6 =	simm.s32 $0x108;
	_ =	swait.ge @!p0 [sflag:s8], $0x0  }
0x24: {  	s3 =	sadd.s32 $0x88, s3;
	s6 =	simm.s32 @!p1 $0x1082;
	[sflag:s4] =	ssyncset.s32 $0xFFFFF086  }
0x25: {  	[simem:s6], [sflag:s4] =	dma.local [hbm:s3], $0xF7A  }
0x26: {  	[smem:$0x3F93] =	sst s1;
	(tag) =	ssettag s2;
	_ =	strace s9  }
0x27: {  	s1 =	sld [smem:$0x3FA3]  }
0x28: {  	s2 =	sld [smem:$0x3FA4]  }
0x29: {  	s4 =	sld [smem:$0x3FA6]  }
0x2a: {  	p0 =	seq.s32 s5, $0x0;
	s5 =	sld [smem:$0x3FA7]  }
0x2b: {  	s6 =	sld [smem:$0x3FA8]  }
0x2c: {  	s7 =	sld [smem:$0x3FA9]  }
0x2d: {  	s3 =	simm.s32 $0x108;
	s8 =	sld [smem:$0x3FAA]  }
0x2e: {  	s3 =	simm.s32 @!p0 $0x1082;
	s9 =	sld [smem:$0x3FAB]  }
0x2f: {  	lr =	sadd.s32 s0, s3;
	s0 =	sld [smem:$0x3FA2]  }
0x30: {  	s3 =	sld [smem:$0x3FA5]  }
0x31: {  	[smem:$0x3FAE] =	sst s10  }
0x32: {  	s10 =	sld [smem:$0x3FAC];
	_ =	sdelay $0x3  }
0x33: {  	p0 =	seq.s32 s10, $0x1;
	s10 =	sld [smem:$0x3FAE];
	_ =	sdelay $0x3  }
0x34: {  	[smem:$0x3FAE] =	sst s10  }
0x35: {  	s10 =	sld [smem:$0x3FAD];
	_ =	sdelay $0x3  }
0x36: {  	p1 =	seq.s32 s10, $0x1;
	s10 =	sld [smem:$0x3FAE];
	_ =	sdelay $0x3  }
0x37: {  	[smem:$0x3FAE] =	sst s10  }
0x38: {  	s10 =	sld [smem:$0x3FAF]  }
0x39: {  	_ = 	snop;
	(pc) =	sbr.ind lr, $3  }
0x3a: {  	_ = 	snop  }
0x3b: {  	_ = 	snop  }
0x3c: {  	p2 =	seq.s32 s10, $0x1;
	s10 =	sld [smem:$0x3FAE]  }
0x3d: {  	_ =	shalt  }
0x3e: {  	_ =	shalt  }
0x3f: {  	_ =	shalt  }
0x40: {  	_ =	shalt  }
0x41: {  	_ =	shalt  }
0x42: {  	_ =	shalt  }
0x43: {  	_ =	shalt  }
0x44: {  	_ =	shalt  }
0x45: {  	_ =	shalt  }
0x46: {  	_ =	shalt  }
0x47: {  	_ =	shalt  }
0x48: {  	_ =	shalt  }
0x49: {  	_ =	shalt  }
0x4a: {  	_ =	shalt  }
0x4b: {  	_ =	shalt  }
0x4c: {  	_ =	shalt  }
0x4d: {  	_ =	shalt  }
0x4e: {  	_ =	shalt  }
0x4f: {  	_ =	shalt  }
0x50: {  	_ =	shalt  }
0x51: {  	_ =	shalt  }
0x52: {  	_ =	shalt  }
0x53: {  	_ =	shalt  }
0x54: {  	_ =	shalt  }
0x55: {  	_ =	shalt  }
0x56: {  	_ =	shalt  }
0x57: {  	_ =	shalt  }
0x58: {  	_ =	shalt  }
0x59: {  	_ =	shalt  }
0x5a: {  	_ =	shalt  }
0x5b: {  	_ =	shalt  }
0x5c: {  	_ =	shalt  }
0x5d: {  	_ =	shalt  }
0x5e: {  	_ =	shalt  }
0x5f: {  	_ =	shalt  }
0x60: {  	_ =	shalt  }
0x61: {  	_ =	shalt  }
0x62: {  	_ =	shalt  }
0x63: {  	_ =	shalt  }
0x64: {  	_ =	shalt  }
0x65: {  	_ =	shalt  }
0x66: {  	_ =	shalt  }
0x67: {  	_ =	shalt  }
0x68: {  	_ =	shalt  }
0x69: {  	_ =	shalt  }
0x6a: {  	_ =	shalt  }
0x6b: {  	_ =	shalt  }
0x6c: {  	_ =	shalt  }
0x6d: {  	_ =	shalt  }
0x6e: {  	_ =	shalt  }
0x6f: {  	_ =	shalt  }
0x70: {  	_ =	shalt  }
0x71: {  	_ =	shalt  }
0x72: {  	_ =	shalt  }
0x73: {  	_ =	shalt  }
0x74: {  	_ =	shalt  }
0x75: {  	_ =	shalt  }
0x76: {  	_ =	shalt  }
0x77: {  	_ =	shalt  }
0x78: {  	_ =	shalt  }
0x79: {  	_ =	shalt  }
0x7a: {  	_ =	shalt  }
0x7b: {  	_ =	shalt  }
0x7c: {  	_ =	shalt  }
0x7d: {  	_ =	shalt  }
0x7e: {  	_ =	shalt  }
0x7f: {  	_ =	shalt  }
0x80: {  	_ =	shalt  }
0x81: {  	_ =	shalt  }
0x82: {  	_ =	shalt  }
0x83: {  	_ =	shalt  }
0x84: {  	_ =	shalt  }
0x85: {  	_ =	shalt  }
0x86: {  	_ =	shalt  }
0x87: {  	_ =	shalt  }
.Lfunc_end0:
.L_simem_size_0:
called_computation.1_lowered:
.L_overlay_start_0:
0x88: {  	s2 =	sld [smem:$0x3FD9]  }
0x89: {  	s3 =	sld [smem:$0x3FFE];
	_ =	sdelay $0x1  }
0x8a: {  	s1 =	srdreg.scid  }
0x8b: {  	s0 =	sand.u32 $0x1, s1  }
0x8c: {  	s17 =	sshll.u32 s0, $0xA;
	s2 =	sadd.s32 s3, s2  }
0x8d: {  	s2 =	sadd.s32 s2, s17  }
0x8e: {  	[smem:$0x3FBA] =	sst s2  }
0x8f: {  	_ = 	snop  }
0x90: {  	s2 =	sld [smem:$0x3FD0];
	(tm) =	ssettm $0x1  }
0x91: {  	s18 =	sld [smem:$0x3FFB];
	_ =	sdelay $0x3  }
0x92: {  	_ =	strace s18  }
0x93: {  	s3 =	sld [smem:$0x3FFC];
	_ =	sdelay $0x3  }
0x94: {  	_ =	strace s3  }
0x95: {  	s3 =	sld [smem:$0x3FFD];
	_ =	sdelay $0x3  }
0x96: {  	_ =	strace s3  }
0x97: {  	_ =	strace $0x8FFFFFFF  }
0x98: {  	s19 =	sld [smem:$0x3FDB];
	_ =	sdelay $0x1  }
0x99: {  	s4 =	simm.s32 $_scs_section_size  }
0x9a: {  	s5 =	simm.s32 $_size__tile_overlayer_lowered;
	s6 =	simm.s32 $_tile_overlayer_lowered  }
0x9b: {  	s22 =	simm.s32 $0x1BFF;
	s21 =	sshll.u32 s6, $0x1;
	s3 =	sadd.s32 s4, s19  }
0x9c: {  	s7 =	simm.s32 $0x0;
	s20 =	sshll.u32 s5, $0x1;
	s5 =	sadd.s32 s21, s3  }
0x9d: {  	[timem:s7], [sflag:s22] =	dma.local [hbm:s5], s20  }
0x9e: {  	_ =	swait.ge [sflag:s22], s20  }
0x9f: {  	s4 =	ssub.s32 $0x0, s20;
	[sflag:s22] =	ssyncset.done $0x0  }
0xa0: {  	[sflag:s22] =	ssyncadd.s32 s4;
	_ =	sdelay $0x1  }
0xa1: {  	s23 =	simm.s32 $0x1B8B  }
0xa2: {  	_ =	swait.ge [sflag:s23], $0x1  }
0xa3: {  	[sflag:s23] =	ssyncset.done $0x0  }
0xa4: {  	s25 =	simm.s32 $0x1B8E;
	s24 =	sld [smem:$0x3FFE];
	[sflag:s23] =	ssyncadd.s32 $0xFFFFFFFF  }
0xa5: {  	s26 =	simm.s32 $execute0_lowered;
	[smem:$0x3FD2] =	sst s25  }
0xa6: {  	s5 =	sshll.u32 s26, $0x1;
	_ =	strace $0x80000049;
	[dreg:$0x1] =	wrdreg $0xFFFFFFFF  }
0xa7: {  	s28 =	simm.s32 $_size_execute0_lowered;
	s3 =	sadd.s32 s3, s5;
	[dreg:$0x0] =	wrdreg $0x0  }
0xa8: {  	s5 =	sshll.u32 s28, $0x1;
	[dreg:$0x2] =	wrdreg s3  }
0xa9: {  	[dreg:$0x3] =	wrdreg s5  }
0xaa: {  	[dreg:$0x4] =	wrdreg $0xC0  }
0xab: {  	_ =	task [dreg:s7], $0x5FFFF  }
0xac: {  	[dreg:$0x1] =	wrdreg $0xFFFFFFFF  }
0xad: {  	[dreg:$0x0] =	wrdreg $0x60  }
0xae: {  	[dreg:$0x2] =	wrdreg s24  }
0xaf: {  	[dreg:$0x3] =	wrdreg s2  }
0xb0: {  	[dreg:$0x4] =	wrdreg $0xB2200  }
0xb1: {  	[dreg:$0x5] =	wrdreg $0x9  }
0xb2: {  	_ =	task.clear_ibuf [dreg:s7], $0x6FFFF;
	_ =	strace $0x90000049  }
0xb3: {  	s29 =	simm.s32 $0x9;
	_ =	strace $0x8000004B  }
0xb4: {  	_ =	swait.ge [sflag:s29], $0x1  }
0xb5: {  	[sflag:s29] =	ssyncadd.s32 $0xFFFFFFFF  }
0xb6: {  	_ =	strace $0x9000004B  }
0xb7: {  	_ =	sfence  }
0xb8: {  	s30 =	sld [smem:$0x0];
	_ =	sdelay $0x2  }
0xb9: {  	s31 =	sshll.u32 s1, $0xD;
	s1 =	sshrl.u32 s1, $0x2  }
0xba: {  	s3 =	sand.u32 $0x4000, s31;
	s1 =	sadd.s32 s1, s30  }
0xbb: {  	s0 =	sor.u32 s3, s0;
	s1 =	sshll.u32 s1, $0x11  }
0xbc: {  	s0 =	sor.u32 s1, s0  }
0xbd: {  	s0 =	sadd.s32 $0x8F2B, s0  }
0xbe: {  	[sflag:s0] =	ssyncadd.remote.s32 $0x1  }
0xbf: {  	_ =	sfence.sel $0xFFFF  }
0xc0: {  	[dreg:$0x0] =	wrdreg $0xFFFFFFFF;
	(pc) =	sbr.abs _section_cstart, $3  }
0xc1: {  	[dreg:$0x1] =	wrdreg $0xFFFFFFFF  }
0xc2: {  	_ =	task.clear_ibuf [dreg:s7], $0x2FFFF;
	_ =	strace $0x9FFFFFFF  }
0xc3: {  	(tm) =	ssettm $0x7FFFFFFF  }
tec
execute0_lowered:
.L_overlay_start_1:
0x0: {  	(tag) =	ssettag $0x1  }
0x1: {  	s0 =	rddreg [dreg:$0x0]  }
0x2: {  	s1 =	rddreg [dreg:$0x1];
	s3 =	srdreg.scid  }
0x3: {  	s16 =	stileid.u32;
	s2 =	rddreg [dreg:$0x2];
	s22 =	simm.s32 $0x0  }
0x4: {  	s11 =	simm.s32 $0x50;
	s12 =	simm.s32 $0x4E20;
	s13 =	simm.s32 $0x5820  }
0x5: {  	s15 =	simm.s32 $0x6220;
	s17 =	simm.s32 $0x6C20;
	s19 =	simm.s32 $0x7620  }
0x6: {  	s28 =	simm.s32 $0x9E20;
	s29 =	simm.s32 $0xA820;
	s30 =	simm.s32 $0x3  }
0x7: {  	s31 =	simm.s32 $0x2;
	s4 =	sand.u32 $0x1, s3;
	s5 =	sshll.u32 s16, $0x1  }
0x8: {  	[smem:$0x7FF] =	sst s22;
	s7 =	smul.u32 $0x9E00, s16;
	s26 =	sshll.u32 s16, $0x6  }
0x9: {  	s5 =	sor.u32 s4, s5;
	_ =	strace $0x8000004A;
	s8 =	smul.u32 $0x9E000, s4  }
0xa: {  	s6 =	ssub.s32 $0x2, s4;
	s4 =	sadd.s32 $0x2E00, s0;
	s5 =	smul.u32 $0x2710, s5  }
0xb: {  	s20 =	sor.u32 $0x1C05, s26;
	s26 =	simm.s32 $0x9420;
	s10 =	sshrl.u32 s6, $0x1  }
0xc: {  	s23 =	ssub.s32 s6, s10;
	s8 =	sadd.s32 s7, s8;
	s5 =	sshrl.u32 s5, $0x3  }
0xd: {  	s8 =	sshrl.u32 s8, $0x4;
	s9 =	sadd.s32 s5, s0;
	s0 =	sadd.s32 $0x2400, s0  }
0xe: {  	s7 =	sshrl.u32 s7, $0x1;
	s1 =	sadd.s32 s1, s8;
	[dreg:$0x4] =	wrdreg s0  }
0xf: {  	s10 =	simm.s32 $0x5;
	s24 =	sadd.s32 $0xCC00, s9;
	[dreg:$0x7] =	wrdreg s1  }
0x10: {  	s14 =	sadd.s32 s7, s2;
	s25 =	sadd.s32 $0x16840, s9;
	[dreg:$0x5] =	wrdreg s24  }
0x11: {  	s21 =	sshrl.u32 s14, $0x3;
	s0 =	smax.u32 s23, $0x1;
	[dreg:$0x6] =	wrdreg s25  }
0x12: {  	s23 =	simm.s32 $0x1;
	s1 =	simm.s32 $0x4;
	[dreg:$0x8] =	wrdreg s0  }
0x13: {  	s24 =	simm.s32 $0x8020;
	s25 =	simm.s32 $0x8A20;
	s0 =	simm.s32 $0x0  }
.LBB2_1:
0x14: {  	s3 =	simm.s32 $0x0;
	s5 =	rddreg [dreg:$0x5]  }
0x15: {  	[tilespmem:s3], [sflag:$0x5] =	stream.linear.gather [hbm4b:s5+s3], $0x2710, $0x38;
	[tilespmem:$0x10120] =	vst v63  }
0x16: {  	_ =	swait.ge [sflag:s10], $0x2710  }
0x17: {  	[sflag:s10] =	ssyncset.done $0x0  }
0x18: {  	[sflag:s10] =	ssyncadd.s32 $0xFFFFD8F0  }
0x19: {  	[tilespmem:s12], [sflag:$0x1] =	stream.indirect.gather [hbm4b:s4+s11], $0x20, s3, s11, $0xb8;
	[tilespmem:$0x10120] =	vst v63  }
0x1a: {  	_ = 	snop  }
0x1b: {  	[tilespmem:s13], [sflag:$0x1] =	stream.indirect.gather [hbm4b:s4+s11], $0x20, s11, s11, $0xb8;
	[tilespmem:$0x10120] =	vst v63  }
0x1c: {  	s16 =	simm.s32 $0xA0  }
0x1d: {  	[tilespmem:s15], [sflag:$0x1] =	stream.indirect.gather [hbm4b:s4+s11], $0x20, s16, s11, $0xb8;
	[tilespmem:$0x10120] =	vst v63  }
0x1e: {  	s18 =	simm.s32 $0xF0  }
0x1f: {  	[tilespmem:s17], [sflag:$0x1] =	stream.indirect.gather [hbm4b:s4+s11], $0x20, s18, s11, $0xb8;
	[tilespmem:$0x10120] =	vst v63  }
0x20: {  	s22 =	simm.s32 $0x140;
	s6 =	rddreg [dreg:$0x4]  }
0x21: {  	[tilespmem:s19], [sflag:$0x1] =	stream.indirect.gather [hbm4b:s4+s11], $0x20, s22, s11, $0xb8;
	[tilespmem:$0x10120] =	vst v63  }
0x22: {  	[spmem:s21], [sflag:s20] =	dma.local [hbm:s6], $0x9E0  }
0x23: {  	_ =	swait.ge [sflag:s10], $0x9E0  }
0x24: {  	[sflag:s10] =	ssyncset.done $0x0  }
0x25: {  	s6 =	simm.s32 $0x2710;
	s7 =	rddreg [dreg:$0x6];
	[sflag:s10] =	ssyncadd.s32 $0xFFFFF620  }
0x26: {  	[tilespmem:s6], [sflag:$0x5] =	stream.linear.gather [hbm4b:s7+s3], $0x2710, $0x38;
	[tilespmem:$0x10120] =	vst v63  }
0x27: {  	_ =	swait.ge [sflag:s10], $0x2710  }
0x28: {  	[sflag:s10] =	ssyncset.done $0x0  }
0x29: {  	[sflag:s10] =	ssyncadd.s32 $0xFFFFD8F0  }
0x2a: {  	[bflag:$0x0] =	sbarrier.arrive $0xFFFF  }
0x2b: {  	_ =	swait.ge [sflag:s23], $0xA00  }
0x2c: {  	[sflag:s23] =	ssyncset.done $0x0  }
0x2d: {  	[sflag:s23] =	ssyncadd.s32 $0xFFFFF600  }
0x2e: {  	_ =	swait.ge [sflag:s23], $0xA00  }
0x2f: {  	[sflag:s23] =	ssyncset.done $0x0  }
0x30: {  	[sflag:s23] =	ssyncadd.s32 $0xFFFFF600  }
0x31: {  	_ =	swait.ge [sflag:s23], $0xA00  }
0x32: {  	[sflag:s23] =	ssyncset.done $0x0  }
0x33: {  	[sflag:s23] =	ssyncadd.s32 $0xFFFFF600  }
0x34: {  	_ =	swait.ge [sflag:s23], $0xA00  }
0x35: {  	[sflag:s23] =	ssyncset.done $0x0  }
0x36: {  	[sflag:s23] =	ssyncadd.s32 $0xFFFFF600  }
0x37: {  	_ =	swait.ge [sflag:s23], $0xA00  }
0x38: {  	p0 =	por $0x1, $0x1;
	[sflag:s23] =	ssyncset.done $0x0  }
0x39: {  	s14 =	simm.s32 @!p0 $0x4;
	[sflag:s23] =	ssyncadd.s32 $0xFFFFF600  }
0x3a: {  	_ =	swait.ge @!p0 [sflag:s14], $0xA00  }
0x3b: {  	[sflag:s14] =	ssyncset.done @!p0 $0x0  }
0x3c: {  	[sflag:s14] =	ssyncadd.s32 @!p0 $0xFFFFF600  }
0x3d: {  	_ =	swait.ge @!p0 [sflag:s14], $0xA00  }
0x3e: {  	[sflag:s14] =	ssyncset.done @!p0 $0x0  }
0x3f: {  	[sflag:s14] =	ssyncadd.s32 @!p0 $0xFFFFF600  }
0x40: {  	_ =	swait.ge @!p0 [sflag:s14], $0xA00  }
0x41: {  	[sflag:s14] =	ssyncset.done @!p0 $0x0  }
0x42: {  	[sflag:s14] =	ssyncadd.s32 @!p0 $0xFFFFF600  }
0x43: {  	_ =	swait.ge @!p0 [sflag:s14], $0xA00  }
0x44: {  	[sflag:s14] =	ssyncset.done @!p0 $0x0  }
0x45: {  	[sflag:s14] =	ssyncadd.s32 @!p0 $0xFFFFF600  }
0x46: {  	_ =	swait.ge @!p0 [sflag:s14], $0xA00  }
0x47: {  	[sflag:s14] =	ssyncset.done @!p0 $0x0  }
0x48: {  	s8 =	simm.s32 $0x190;
	[sflag:s14] =	ssyncadd.s32 @!p0 $0xFFFFF600  }
0x49: {  	[tilespmem:s24], [sflag:$0x2] =	stream.indirect.gather [hbm4b:s4+s11], $0x20, s8, s11, $0xb8;
	[tilespmem:$0x10120] =	vst v63  }
0x4a: {  	s9 =	simm.s32 $0x1E0  }
0x4b: {  	[tilespmem:s25], [sflag:$0x2] =	stream.indirect.gather [hbm4b:s4+s11], $0x20, s9, s11, $0xb8;
	[tilespmem:$0x10120] =	vst v63  }
0x4c: {  	s16 =	simm.s32 $0x230  }
0x4d: {  	[tilespmem:s26], [sflag:$0x2] =	stream.indirect.gather [hbm4b:s4+s11], $0x20, s16, s11, $0xb8;
	[tilespmem:$0x10120] =	vst v63  }
0x4e: {  	s18 =	simm.s32 $0x280  }
0x4f: {  	[tilespmem:s28], [sflag:$0x2] =	stream.indirect.gather [hbm4b:s4+s11], $0x20, s18, s11, $0xb8;
	[tilespmem:$0x10120] =	vst v63  }
0x50: {  	s22 =	simm.s32 $0x2D0  }
0x51: {  	[tilespmem:s29], [sflag:$0x2] =	stream.indirect.gather [hbm4b:s4+s11], $0x20, s22, s11, $0xb8;
	[tilespmem:$0x10120] =	vst v63  }
0x52: {  	s3 =	simm.s32 $0x2710  }
0x53: {  	[spmem:s2] =	stream.indirect.scatter.add.bf16 [tilespmem:s12], [sflag:$0x3], $0x20, s3, s11, $0xb8;
	[tilespmem:$0x10120] =	vst v63  }
0x54: {  	s5 =	simm.s32 $0x2760  }
0x55: {  	[spmem:s2] =	stream.indirect.scatter.add.bf16 [tilespmem:s13], [sflag:$0x3], $0x20, s5, s11, $0xb8;
	[tilespmem:$0x10120] =	vst v63  }
0x56: {  	s6 =	simm.s32 $0x27B0  }
0x57: {  	[spmem:s2] =	stream.indirect.scatter.add.bf16 [tilespmem:s15], [sflag:$0x3], $0x20, s6, s11, $0xb8;
	[tilespmem:$0x10120] =	vst v63  }
0x58: {  	s7 =	simm.s32 $0x2800  }
0x59: {  	[spmem:s2] =	stream.indirect.scatter.add.bf16 [tilespmem:s17], [sflag:$0x3], $0x20, s7, s11, $0xb8;
	[tilespmem:$0x10120] =	vst v63  }
0x5a: {  	s8 =	simm.s32 $0x2850  }
0x5b: {  	[spmem:s2] =	stream.indirect.scatter.add.bf16 [tilespmem:s19], [sflag:$0x3], $0x20, s8, s11, $0xb8;
	[tilespmem:$0x10120] =	vst v63  }
0x5c: {  	_ =	swait.ge [sflag:s30], $0xA00  }
0x5d: {  	[sflag:s30] =	ssyncset.done $0x0  }
0x5e: {  	[sflag:s30] =	ssyncadd.s32 $0xFFFFF600  }
0x5f: {  	_ =	swait.ge [sflag:s30], $0xA00  }
0x60: {  	[sflag:s30] =	ssyncset.done $0x0  }
0x61: {  	[sflag:s30] =	ssyncadd.s32 $0xFFFFF600  }
0x62: {  	_ =	swait.ge [sflag:s30], $0xA00  }
0x63: {  	[sflag:s30] =	ssyncset.done $0x0  }
0x64: {  	[sflag:s30] =	ssyncadd.s32 $0xFFFFF600  }
0x65: {  	_ =	swait.ge [sflag:s30], $0xA00  }
0x66: {  	[sflag:s30] =	ssyncset.done $0x0  }
0x67: {  	[sflag:s30] =	ssyncadd.s32 $0xFFFFF600  }
0x68: {  	p0 =	por $0x0, $0x0;
	_ =	swait.ge [sflag:s30], $0xA00  }
0x69: {  	s14 =	simm.s32 @p0 $0x50;
	[sflag:s30] =	ssyncset.done $0x0  }
0x6a: {  	s16 =	simm.s32 @p0 $0x2580;
	s18 =	simm.s32 @p0 $0x4E20;
	[sflag:s30] =	ssyncadd.s32 $0xFFFFF600  }
0x6b: {  	[tilespmem:s18], [sflag:$0x1] =	stream.indirect.gather @p0 [hbm4b:s4+s14], $0x20, s16, s14, $0xb8;
	[tilespmem:$0x10120] =	vst v63  }
0x6c: {  	s16 =	simm.s32 @p0 $0x25D0;
	s18 =	simm.s32 @p0 $0x5820  }
0x6d: {  	[tilespmem:s18], [sflag:$0x1] =	stream.indirect.gather @p0 [hbm4b:s4+s14], $0x20, s16, s14, $0xb8;
	[tilespmem:$0x10120] =	vst v63  }
0x6e: {  	s16 =	simm.s32 @p0 $0x2620;
	s18 =	simm.s32 @p0 $0x6220  }
0x6f: {  	[tilespmem:s18], [sflag:$0x1] =	stream.indirect.gather @p0 [hbm4b:s4+s14], $0x20, s16, s14, $0xb8;
	[tilespmem:$0x10120] =	vst v63  }
0x70: {  	s16 =	simm.s32 @p0 $0x2670;
	s18 =	simm.s32 @p0 $0x6C20  }
0x71: {  	[tilespmem:s18], [sflag:$0x1] =	stream.indirect.gather @p0 [hbm4b:s4+s14], $0x20, s16, s14, $0xb8;
	[tilespmem:$0x10120] =	vst v63  }
0x72: {  	s14 =	simm.s32 @!p0 $0x320;
	s16 =	simm.s32 @!p0 $0x50;
	s18 =	simm.s32 @!p0 $0x4E20  }
0x73: {  	[tilespmem:s18], [sflag:$0x1] =	stream.indirect.gather @!p0 [hbm4b:s4+s16], $0x20, s14, s16, $0xb8;
	[tilespmem:$0x10120] =	vst v63  }
0x74: {  	s14 =	simm.s32 @!p0 $0x370;
	s18 =	simm.s32 @!p0 $0x5820  }
0x75: {  	[tilespmem:s18], [sflag:$0x1] =	stream.indirect.gather @!p0 [hbm4b:s4+s16], $0x20, s14, s16, $0xb8;
	[tilespmem:$0x10120] =	vst v63  }
0x76: {  	s14 =	simm.s32 @!p0 $0x3C0;
	s18 =	simm.s32 @!p0 $0x6220  }
0x77: {  	[tilespmem:s18], [sflag:$0x1] =	stream.indirect.gather @!p0 [hbm4b:s4+s16], $0x20, s14, s16, $0xb8;
	[tilespmem:$0x10120] =	vst v63  }
0x78: {  	s14 =	simm.s32 @!p0 $0x410;
	s18 =	simm.s32 @!p0 $0x6C20  }
0x79: {  	[tilespmem:s18], [sflag:$0x1] =	stream.indirect.gather @!p0 [hbm4b:s4+s16], $0x20, s14, s16, $0xb8;
	[tilespmem:$0x10120] =	vst v63  }
0x7a: {  	s14 =	simm.s32 @!p0 $0x460  }
0x7b: {  	s14 =	simm.s32 @p0 $0x26C0  }
0x7c: {  	[tilespmem:s19], [sflag:$0x1] =	stream.indirect.gather [hbm4b:s4+s11], $0x20, s14, s11, $0xb8;
	[tilespmem:$0x10120] =	vst v63  }
0x7d: {  	_ =	swait.ge [sflag:s31], $0xA00  }
0x7e: {  	[sflag:s31] =	ssyncset.done $0x0  }
0x7f: {  	[sflag:s31] =	ssyncadd.s32 $0xFFFFF600  }
0x80: {  	_ =	swait.ge [sflag:s31], $0xA00  }
0x81: {  	[sflag:s31] =	ssyncset.done $0x0  }
0x82: {  	[sflag:s31] =	ssyncadd.s32 $0xFFFFF600  }
0x83: {  	_ =	swait.ge [sflag:s31], $0xA00  }
0x84: {  	[sflag:s31] =	ssyncset.done $0x0  }
0x85: {  	[sflag:s31] =	ssyncadd.s32 $0xFFFFF600  }
0x86: {  	_ =	swait.ge [sflag:s31], $0xA00  }
0x87: {  	[sflag:s31] =	ssyncset.done $0x0  }
0x88: {  	[sflag:s31] =	ssyncadd.s32 $0xFFFFF600  }
0x89: {  	_ =	swait.ge [sflag:s31], $0xA00  }
0x8a: {  	[sflag:s31] =	ssyncset.done $0x0  }
0x8b: {  	s9 =	simm.s32 $0x28A0;
	[sflag:s31] =	ssyncadd.s32 $0xFFFFF600  }
0x8c: {  	[spmem:s2] =	stream.indirect.scatter.add.bf16 [tilespmem:s24], [sflag:$0x4], $0x20, s9, s11, $0xb8;
	[tilespmem:$0x10120] =	vst v63  }
0x8d: {  	s16 =	simm.s32 $0x28F0  }
0x8e: {  	[spmem:s2] =	stream.indirect.scatter.add.bf16 [tilespmem:s25], [sflag:$0x4], $0x20, s16, s11, $0xb8;
	[tilespmem:$0x10120] =	vst v63  }
0x8f: {  	s18 =	simm.s32 $0x2940  }
0x90: {  	[spmem:s2] =	stream.indirect.scatter.add.bf16 [tilespmem:s26], [sflag:$0x4], $0x20, s18, s11, $0xb8;
	[tilespmem:$0x10120] =	vst v63  }
0x91: {  	s22 =	simm.s32 $0x2990;
	s14 =	simm.s32 $0xC80;
	s16 =	simm.s32 $0x29E0  }
0x92: {  	[spmem:s2] =	stream.indirect.scatter.add.bf16 [tilespmem:s28], [sflag:$0x4], $0x20, s22, s11, $0xb8;
	[tilespmem:$0x10120] =	vst v63  }
.LBB2_2:
0x93: {  	s18 =	smov.u32 s14;
	s14 =	sadd.s32 $0xC80, s14  }
0x94: {  	[spmem:s2] =	stream.indirect.scatter.add.bf16 [tilespmem:s29], [sflag:$0x4], $0x20, s16, s11, $0xb8;
	[tilespmem:$0x10120] =	vst v63  }
0x95: {  	p0 =	sne.s32 s14, $0x9600;
	_ =	swait.ge [sflag:s23], $0xA00  }
0x96: {  	[sflag:s23] =	ssyncset.done $0x0  }
0x97: {  	[sflag:s23] =	ssyncadd.s32 $0xFFFFF600  }
0x98: {  	_ =	swait.ge [sflag:s23], $0xA00  }
0x99: {  	[sflag:s23] =	ssyncset.done $0x0  }
0x9a: {  	[sflag:s23] =	ssyncadd.s32 $0xFFFFF600  }
0x9b: {  	_ =	swait.ge [sflag:s23], $0xA00  }
0x9c: {  	[sflag:s23] =	ssyncset.done $0x0  }
0x9d: {  	[sflag:s23] =	ssyncadd.s32 $0xFFFFF600  }
0x9e: {  	_ =	swait.ge [sflag:s23], $0xA00  }
0x9f: {  	[sflag:s23] =	ssyncset.done $0x0  }
0xa0: {  	[sflag:s23] =	ssyncadd.s32 $0xFFFFF600  }
0xa1: {  	_ =	swait.ge [sflag:s23], $0xA00  }
0xa2: {  	p1 =	seq.s32 s18, $0x0;
	[sflag:s23] =	ssyncset.done $0x0  }
0xa3: {  	s22 =	simm.s32 @!p1 $0x4;
	[sflag:s23] =	ssyncadd.s32 $0xFFFFF600  }
0xa4: {  	_ =	swait.ge @!p1 [sflag:s22], $0xA00  }
0xa5: {  	[sflag:s22] =	ssyncset.done @!p1 $0x0  }
0xa6: {  	[sflag:s22] =	ssyncadd.s32 @!p1 $0xFFFFF600  }
0xa7: {  	_ =	swait.ge @!p1 [sflag:s22], $0xA00  }
0xa8: {  	[sflag:s22] =	ssyncset.done @!p1 $0x0  }
0xa9: {  	[sflag:s22] =	ssyncadd.s32 @!p1 $0xFFFFF600  }
0xaa: {  	_ =	swait.ge @!p1 [sflag:s22], $0xA00  }
0xab: {  	[sflag:s22] =	ssyncset.done @!p1 $0x0  }
0xac: {  	[sflag:s22] =	ssyncadd.s32 @!p1 $0xFFFFF600  }
0xad: {  	_ =	swait.ge @!p1 [sflag:s22], $0xA00  }
0xae: {  	[sflag:s22] =	ssyncset.done @!p1 $0x0  }
0xaf: {  	[sflag:s22] =	ssyncadd.s32 @!p1 $0xFFFFF600  }
0xb0: {  	_ =	swait.ge @!p1 [sflag:s22], $0xA00  }
0xb1: {  	s16 =	sshra.s32 s18, $0x2;
	[sflag:s22] =	ssyncset.done @!p1 $0x0  }
0xb2: {  	[sflag:s22] =	ssyncadd.s32 @!p1 $0xFFFFF600;
	s22 =	sadd.s32 $0x190, s16  }
0xb3: {  	[tilespmem:s24], [sflag:$0x2] =	stream.indirect.gather [hbm4b:s4+s11], $0x20, s22, s11, $0xb8;
	[tilespmem:$0x10120] =	vst v63  }
0xb4: {  	s22 =	sadd.s32 $0x1E0, s16  }
0xb5: {  	[tilespmem:s25], [sflag:$0x2] =	stream.indirect.gather [hbm4b:s4+s11], $0x20, s22, s11, $0xb8;
	[tilespmem:$0x10120] =	vst v63  }
0xb6: {  	s22 =	sadd.s32 $0x230, s16  }
0xb7: {  	[tilespmem:s26], [sflag:$0x2] =	stream.indirect.gather [hbm4b:s4+s11], $0x20, s22, s11, $0xb8;
	[tilespmem:$0x10120] =	vst v63  }
0xb8: {  	s22 =	sadd.s32 $0x280, s16  }
0xb9: {  	[tilespmem:s28], [sflag:$0x2] =	stream.indirect.gather [hbm4b:s4+s11], $0x20, s22, s11, $0xb8;
	[tilespmem:$0x10120] =	vst v63  }
0xba: {  	s22 =	sadd.s32 $0x2D0, s16  }
0xbb: {  	[tilespmem:s29], [sflag:$0x2] =	stream.indirect.gather [hbm4b:s4+s11], $0x20, s22, s11, $0xb8;
	[tilespmem:$0x10120] =	vst v63  }
0xbc: {  	s22 =	sadd.s32 $0x2710, s16  }
0xbd: {  	[spmem:s2] =	stream.indirect.scatter.add.bf16 [tilespmem:s12], [sflag:$0x3], $0x20, s22, s11, $0xb8;
	[tilespmem:$0x10120] =	vst v63  }
0xbe: {  	s22 =	sadd.s32 $0x2760, s16  }
0xbf: {  	[spmem:s2] =	stream.indirect.scatter.add.bf16 [tilespmem:s13], [sflag:$0x3], $0x20, s22, s11, $0xb8;
	[tilespmem:$0x10120] =	vst v63  }
0xc0: {  	s22 =	sadd.s32 $0x27B0, s16  }
0xc1: {  	[spmem:s2] =	stream.indirect.scatter.add.bf16 [tilespmem:s15], [sflag:$0x3], $0x20, s22, s11, $0xb8;
	[tilespmem:$0x10120] =	vst v63  }
0xc2: {  	s22 =	sadd.s32 $0x2800, s16  }
0xc3: {  	[spmem:s2] =	stream.indirect.scatter.add.bf16 [tilespmem:s17], [sflag:$0x3], $0x20, s22, s11, $0xb8;
	[tilespmem:$0x10120] =	vst v63  }
0xc4: {  	s22 =	sadd.s32 $0x2850, s16  }
0xc5: {  	[spmem:s2] =	stream.indirect.scatter.add.bf16 [tilespmem:s19], [sflag:$0x3], $0x20, s22, s11, $0xb8;
	[tilespmem:$0x10120] =	vst v63  }
0xc6: {  	_ =	swait.ge [sflag:s30], $0xA00  }
0xc7: {  	[sflag:s30] =	ssyncset.done $0x0  }
0xc8: {  	[sflag:s30] =	ssyncadd.s32 $0xFFFFF600  }
0xc9: {  	_ =	swait.ge [sflag:s30], $0xA00  }
0xca: {  	[sflag:s30] =	ssyncset.done $0x0  }
0xcb: {  	[sflag:s30] =	ssyncadd.s32 $0xFFFFF600  }
0xcc: {  	_ =	swait.ge [sflag:s30], $0xA00  }
0xcd: {  	[sflag:s30] =	ssyncset.done $0x0  }
0xce: {  	[sflag:s30] =	ssyncadd.s32 $0xFFFFF600  }
0xcf: {  	_ =	swait.ge [sflag:s30], $0xA00  }
0xd0: {  	[sflag:s30] =	ssyncset.done $0x0  }
0xd1: {  	[sflag:s30] =	ssyncadd.s32 $0xFFFFF600  }
0xd2: {  	_ =	swait.ge [sflag:s30], $0xA00  }
0xd3: {  	p1 =	seq.s32 s18, $0x8980;
	[sflag:s30] =	ssyncset.done $0x0  }
0xd4: {  	s5 =	simm.s32 @p1 $0x2580;
	s22 =	simm.s32 @p1 $0x50;
	[sflag:s30] =	ssyncadd.s32 $0xFFFFF600  }
0xd5: {  	s6 =	simm.s32 @p1 $0x4E20;
	s7 =	simm.s32 @p1 $0x25D0;
	s8 =	simm.s32 @p1 $0x5820  }
0xd6: {  	[tilespmem:s6], [sflag:$0x1] =	stream.indirect.gather @p1 [hbm4b:s4+s22], $0x20, s5, s22, $0xb8;
	[tilespmem:$0x10120] =	vst v63  }
0xd7: {  	s18 =	sshra.s32 @!p1 s18, $0x2;
	s5 =	simm.s32 @p1 $0x2620;
	s6 =	simm.s32 @p1 $0x6220  }
0xd8: {  	[tilespmem:s8], [sflag:$0x1] =	stream.indirect.gather @p1 [hbm4b:s4+s22], $0x20, s7, s22, $0xb8;
	[tilespmem:$0x10120] =	vst v63  }
0xd9: {  	s9 =	sadd.s32 @!p1 $0x320, s18;
	s7 =	simm.s32 @p1 $0x2670;
	s8 =	simm.s32 @p1 $0x6C20  }
0xda: {  	[tilespmem:s6], [sflag:$0x1] =	stream.indirect.gather @p1 [hbm4b:s4+s22], $0x20, s5, s22, $0xb8;
	[tilespmem:$0x10120] =	vst v63  }
0xdb: {  	s3 =	sadd.s32 @!p1 $0x370, s18;
	s5 =	simm.s32 @!p1 $0x50;
	s6 =	simm.s32 @!p1 $0x4E20  }
0xdc: {  	[tilespmem:s8], [sflag:$0x1] =	stream.indirect.gather @p1 [hbm4b:s4+s22], $0x20, s7, s22, $0xb8;
	[tilespmem:$0x10120] =	vst v63  }
0xdd: {  	s7 =	simm.s32 @!p1 $0x5820;
	s8 =	sadd.s32 @!p1 $0x3C0, s18;
	s22 =	sadd.s32 @!p1 $0x410, s18  }
0xde: {  	[tilespmem:s6], [sflag:$0x1] =	stream.indirect.gather @!p1 [hbm4b:s4+s5], $0x20, s9, s5, $0xb8;
	[tilespmem:$0x10120] =	vst v63  }
0xdf: {  	s6 =	simm.s32 @!p1 $0x6220;
	s9 =	sadd.s32 @!p1 $0x460, s18  }
0xe0: {  	[tilespmem:s7], [sflag:$0x1] =	stream.indirect.gather @!p1 [hbm4b:s4+s5], $0x20, s3, s5, $0xb8;
	[tilespmem:$0x10120] =	vst v63  }
0xe1: {  	s9 =	simm.s32 @p1 $0x26C0;
	s3 =	simm.s32 @!p1 $0x6C20  }
0xe2: {  	[tilespmem:s6], [sflag:$0x1] =	stream.indirect.gather @!p1 [hbm4b:s4+s5], $0x20, s8, s5, $0xb8;
	[tilespmem:$0x10120] =	vst v63  }
0xe3: {  	_ = 	snop  }
0xe4: {  	[tilespmem:s3], [sflag:$0x1] =	stream.indirect.gather @!p1 [hbm4b:s4+s5], $0x20, s22, s5, $0xb8;
	[tilespmem:$0x10120] =	vst v63  }
0xe5: {  	_ = 	snop  }
0xe6: {  	[tilespmem:s19], [sflag:$0x1] =	stream.indirect.gather [hbm4b:s4+s11], $0x20, s9, s11, $0xb8;
	[tilespmem:$0x10120] =	vst v63  }
0xe7: {  	_ =	swait.ge [sflag:s31], $0xA00  }
0xe8: {  	[sflag:s31] =	ssyncset.done $0x0  }
0xe9: {  	[sflag:s31] =	ssyncadd.s32 $0xFFFFF600  }
0xea: {  	_ =	swait.ge [sflag:s31], $0xA00  }
0xeb: {  	[sflag:s31] =	ssyncset.done $0x0  }
0xec: {  	[sflag:s31] =	ssyncadd.s32 $0xFFFFF600  }
0xed: {  	_ =	swait.ge [sflag:s31], $0xA00  }
0xee: {  	[sflag:s31] =	ssyncset.done $0x0  }
0xef: {  	[sflag:s31] =	ssyncadd.s32 $0xFFFFF600  }
0xf0: {  	_ =	swait.ge [sflag:s31], $0xA00  }
0xf1: {  	[sflag:s31] =	ssyncset.done $0x0  }
0xf2: {  	[sflag:s31] =	ssyncadd.s32 $0xFFFFF600  }
0xf3: {  	_ =	swait.ge [sflag:s31], $0xA00  }
0xf4: {  	s3 =	sadd.s32 $0x28A0, s16;
	[sflag:s31] =	ssyncset.done $0x0  }
0xf5: {  	s5 =	sadd.s32 $0x28F0, s16;
	[sflag:s31] =	ssyncadd.s32 $0xFFFFF600  }
0xf6: {  	[spmem:s2] =	stream.indirect.scatter.add.bf16 [tilespmem:s24], [sflag:$0x4], $0x20, s3, s11, $0xb8;
	[tilespmem:$0x10120] =	vst v63  }
0xf7: {  	s3 =	sadd.s32 $0x2940, s16  }
0xf8: {  	[spmem:s2] =	stream.indirect.scatter.add.bf16 [tilespmem:s25], [sflag:$0x4], $0x20, s5, s11, $0xb8;
	[tilespmem:$0x10120] =	vst v63  }
.Ltmp0:
0xf9: {  	_ = 	snop;
	(pc) =	sbr.rel @p0 .LBB2_2-.Ltmp0, $4  }
0xfa: {  	s5 =	sadd.s32 $0x2990, s16  }
0xfb: {  	[spmem:s2] =	stream.indirect.scatter.add.bf16 [tilespmem:s26], [sflag:$0x4], $0x20, s3, s11, $0xb8;
	[tilespmem:$0x10120] =	vst v63  }
0xfc: {  	s16 =	sadd.s32 $0x29E0, s16  }
0xfd: {  	[spmem:s2] =	stream.indirect.scatter.add.bf16 [tilespmem:s28], [sflag:$0x4], $0x20, s5, s11, $0xb8;
	[tilespmem:$0x10120] =	vst v63  }
0xfe: {  	[spmem:s2] =	stream.indirect.scatter.add.bf16 [tilespmem:s29], [sflag:$0x4], $0x20, s16, s11, $0xb8;
	[tilespmem:$0x10120] =	vst v63  }
0xff: {  	_ =	swait.ge [sflag:s1], $0xA00  }
0x100: {  	[sflag:s1] =	ssyncset.done $0x0  }
0x101: {  	[sflag:s1] =	ssyncadd.s32 $0xFFFFF600  }
0x102: {  	_ =	swait.ge [sflag:s1], $0xA00  }
0x103: {  	[sflag:s1] =	ssyncset.done $0x0  }
0x104: {  	[sflag:s1] =	ssyncadd.s32 $0xFFFFF600  }
0x105: {  	_ =	swait.ge [sflag:s1], $0xA00  }
0x106: {  	[sflag:s1] =	ssyncset.done $0x0  }
0x107: {  	[sflag:s1] =	ssyncadd.s32 $0xFFFFF600  }
0x108: {  	_ =	swait.ge [sflag:s1], $0xA00  }
0x109: {  	[sflag:s1] =	ssyncset.done $0x0  }
0x10a: {  	[sflag:s1] =	ssyncadd.s32 $0xFFFFF600  }
0x10b: {  	_ =	swait.ge [sflag:s1], $0xA00  }
0x10c: {  	[sflag:s1] =	ssyncset.done $0x0  }
0x10d: {  	[sflag:s1] =	ssyncadd.s32 $0xFFFFF600  }
0x10e: {  	_ =	swait.ge [sflag:s23], $0xA00  }
0x10f: {  	[sflag:s23] =	ssyncset.done $0x0  }
0x110: {  	[sflag:s23] =	ssyncadd.s32 $0xFFFFF600  }
0x111: {  	_ =	swait.ge [sflag:s23], $0xA00  }
0x112: {  	[sflag:s23] =	ssyncset.done $0x0  }
0x113: {  	[sflag:s23] =	ssyncadd.s32 $0xFFFFF600  }
0x114: {  	_ =	swait.ge [sflag:s23], $0xA00  }
0x115: {  	[sflag:s23] =	ssyncset.done $0x0  }
0x116: {  	[sflag:s23] =	ssyncadd.s32 $0xFFFFF600  }
0x117: {  	_ =	swait.ge [sflag:s23], $0xA00  }
0x118: {  	[sflag:s23] =	ssyncset.done $0x0  }
0x119: {  	[sflag:s23] =	ssyncadd.s32 $0xFFFFF600  }
0x11a: {  	_ =	swait.ge [sflag:s23], $0xA00  }
0x11b: {  	[sflag:s23] =	ssyncset.done $0x0  }
0x11c: {  	s3 =	simm.s32 $0x4C90;
	[sflag:s23] =	ssyncadd.s32 $0xFFFFF600  }
0x11d: {  	[spmem:s2] =	stream.indirect.scatter.add.bf16 [tilespmem:s12], [sflag:$0x3], $0x20, s3, s11, $0xb8;
	[tilespmem:$0x10120] =	vst v63  }
0x11e: {  	s8 =	simm.s32 $0x4CE0  }
0x11f: {  	[spmem:s2] =	stream.indirect.scatter.add.bf16 [tilespmem:s13], [sflag:$0x3], $0x20, s8, s11, $0xb8;
	[tilespmem:$0x10120] =	vst v63  }
0x120: {  	s9 =	simm.s32 $0x4D30  }
0x121: {  	[spmem:s2] =	stream.indirect.scatter.add.bf16 [tilespmem:s15], [sflag:$0x3], $0x20, s9, s11, $0xb8;
	[tilespmem:$0x10120] =	vst v63  }
0x122: {  	s14 =	simm.s32 $0x4D80  }
0x123: {  	[spmem:s2] =	stream.indirect.scatter.add.bf16 [tilespmem:s17], [sflag:$0x3], $0x20, s14, s11, $0xb8;
	[tilespmem:$0x10120] =	vst v63  }
0x124: {  	s16 =	simm.s32 $0x4DD0  }
0x125: {  	[spmem:s2] =	stream.indirect.scatter.add.bf16 [tilespmem:s19], [sflag:$0x3], $0x20, s16, s11, $0xb8;
	[tilespmem:$0x10120] =	vst v63  }
0x126: {  	_ =	swait.ge [sflag:s30], $0xA00  }
0x127: {  	[sflag:s30] =	ssyncset.done $0x0  }
0x128: {  	[sflag:s30] =	ssyncadd.s32 $0xFFFFF600  }
0x129: {  	_ =	swait.ge [sflag:s30], $0xA00  }
0x12a: {  	[sflag:s30] =	ssyncset.done $0x0  }
0x12b: {  	[sflag:s30] =	ssyncadd.s32 $0xFFFFF600  }
0x12c: {  	_ =	swait.ge [sflag:s30], $0xA00  }
0x12d: {  	[sflag:s30] =	ssyncset.done $0x0  }
0x12e: {  	[sflag:s30] =	ssyncadd.s32 $0xFFFFF600  }
0x12f: {  	_ =	swait.ge [sflag:s30], $0xA00  }
0x130: {  	[sflag:s30] =	ssyncset.done $0x0  }
0x131: {  	[sflag:s30] =	ssyncadd.s32 $0xFFFFF600  }
0x132: {  	_ =	swait.ge [sflag:s30], $0xA00  }
0x133: {  	[sflag:s30] =	ssyncset.done $0x0  }
0x134: {  	[sflag:s30] =	ssyncadd.s32 $0xFFFFF600  }
0x135: {  	[bflag:$0x0] =	sbarrier.arrive $0xFFFF  }
0x136: {  	s18 =	rddreg [dreg:$0x7]  }
0x137: {  	[hbm:s18], [sflag:s20] =	dma.local [spmem:s21], $0x9E0  }
0x138: {  	_ =	swait.ge [sflag:s10], $0x9E0  }
0x139: {  	s0 =	sadd.s32 $0x1, s0;
	s22 =	rddreg [dreg:$0x8]  }
0x13a: {  	p0 =	sne.s32 s0, s22  }
.Ltmp1:
0x13b: {  	_ = 	snop;
	(pc) =	sbr.rel @p0 .LBB2_1-.Ltmp1, $3  }
0x13c: {  	_ =	sdelay $0x1  }
0x13d: {  	[sflag:s10] =	ssyncset.done $0x0  }
0x13e: {  	[sflag:s10] =	ssyncadd.s32 $0xFFFFF620  }
0x13f: {  	_ =	sfence.sel $0x180000  }
0x140: {  	[bflag:$0x0] =	sbarrier.arrive $0xFFFF  }
0x141: {  	_ =	strace $0x9000004A  }
0x142: {  	s0 =	stileid.u32;
	[bflag:$0x2] =	sbarrier.arrive $0xFFFF  }
0x143: {  	p0 =	sne.s32 s0, $0x0;
	s0 =	rddreg [dreg:$0x3]  }
0x144: {  	s0 =	sadd.s32 @!p0 $0x100000, s0  }
0x145: {  	[sflag:s0] =	ssyncadd.tile.s32 @!p0 $0x1;
	_ =	shalt  }
.Lfunc_end2:
_tile_overlayer_lowered:
.L_overlay_start_2:
0x146: {  	(tag) =	ssettag $0x2  }
0x147: {  	s0 =	rddreg [dreg:$0x0];
	s2 =	stileid.u32  }
0x148: {  	s1 =	rddreg [dreg:$0x1];
	p0 =	sne.s32 s2, $0x0  }
0x149: {  	s3 =	rddreg [dreg:$0x2];
	[bflag:$0x3] =	sbarrier.arrive $0xFFFF;
	s2 =	simm.s32 @!p0 $0x1C05  }
0x14a: {  	[timem:s3], [sflag:s2] =	dma.local @!p0 [hbm:s0], s1  }
0x14b: {  	s0 =	simm.s32 @!p0 $0x5  }
0x14c: {  	_ =	swait.ge @!p0 [sflag:s0], s1  }
0x14d: {  	s1 =	ssub.s32 @!p0 $0x0, s1;
	[sflag:s0] =	ssyncset.done @!p0 $0x0  }
0x14e: {  	[sflag:s0] =	ssyncadd.s32 @!p0 s1  }
0x14f: {  	[bflag:$0x3] =	sbarrier.arrive $0xFFFF  }
0x150: {  	_ =	shalt  }

// kernel: kernel.9.cloned.1.call-start
scs
__scs_entry_jumppad:
0x0: {  	(pc) =	sbr.rel $0x88, $3  }
0x1: {  	(tag) =	ssettag $0x0;
	lr =	simm.s32 $0x1  }
0x2: {  	[smem:$0x3F93] =	sst lr;
	_ =	strace $0xD0000000  }
0x3: {  	_ = 	snop  }
0x4: {  	_ = 	snop  }
0x5: {  	_ = 	snop  }
0x6: {  	_ = 	snop  }
0x7: {  	_ = 	snop  }
__scs_overlays_trampoline_lowered:
0x8: {  	[smem:$0x3FA2] =	sst s0  }
0x9: {  	[smem:$0x3FA3] =	sst s1  }
0xa: {  	[smem:$0x3FA4] =	sst s2  }
0xb: {  	[smem:$0x3FA5] =	sst s3  }
0xc: {  	[smem:$0x3FA6] =	sst s4  }
0xd: {  	[smem:$0x3FA7] =	sst s5  }
0xe: {  	[smem:$0x3FA8] =	sst s6  }
0xf: {  	[smem:$0x3FA9] =	sst s7  }
0x10: {  	[smem:$0x3FAA] =	sst s8  }
0x11: {  	[smem:$0x3FAB] =	sst s9;
	s0 =	simm.s32 @!p0 $0x0  }
0x12: {  	s1 =	sld [smem:$0x3F91];
	s0 =	simm.s32 @p0 $0x1  }
0x13: {  	[smem:$0x3FAC] =	sst s0;
	s0 =	simm.s32 @!p1 $0x0  }
0x14: {  	s2 =	sld [smem:$0x3F90];
	s0 =	simm.s32 @p1 $0x1  }
0x15: {  	[smem:$0x3FAD] =	sst s0;
	s0 =	simm.s32 @!p2 $0x0  }
0x16: {  	s3 =	sld [smem:$0x3FDB];
	s0 =	simm.s32 @p2 $0x1  }
0x17: {  	s4 =	simm.s32 $0x1BF5;
	[smem:$0x3FAF] =	sst s0  }
0x18: {  	s0 =	sld [smem:$0x3F92];
	_ =	swait.ge [sflag:s4], $0x0  }
0x19: {  	s7 =	sld [smem:$0x3F93]  }
0x1a: {  	s8 =	sadd.s32 $0xFFFFE003, lr  }
0x1b: {  	s9 =	sadd.s32 $0xFFFFFEF7, lr;
	s5 =	simm.s32 $0xFFFFFFFF;
	p2 =	slt.u32 s8, $0xFFFFF086  }
0x1c: {  	p1 =	slt.u32 s9, $0xF7A;
	s5 =	simm.s32 @!p2 $0x0  }
0x1d: {  	s5 =	simm.s32 @p1 $0x1;
	p0 =	seq.s32 s7, s2  }
0x1e: {  	s7 =	smul.u32 @!p0 $0xF7A, s2;
	p2 =	seq.s32 @!p0 s5, $0x0  }
0x1f: {  	s9 =	smul.u32 $0xF7A, s1;
	s8 =	simm.s32 @!p0 $0x1BF5;
	p2 =	por !p2, p0  }
0x20: {  	[sflag:s8] =	ssyncset.s32 @!p0 $0xFFFFF086;
	s6 =	sadd.s32 @!p0 s3, s7;
	s7 =	simm.s32 @!p0 $0x108  }
0x21: {  	s3 =	sadd.s32 s3, s9;
	s6 =	sadd.s32 @!p0 $0x88, s6;
	s7 =	simm.s32 @p2 $0x1082  }
0x22: {  	[simem:s7], [sflag:s8] =	dma.local @!p0 [hbm:s6], $0xF7A  }
0x23: {  	s9 =	sor.u32 $0xD0000000, s2;
	s6 =	simm.s32 $0x108;
	_ =	swait.ge @!p0 [sflag:s8], $0x0  }
0x24: {  	s3 =	sadd.s32 $0x88, s3;
	s6 =	simm.s32 @!p1 $0x1082;
	[sflag:s4] =	ssyncset.s32 $0xFFFFF086  }
0x25: {  	[simem:s6], [sflag:s4] =	dma.local [hbm:s3], $0xF7A  }
0x26: {  	[smem:$0x3F93] =	sst s1;
	(tag) =	ssettag s2;
	_ =	strace s9  }
0x27: {  	s1 =	sld [smem:$0x3FA3]  }
0x28: {  	s2 =	sld [smem:$0x3FA4]  }
0x29: {  	s4 =	sld [smem:$0x3FA6]  }
0x2a: {  	p0 =	seq.s32 s5, $0x0;
	s5 =	sld [smem:$0x3FA7]  }
0x2b: {  	s6 =	sld [smem:$0x3FA8]  }
0x2c: {  	s7 =	sld [smem:$0x3FA9]  }
0x2d: {  	s3 =	simm.s32 $0x108;
	s8 =	sld [smem:$0x3FAA]  }
0x2e: {  	s3 =	simm.s32 @!p0 $0x1082;
	s9 =	sld [smem:$0x3FAB]  }
0x2f: {  	lr =	sadd.s32 s0, s3;
	s0 =	sld [smem:$0x3FA2]  }
0x30: {  	s3 =	sld [smem:$0x3FA5]  }
0x31: {  	[smem:$0x3FAE] =	sst s10  }
0x32: {  	s10 =	sld [smem:$0x3FAC];
	_ =	sdelay $0x3  }
0x33: {  	p0 =	seq.s32 s10, $0x1;
	s10 =	sld [smem:$0x3FAE];
	_ =	sdelay $0x3  }
0x34: {  	[smem:$0x3FAE] =	sst s10  }
0x35: {  	s10 =	sld [smem:$0x3FAD];
	_ =	sdelay $0x3  }
0x36: {  	p1 =	seq.s32 s10, $0x1;
	s10 =	sld [smem:$0x3FAE];
	_ =	sdelay $0x3  }
0x37: {  	[smem:$0x3FAE] =	sst s10  }
0x38: {  	s10 =	sld [smem:$0x3FAF]  }
0x39: {  	_ = 	snop;
	(pc) =	sbr.ind lr, $3  }
0x3a: {  	_ = 	snop  }
0x3b: {  	_ = 	snop  }
0x3c: {  	p2 =	seq.s32 s10, $0x1;
	s10 =	sld [smem:$0x3FAE]  }
0x3d: {  	_ =	shalt  }
0x3e: {  	_ =	shalt  }
0x3f: {  	_ =	shalt  }
0x40: {  	_ =	shalt  }
0x41: {  	_ =	shalt  }
0x42: {  	_ =	shalt  }
0x43: {  	_ =	shalt  }
0x44: {  	_ =	shalt  }
0x45: {  	_ =	shalt  }
0x46: {  	_ =	shalt  }
0x47: {  	_ =	shalt  }
0x48: {  	_ =	shalt  }
0x49: {  	_ =	shalt  }
0x4a: {  	_ =	shalt  }
0x4b: {  	_ =	shalt  }
0x4c: {  	_ =	shalt  }
0x4d: {  	_ =	shalt  }
0x4e: {  	_ =	shalt  }
0x4f: {  	_ =	shalt  }
0x50: {  	_ =	shalt  }
0x51: {  	_ =	shalt  }
0x52: {  	_ =	shalt  }
0x53: {  	_ =	shalt  }
0x54: {  	_ =	shalt  }
0x55: {  	_ =	shalt  }
0x56: {  	_ =	shalt  }
0x57: {  	_ =	shalt  }
0x58: {  	_ =	shalt  }
0x59: {  	_ =	shalt  }
0x5a: {  	_ =	shalt  }
0x5b: {  	_ =	shalt  }
0x5c: {  	_ =	shalt  }
0x5d: {  	_ =	shalt  }
0x5e: {  	_ =	shalt  }
0x5f: {  	_ =	shalt  }
0x60: {  	_ =	shalt  }
0x61: {  	_ =	shalt  }
0x62: {  	_ =	shalt  }
0x63: {  	_ =	shalt  }
0x64: {  	_ =	shalt  }
0x65: {  	_ =	shalt  }
0x66: {  	_ =	shalt  }
0x67: {  	_ =	shalt  }
0x68: {  	_ =	shalt  }
0x69: {  	_ =	shalt  }
0x6a: {  	_ =	shalt  }
0x6b: {  	_ =	shalt  }
0x6c: {  	_ =	shalt  }
0x6d: {  	_ =	shalt  }
0x6e: {  	_ =	shalt  }
0x6f: {  	_ =	shalt  }
0x70: {  	_ =	shalt  }
0x71: {  	_ =	shalt  }
0x72: {  	_ =	shalt  }
0x73: {  	_ =	shalt  }
0x74: {  	_ =	shalt  }
0x75: {  	_ =	shalt  }
0x76: {  	_ =	shalt  }
0x77: {  	_ =	shalt  }
0x78: {  	_ =	shalt  }
0x79: {  	_ =	shalt  }
0x7a: {  	_ =	shalt  }
0x7b: {  	_ =	shalt  }
0x7c: {  	_ =	shalt  }
0x7d: {  	_ =	shalt  }
0x7e: {  	_ =	shalt  }
0x7f: {  	_ =	shalt  }
0x80: {  	_ =	shalt  }
0x81: {  	_ =	shalt  }
0x82: {  	_ =	shalt  }
0x83: {  	_ =	shalt  }
0x84: {  	_ =	shalt  }
0x85: {  	_ =	shalt  }
0x86: {  	_ =	shalt  }
0x87: {  	_ =	shalt  }
.Lfunc_end0:
.L_simem_size_0:
called_computation_lowered:
.L_overlay_start_0:
0x88: {  	s2 =	sld [smem:$0x3FD9]  }
0x89: {  	s3 =	sld [smem:$0x3FFE];
	_ =	sdelay $0x1  }
0x8a: {  	s1 =	srdreg.scid  }
0x8b: {  	s0 =	sand.u32 $0x1, s1  }
0x8c: {  	s17 =	sshll.u32 s0, $0xA;
	s2 =	sadd.s32 s3, s2  }
0x8d: {  	s2 =	sadd.s32 s2, s17  }
0x8e: {  	[smem:$0x3FBA] =	sst s2  }
0x8f: {  	_ = 	snop  }
0x90: {  	s2 =	sld [smem:$0x3FD0];
	(tm) =	ssettm $0x1  }
0x91: {  	s18 =	sld [smem:$0x3FFB];
	_ =	sdelay $0x3  }
0x92: {  	_ =	strace s18  }
0x93: {  	s3 =	sld [smem:$0x3FFC];
	_ =	sdelay $0x3  }
0x94: {  	_ =	strace s3  }
0x95: {  	s3 =	sld [smem:$0x3FFD];
	_ =	sdelay $0x3  }
0x96: {  	_ =	strace s3  }
0x97: {  	_ =	strace $0x8FFFFFFF  }
0x98: {  	s19 =	sld [smem:$0x3FDB];
	_ =	sdelay $0x1  }
0x99: {  	s4 =	simm.s32 $_scs_section_size  }
0x9a: {  	s5 =	simm.s32 $_size__tile_overlayer_lowered;
	s6 =	simm.s32 $_tile_overlayer_lowered  }
0x9b: {  	s22 =	simm.s32 $0x1BFF;
	s21 =	sshll.u32 s6, $0x1;
	s3 =	sadd.s32 s4, s19  }
0x9c: {  	s7 =	simm.s32 $0x0;
	s20 =	sshll.u32 s5, $0x1;
	s5 =	sadd.s32 s21, s3  }
0x9d: {  	[timem:s7], [sflag:s22] =	dma.local [hbm:s5], s20  }
0x9e: {  	_ =	swait.ge [sflag:s22], s20  }
0x9f: {  	s4 =	ssub.s32 $0x0, s20;
	[sflag:s22] =	ssyncset.done $0x0  }
0xa0: {  	[sflag:s22] =	ssyncadd.s32 s4;
	_ =	sdelay $0x1  }
0xa1: {  	s23 =	simm.s32 $0x1B8B  }
0xa2: {  	_ =	swait.ge [sflag:s23], $0x1  }
0xa3: {  	[sflag:s23] =	ssyncset.done $0x0  }
0xa4: {  	s25 =	simm.s32 $0x1B8E;
	s24 =	sld [smem:$0x3FFE];
	[sflag:s23] =	ssyncadd.s32 $0xFFFFFFFF  }
0xa5: {  	s26 =	simm.s32 $execute0_lowered;
	[smem:$0x3FD2] =	sst s25  }
0xa6: {  	s5 =	sshll.u32 s26, $0x1;
	_ =	strace $0x80000046;
	[dreg:$0x1] =	wrdreg $0xFFFFFFFF  }
0xa7: {  	s28 =	simm.s32 $_size_execute0_lowered;
	s3 =	sadd.s32 s3, s5;
	[dreg:$0x0] =	wrdreg $0x0  }
0xa8: {  	s5 =	sshll.u32 s28, $0x1;
	[dreg:$0x2] =	wrdreg s3  }
0xa9: {  	[dreg:$0x3] =	wrdreg s5  }
0xaa: {  	[dreg:$0x4] =	wrdreg $0xC0  }
0xab: {  	_ =	task [dreg:s7], $0x5FFFF  }
0xac: {  	[dreg:$0x1] =	wrdreg $0xFFFFFFFF  }
0xad: {  	[dreg:$0x0] =	wrdreg $0x60  }
0xae: {  	[dreg:$0x2] =	wrdreg s24  }
0xaf: {  	[dreg:$0x3] =	wrdreg s2  }
0xb0: {  	[dreg:$0x4] =	wrdreg $0xB2200  }
0xb1: {  	[dreg:$0x5] =	wrdreg $0x9  }
0xb2: {  	_ =	task.clear_ibuf [dreg:s7], $0x6FFFF;
	_ =	strace $0x90000046  }
0xb3: {  	s29 =	simm.s32 $0x9;
	_ =	strace $0x80000048  }
0xb4: {  	_ =	swait.ge [sflag:s29], $0x1  }
0xb5: {  	[sflag:s29] =	ssyncadd.s32 $0xFFFFFFFF  }
0xb6: {  	_ =	strace $0x90000048  }
0xb7: {  	_ =	sfence  }
0xb8: {  	s30 =	sld [smem:$0x0];
	_ =	sdelay $0x2  }
0xb9: {  	s31 =	sshll.u32 s1, $0xD;
	s1 =	sshrl.u32 s1, $0x2  }
0xba: {  	s3 =	sand.u32 $0x4000, s31;
	s1 =	sadd.s32 s1, s30  }
0xbb: {  	s0 =	sor.u32 s3, s0;
	s1 =	sshll.u32 s1, $0x11  }
0xbc: {  	s0 =	sor.u32 s1, s0  }
0xbd: {  	s0 =	sadd.s32 $0x8F2B, s0  }
0xbe: {  	[sflag:s0] =	ssyncadd.remote.s32 $0x1  }
0xbf: {  	_ =	sfence.sel $0xFFFF  }
0xc0: {  	[dreg:$0x0] =	wrdreg $0xFFFFFFFF;
	(pc) =	sbr.abs _section_cstart, $3  }
0xc1: {  	[dreg:$0x1] =	wrdreg $0xFFFFFFFF  }
0xc2: {  	_ =	task.clear_ibuf [dreg:s7], $0x2FFFF;
	_ =	strace $0x9FFFFFFF  }
0xc3: {  	(tm) =	ssettm $0x7FFFFFFF  }
tec
execute0_lowered:
.L_overlay_start_1:
0x0: {  	(tag) =	ssettag $0x1  }
0x1: {  	s0 =	rddreg [dreg:$0x0]  }
0x2: {  	s1 =	rddreg [dreg:$0x1];
	s3 =	srdreg.scid  }
0x3: {  	s16 =	stileid.u32;
	s2 =	rddreg [dreg:$0x2];
	s22 =	simm.s32 $0x0  }
0x4: {  	s11 =	simm.s32 $0x50;
	s12 =	simm.s32 $0x4E20;
	s13 =	simm.s32 $0x5820  }
0x5: {  	s15 =	simm.s32 $0x6220;
	s17 =	simm.s32 $0x6C20;
	s19 =	simm.s32 $0x7620  }
0x6: {  	s28 =	simm.s32 $0x9E20;
	s29 =	simm.s32 $0xA820;
	s30 =	simm.s32 $0x3  }
0x7: {  	s31 =	simm.s32 $0x2;
	s4 =	sand.u32 $0x1, s3;
	s5 =	sshll.u32 s16, $0x1  }
0x8: {  	[smem:$0x7FF] =	sst s22;
	s7 =	smul.u32 $0x9E00, s16;
	s26 =	sshll.u32 s16, $0x6  }
0x9: {  	s5 =	sor.u32 s4, s5;
	_ =	strace $0x80000047;
	s8 =	smul.u32 $0x9E000, s4  }
0xa: {  	s6 =	ssub.s32 $0x2, s4;
	s4 =	sadd.s32 $0x2E00, s0;
	s5 =	smul.u32 $0x2710, s5  }
0xb: {  	s20 =	sor.u32 $0x1C05, s26;
	s26 =	simm.s32 $0x9420;
	s10 =	sshrl.u32 s6, $0x1  }
0xc: {  	s23 =	ssub.s32 s6, s10;
	s8 =	sadd.s32 s7, s8;
	s5 =	sshrl.u32 s5, $0x3  }
0xd: {  	s8 =	sshrl.u32 s8, $0x4;
	s9 =	sadd.s32 s5, s0;
	s0 =	sadd.s32 $0x2400, s0  }
0xe: {  	s7 =	sshrl.u32 s7, $0x1;
	s1 =	sadd.s32 s1, s8;
	[dreg:$0x4] =	wrdreg s0  }
0xf: {  	s10 =	simm.s32 $0x5;
	s24 =	sadd.s32 $0xCC00, s9;
	[dreg:$0x7] =	wrdreg s1  }
0x10: {  	s14 =	sadd.s32 s7, s2;
	s25 =	sadd.s32 $0x16840, s9;
	[dreg:$0x5] =	wrdreg s24  }
0x11: {  	s21 =	sshrl.u32 s14, $0x3;
	s0 =	smax.u32 s23, $0x1;
	[dreg:$0x6] =	wrdreg s25  }
0x12: {  	s23 =	simm.s32 $0x1;
	s1 =	simm.s32 $0x4;
	[dreg:$0x8] =	wrdreg s0  }
0x13: {  	s24 =	simm.s32 $0x8020;
	s25 =	simm.s32 $0x8A20;
	s0 =	simm.s32 $0x0  }
.LBB2_1:
0x14: {  	s3 =	simm.s32 $0x0;
	s5 =	rddreg [dreg:$0x5]  }
0x15: {  	[tilespmem:s3], [sflag:$0x5] =	stream.linear.gather [hbm4b:s5+s3], $0x2710, $0x38;
	[tilespmem:$0x10120] =	vst v63  }
0x16: {  	_ =	swait.ge [sflag:s10], $0x2710  }
0x17: {  	[sflag:s10] =	ssyncset.done $0x0  }
0x18: {  	[sflag:s10] =	ssyncadd.s32 $0xFFFFD8F0  }
0x19: {  	[tilespmem:s12], [sflag:$0x1] =	stream.indirect.gather [hbm4b:s4+s11], $0x20, s3, s11, $0xb8;
	[tilespmem:$0x10120] =	vst v63  }
0x1a: {  	_ = 	snop  }
0x1b: {  	[tilespmem:s13], [sflag:$0x1] =	stream.indirect.gather [hbm4b:s4+s11], $0x20, s11, s11, $0xb8;
	[tilespmem:$0x10120] =	vst v63  }
0x1c: {  	s16 =	simm.s32 $0xA0  }
0x1d: {  	[tilespmem:s15], [sflag:$0x1] =	stream.indirect.gather [hbm4b:s4+s11], $0x20, s16, s11, $0xb8;
	[tilespmem:$0x10120] =	vst v63  }
0x1e: {  	s18 =	simm.s32 $0xF0  }
0x1f: {  	[tilespmem:s17], [sflag:$0x1] =	stream.indirect.gather [hbm4b:s4+s11], $0x20, s18, s11, $0xb8;
	[tilespmem:$0x10120] =	vst v63  }
0x20: {  	s22 =	simm.s32 $0x140;
	s6 =	rddreg [dreg:$0x4]  }
0x21: {  	[tilespmem:s19], [sflag:$0x1] =	stream.indirect.gather [hbm4b:s4+s11], $0x20, s22, s11, $0xb8;
	[tilespmem:$0x10120] =	vst v63  }
0x22: {  	[spmem:s21], [sflag:s20] =	dma.local [hbm:s6], $0x9E0  }
0x23: {  	_ =	swait.ge [sflag:s10], $0x9E0  }
0x24: {  	[sflag:s10] =	ssyncset.done $0x0  }
0x25: {  	s6 =	simm.s32 $0x2710;
	s7 =	rddreg [dreg:$0x6];
	[sflag:s10] =	ssyncadd.s32 $0xFFFFF620  }
0x26: {  	[tilespmem:s6], [sflag:$0x5] =	stream.linear.gather [hbm4b:s7+s3], $0x2710, $0x38;
	[tilespmem:$0x10120] =	vst v63  }
0x27: {  	_ =	swait.ge [sflag:s10], $0x2710  }
0x28: {  	[sflag:s10] =	ssyncset.done $0x0  }
0x29: {  	[sflag:s10] =	ssyncadd.s32 $0xFFFFD8F0  }
0x2a: {  	[bflag:$0x0] =	sbarrier.arrive $0xFFFF  }
0x2b: {  	_ =	swait.ge [sflag:s23], $0xA00  }
0x2c: {  	[sflag:s23] =	ssyncset.done $0x0  }
0x2d: {  	[sflag:s23] =	ssyncadd.s32 $0xFFFFF600  }
0x2e: {  	_ =	swait.ge [sflag:s23], $0xA00  }
0x2f: {  	[sflag:s23] =	ssyncset.done $0x0  }
0x30: {  	[sflag:s23] =	ssyncadd.s32 $0xFFFFF600  }
0x31: {  	_ =	swait.ge [sflag:s23], $0xA00  }
0x32: {  	[sflag:s23] =	ssyncset.done $0x0  }
0x33: {  	[sflag:s23] =	ssyncadd.s32 $0xFFFFF600  }
0x34: {  	_ =	swait.ge [sflag:s23], $0xA00  }
0x35: {  	[sflag:s23] =	ssyncset.done $0x0  }
0x36: {  	[sflag:s23] =	ssyncadd.s32 $0xFFFFF600  }
0x37: {  	_ =	swait.ge [sflag:s23], $0xA00  }
0x38: {  	p0 =	por $0x1, $0x1;
	[sflag:s23] =	ssyncset.done $0x0  }
0x39: {  	s14 =	simm.s32 @!p0 $0x4;
	[sflag:s23] =	ssyncadd.s32 $0xFFFFF600  }
0x3a: {  	_ =	swait.ge @!p0 [sflag:s14], $0xA00  }
0x3b: {  	[sflag:s14] =	ssyncset.done @!p0 $0x0  }
0x3c: {  	[sflag:s14] =	ssyncadd.s32 @!p0 $0xFFFFF600  }
0x3d: {  	_ =	swait.ge @!p0 [sflag:s14], $0xA00  }
0x3e: {  	[sflag:s14] =	ssyncset.done @!p0 $0x0  }
0x3f: {  	[sflag:s14] =	ssyncadd.s32 @!p0 $0xFFFFF600  }
0x40: {  	_ =	swait.ge @!p0 [sflag:s14], $0xA00  }
0x41: {  	[sflag:s14] =	ssyncset.done @!p0 $0x0  }
0x42: {  	[sflag:s14] =	ssyncadd.s32 @!p0 $0xFFFFF600  }
0x43: {  	_ =	swait.ge @!p0 [sflag:s14], $0xA00  }
0x44: {  	[sflag:s14] =	ssyncset.done @!p0 $0x0  }
0x45: {  	[sflag:s14] =	ssyncadd.s32 @!p0 $0xFFFFF600  }
0x46: {  	_ =	swait.ge @!p0 [sflag:s14], $0xA00  }
0x47: {  	[sflag:s14] =	ssyncset.done @!p0 $0x0  }
0x48: {  	s8 =	simm.s32 $0x190;
	[sflag:s14] =	ssyncadd.s32 @!p0 $0xFFFFF600  }
0x49: {  	[tilespmem:s24], [sflag:$0x2] =	stream.indirect.gather [hbm4b:s4+s11], $0x20, s8, s11, $0xb8;
	[tilespmem:$0x10120] =	vst v63  }
0x4a: {  	s9 =	simm.s32 $0x1E0  }
0x4b: {  	[tilespmem:s25], [sflag:$0x2] =	stream.indirect.gather [hbm4b:s4+s11], $0x20, s9, s11, $0xb8;
	[tilespmem:$0x10120] =	vst v63  }
0x4c: {  	s16 =	simm.s32 $0x230  }
0x4d: {  	[tilespmem:s26], [sflag:$0x2] =	stream.indirect.gather [hbm4b:s4+s11], $0x20, s16, s11, $0xb8;
	[tilespmem:$0x10120] =	vst v63  }
0x4e: {  	s18 =	simm.s32 $0x280  }
0x4f: {  	[tilespmem:s28], [sflag:$0x2] =	stream.indirect.gather [hbm4b:s4+s11], $0x20, s18, s11, $0xb8;
	[tilespmem:$0x10120] =	vst v63  }
0x50: {  	s22 =	simm.s32 $0x2D0  }
0x51: {  	[tilespmem:s29], [sflag:$0x2] =	stream.indirect.gather [hbm4b:s4+s11], $0x20, s22, s11, $0xb8;
	[tilespmem:$0x10120] =	vst v63  }
0x52: {  	s3 =	simm.s32 $0x2710  }
0x53: {  	[spmem:s2] =	stream.indirect.scatter.add.bf16 [tilespmem:s12], [sflag:$0x3], $0x20, s3, s11, $0xb8;
	[tilespmem:$0x10120] =	vst v63  }
0x54: {  	s5 =	simm.s32 $0x2760  }
0x55: {  	[spmem:s2] =	stream.indirect.scatter.add.bf16 [tilespmem:s13], [sflag:$0x3], $0x20, s5, s11, $0xb8;
	[tilespmem:$0x10120] =	vst v63  }
0x56: {  	s6 =	simm.s32 $0x27B0  }
0x57: {  	[spmem:s2] =	stream.indirect.scatter.add.bf16 [tilespmem:s15], [sflag:$0x3], $0x20, s6, s11, $0xb8;
	[tilespmem:$0x10120] =	vst v63  }
0x58: {  	s7 =	simm.s32 $0x2800  }
0x59: {  	[spmem:s2] =	stream.indirect.scatter.add.bf16 [tilespmem:s17], [sflag:$0x3], $0x20, s7, s11, $0xb8;
	[tilespmem:$0x10120] =	vst v63  }
0x5a: {  	s8 =	simm.s32 $0x2850  }
0x5b: {  	[spmem:s2] =	stream.indirect.scatter.add.bf16 [tilespmem:s19], [sflag:$0x3], $0x20, s8, s11, $0xb8;
	[tilespmem:$0x10120] =	vst v63  }
0x5c: {  	_ =	swait.ge [sflag:s30], $0xA00  }
0x5d: {  	[sflag:s30] =	ssyncset.done $0x0  }
0x5e: {  	[sflag:s30] =	ssyncadd.s32 $0xFFFFF600  }
0x5f: {  	_ =	swait.ge [sflag:s30], $0xA00  }
0x60: {  	[sflag:s30] =	ssyncset.done $0x0  }
0x61: {  	[sflag:s30] =	ssyncadd.s32 $0xFFFFF600  }
0x62: {  	_ =	swait.ge [sflag:s30], $0xA00  }
0x63: {  	[sflag:s30] =	ssyncset.done $0x0  }
0x64: {  	[sflag:s30] =	ssyncadd.s32 $0xFFFFF600  }
0x65: {  	_ =	swait.ge [sflag:s30], $0xA00  }
0x66: {  	[sflag:s30] =	ssyncset.done $0x0  }
0x67: {  	[sflag:s30] =	ssyncadd.s32 $0xFFFFF600  }
0x68: {  	p0 =	por $0x0, $0x0;
	_ =	swait.ge [sflag:s30], $0xA00  }
0x69: {  	s14 =	simm.s32 @p0 $0x50;
	[sflag:s30] =	ssyncset.done $0x0  }
0x6a: {  	s16 =	simm.s32 @p0 $0x2580;
	s18 =	simm.s32 @p0 $0x4E20;
	[sflag:s30] =	ssyncadd.s32 $0xFFFFF600  }
0x6b: {  	[tilespmem:s18], [sflag:$0x1] =	stream.indirect.gather @p0 [hbm4b:s4+s14], $0x20, s16, s14, $0xb8;
	[tilespmem:$0x10120] =	vst v63  }
0x6c: {  	s16 =	simm.s32 @p0 $0x25D0;
	s18 =	simm.s32 @p0 $0x5820  }
0x6d: {  	[tilespmem:s18], [sflag:$0x1] =	stream.indirect.gather @p0 [hbm4b:s4+s14], $0x20, s16, s14, $0xb8;
	[tilespmem:$0x10120] =	vst v63  }
0x6e: {  	s16 =	simm.s32 @p0 $0x2620;
	s18 =	simm.s32 @p0 $0x6220  }
0x6f: {  	[tilespmem:s18], [sflag:$0x1] =	stream.indirect.gather @p0 [hbm4b:s4+s14], $0x20, s16, s14, $0xb8;
	[tilespmem:$0x10120] =	vst v63  }
0x70: {  	s16 =	simm.s32 @p0 $0x2670;
	s18 =	simm.s32 @p0 $0x6C20  }
0x71: {  	[tilespmem:s18], [sflag:$0x1] =	stream.indirect.gather @p0 [hbm4b:s4+s14], $0x20, s16, s14, $0xb8;
	[tilespmem:$0x10120] =	vst v63  }
0x72: {  	s14 =	simm.s32 @!p0 $0x320;
	s16 =	simm.s32 @!p0 $0x50;
	s18 =	simm.s32 @!p0 $0x4E20  }
0x73: {  	[tilespmem:s18], [sflag:$0x1] =	stream.indirect.gather @!p0 [hbm4b:s4+s16], $0x20, s14, s16, $0xb8;
	[tilespmem:$0x10120] =	vst v63  }
0x74: {  	s14 =	simm.s32 @!p0 $0x370;
	s18 =	simm.s32 @!p0 $0x5820  }
0x75: {  	[tilespmem:s18], [sflag:$0x1] =	stream.indirect.gather @!p0 [hbm4b:s4+s16], $0x20, s14, s16, $0xb8;
	[tilespmem:$0x10120] =	vst v63  }
0x76: {  	s14 =	simm.s32 @!p0 $0x3C0;
	s18 =	simm.s32 @!p0 $0x6220  }
0x77: {  	[tilespmem:s18], [sflag:$0x1] =	stream.indirect.gather @!p0 [hbm4b:s4+s16], $0x20, s14, s16, $0xb8;
	[tilespmem:$0x10120] =	vst v63  }
0x78: {  	s14 =	simm.s32 @!p0 $0x410;
	s18 =	simm.s32 @!p0 $0x6C20  }
0x79: {  	[tilespmem:s18], [sflag:$0x1] =	stream.indirect.gather @!p0 [hbm4b:s4+s16], $0x20, s14, s16, $0xb8;
	[tilespmem:$0x10120] =	vst v63  }
0x7a: {  	s14 =	simm.s32 @!p0 $0x460  }
0x7b: {  	s14 =	simm.s32 @p0 $0x26C0  }
0x7c: {  	[tilespmem:s19], [sflag:$0x1] =	stream.indirect.gather [hbm4b:s4+s11], $0x20, s14, s11, $0xb8;
	[tilespmem:$0x10120] =	vst v63  }
0x7d: {  	_ =	swait.ge [sflag:s31], $0xA00  }
0x7e: {  	[sflag:s31] =	ssyncset.done $0x0  }
0x7f: {  	[sflag:s31] =	ssyncadd.s32 $0xFFFFF600  }
0x80: {  	_ =	swait.ge [sflag:s31], $0xA00  }
0x81: {  	[sflag:s31] =	ssyncset.done $0x0  }
0x82: {  	[sflag:s31] =	ssyncadd.s32 $0xFFFFF600  }
0x83: {  	_ =	swait.ge [sflag:s31], $0xA00  }
0x84: {  	[sflag:s31] =	ssyncset.done $0x0  }
0x85: {  	[sflag:s31] =	ssyncadd.s32 $0xFFFFF600  }
0x86: {  	_ =	swait.ge [sflag:s31], $0xA00  }
0x87: {  	[sflag:s31] =	ssyncset.done $0x0  }
0x88: {  	[sflag:s31] =	ssyncadd.s32 $0xFFFFF600  }
0x89: {  	_ =	swait.ge [sflag:s31], $0xA00  }
0x8a: {  	[sflag:s31] =	ssyncset.done $0x0  }
0x8b: {  	s9 =	simm.s32 $0x28A0;
	[sflag:s31] =	ssyncadd.s32 $0xFFFFF600  }
0x8c: {  	[spmem:s2] =	stream.indirect.scatter.add.bf16 [tilespmem:s24], [sflag:$0x4], $0x20, s9, s11, $0xb8;
	[tilespmem:$0x10120] =	vst v63  }
0x8d: {  	s16 =	simm.s32 $0x28F0  }
0x8e: {  	[spmem:s2] =	stream.indirect.scatter.add.bf16 [tilespmem:s25], [sflag:$0x4], $0x20, s16, s11, $0xb8;
	[tilespmem:$0x10120] =	vst v63  }
0x8f: {  	s18 =	simm.s32 $0x2940  }
0x90: {  	[spmem:s2] =	stream.indirect.scatter.add.bf16 [tilespmem:s26], [sflag:$0x4], $0x20, s18, s11, $0xb8;
	[tilespmem:$0x10120] =	vst v63  }
0x91: {  	s22 =	simm.s32 $0x2990;
	s14 =	simm.s32 $0xC80;
	s16 =	simm.s32 $0x29E0  }
0x92: {  	[spmem:s2] =	stream.indirect.scatter.add.bf16 [tilespmem:s28], [sflag:$0x4], $0x20, s22, s11, $0xb8;
	[tilespmem:$0x10120] =	vst v63  }
.LBB2_2:
0x93: {  	s18 =	smov.u32 s14;
	s14 =	sadd.s32 $0xC80, s14  }
0x94: {  	[spmem:s2] =	stream.indirect.scatter.add.bf16 [tilespmem:s29], [sflag:$0x4], $0x20, s16, s11, $0xb8;
	[tilespmem:$0x10120] =	vst v63  }
0x95: {  	p0 =	sne.s32 s14, $0x9600;
	_ =	swait.ge [sflag:s23], $0xA00  }
0x96: {  	[sflag:s23] =	ssyncset.done $0x0  }
0x97: {  	[sflag:s23] =	ssyncadd.s32 $0xFFFFF600  }
0x98: {  	_ =	swait.ge [sflag:s23], $0xA00  }
0x99: {  	[sflag:s23] =	ssyncset.done $0x0  }
0x9a: {  	[sflag:s23] =	ssyncadd.s32 $0xFFFFF600  }
0x9b: {  	_ =	swait.ge [sflag:s23], $0xA00  }
0x9c: {  	[sflag:s23] =	ssyncset.done $0x0  }
0x9d: {  	[sflag:s23] =	ssyncadd.s32 $0xFFFFF600  }
0x9e: {  	_ =	swait.ge [sflag:s23], $0xA00  }
0x9f: {  	[sflag:s23] =	ssyncset.done $0x0  }
0xa0: {  	[sflag:s23] =	ssyncadd.s32 $0xFFFFF600  }
0xa1: {  	_ =	swait.ge [sflag:s23], $0xA00  }
0xa2: {  	p1 =	seq.s32 s18, $0x0;
	[sflag:s23] =	ssyncset.done $0x0  }
0xa3: {  	s22 =	simm.s32 @!p1 $0x4;
	[sflag:s23] =	ssyncadd.s32 $0xFFFFF600  }
0xa4: {  	_ =	swait.ge @!p1 [sflag:s22], $0xA00  }
0xa5: {  	[sflag:s22] =	ssyncset.done @!p1 $0x0  }
0xa6: {  	[sflag:s22] =	ssyncadd.s32 @!p1 $0xFFFFF600  }
0xa7: {  	_ =	swait.ge @!p1 [sflag:s22], $0xA00  }
0xa8: {  	[sflag:s22] =	ssyncset.done @!p1 $0x0  }
0xa9: {  	[sflag:s22] =	ssyncadd.s32 @!p1 $0xFFFFF600  }
0xaa: {  	_ =	swait.ge @!p1 [sflag:s22], $0xA00  }
0xab: {  	[sflag:s22] =	ssyncset.done @!p1 $0x0  }
0xac: {  	[sflag:s22] =	ssyncadd.s32 @!p1 $0xFFFFF600  }
0xad: {  	_ =	swait.ge @!p1 [sflag:s22], $0xA00  }
0xae: {  	[sflag:s22] =	ssyncset.done @!p1 $0x0  }
0xaf: {  	[sflag:s22] =	ssyncadd.s32 @!p1 $0xFFFFF600  }
0xb0: {  	_ =	swait.ge @!p1 [sflag:s22], $0xA00  }
0xb1: {  	s16 =	sshra.s32 s18, $0x2;
	[sflag:s22] =	ssyncset.done @!p1 $0x0  }
0xb2: {  	[sflag:s22] =	ssyncadd.s32 @!p1 $0xFFFFF600;
	s22 =	sadd.s32 $0x190, s16  }
0xb3: {  	[tilespmem:s24], [sflag:$0x2] =	stream.indirect.gather [hbm4b:s4+s11], $0x20, s22, s11, $0xb8;
	[tilespmem:$0x10120] =	vst v63  }
0xb4: {  	s22 =	sadd.s32 $0x1E0, s16  }
0xb5: {  	[tilespmem:s25], [sflag:$0x2] =	stream.indirect.gather [hbm4b:s4+s11], $0x20, s22, s11, $0xb8;
	[tilespmem:$0x10120] =	vst v63  }
0xb6: {  	s22 =	sadd.s32 $0x230, s16  }
0xb7: {  	[tilespmem:s26], [sflag:$0x2] =	stream.indirect.gather [hbm4b:s4+s11], $0x20, s22, s11, $0xb8;
	[tilespmem:$0x10120] =	vst v63  }
0xb8: {  	s22 =	sadd.s32 $0x280, s16  }
0xb9: {  	[tilespmem:s28], [sflag:$0x2] =	stream.indirect.gather [hbm4b:s4+s11], $0x20, s22, s11, $0xb8;
	[tilespmem:$0x10120] =	vst v63  }
0xba: {  	s22 =	sadd.s32 $0x2D0, s16  }
0xbb: {  	[tilespmem:s29], [sflag:$0x2] =	stream.indirect.gather [hbm4b:s4+s11], $0x20, s22, s11, $0xb8;
	[tilespmem:$0x10120] =	vst v63  }
0xbc: {  	s22 =	sadd.s32 $0x2710, s16  }
0xbd: {  	[spmem:s2] =	stream.indirect.scatter.add.bf16 [tilespmem:s12], [sflag:$0x3], $0x20, s22, s11, $0xb8;
	[tilespmem:$0x10120] =	vst v63  }
0xbe: {  	s22 =	sadd.s32 $0x2760, s16  }
0xbf: {  	[spmem:s2] =	stream.indirect.scatter.add.bf16 [tilespmem:s13], [sflag:$0x3], $0x20, s22, s11, $0xb8;
	[tilespmem:$0x10120] =	vst v63  }
0xc0: {  	s22 =	sadd.s32 $0x27B0, s16  }
0xc1: {  	[spmem:s2] =	stream.indirect.scatter.add.bf16 [tilespmem:s15], [sflag:$0x3], $0x20, s22, s11, $0xb8;
	[tilespmem:$0x10120] =	vst v63  }
0xc2: {  	s22 =	sadd.s32 $0x2800, s16  }
0xc3: {  	[spmem:s2] =	stream.indirect.scatter.add.bf16 [tilespmem:s17], [sflag:$0x3], $0x20, s22, s11, $0xb8;
	[tilespmem:$0x10120] =	vst v63  }
0xc4: {  	s22 =	sadd.s32 $0x2850, s16  }
0xc5: {  	[spmem:s2] =	stream.indirect.scatter.add.bf16 [tilespmem:s19], [sflag:$0x3], $0x20, s22, s11, $0xb8;
	[tilespmem:$0x10120] =	vst v63  }
0xc6: {  	_ =	swait.ge [sflag:s30], $0xA00  }
0xc7: {  	[sflag:s30] =	ssyncset.done $0x0  }
0xc8: {  	[sflag:s30] =	ssyncadd.s32 $0xFFFFF600  }
0xc9: {  	_ =	swait.ge [sflag:s30], $0xA00  }
0xca: {  	[sflag:s30] =	ssyncset.done $0x0  }
0xcb: {  	[sflag:s30] =	ssyncadd.s32 $0xFFFFF600  }
0xcc: {  	_ =	swait.ge [sflag:s30], $0xA00  }
0xcd: {  	[sflag:s30] =	ssyncset.done $0x0  }
0xce: {  	[sflag:s30] =	ssyncadd.s32 $0xFFFFF600  }
0xcf: {  	_ =	swait.ge [sflag:s30], $0xA00  }
0xd0: {  	[sflag:s30] =	ssyncset.done $0x0  }
0xd1: {  	[sflag:s30] =	ssyncadd.s32 $0xFFFFF600  }
0xd2: {  	_ =	swait.ge [sflag:s30], $0xA00  }
0xd3: {  	p1 =	seq.s32 s18, $0x8980;
	[sflag:s30] =	ssyncset.done $0x0  }
0xd4: {  	s5 =	simm.s32 @p1 $0x2580;
	s22 =	simm.s32 @p1 $0x50;
	[sflag:s30] =	ssyncadd.s32 $0xFFFFF600  }
0xd5: {  	s6 =	simm.s32 @p1 $0x4E20;
	s7 =	simm.s32 @p1 $0x25D0;
	s8 =	simm.s32 @p1 $0x5820  }
0xd6: {  	[tilespmem:s6], [sflag:$0x1] =	stream.indirect.gather @p1 [hbm4b:s4+s22], $0x20, s5, s22, $0xb8;
	[tilespmem:$0x10120] =	vst v63  }
0xd7: {  	s18 =	sshra.s32 @!p1 s18, $0x2;
	s5 =	simm.s32 @p1 $0x2620;
	s6 =	simm.s32 @p1 $0x6220  }
0xd8: {  	[tilespmem:s8], [sflag:$0x1] =	stream.indirect.gather @p1 [hbm4b:s4+s22], $0x20, s7, s22, $0xb8;
	[tilespmem:$0x10120] =	vst v63  }
0xd9: {  	s9 =	sadd.s32 @!p1 $0x320, s18;
	s7 =	simm.s32 @p1 $0x2670;
	s8 =	simm.s32 @p1 $0x6C20  }
0xda: {  	[tilespmem:s6], [sflag:$0x1] =	stream.indirect.gather @p1 [hbm4b:s4+s22], $0x20, s5, s22, $0xb8;
	[tilespmem:$0x10120] =	vst v63  }
0xdb: {  	s3 =	sadd.s32 @!p1 $0x370, s18;
	s5 =	simm.s32 @!p1 $0x50;
	s6 =	simm.s32 @!p1 $0x4E20  }
0xdc: {  	[tilespmem:s8], [sflag:$0x1] =	stream.indirect.gather @p1 [hbm4b:s4+s22], $0x20, s7, s22, $0xb8;
	[tilespmem:$0x10120] =	vst v63  }
0xdd: {  	s7 =	simm.s32 @!p1 $0x5820;
	s8 =	sadd.s32 @!p1 $0x3C0, s18;
	s22 =	sadd.s32 @!p1 $0x410, s18  }
0xde: {  	[tilespmem:s6], [sflag:$0x1] =	stream.indirect.gather @!p1 [hbm4b:s4+s5], $0x20, s9, s5, $0xb8;
	[tilespmem:$0x10120] =	vst v63  }
0xdf: {  	s6 =	simm.s32 @!p1 $0x6220;
	s9 =	sadd.s32 @!p1 $0x460, s18  }
0xe0: {  	[tilespmem:s7], [sflag:$0x1] =	stream.indirect.gather @!p1 [hbm4b:s4+s5], $0x20, s3, s5, $0xb8;
	[tilespmem:$0x10120] =	vst v63  }
0xe1: {  	s9 =	simm.s32 @p1 $0x26C0;
	s3 =	simm.s32 @!p1 $0x6C20  }
0xe2: {  	[tilespmem:s6], [sflag:$0x1] =	stream.indirect.gather @!p1 [hbm4b:s4+s5], $0x20, s8, s5, $0xb8;
	[tilespmem:$0x10120] =	vst v63  }
0xe3: {  	_ = 	snop  }
0xe4: {  	[tilespmem:s3], [sflag:$0x1] =	stream.indirect.gather @!p1 [hbm4b:s4+s5], $0x20, s22, s5, $0xb8;
	[tilespmem:$0x10120] =	vst v63  }
0xe5: {  	_ = 	snop  }
0xe6: {  	[tilespmem:s19], [sflag:$0x1] =	stream.indirect.gather [hbm4b:s4+s11], $0x20, s9, s11, $0xb8;
	[tilespmem:$0x10120] =	vst v63  }
0xe7: {  	_ =	swait.ge [sflag:s31], $0xA00  }
0xe8: {  	[sflag:s31] =	ssyncset.done $0x0  }
0xe9: {  	[sflag:s31] =	ssyncadd.s32 $0xFFFFF600  }
0xea: {  	_ =	swait.ge [sflag:s31], $0xA00  }
0xeb: {  	[sflag:s31] =	ssyncset.done $0x0  }
0xec: {  	[sflag:s31] =	ssyncadd.s32 $0xFFFFF600  }
0xed: {  	_ =	swait.ge [sflag:s31], $0xA00  }
0xee: {  	[sflag:s31] =	ssyncset.done $0x0  }
0xef: {  	[sflag:s31] =	ssyncadd.s32 $0xFFFFF600  }
0xf0: {  	_ =	swait.ge [sflag:s31], $0xA00  }
0xf1: {  	[sflag:s31] =	ssyncset.done $0x0  }
0xf2: {  	[sflag:s31] =	ssyncadd.s32 $0xFFFFF600  }
0xf3: {  	_ =	swait.ge [sflag:s31], $0xA00  }
0xf4: {  	s3 =	sadd.s32 $0x28A0, s16;
	[sflag:s31] =	ssyncset.done $0x0  }
0xf5: {  	s5 =	sadd.s32 $0x28F0, s16;
	[sflag:s31] =	ssyncadd.s32 $0xFFFFF600  }
0xf6: {  	[spmem:s2] =	stream.indirect.scatter.add.bf16 [tilespmem:s24], [sflag:$0x4], $0x20, s3, s11, $0xb8;
	[tilespmem:$0x10120] =	vst v63  }
0xf7: {  	s3 =	sadd.s32 $0x2940, s16  }
0xf8: {  	[spmem:s2] =	stream.indirect.scatter.add.bf16 [tilespmem:s25], [sflag:$0x4], $0x20, s5, s11, $0xb8;
	[tilespmem:$0x10120] =	vst v63  }
.Ltmp0:
0xf9: {  	_ = 	snop;
	(pc) =	sbr.rel @p0 .LBB2_2-.Ltmp0, $4  }
0xfa: {  	s5 =	sadd.s32 $0x2990, s16  }
0xfb: {  	[spmem:s2] =	stream.indirect.scatter.add.bf16 [tilespmem:s26], [sflag:$0x4], $0x20, s3, s11, $0xb8;
	[tilespmem:$0x10120] =	vst v63  }
0xfc: {  	s16 =	sadd.s32 $0x29E0, s16  }
0xfd: {  	[spmem:s2] =	stream.indirect.scatter.add.bf16 [tilespmem:s28], [sflag:$0x4], $0x20, s5, s11, $0xb8;
	[tilespmem:$0x10120] =	vst v63  }
0xfe: {  	[spmem:s2] =	stream.indirect.scatter.add.bf16 [tilespmem:s29], [sflag:$0x4], $0x20, s16, s11, $0xb8;
	[tilespmem:$0x10120] =	vst v63  }
0xff: {  	_ =	swait.ge [sflag:s1], $0xA00  }
0x100: {  	[sflag:s1] =	ssyncset.done $0x0  }
0x101: {  	[sflag:s1] =	ssyncadd.s32 $0xFFFFF600  }
0x102: {  	_ =	swait.ge [sflag:s1], $0xA00  }
0x103: {  	[sflag:s1] =	ssyncset.done $0x0  }
0x104: {  	[sflag:s1] =	ssyncadd.s32 $0xFFFFF600  }
0x105: {  	_ =	swait.ge [sflag:s1], $0xA00  }
0x106: {  	[sflag:s1] =	ssyncset.done $0x0  }
0x107: {  	[sflag:s1] =	ssyncadd.s32 $0xFFFFF600  }
0x108: {  	_ =	swait.ge [sflag:s1], $0xA00  }
0x109: {  	[sflag:s1] =	ssyncset.done $0x0  }
0x10a: {  	[sflag:s1] =	ssyncadd.s32 $0xFFFFF600  }
0x10b: {  	_ =	swait.ge [sflag:s1], $0xA00  }
0x10c: {  	[sflag:s1] =	ssyncset.done $0x0  }
0x10d: {  	[sflag:s1] =	ssyncadd.s32 $0xFFFFF600  }
0x10e: {  	_ =	swait.ge [sflag:s23], $0xA00  }
0x10f: {  	[sflag:s23] =	ssyncset.done $0x0  }
0x110: {  	[sflag:s23] =	ssyncadd.s32 $0xFFFFF600  }
0x111: {  	_ =	swait.ge [sflag:s23], $0xA00  }
0x112: {  	[sflag:s23] =	ssyncset.done $0x0  }
0x113: {  	[sflag:s23] =	ssyncadd.s32 $0xFFFFF600  }
0x114: {  	_ =	swait.ge [sflag:s23], $0xA00  }
0x115: {  	[sflag:s23] =	ssyncset.done $0x0  }
0x116: {  	[sflag:s23] =	ssyncadd.s32 $0xFFFFF600  }
0x117: {  	_ =	swait.ge [sflag:s23], $0xA00  }
0x118: {  	[sflag:s23] =	ssyncset.done $0x0  }
0x119: {  	[sflag:s23] =	ssyncadd.s32 $0xFFFFF600  }
0x11a: {  	_ =	swait.ge [sflag:s23], $0xA00  }
0x11b: {  	[sflag:s23] =	ssyncset.done $0x0  }
0x11c: {  	s3 =	simm.s32 $0x4C90;
	[sflag:s23] =	ssyncadd.s32 $0xFFFFF600  }
0x11d: {  	[spmem:s2] =	stream.indirect.scatter.add.bf16 [tilespmem:s12], [sflag:$0x3], $0x20, s3, s11, $0xb8;
	[tilespmem:$0x10120] =	vst v63  }
0x11e: {  	s8 =	simm.s32 $0x4CE0  }
0x11f: {  	[spmem:s2] =	stream.indirect.scatter.add.bf16 [tilespmem:s13], [sflag:$0x3], $0x20, s8, s11, $0xb8;
	[tilespmem:$0x10120] =	vst v63  }
0x120: {  	s9 =	simm.s32 $0x4D30  }
0x121: {  	[spmem:s2] =	stream.indirect.scatter.add.bf16 [tilespmem:s15], [sflag:$0x3], $0x20, s9, s11, $0xb8;
	[tilespmem:$0x10120] =	vst v63  }
0x122: {  	s14 =	simm.s32 $0x4D80  }
0x123: {  	[spmem:s2] =	stream.indirect.scatter.add.bf16 [tilespmem:s17], [sflag:$0x3], $0x20, s14, s11, $0xb8;
	[tilespmem:$0x10120] =	vst v63  }
0x124: {  	s16 =	simm.s32 $0x4DD0  }
0x125: {  	[spmem:s2] =	stream.indirect.scatter.add.bf16 [tilespmem:s19], [sflag:$0x3], $0x20, s16, s11, $0xb8;
	[tilespmem:$0x10120] =	vst v63  }
0x126: {  	_ =	swait.ge [sflag:s30], $0xA00  }
0x127: {  	[sflag:s30] =	ssyncset.done $0x0  }
0x128: {  	[sflag:s30] =	ssyncadd.s32 $0xFFFFF600  }
0x129: {  	_ =	swait.ge [sflag:s30], $0xA00  }
0x12a: {  	[sflag:s30] =	ssyncset.done $0x0  }
0x12b: {  	[sflag:s30] =	ssyncadd.s32 $0xFFFFF600  }
0x12c: {  	_ =	swait.ge [sflag:s30], $0xA00  }
0x12d: {  	[sflag:s30] =	ssyncset.done $0x0  }
0x12e: {  	[sflag:s30] =	ssyncadd.s32 $0xFFFFF600  }
0x12f: {  	_ =	swait.ge [sflag:s30], $0xA00  }
0x130: {  	[sflag:s30] =	ssyncset.done $0x0  }
0x131: {  	[sflag:s30] =	ssyncadd.s32 $0xFFFFF600  }
0x132: {  	_ =	swait.ge [sflag:s30], $0xA00  }
0x133: {  	[sflag:s30] =	ssyncset.done $0x0  }
0x134: {  	[sflag:s30] =	ssyncadd.s32 $0xFFFFF600  }
0x135: {  	[bflag:$0x0] =	sbarrier.arrive $0xFFFF  }
0x136: {  	s18 =	rddreg [dreg:$0x7]  }
0x137: {  	[hbm:s18], [sflag:s20] =	dma.local [spmem:s21], $0x9E0  }
0x138: {  	_ =	swait.ge [sflag:s10], $0x9E0  }
0x139: {  	s0 =	sadd.s32 $0x1, s0;
	s22 =	rddreg [dreg:$0x8]  }
0x13a: {  	p0 =	sne.s32 s0, s22  }
.Ltmp1:
0x13b: {  	_ = 	snop;
	(pc) =	sbr.rel @p0 .LBB2_1-.Ltmp1, $3  }
0x13c: {  	_ =	sdelay $0x1  }
0x13d: {  	[sflag:s10] =	ssyncset.done $0x0  }
0x13e: {  	[sflag:s10] =	ssyncadd.s32 $0xFFFFF620  }
0x13f: {  	_ =	sfence.sel $0x180000  }
0x140: {  	[bflag:$0x0] =	sbarrier.arrive $0xFFFF  }
0x141: {  	_ =	strace $0x90000047  }
0x142: {  	s0 =	stileid.u32;
	[bflag:$0x2] =	sbarrier.arrive $0xFFFF  }
0x143: {  	p0 =	sne.s32 s0, $0x0;
	s0 =	rddreg [dreg:$0x3]  }
0x144: {  	s0 =	sadd.s32 @!p0 $0x100000, s0  }
0x145: {  	[sflag:s0] =	ssyncadd.tile.s32 @!p0 $0x1;
	_ =	shalt  }
.Lfunc_end2:
_tile_overlayer_lowered:
.L_overlay_start_2:
0x146: {  	(tag) =	ssettag $0x2  }
0x147: {  	s0 =	rddreg [dreg:$0x0];
	s2 =	stileid.u32  }
0x148: {  	s1 =	rddreg [dreg:$0x1];
	p0 =	sne.s32 s2, $0x0  }
0x149: {  	s3 =	rddreg [dreg:$0x2];
	[bflag:$0x3] =	sbarrier.arrive $0xFFFF;
	s2 =	simm.s32 @!p0 $0x1C05  }
0x14a: {  	[timem:s3], [sflag:s2] =	dma.local @!p0 [hbm:s0], s1  }
0x14b: {  	s0 =	simm.s32 @!p0 $0x5  }
0x14c: {  	_ =	swait.ge @!p0 [sflag:s0], s1  }
0x14d: {  	s1 =	ssub.s32 @!p0 $0x0, s1;
	[sflag:s0] =	ssyncset.done @!p0 $0x0  }
0x14e: {  	[sflag:s0] =	ssyncadd.s32 @!p0 s1  }
0x14f: {  	[bflag:$0x3] =	sbarrier.arrive $0xFFFF  }
0x150: {  	_ =	shalt  }

</sc_bundles>
